<compile_context>
chip_gen: v7x
topology: tpu7x:2x2x1
jax: 0.10.2.dev20260603
libtpu: 0.0.44.dev20260713+nightly
codegen_flags: <defaults>
</compile_context>

<pallas_src>
import numpy as np
import jax
import jax.numpy as jnp
from jax import lax
from jax.experimental import pallas as pl
from jax.experimental.pallas import tpu as pltpu
from jax.experimental.pallas import tpu_sc as plsc

B = 4096
N = 1000
BB = 256



def _np_threefry2x32(k1, k2, x0, x1):
    k1, k2 = np.uint32(k1), np.uint32(k2)
    ks = [k1, k2, np.uint32(k1 ^ k2 ^ np.uint32(0x1BD11BDA))]
    rots = [[13, 15, 26, 6], [17, 29, 16, 24]]
    x0 = (x0 + ks[0]).astype(np.uint32)
    x1 = (x1 + ks[1]).astype(np.uint32)
    for i in range(5):
        for r in rots[i % 2]:
            x0 = (x0 + x1).astype(np.uint32)
            x1 = ((x1 << np.uint32(r)) | (x1 >> np.uint32(32 - r))).astype(np.uint32)
            x1 = (x0 ^ x1).astype(np.uint32)
        x0 = (x0 + ks[(i + 1) % 3]).astype(np.uint32)
        x1 = (x1 + ks[(i + 2) % 3] + np.uint32(i + 1)).astype(np.uint32)
    return x0, x1


def _subkeys_of_42():
    idx = np.arange(3, dtype=np.uint64)
    hi = (idx >> np.uint64(32)).astype(np.uint32)
    lo = (idx & np.uint64(0xFFFFFFFF)).astype(np.uint32)
    o0, o1 = _np_threefry2x32(np.uint32(0), np.uint32(42), hi, lo)
    return [(int(o0[i]), int(o1[i])) for i in range(3)]


_KB, _KC, _KE = _subkeys_of_42()

_TINY = np.float32(np.finfo(np.float32).tiny)
_LOG_1E9 = np.float32(np.log(np.float32(1e-9)))
_ROTS = (13, 15, 26, 6, 17, 29, 16, 24, 13, 15, 26, 6, 17, 29, 16, 24, 13, 15, 26, 6)


def _as_i32(x):
    return np.array(x, dtype=np.uint32).view(np.int32)[()]


def _rotl(x, r):
    return lax.shift_left(x, np.int32(r)) | lax.shift_right_logical(x, np.int32(32 - r))


def _key_consts(key):
    k1, k2 = np.uint32(key[0]), np.uint32(key[1])
    k3 = np.uint32(k1 ^ k2 ^ np.uint32(0x1BD11BDA))
    return [_as_i32(k1), _as_i32(k2), _as_i32(k3)]


def _threefry_bits(key, idx):
    kseq = _key_consts(key)
    x0 = jnp.full(idx.shape, kseq[0], dtype=jnp.int32)
    x1 = idx + kseq[1]
    for i in range(5):
        for r in _ROTS[i * 4 : i * 4 + 4]:
            x0 = x0 + x1
            x1 = _rotl(x1, r)
            x1 = x0 ^ x1
        x0 = x0 + kseq[(i + 1) % 3]
        x1 = x1 + kseq[(i + 2) % 3] + np.int32(i + 1)
    return x0 ^ x1


def _gumbel_from_bits(bits):
    fb = lax.shift_right_logical(bits, np.int32(9)) | np.int32(0x3F800000)
    fl = lax.bitcast_convert_type(fb, jnp.float32) - np.float32(1.0)
    u = fl + _TINY
    return -jnp.log(-jnp.log(u))



_NW = 32
_NP = 1024
_CHUNK = 32768
_UNROLL = 4
_CROWS = _CHUNK // _NP


def _sc_bits_body(out_hbm, buf0, buf1, sem0, sem1):
    wid = lax.axis_index("s") * 2 + lax.axis_index("c")
    lane = lax.iota(jnp.int32, 16)
    row_base = wid * np.int32(B // _NW)
    bufs, sems = (buf0, buf1), (sem0, sem1)
    pending = {}
    n_ch = (B // _NW) // _CROWS
    for ch in range(n_ch):
        buf, sem = bufs[ch % 2], sems[ch % 2]
        if ch % 2 in pending:
            pending[ch % 2].wait()
        row0 = row_base + np.int32(ch * _CROWS)

        def body(i, carry, row0=row0, buf=buf):
            for j in range(_UNROLL):
                v = i * np.int32(_UNROLL) + np.int32(j)
                rr = lax.shift_right_logical(v, np.int32(6))
                cc = pl.multiple_of(lax.shift_left(v & np.int32(63), np.int32(4)), 16)
                idx = lane + ((row0 + rr) * np.int32(N) + cc)
                buf[rr, pl.ds(cc, 16)] = _threefry_bits(_KE, idx)
            return carry

        lax.fori_loop(0, _CHUNK // (16 * _UNROLL), body, np.int32(0))
        pending[ch % 2] = pltpu.async_copy(buf, out_hbm.at[pl.ds(row0, _CROWS), :], sem)
    for h in pending.values():
        h.wait()


def _sc_bits_e():
    mesh = plsc.VectorSubcoreMesh(core_axis_name="c", subcore_axis_name="s")
    fn = pl.kernel(
        _sc_bits_body,
        mesh=mesh,
        out_type=jax.ShapeDtypeStruct((B, _NP), jnp.int32),
        scratch_types=[
            pltpu.VMEM((_CROWS, _NP), jnp.int32),
            pltpu.VMEM((_CROWS, _NP), jnp.int32),
            pltpu.SemaphoreType.DMA,
            pltpu.SemaphoreType.DMA,
        ],
    )
    return fn()




def _first_argmax(s, col):
    m = jnp.max(s, axis=1, keepdims=True)
    return jnp.min(jnp.where(s == m, col, np.int32(N)), axis=1)


def _body1(pot_ref, pc_ref, bt_ref, city_ref):
    i = pl.program_id(0)
    row = lax.broadcasted_iota(jnp.int32, (BB, N), 0)
    col = lax.broadcasted_iota(jnp.int32, (BB, N), 1)
    idx = (i * np.int32(BB) + row) * np.int32(N) + col

    g_b = _gumbel_from_bits(_threefry_bits(_KB, idx))
    bt_ref[...] = _first_argmax(pot_ref[...] + g_b, col)

    g_c = _gumbel_from_bits(_threefry_bits(_KC, idx))
    city_ref[...] = _first_argmax(jnp.log(pc_ref[...]) + g_c, col)


def _body2(pe_ref, tour_ref, be_ref, city_ref, es_ref, ee_ref):
    col = lax.broadcasted_iota(jnp.int32, (BB, N), 1)
    city = city_ref[...]

    g_e = _gumbel_from_bits(be_ref[:, : N])
    s_e = jnp.where(col == city[:, None], _LOG_1E9, jnp.log(pe_ref[...])) + g_e
    ie = _first_argmax(s_e, col)
    es_ref[...] = ie

    tour = tour_ref[...]
    pos = jnp.min(jnp.where(tour == ie[:, None], col, np.int32(N)), axis=1)
    nxt = jnp.where(pos == np.int32(N - 1), np.int32(0), pos + np.int32(1))
    ee_ref[...] = jnp.sum(jnp.where(col == nxt[:, None], tour, np.int32(0)), axis=1)


def kernel(backtrack_potentials, city_to_insert_probs, edge_to_insert_probs, current_tour):
    bits_e = _sc_bits_e()
    in_spec = pl.BlockSpec((BB, N), lambda i: (i, 0))
    bits_spec = pl.BlockSpec((BB, _NP), lambda i: (i, 0))
    out_spec = pl.BlockSpec((BB,), lambda i: (i,))
    out_shape = jax.ShapeDtypeStruct((B,), jnp.int32)
    bt, city = pl.pallas_call(
        _body1,
        grid=(B // BB,),
        in_specs=[in_spec] * 2,
        out_specs=[out_spec] * 2,
        out_shape=[out_shape] * 2,
    )(backtrack_potentials, city_to_insert_probs)
    es, ee = pl.pallas_call(
        _body2,
        grid=(B // BB,),
        in_specs=[in_spec, in_spec, bits_spec, out_spec],
        out_specs=[out_spec] * 2,
        out_shape=[out_shape] * 2,
    )(edge_to_insert_probs, current_tour, bits_e, city)
    return bt, city, jnp.stack([es, ee], axis=1)

# --- scband reference (transcript-rebuilt; emitter-appended) ---
"""Pipeline reference for scband-gflow-net-agent-40106404610801 (READ-ONLY COPY).

The authoritative reference and input builder live on the scoring server;
editing this copy changes nothing except your own understanding.
"""

import jax, jax.numpy as jnp
import numpy as np

B = 4096
N = 1000

def setup_inputs(seed: int = 0) -> dict:
    key = jax.random.key(seed)
    k1, k2, k3, k4 = jax.random.split(key, 4)
    backtrack_potentials = jax.random.normal(k1, (B, N), dtype=jnp.float32)
    city_to_insert_probs = jax.random.uniform(k2, (B, N), dtype=jnp.float32, minval=1e-6, maxval=1.0)
    edge_to_insert_probs = jax.random.uniform(k3, (B, N), dtype=jnp.float32, minval=1e-6, maxval=1.0)
    # current_tour must be a valid permutation of 0..N-1 per batch row (each city appears exactly once)
    perm_keys = jax.random.split(k4, B)
    current_tour = jax.vmap(lambda k: jax.random.permutation(k, N))(perm_keys).astype(jnp.int32)
    return {
        "backtrack_potentials": backtrack_potentials,
        "city_to_insert_probs": city_to_insert_probs,
        "edge_to_insert_probs": edge_to_insert_probs,
        "current_tour": current_tour,
    }

def reference(backtrack_potentials, city_to_insert_probs, edge_to_insert_probs, current_tour):
    batch_size, problem_size = current_tour.shape
    key = jax.random.key(42)
    kb, kc, ke = jax.random.split(key, 3)
    # backtrack_probs = softmax(potentials); multinomial(probs,1) == categorical(logits)
    backtrack_point = jax.random.categorical(kb, backtrack_potentials, axis=-1)
    # multinomial over (unnormalized, nonnegative) probs == categorical over log-probs
    city_to_insert = jax.random.categorical(kc, jnp.log(city_to_insert_probs), axis=-1)
    rows = jnp.arange(batch_size)
    # masked_fill at the selected city index with 1e-9, then renormalize
    masked_edge_to_insert_probs = edge_to_insert_probs.at[rows, city_to_insert].set(1e-9)
    masked_edge_to_insert_probs = masked_edge_to_insert_probs / jnp.sum(masked_edge_to_insert_probs, axis=-1, keepdims=True)
    edge_start_node_idx = jax.random.categorical(ke, jnp.log(masked_edge_to_insert_probs), axis=-1)
    # find position of edge_start_node_idx in the tour (exactly one match since tour is a permutation)
    match_mask = current_tour == edge_start_node_idx[:, None]
    positions_in_tour = jnp.argmax(match_mask, axis=1)
    next_positions_in_tour = (positions_in_tour + 1) % problem_size
    edge_start_node = current_tour[rows, positions_in_tour]
    edge_end_node = current_tour[rows, next_positions_in_tour]
    edge_to_insert = jnp.stack([edge_start_node, edge_end_node], axis=1)
    return (backtrack_point, city_to_insert, edge_to_insert)

if __name__ == "__main__":
    import jax
    _d = setup_inputs()
    print(jax.jit(kernel)(*tuple(_d.values())))

</pallas_src>

<mosaic_0001>
#map = affine_map<(d0, d1) -> (0, 0)>
module attributes {stable_mosaic.version = 14 : i64} {
  func.func @_sc_bits_body(%arg0: i32, %arg1: i32, %arg2: memref<4096x1024xi32, #tpu.memory_space<hbm>>, %arg3: memref<32x1024xi32, #tpu.memory_space<vmem>>, %arg4: memref<32x1024xi32, #tpu.memory_space<vmem>>, %arg5: memref<!tpu.dma_semaphore, #tpu.memory_space<semaphore_mem>>, %arg6: memref<!tpu.dma_semaphore, #tpu.memory_space<semaphore_mem>>) attributes {dimension_semantics = [#tpu.dimension_semantics<core_parallel>, #tpu.dimension_semantics<subcore_parallel>], iteration_bounds = array<i64: 2, 16>, scalar_prefetch = 0 : i64, scratch_operands = 4 : i64, tpu.core_type = #tpu.core_type<sc_vector_subcore>, window_params = [{transform_indices = #map}]} {
    %mul3A = arith.constant 2 : i32
    %mul3A_0 = arith.muli %arg1, %mul3A : i32
    %add3A = arith.addi %mul3A_0, %arg0 : i32
    %iota3A = tpu.iota {dimensions = array<i32: 0>} : vector<16xi32>
    %mul3A_1 = arith.constant 128 : i32
    %mul3A_2 = arith.muli %add3A, %mul3A_1 : i32
    %add3A_3 = arith.constant 0 : i32
    %add3A_4 = arith.addi %mul3A_2, %add3A_3 : i32
    %scan3A = arith.constant 0 : i32
    %scan3A_5 = arith.constant 0 : i32
    %scan3A_6 = arith.constant 512 : i32
    %scan3A_7 = arith.addi %scan3A_5, %scan3A_6 : i32
    %scan3A_8 = arith.constant 1 : i32
    scf.for %scan3A_64 = %scan3A_5 to %scan3A_7 step %scan3A_8  : i32 {
      %mul3A_65 = arith.constant 4 : i32
      %mul3A_66 = arith.muli %scan3A_64, %mul3A_65 : i32
      %add3A_67 = arith.constant 0 : i32
      %add3A_68 = arith.addi %mul3A_66, %add3A_67 : i32
      %shift_right_logical3A = arith.constant 6 : i32
      %shift_right_logical3A_69 = arith.shrui %add3A_68, %shift_right_logical3A : i32
      %and3A = arith.constant 63 : i32
      %and3A_70 = arith.andi %add3A_68, %and3A : i32
      %shift_left3A = arith.constant 4 : i32
      %shift_left3A_71 = arith.shli %and3A_70, %shift_left3A : i32
      %multiple_of3A = tpu.assume_multiple %shift_left3A_71, 16 : i32
      %add3A_72 = arith.addi %add3A_4, %shift_right_logical3A_69 : i32
      %mul3A_73 = arith.constant 1000 : i32
      %mul3A_74 = arith.muli %add3A_72, %mul3A_73 : i32
      %add3A_75 = arith.addi %mul3A_74, %multiple_of3A : i32
      %add3A_76 = vector.broadcast %add3A_75 : i32 to vector<16xi32>
      %add3A_77 = arith.addi %iota3A, %add3A_76 : vector<16xi32>
      %broadcast_in_dim3A = arith.constant -1829035798 : i32
      %broadcast_in_dim3A_78 = vector.broadcast %broadcast_in_dim3A : i32 to vector<16xi32>
      %add3A_79 = arith.constant 255383827 : i32
      %add3A_80 = vector.broadcast %add3A_79 : i32 to vector<16xi32>
      %add3A_81 = arith.addi %add3A_77, %add3A_80 : vector<16xi32>
      %add3A_82 = arith.addi %broadcast_in_dim3A_78, %add3A_81 : vector<16xi32>
      %shift_left3A_83 = arith.constant 13 : i32
      %shift_left3A_84 = vector.broadcast %shift_left3A_83 : i32 to vector<16xi32>
      %shift_left3A_85 = arith.shli %add3A_81, %shift_left3A_84 : vector<16xi32>
      %shift_right_logical3A_86 = arith.constant 19 : i32
      %shift_right_logical3A_87 = vector.broadcast %shift_right_logical3A_86 : i32 to vector<16xi32>
      %shift_right_logical3A_88 = arith.shrui %add3A_81, %shift_right_logical3A_87 : vector<16xi32>
      %or3A = arith.ori %shift_left3A_85, %shift_right_logical3A_88 : vector<16xi32>
      %xor3A = arith.xori %add3A_82, %or3A : vector<16xi32>
      %add3A_89 = arith.addi %add3A_82, %xor3A : vector<16xi32>
      %shift_left3A_90 = arith.constant 15 : i32
      %shift_left3A_91 = vector.broadcast %shift_left3A_90 : i32 to vector<16xi32>
      %shift_left3A_92 = arith.shli %xor3A, %shift_left3A_91 : vector<16xi32>
      %shift_right_logical3A_93 = arith.constant 17 : i32
      %shift_right_logical3A_94 = vector.broadcast %shift_right_logical3A_93 : i32 to vector<16xi32>
      %shift_right_logical3A_95 = arith.shrui %xor3A, %shift_right_logical3A_94 : vector<16xi32>
      %or3A_96 = arith.ori %shift_left3A_92, %shift_right_logical3A_95 : vector<16xi32>
      %xor3A_97 = arith.xori %add3A_89, %or3A_96 : vector<16xi32>
      %add3A_98 = arith.addi %add3A_89, %xor3A_97 : vector<16xi32>
      %shift_left3A_99 = arith.constant 26 : i32
      %shift_left3A_100 = vector.broadcast %shift_left3A_99 : i32 to vector<16xi32>
      %shift_left3A_101 = arith.shli %xor3A_97, %shift_left3A_100 : vector<16xi32>
      %shift_right_logical3A_102 = arith.constant 6 : i32
      %shift_right_logical3A_103 = vector.broadcast %shift_right_logical3A_102 : i32 to vector<16xi32>
      %shift_right_logical3A_104 = arith.shrui %xor3A_97, %shift_right_logical3A_103 : vector<16xi32>
      %or3A_105 = arith.ori %shift_left3A_101, %shift_right_logical3A_104 : vector<16xi32>
      %xor3A_106 = arith.xori %add3A_98, %or3A_105 : vector<16xi32>
      %add3A_107 = arith.addi %add3A_98, %xor3A_106 : vector<16xi32>
      %shift_left3A_108 = arith.constant 6 : i32
      %shift_left3A_109 = vector.broadcast %shift_left3A_108 : i32 to vector<16xi32>
      %shift_left3A_110 = arith.shli %xor3A_106, %shift_left3A_109 : vector<16xi32>
      %shift_right_logical3A_111 = arith.constant 26 : i32
      %shift_right_logical3A_112 = vector.broadcast %shift_right_logical3A_111 : i32 to vector<16xi32>
      %shift_right_logical3A_113 = arith.shrui %xor3A_106, %shift_right_logical3A_112 : vector<16xi32>
      %or3A_114 = arith.ori %shift_left3A_110, %shift_right_logical3A_113 : vector<16xi32>
      %xor3A_115 = arith.xori %add3A_107, %or3A_114 : vector<16xi32>
      %add3A_116 = arith.constant 255383827 : i32
      %add3A_117 = vector.broadcast %add3A_116 : i32 to vector<16xi32>
      %add3A_118 = arith.addi %add3A_107, %add3A_117 : vector<16xi32>
      %add3A_119 = arith.constant -2045582813 : i32
      %add3A_120 = vector.broadcast %add3A_119 : i32 to vector<16xi32>
      %add3A_121 = arith.addi %xor3A_115, %add3A_120 : vector<16xi32>
      %add3A_122 = arith.constant 1 : i32
      %add3A_123 = vector.broadcast %add3A_122 : i32 to vector<16xi32>
      %add3A_124 = arith.addi %add3A_121, %add3A_123 : vector<16xi32>
      %add3A_125 = arith.addi %add3A_118, %add3A_124 : vector<16xi32>
      %shift_left3A_126 = arith.constant 17 : i32
      %shift_left3A_127 = vector.broadcast %shift_left3A_126 : i32 to vector<16xi32>
      %shift_left3A_128 = arith.shli %add3A_124, %shift_left3A_127 : vector<16xi32>
      %shift_right_logical3A_129 = arith.constant 15 : i32
      %shift_right_logical3A_130 = vector.broadcast %shift_right_logical3A_129 : i32 to vector<16xi32>
      %shift_right_logical3A_131 = arith.shrui %add3A_124, %shift_right_logical3A_130 : vector<16xi32>
      %or3A_132 = arith.ori %shift_left3A_128, %shift_right_logical3A_131 : vector<16xi32>
      %xor3A_133 = arith.xori %add3A_125, %or3A_132 : vector<16xi32>
      %add3A_134 = arith.addi %add3A_125, %xor3A_133 : vector<16xi32>
      %shift_left3A_135 = arith.constant 29 : i32
      %shift_left3A_136 = vector.broadcast %shift_left3A_135 : i32 to vector<16xi32>
      %shift_left3A_137 = arith.shli %xor3A_133, %shift_left3A_136 : vector<16xi32>
      %shift_right_logical3A_138 = arith.constant 3 : i32
      %shift_right_logical3A_139 = vector.broadcast %shift_right_logical3A_138 : i32 to vector<16xi32>
      %shift_right_logical3A_140 = arith.shrui %xor3A_133, %shift_right_logical3A_139 : vector<16xi32>
      %or3A_141 = arith.ori %shift_left3A_137, %shift_right_logical3A_140 : vector<16xi32>
      %xor3A_142 = arith.xori %add3A_134, %or3A_141 : vector<16xi32>
      %add3A_143 = arith.addi %add3A_134, %xor3A_142 : vector<16xi32>
      %shift_left3A_144 = arith.constant 16 : i32
      %shift_left3A_145 = vector.broadcast %shift_left3A_144 : i32 to vector<16xi32>
      %shift_left3A_146 = arith.shli %xor3A_142, %shift_left3A_145 : vector<16xi32>
      %shift_right_logical3A_147 = arith.constant 16 : i32
      %shift_right_logical3A_148 = vector.broadcast %shift_right_logical3A_147 : i32 to vector<16xi32>
      %shift_right_logical3A_149 = arith.shrui %xor3A_142, %shift_right_logical3A_148 : vector<16xi32>
      %or3A_150 = arith.ori %shift_left3A_146, %shift_right_logical3A_149 : vector<16xi32>
      %xor3A_151 = arith.xori %add3A_143, %or3A_150 : vector<16xi32>
      %add3A_152 = arith.addi %add3A_143, %xor3A_151 : vector<16xi32>
      %shift_left3A_153 = arith.constant 24 : i32
      %shift_left3A_154 = vector.broadcast %shift_left3A_153 : i32 to vector<16xi32>
      %shift_left3A_155 = arith.shli %xor3A_151, %shift_left3A_154 : vector<16xi32>
      %shift_right_logical3A_156 = arith.constant 8 : i32
      %shift_right_logical3A_157 = vector.broadcast %shift_right_logical3A_156 : i32 to vector<16xi32>
      %shift_right_logical3A_158 = arith.shrui %xor3A_151, %shift_right_logical3A_157 : vector<16xi32>
      %or3A_159 = arith.ori %shift_left3A_155, %shift_right_logical3A_158 : vector<16xi32>
      %xor3A_160 = arith.xori %add3A_152, %or3A_159 : vector<16xi32>
      %add3A_161 = arith.constant -2045582813 : i32
      %add3A_162 = vector.broadcast %add3A_161 : i32 to vector<16xi32>
      %add3A_163 = arith.addi %add3A_152, %add3A_162 : vector<16xi32>
      %add3A_164 = arith.constant -1829035798 : i32
      %add3A_165 = vector.broadcast %add3A_164 : i32 to vector<16xi32>
      %add3A_166 = arith.addi %xor3A_160, %add3A_165 : vector<16xi32>
      %add3A_167 = arith.constant 2 : i32
      %add3A_168 = vector.broadcast %add3A_167 : i32 to vector<16xi32>
      %add3A_169 = arith.addi %add3A_166, %add3A_168 : vector<16xi32>
      %add3A_170 = arith.addi %add3A_163, %add3A_169 : vector<16xi32>
      %shift_left3A_171 = arith.constant 13 : i32
      %shift_left3A_172 = vector.broadcast %shift_left3A_171 : i32 to vector<16xi32>
      %shift_left3A_173 = arith.shli %add3A_169, %shift_left3A_172 : vector<16xi32>
      %shift_right_logical3A_174 = arith.constant 19 : i32
      %shift_right_logical3A_175 = vector.broadcast %shift_right_logical3A_174 : i32 to vector<16xi32>
      %shift_right_logical3A_176 = arith.shrui %add3A_169, %shift_right_logical3A_175 : vector<16xi32>
      %or3A_177 = arith.ori %shift_left3A_173, %shift_right_logical3A_176 : vector<16xi32>
      %xor3A_178 = arith.xori %add3A_170, %or3A_177 : vector<16xi32>
      %add3A_179 = arith.addi %add3A_170, %xor3A_178 : vector<16xi32>
      %shift_left3A_180 = arith.constant 15 : i32
      %shift_left3A_181 = vector.broadcast %shift_left3A_180 : i32 to vector<16xi32>
      %shift_left3A_182 = arith.shli %xor3A_178, %shift_left3A_181 : vector<16xi32>
      %shift_right_logical3A_183 = arith.constant 17 : i32
      %shift_right_logical3A_184 = vector.broadcast %shift_right_logical3A_183 : i32 to vector<16xi32>
      %shift_right_logical3A_185 = arith.shrui %xor3A_178, %shift_right_logical3A_184 : vector<16xi32>
      %or3A_186 = arith.ori %shift_left3A_182, %shift_right_logical3A_185 : vector<16xi32>
      %xor3A_187 = arith.xori %add3A_179, %or3A_186 : vector<16xi32>
      %add3A_188 = arith.addi %add3A_179, %xor3A_187 : vector<16xi32>
      %shift_left3A_189 = arith.constant 26 : i32
      %shift_left3A_190 = vector.broadcast %shift_left3A_189 : i32 to vector<16xi32>
      %shift_left3A_191 = arith.shli %xor3A_187, %shift_left3A_190 : vector<16xi32>
      %shift_right_logical3A_192 = arith.constant 6 : i32
      %shift_right_logical3A_193 = vector.broadcast %shift_right_logical3A_192 : i32 to vector<16xi32>
      %shift_right_logical3A_194 = arith.shrui %xor3A_187, %shift_right_logical3A_193 : vector<16xi32>
      %or3A_195 = arith.ori %shift_left3A_191, %shift_right_logical3A_194 : vector<16xi32>
      %xor3A_196 = arith.xori %add3A_188, %or3A_195 : vector<16xi32>
      %add3A_197 = arith.addi %add3A_188, %xor3A_196 : vector<16xi32>
      %shift_left3A_198 = arith.constant 6 : i32
      %shift_left3A_199 = vector.broadcast %shift_left3A_198 : i32 to vector<16xi32>
      %shift_left3A_200 = arith.shli %xor3A_196, %shift_left3A_199 : vector<16xi32>
      %shift_right_logical3A_201 = arith.constant 26 : i32
      %shift_right_logical3A_202 = vector.broadcast %shift_right_logical3A_201 : i32 to vector<16xi32>
      %shift_right_logical3A_203 = arith.shrui %xor3A_196, %shift_right_logical3A_202 : vector<16xi32>
      %or3A_204 = arith.ori %shift_left3A_200, %shift_right_logical3A_203 : vector<16xi32>
      %xor3A_205 = arith.xori %add3A_197, %or3A_204 : vector<16xi32>
      %add3A_206 = arith.constant -1829035798 : i32
      %add3A_207 = vector.broadcast %add3A_206 : i32 to vector<16xi32>
      %add3A_208 = arith.addi %add3A_197, %add3A_207 : vector<16xi32>
      %add3A_209 = arith.constant 255383827 : i32
      %add3A_210 = vector.broadcast %add3A_209 : i32 to vector<16xi32>
      %add3A_211 = arith.addi %xor3A_205, %add3A_210 : vector<16xi32>
      %add3A_212 = arith.constant 3 : i32
      %add3A_213 = vector.broadcast %add3A_212 : i32 to vector<16xi32>
      %add3A_214 = arith.addi %add3A_211, %add3A_213 : vector<16xi32>
      %add3A_215 = arith.addi %add3A_208, %add3A_214 : vector<16xi32>
      %shift_left3A_216 = arith.constant 17 : i32
      %shift_left3A_217 = vector.broadcast %shift_left3A_216 : i32 to vector<16xi32>
      %shift_left3A_218 = arith.shli %add3A_214, %shift_left3A_217 : vector<16xi32>
      %shift_right_logical3A_219 = arith.constant 15 : i32
      %shift_right_logical3A_220 = vector.broadcast %shift_right_logical3A_219 : i32 to vector<16xi32>
      %shift_right_logical3A_221 = arith.shrui %add3A_214, %shift_right_logical3A_220 : vector<16xi32>
      %or3A_222 = arith.ori %shift_left3A_218, %shift_right_logical3A_221 : vector<16xi32>
      %xor3A_223 = arith.xori %add3A_215, %or3A_222 : vector<16xi32>
      %add3A_224 = arith.addi %add3A_215, %xor3A_223 : vector<16xi32>
      %shift_left3A_225 = arith.constant 29 : i32
      %shift_left3A_226 = vector.broadcast %shift_left3A_225 : i32 to vector<16xi32>
      %shift_left3A_227 = arith.shli %xor3A_223, %shift_left3A_226 : vector<16xi32>
      %shift_right_logical3A_228 = arith.constant 3 : i32
      %shift_right_logical3A_229 = vector.broadcast %shift_right_logical3A_228 : i32 to vector<16xi32>
      %shift_right_logical3A_230 = arith.shrui %xor3A_223, %shift_right_logical3A_229 : vector<16xi32>
      %or3A_231 = arith.ori %shift_left3A_227, %shift_right_logical3A_230 : vector<16xi32>
      %xor3A_232 = arith.xori %add3A_224, %or3A_231 : vector<16xi32>
      %add3A_233 = arith.addi %add3A_224, %xor3A_232 : vector<16xi32>
      %shift_left3A_234 = arith.constant 16 : i32
      %shift_left3A_235 = vector.broadcast %shift_left3A_234 : i32 to vector<16xi32>
      %shift_left3A_236 = arith.shli %xor3A_232, %shift_left3A_235 : vector<16xi32>
      %shift_right_logical3A_237 = arith.constant 16 : i32
      %shift_right_logical3A_238 = vector.broadcast %shift_right_logical3A_237 : i32 to vector<16xi32>
      %shift_right_logical3A_239 = arith.shrui %xor3A_232, %shift_right_logical3A_238 : vector<16xi32>
      %or3A_240 = arith.ori %shift_left3A_236, %shift_right_logical3A_239 : vector<16xi32>
      %xor3A_241 = arith.xori %add3A_233, %or3A_240 : vector<16xi32>
      %add3A_242 = arith.addi %add3A_233, %xor3A_241 : vector<16xi32>
      %shift_left3A_243 = arith.constant 24 : i32
      %shift_left3A_244 = vector.broadcast %shift_left3A_243 : i32 to vector<16xi32>
      %shift_left3A_245 = arith.shli %xor3A_241, %shift_left3A_244 : vector<16xi32>
      %shift_right_logical3A_246 = arith.constant 8 : i32
      %shift_right_logical3A_247 = vector.broadcast %shift_right_logical3A_246 : i32 to vector<16xi32>
      %shift_right_logical3A_248 = arith.shrui %xor3A_241, %shift_right_logical3A_247 : vector<16xi32>
      %or3A_249 = arith.ori %shift_left3A_245, %shift_right_logical3A_248 : vector<16xi32>
      %xor3A_250 = arith.xori %add3A_242, %or3A_249 : vector<16xi32>
      %add3A_251 = arith.constant 255383827 : i32
      %add3A_252 = vector.broadcast %add3A_251 : i32 to vector<16xi32>
      %add3A_253 = arith.addi %add3A_242, %add3A_252 : vector<16xi32>
      %add3A_254 = arith.constant -2045582813 : i32
      %add3A_255 = vector.broadcast %add3A_254 : i32 to vector<16xi32>
      %add3A_256 = arith.addi %xor3A_250, %add3A_255 : vector<16xi32>
      %add3A_257 = arith.constant 4 : i32
      %add3A_258 = vector.broadcast %add3A_257 : i32 to vector<16xi32>
      %add3A_259 = arith.addi %add3A_256, %add3A_258 : vector<16xi32>
      %add3A_260 = arith.addi %add3A_253, %add3A_259 : vector<16xi32>
      %shift_left3A_261 = arith.constant 13 : i32
      %shift_left3A_262 = vector.broadcast %shift_left3A_261 : i32 to vector<16xi32>
      %shift_left3A_263 = arith.shli %add3A_259, %shift_left3A_262 : vector<16xi32>
      %shift_right_logical3A_264 = arith.constant 19 : i32
      %shift_right_logical3A_265 = vector.broadcast %shift_right_logical3A_264 : i32 to vector<16xi32>
      %shift_right_logical3A_266 = arith.shrui %add3A_259, %shift_right_logical3A_265 : vector<16xi32>
      %or3A_267 = arith.ori %shift_left3A_263, %shift_right_logical3A_266 : vector<16xi32>
      %xor3A_268 = arith.xori %add3A_260, %or3A_267 : vector<16xi32>
      %add3A_269 = arith.addi %add3A_260, %xor3A_268 : vector<16xi32>
      %shift_left3A_270 = arith.constant 15 : i32
      %shift_left3A_271 = vector.broadcast %shift_left3A_270 : i32 to vector<16xi32>
      %shift_left3A_272 = arith.shli %xor3A_268, %shift_left3A_271 : vector<16xi32>
      %shift_right_logical3A_273 = arith.constant 17 : i32
      %shift_right_logical3A_274 = vector.broadcast %shift_right_logical3A_273 : i32 to vector<16xi32>
      %shift_right_logical3A_275 = arith.shrui %xor3A_268, %shift_right_logical3A_274 : vector<16xi32>
      %or3A_276 = arith.ori %shift_left3A_272, %shift_right_logical3A_275 : vector<16xi32>
      %xor3A_277 = arith.xori %add3A_269, %or3A_276 : vector<16xi32>
      %add3A_278 = arith.addi %add3A_269, %xor3A_277 : vector<16xi32>
      %shift_left3A_279 = arith.constant 26 : i32
      %shift_left3A_280 = vector.broadcast %shift_left3A_279 : i32 to vector<16xi32>
      %shift_left3A_281 = arith.shli %xor3A_277, %shift_left3A_280 : vector<16xi32>
      %shift_right_logical3A_282 = arith.constant 6 : i32
      %shift_right_logical3A_283 = vector.broadcast %shift_right_logical3A_282 : i32 to vector<16xi32>
      %shift_right_logical3A_284 = arith.shrui %xor3A_277, %shift_right_logical3A_283 : vector<16xi32>
      %or3A_285 = arith.ori %shift_left3A_281, %shift_right_logical3A_284 : vector<16xi32>
      %xor3A_286 = arith.xori %add3A_278, %or3A_285 : vector<16xi32>
      %add3A_287 = arith.addi %add3A_278, %xor3A_286 : vector<16xi32>
      %shift_left3A_288 = arith.constant 6 : i32
      %shift_left3A_289 = vector.broadcast %shift_left3A_288 : i32 to vector<16xi32>
      %shift_left3A_290 = arith.shli %xor3A_286, %shift_left3A_289 : vector<16xi32>
      %shift_right_logical3A_291 = arith.constant 26 : i32
      %shift_right_logical3A_292 = vector.broadcast %shift_right_logical3A_291 : i32 to vector<16xi32>
      %shift_right_logical3A_293 = arith.shrui %xor3A_286, %shift_right_logical3A_292 : vector<16xi32>
      %or3A_294 = arith.ori %shift_left3A_290, %shift_right_logical3A_293 : vector<16xi32>
      %xor3A_295 = arith.xori %add3A_287, %or3A_294 : vector<16xi32>
      %add3A_296 = arith.constant -2045582813 : i32
      %add3A_297 = vector.broadcast %add3A_296 : i32 to vector<16xi32>
      %add3A_298 = arith.addi %add3A_287, %add3A_297 : vector<16xi32>
      %add3A_299 = arith.constant -1829035798 : i32
      %add3A_300 = vector.broadcast %add3A_299 : i32 to vector<16xi32>
      %add3A_301 = arith.addi %xor3A_295, %add3A_300 : vector<16xi32>
      %add3A_302 = arith.constant 5 : i32
      %add3A_303 = vector.broadcast %add3A_302 : i32 to vector<16xi32>
      %add3A_304 = arith.addi %add3A_301, %add3A_303 : vector<16xi32>
      %xor3A_305 = arith.xori %add3A_298, %add3A_304 : vector<16xi32>
      %swap3A = arith.index_cast %shift_right_logical3A_69 : i32 to index
      %swap3A_306 = arith.index_cast %multiple_of3A : i32 to index
      %swap3A_307 = tpu.vector_load %arg3[%swap3A, %swap3A_306] {strides = array<i32>} : memref<32x1024xi32, #tpu.memory_space<vmem>>, vector<1x16xi32>,
      %swap3A_308 = vector.shape_cast %swap3A_307 : vector<1x16xi32> to vector<16xi32>
      %swap3A_309 = vector.shape_cast %xor3A_305 : vector<16xi32> to vector<1x16xi32>
      tpu.vector_store %arg3[%swap3A, %swap3A_306], %swap3A_309 {strides = array<i32>} : memref<32x1024xi32, #tpu.memory_space<vmem>>, vector<1x16xi32>,
      %mul3A_310 = arith.constant 4 : i32
      %mul3A_311 = arith.muli %scan3A_64, %mul3A_310 : i32
      %add3A_312 = arith.constant 1 : i32
      %add3A_313 = arith.addi %mul3A_311, %add3A_312 : i32
      %shift_right_logical3A_314 = arith.constant 6 : i32
      %shift_right_logical3A_315 = arith.shrui %add3A_313, %shift_right_logical3A_314 : i32
      %and3A_316 = arith.constant 63 : i32
      %and3A_317 = arith.andi %add3A_313, %and3A_316 : i32
      %shift_left3A_318 = arith.constant 4 : i32
      %shift_left3A_319 = arith.shli %and3A_317, %shift_left3A_318 : i32
      %multiple_of3A_320 = tpu.assume_multiple %shift_left3A_319, 16 : i32
      %add3A_321 = arith.addi %add3A_4, %shift_right_logical3A_315 : i32
      %mul3A_322 = arith.constant 1000 : i32
      %mul3A_323 = arith.muli %add3A_321, %mul3A_322 : i32
      %add3A_324 = arith.addi %mul3A_323, %multiple_of3A_320 : i32
      %add3A_325 = vector.broadcast %add3A_324 : i32 to vector<16xi32>
      %add3A_326 = arith.addi %iota3A, %add3A_325 : vector<16xi32>
      %broadcast_in_dim3A_327 = arith.constant -1829035798 : i32
      %broadcast_in_dim3A_328 = vector.broadcast %broadcast_in_dim3A_327 : i32 to vector<16xi32>
      %add3A_329 = arith.constant 255383827 : i32
      %add3A_330 = vector.broadcast %add3A_329 : i32 to vector<16xi32>
      %add3A_331 = arith.addi %add3A_326, %add3A_330 : vector<16xi32>
      %add3A_332 = arith.addi %broadcast_in_dim3A_328, %add3A_331 : vector<16xi32>
      %shift_left3A_333 = arith.constant 13 : i32
      %shift_left3A_334 = vector.broadcast %shift_left3A_333 : i32 to vector<16xi32>
      %shift_left3A_335 = arith.shli %add3A_331, %shift_left3A_334 : vector<16xi32>
      %shift_right_logical3A_336 = arith.constant 19 : i32
      %shift_right_logical3A_337 = vector.broadcast %shift_right_logical3A_336 : i32 to vector<16xi32>
      %shift_right_logical3A_338 = arith.shrui %add3A_331, %shift_right_logical3A_337 : vector<16xi32>
      %or3A_339 = arith.ori %shift_left3A_335, %shift_right_logical3A_338 : vector<16xi32>
      %xor3A_340 = arith.xori %add3A_332, %or3A_339 : vector<16xi32>
      %add3A_341 = arith.addi %add3A_332, %xor3A_340 : vector<16xi32>
      %shift_left3A_342 = arith.constant 15 : i32
      %shift_left3A_343 = vector.broadcast %shift_left3A_342 : i32 to vector<16xi32>
      %shift_left3A_344 = arith.shli %xor3A_340, %shift_left3A_343 : vector<16xi32>
      %shift_right_logical3A_345 = arith.constant 17 : i32
      %shift_right_logical3A_346 = vector.broadcast %shift_right_logical3A_345 : i32 to vector<16xi32>
      %shift_right_logical3A_347 = arith.shrui %xor3A_340, %shift_right_logical3A_346 : vector<16xi32>
      %or3A_348 = arith.ori %shift_left3A_344, %shift_right_logical3A_347 : vector<16xi32>
      %xor3A_349 = arith.xori %add3A_341, %or3A_348 : vector<16xi32>
      %add3A_350 = arith.addi %add3A_341, %xor3A_349 : vector<16xi32>
      %shift_left3A_351 = arith.constant 26 : i32
      %shift_left3A_352 = vector.broadcast %shift_left3A_351 : i32 to vector<16xi32>
      %shift_left3A_353 = arith.shli %xor3A_349, %shift_left3A_352 : vector<16xi32>
      %shift_right_logical3A_354 = arith.constant 6 : i32
      %shift_right_logical3A_355 = vector.broadcast %shift_right_logical3A_354 : i32 to vector<16xi32>
      %shift_right_logical3A_356 = arith.shrui %xor3A_349, %shift_right_logical3A_355 : vector<16xi32>
      %or3A_357 = arith.ori %shift_left3A_353, %shift_right_logical3A_356 : vector<16xi32>
      %xor3A_358 = arith.xori %add3A_350, %or3A_357 : vector<16xi32>
      %add3A_359 = arith.addi %add3A_350, %xor3A_358 : vector<16xi32>
      %shift_left3A_360 = arith.constant 6 : i32
      %shift_left3A_361 = vector.broadcast %shift_left3A_360 : i32 to vector<16xi32>
      %shift_left3A_362 = arith.shli %xor3A_358, %shift_left3A_361 : vector<16xi32>
      %shift_right_logical3A_363 = arith.constant 26 : i32
      %shift_right_logical3A_364 = vector.broadcast %shift_right_logical3A_363 : i32 to vector<16xi32>
      %shift_right_logical3A_365 = arith.shrui %xor3A_358, %shift_right_logical3A_364 : vector<16xi32>
      %or3A_366 = arith.ori %shift_left3A_362, %shift_right_logical3A_365 : vector<16xi32>
      %xor3A_367 = arith.xori %add3A_359, %or3A_366 : vector<16xi32>
      %add3A_368 = arith.constant 255383827 : i32
      %add3A_369 = vector.broadcast %add3A_368 : i32 to vector<16xi32>
      %add3A_370 = arith.addi %add3A_359, %add3A_369 : vector<16xi32>
      %add3A_371 = arith.constant -2045582813 : i32
      %add3A_372 = vector.broadcast %add3A_371 : i32 to vector<16xi32>
      %add3A_373 = arith.addi %xor3A_367, %add3A_372 : vector<16xi32>
      %add3A_374 = arith.constant 1 : i32
      %add3A_375 = vector.broadcast %add3A_374 : i32 to vector<16xi32>
      %add3A_376 = arith.addi %add3A_373, %add3A_375 : vector<16xi32>
      %add3A_377 = arith.addi %add3A_370, %add3A_376 : vector<16xi32>
      %shift_left3A_378 = arith.constant 17 : i32
      %shift_left3A_379 = vector.broadcast %shift_left3A_378 : i32 to vector<16xi32>
      %shift_left3A_380 = arith.shli %add3A_376, %shift_left3A_379 : vector<16xi32>
      %shift_right_logical3A_381 = arith.constant 15 : i32
      %shift_right_logical3A_382 = vector.broadcast %shift_right_logical3A_381 : i32 to vector<16xi32>
      %shift_right_logical3A_383 = arith.shrui %add3A_376, %shift_right_logical3A_382 : vector<16xi32>
      %or3A_384 = arith.ori %shift_left3A_380, %shift_right_logical3A_383 : vector<16xi32>
      %xor3A_385 = arith.xori %add3A_377, %or3A_384 : vector<16xi32>
      %add3A_386 = arith.addi %add3A_377, %xor3A_385 : vector<16xi32>
      %shift_left3A_387 = arith.constant 29 : i32
      %shift_left3A_388 = vector.broadcast %shift_left3A_387 : i32 to vector<16xi32>
      %shift_left3A_389 = arith.shli %xor3A_385, %shift_left3A_388 : vector<16xi32>
      %shift_right_logical3A_390 = arith.constant 3 : i32
      %shift_right_logical3A_391 = vector.broadcast %shift_right_logical3A_390 : i32 to vector<16xi32>
      %shift_right_logical3A_392 = arith.shrui %xor3A_385, %shift_right_logical3A_391 : vector<16xi32>
      %or3A_393 = arith.ori %shift_left3A_389, %shift_right_logical3A_392 : vector<16xi32>
      %xor3A_394 = arith.xori %add3A_386, %or3A_393 : vector<16xi32>
      %add3A_395 = arith.addi %add3A_386, %xor3A_394 : vector<16xi32>
      %shift_left3A_396 = arith.constant 16 : i32
      %shift_left3A_397 = vector.broadcast %shift_left3A_396 : i32 to vector<16xi32>
      %shift_left3A_398 = arith.shli %xor3A_394, %shift_left3A_397 : vector<16xi32>
      %shift_right_logical3A_399 = arith.constant 16 : i32
      %shift_right_logical3A_400 = vector.broadcast %shift_right_logical3A_399 : i32 to vector<16xi32>
      %shift_right_logical3A_401 = arith.shrui %xor3A_394, %shift_right_logical3A_400 : vector<16xi32>
      %or3A_402 = arith.ori %shift_left3A_398, %shift_right_logical3A_401 : vector<16xi32>
      %xor3A_403 = arith.xori %add3A_395, %or3A_402 : vector<16xi32>
      %add3A_404 = arith.addi %add3A_395, %xor3A_403 : vector<16xi32>
      %shift_left3A_405 = arith.constant 24 : i32
      %shift_left3A_406 = vector.broadcast %shift_left3A_405 : i32 to vector<16xi32>
      %shift_left3A_407 = arith.shli %xor3A_403, %shift_left3A_406 : vector<16xi32>
      %shift_right_logical3A_408 = arith.constant 8 : i32
      %shift_right_logical3A_409 = vector.broadcast %shift_right_logical3A_408 : i32 to vector<16xi32>
      %shift_right_logical3A_410 = arith.shrui %xor3A_403, %shift_right_logical3A_409 : vector<16xi32>
      %or3A_411 = arith.ori %shift_left3A_407, %shift_right_logical3A_410 : vector<16xi32>
      %xor3A_412 = arith.xori %add3A_404, %or3A_411 : vector<16xi32>
      %add3A_413 = arith.constant -2045582813 : i32
      %add3A_414 = vector.broadcast %add3A_413 : i32 to vector<16xi32>
      %add3A_415 = arith.addi %add3A_404, %add3A_414 : vector<16xi32>
      %add3A_416 = arith.constant -1829035798 : i32
      %add3A_417 = vector.broadcast %add3A_416 : i32 to vector<16xi32>
      %add3A_418 = arith.addi %xor3A_412, %add3A_417 : vector<16xi32>
      %add3A_419 = arith.constant 2 : i32
      %add3A_420 = vector.broadcast %add3A_419 : i32 to vector<16xi32>
      %add3A_421 = arith.addi %add3A_418, %add3A_420 : vector<16xi32>
      %add3A_422 = arith.addi %add3A_415, %add3A_421 : vector<16xi32>
      %shift_left3A_423 = arith.constant 13 : i32
      %shift_left3A_424 = vector.broadcast %shift_left3A_423 : i32 to vector<16xi32>
      %shift_left3A_425 = arith.shli %add3A_421, %shift_left3A_424 : vector<16xi32>
      %shift_right_logical3A_426 = arith.constant 19 : i32
      %shift_right_logical3A_427 = vector.broadcast %shift_right_logical3A_426 : i32 to vector<16xi32>
      %shift_right_logical3A_428 = arith.shrui %add3A_421, %shift_right_logical3A_427 : vector<16xi32>
      %or3A_429 = arith.ori %shift_left3A_425, %shift_right_logical3A_428 : vector<16xi32>
      %xor3A_430 = arith.xori %add3A_422, %or3A_429 : vector<16xi32>
      %add3A_431 = arith.addi %add3A_422, %xor3A_430 : vector<16xi32>
      %shift_left3A_432 = arith.constant 15 : i32
      %shift_left3A_433 = vector.broadcast %shift_left3A_432 : i32 to vector<16xi32>
      %shift_left3A_434 = arith.shli %xor3A_430, %shift_left3A_433 : vector<16xi32>
      %shift_right_logical3A_435 = arith.constant 17 : i32
      %shift_right_logical3A_436 = vector.broadcast %shift_right_logical3A_435 : i32 to vector<16xi32>
      %shift_right_logical3A_437 = arith.shrui %xor3A_430, %shift_right_logical3A_436 : vector<16xi32>
      %or3A_438 = arith.ori %shift_left3A_434, %shift_right_logical3A_437 : vector<16xi32>
      %xor3A_439 = arith.xori %add3A_431, %or3A_438 : vector<16xi32>
      %add3A_440 = arith.addi %add3A_431, %xor3A_439 : vector<16xi32>
      %shift_left3A_441 = arith.constant 26 : i32
      %shift_left3A_442 = vector.broadcast %shift_left3A_441 : i32 to vector<16xi32>
      %shift_left3A_443 = arith.shli %xor3A_439, %shift_left3A_442 : vector<16xi32>
      %shift_right_logical3A_444 = arith.constant 6 : i32
      %shift_right_logical3A_445 = vector.broadcast %shift_right_logical3A_444 : i32 to vector<16xi32>
      %shift_right_logical3A_446 = arith.shrui %xor3A_439, %shift_right_logical3A_445 : vector<16xi32>
      %or3A_447 = arith.ori %shift_left3A_443, %shift_right_logical3A_446 : vector<16xi32>
      %xor3A_448 = arith.xori %add3A_440, %or3A_447 : vector<16xi32>
      %add3A_449 = arith.addi %add3A_440, %xor3A_448 : vector<16xi32>
      %shift_left3A_450 = arith.constant 6 : i32
      %shift_left3A_451 = vector.broadcast %shift_left3A_450 : i32 to vector<16xi32>
      %shift_left3A_452 = arith.shli %xor3A_448, %shift_left3A_451 : vector<16xi32>
      %shift_right_logical3A_453 = arith.constant 26 : i32
      %shift_right_logical3A_454 = vector.broadcast %shift_right_logical3A_453 : i32 to vector<16xi32>
      %shift_right_logical3A_455 = arith.shrui %xor3A_448, %shift_right_logical3A_454 : vector<16xi32>
      %or3A_456 = arith.ori %shift_left3A_452, %shift_right_logical3A_455 : vector<16xi32>
      %xor3A_457 = arith.xori %add3A_449, %or3A_456 : vector<16xi32>
      %add3A_458 = arith.constant -1829035798 : i32
      %add3A_459 = vector.broadcast %add3A_458 : i32 to vector<16xi32>
      %add3A_460 = arith.addi %add3A_449, %add3A_459 : vector<16xi32>
      %add3A_461 = arith.constant 255383827 : i32
      %add3A_462 = vector.broadcast %add3A_461 : i32 to vector<16xi32>
      %add3A_463 = arith.addi %xor3A_457, %add3A_462 : vector<16xi32>
      %add3A_464 = arith.constant 3 : i32
      %add3A_465 = vector.broadcast %add3A_464 : i32 to vector<16xi32>
      %add3A_466 = arith.addi %add3A_463, %add3A_465 : vector<16xi32>
      %add3A_467 = arith.addi %add3A_460, %add3A_466 : vector<16xi32>
      %shift_left3A_468 = arith.constant 17 : i32
      %shift_left3A_469 = vector.broadcast %shift_left3A_468 : i32 to vector<16xi32>
      %shift_left3A_470 = arith.shli %add3A_466, %shift_left3A_469 : vector<16xi32>
      %shift_right_logical3A_471 = arith.constant 15 : i32
      %shift_right_logical3A_472 = vector.broadcast %shift_right_logical3A_471 : i32 to vector<16xi32>
      %shift_right_logical3A_473 = arith.shrui %add3A_466, %shift_right_logical3A_472 : vector<16xi32>
      %or3A_474 = arith.ori %shift_left3A_470, %shift_right_logical3A_473 : vector<16xi32>
      %xor3A_475 = arith.xori %add3A_467, %or3A_474 : vector<16xi32>
      %add3A_476 = arith.addi %add3A_467, %xor3A_475 : vector<16xi32>
      %shift_left3A_477 = arith.constant 29 : i32
      %shift_left3A_478 = vector.broadcast %shift_left3A_477 : i32 to vector<16xi32>
      %shift_left3A_479 = arith.shli %xor3A_475, %shift_left3A_478 : vector<16xi32>
      %shift_right_logical3A_480 = arith.constant 3 : i32
      %shift_right_logical3A_481 = vector.broadcast %shift_right_logical3A_480 : i32 to vector<16xi32>
      %shift_right_logical3A_482 = arith.shrui %xor3A_475, %shift_right_logical3A_481 : vector<16xi32>
      %or3A_483 = arith.ori %shift_left3A_479, %shift_right_logical3A_482 : vector<16xi32>
      %xor3A_484 = arith.xori %add3A_476, %or3A_483 : vector<16xi32>
      %add3A_485 = arith.addi %add3A_476, %xor3A_484 : vector<16xi32>
      %shift_left3A_486 = arith.constant 16 : i32
      %shift_left3A_487 = vector.broadcast %shift_left3A_486 : i32 to vector<16xi32>
      %shift_left3A_488 = arith.shli %xor3A_484, %shift_left3A_487 : vector<16xi32>
      %shift_right_logical3A_489 = arith.constant 16 : i32
      %shift_right_logical3A_490 = vector.broadcast %shift_right_logical3A_489 : i32 to vector<16xi32>
      %shift_right_logical3A_491 = arith.shrui %xor3A_484, %shift_right_logical3A_490 : vector<16xi32>
      %or3A_492 = arith.ori %shift_left3A_488, %shift_right_logical3A_491 : vector<16xi32>
      %xor3A_493 = arith.xori %add3A_485, %or3A_492 : vector<16xi32>
      %add3A_494 = arith.addi %add3A_485, %xor3A_493 : vector<16xi32>
      %shift_left3A_495 = arith.constant 24 : i32
      %shift_left3A_496 = vector.broadcast %shift_left3A_495 : i32 to vector<16xi32>
      %shift_left3A_497 = arith.shli %xor3A_493, %shift_left3A_496 : vector<16xi32>
      %shift_right_logical3A_498 = arith.constant 8 : i32
      %shift_right_logical3A_499 = vector.broadcast %shift_right_logical3A_498 : i32 to vector<16xi32>
      %shift_right_logical3A_500 = arith.shrui %xor3A_493, %shift_right_logical3A_499 : vector<16xi32>
      %or3A_501 = arith.ori %shift_left3A_497, %shift_right_logical3A_500 : vector<16xi32>
      %xor3A_502 = arith.xori %add3A_494, %or3A_501 : vector<16xi32>
      %add3A_503 = arith.constant 255383827 : i32
      %add3A_504 = vector.broadcast %add3A_503 : i32 to vector<16xi32>
      %add3A_505 = arith.addi %add3A_494, %add3A_504 : vector<16xi32>
      %add3A_506 = arith.constant -2045582813 : i32
      %add3A_507 = vector.broadcast %add3A_506 : i32 to vector<16xi32>
      %add3A_508 = arith.addi %xor3A_502, %add3A_507 : vector<16xi32>
      %add3A_509 = arith.constant 4 : i32
      %add3A_510 = vector.broadcast %add3A_509 : i32 to vector<16xi32>
      %add3A_511 = arith.addi %add3A_508, %add3A_510 : vector<16xi32>
      %add3A_512 = arith.addi %add3A_505, %add3A_511 : vector<16xi32>
      %shift_left3A_513 = arith.constant 13 : i32
      %shift_left3A_514 = vector.broadcast %shift_left3A_513 : i32 to vector<16xi32>
      %shift_left3A_515 = arith.shli %add3A_511, %shift_left3A_514 : vector<16xi32>
      %shift_right_logical3A_516 = arith.constant 19 : i32
      %shift_right_logical3A_517 = vector.broadcast %shift_right_logical3A_516 : i32 to vector<16xi32>
      %shift_right_logical3A_518 = arith.shrui %add3A_511, %shift_right_logical3A_517 : vector<16xi32>
      %or3A_519 = arith.ori %shift_left3A_515, %shift_right_logical3A_518 : vector<16xi32>
      %xor3A_520 = arith.xori %add3A_512, %or3A_519 : vector<16xi32>
      %add3A_521 = arith.addi %add3A_512, %xor3A_520 : vector<16xi32>
      %shift_left3A_522 = arith.constant 15 : i32
      %shift_left3A_523 = vector.broadcast %shift_left3A_522 : i32 to vector<16xi32>
      %shift_left3A_524 = arith.shli %xor3A_520, %shift_left3A_523 : vector<16xi32>
      %shift_right_logical3A_525 = arith.constant 17 : i32
      %shift_right_logical3A_526 = vector.broadcast %shift_right_logical3A_525 : i32 to vector<16xi32>
      %shift_right_logical3A_527 = arith.shrui %xor3A_520, %shift_right_logical3A_526 : vector<16xi32>
      %or3A_528 = arith.ori %shift_left3A_524, %shift_right_logical3A_527 : vector<16xi32>
      %xor3A_529 = arith.xori %add3A_521, %or3A_528 : vector<16xi32>
      %add3A_530 = arith.addi %add3A_521, %xor3A_529 : vector<16xi32>
      %shift_left3A_531 = arith.constant 26 : i32
      %shift_left3A_532 = vector.broadcast %shift_left3A_531 : i32 to vector<16xi32>
      %shift_left3A_533 = arith.shli %xor3A_529, %shift_left3A_532 : vector<16xi32>
      %shift_right_logical3A_534 = arith.constant 6 : i32
      %shift_right_logical3A_535 = vector.broadcast %shift_right_logical3A_534 : i32 to vector<16xi32>
      %shift_right_logical3A_536 = arith.shrui %xor3A_529, %shift_right_logical3A_535 : vector<16xi32>
      %or3A_537 = arith.ori %shift_left3A_533, %shift_right_logical3A_536 : vector<16xi32>
      %xor3A_538 = arith.xori %add3A_530, %or3A_537 : vector<16xi32>
      %add3A_539 = arith.addi %add3A_530, %xor3A_538 : vector<16xi32>
      %shift_left3A_540 = arith.constant 6 : i32
      %shift_left3A_541 = vector.broadcast %shift_left3A_540 : i32 to vector<16xi32>
      %shift_left3A_542 = arith.shli %xor3A_538, %shift_left3A_541 : vector<16xi32>
      %shift_right_logical3A_543 = arith.constant 26 : i32
      %shift_right_logical3A_544 = vector.broadcast %shift_right_logical3A_543 : i32 to vector<16xi32>
      %shift_right_logical3A_545 = arith.shrui %xor3A_538, %shift_right_logical3A_544 : vector<16xi32>
      %or3A_546 = arith.ori %shift_left3A_542, %shift_right_logical3A_545 : vector<16xi32>
      %xor3A_547 = arith.xori %add3A_539, %or3A_546 : vector<16xi32>
      %add3A_548 = arith.constant -2045582813 : i32
      %add3A_549 = vector.broadcast %add3A_548 : i32 to vector<16xi32>
      %add3A_550 = arith.addi %add3A_539, %add3A_549 : vector<16xi32>
      %add3A_551 = arith.constant -1829035798 : i32
      %add3A_552 = vector.broadcast %add3A_551 : i32 to vector<16xi32>
      %add3A_553 = arith.addi %xor3A_547, %add3A_552 : vector<16xi32>
      %add3A_554 = arith.constant 5 : i32
      %add3A_555 = vector.broadcast %add3A_554 : i32 to vector<16xi32>
      %add3A_556 = arith.addi %add3A_553, %add3A_555 : vector<16xi32>
      %xor3A_557 = arith.xori %add3A_550, %add3A_556 : vector<16xi32>
      %swap3A_558 = arith.index_cast %shift_right_logical3A_315 : i32 to index
      %swap3A_559 = arith.index_cast %multiple_of3A_320 : i32 to index
      %swap3A_560 = tpu.vector_load %arg3[%swap3A_558, %swap3A_559] {strides = array<i32>} : memref<32x1024xi32, #tpu.memory_space<vmem>>, vector<1x16xi32>,
      %swap3A_561 = vector.shape_cast %swap3A_560 : vector<1x16xi32> to vector<16xi32>
      %swap3A_562 = vector.shape_cast %xor3A_557 : vector<16xi32> to vector<1x16xi32>
      tpu.vector_store %arg3[%swap3A_558, %swap3A_559], %swap3A_562 {strides = array<i32>} : memref<32x1024xi32, #tpu.memory_space<vmem>>, vector<1x16xi32>,
      %mul3A_563 = arith.constant 4 : i32
      %mul3A_564 = arith.muli %scan3A_64, %mul3A_563 : i32
      %add3A_565 = arith.constant 2 : i32
      %add3A_566 = arith.addi %mul3A_564, %add3A_565 : i32
      %shift_right_logical3A_567 = arith.constant 6 : i32
      %shift_right_logical3A_568 = arith.shrui %add3A_566, %shift_right_logical3A_567 : i32
      %and3A_569 = arith.constant 63 : i32
      %and3A_570 = arith.andi %add3A_566, %and3A_569 : i32
      %shift_left3A_571 = arith.constant 4 : i32
      %shift_left3A_572 = arith.shli %and3A_570, %shift_left3A_571 : i32
      %multiple_of3A_573 = tpu.assume_multiple %shift_left3A_572, 16 : i32
      %add3A_574 = arith.addi %add3A_4, %shift_right_logical3A_568 : i32
      %mul3A_575 = arith.constant 1000 : i32
      %mul3A_576 = arith.muli %add3A_574, %mul3A_575 : i32
      %add3A_577 = arith.addi %mul3A_576, %multiple_of3A_573 : i32
      %add3A_578 = vector.broadcast %add3A_577 : i32 to vector<16xi32>
      %add3A_579 = arith.addi %iota3A, %add3A_578 : vector<16xi32>
      %broadcast_in_dim3A_580 = arith.constant -1829035798 : i32
      %broadcast_in_dim3A_581 = vector.broadcast %broadcast_in_dim3A_580 : i32 to vector<16xi32>
      %add3A_582 = arith.constant 255383827 : i32
      %add3A_583 = vector.broadcast %add3A_582 : i32 to vector<16xi32>
      %add3A_584 = arith.addi %add3A_579, %add3A_583 : vector<16xi32>
      %add3A_585 = arith.addi %broadcast_in_dim3A_581, %add3A_584 : vector<16xi32>
      %shift_left3A_586 = arith.constant 13 : i32
      %shift_left3A_587 = vector.broadcast %shift_left3A_586 : i32 to vector<16xi32>
      %shift_left3A_588 = arith.shli %add3A_584, %shift_left3A_587 : vector<16xi32>
      %shift_right_logical3A_589 = arith.constant 19 : i32
      %shift_right_logical3A_590 = vector.broadcast %shift_right_logical3A_589 : i32 to vector<16xi32>
      %shift_right_logical3A_591 = arith.shrui %add3A_584, %shift_right_logical3A_590 : vector<16xi32>
      %or3A_592 = arith.ori %shift_left3A_588, %shift_right_logical3A_591 : vector<16xi32>
      %xor3A_593 = arith.xori %add3A_585, %or3A_592 : vector<16xi32>
      %add3A_594 = arith.addi %add3A_585, %xor3A_593 : vector<16xi32>
      %shift_left3A_595 = arith.constant 15 : i32
      %shift_left3A_596 = vector.broadcast %shift_left3A_595 : i32 to vector<16xi32>
      %shift_left3A_597 = arith.shli %xor3A_593, %shift_left3A_596 : vector<16xi32>
      %shift_right_logical3A_598 = arith.constant 17 : i32
      %shift_right_logical3A_599 = vector.broadcast %shift_right_logical3A_598 : i32 to vector<16xi32>
      %shift_right_logical3A_600 = arith.shrui %xor3A_593, %shift_right_logical3A_599 : vector<16xi32>
      %or3A_601 = arith.ori %shift_left3A_597, %shift_right_logical3A_600 : vector<16xi32>
      %xor3A_602 = arith.xori %add3A_594, %or3A_601 : vector<16xi32>
      %add3A_603 = arith.addi %add3A_594, %xor3A_602 : vector<16xi32>
      %shift_left3A_604 = arith.constant 26 : i32
      %shift_left3A_605 = vector.broadcast %shift_left3A_604 : i32 to vector<16xi32>
      %shift_left3A_606 = arith.shli %xor3A_602, %shift_left3A_605 : vector<16xi32>
      %shift_right_logical3A_607 = arith.constant 6 : i32
      %shift_right_logical3A_608 = vector.broadcast %shift_right_logical3A_607 : i32 to vector<16xi32>
      %shift_right_logical3A_609 = arith.shrui %xor3A_602, %shift_right_logical3A_608 : vector<16xi32>
      %or3A_610 = arith.ori %shift_left3A_606, %shift_right_logical3A_609 : vector<16xi32>
      %xor3A_611 = arith.xori %add3A_603, %or3A_610 : vector<16xi32>
      %add3A_612 = arith.addi %add3A_603, %xor3A_611 : vector<16xi32>
      %shift_left3A_613 = arith.constant 6 : i32
      %shift_left3A_614 = vector.broadcast %shift_left3A_613 : i32 to vector<16xi32>
      %shift_left3A_615 = arith.shli %xor3A_611, %shift_left3A_614 : vector<16xi32>
      %shift_right_logical3A_616 = arith.constant 26 : i32
      %shift_right_logical3A_617 = vector.broadcast %shift_right_logical3A_616 : i32 to vector<16xi32>
      %shift_right_logical3A_618 = arith.shrui %xor3A_611, %shift_right_logical3A_617 : vector<16xi32>
      %or3A_619 = arith.ori %shift_left3A_615, %shift_right_logical3A_618 : vector<16xi32>
      %xor3A_620 = arith.xori %add3A_612, %or3A_619 : vector<16xi32>
      %add3A_621 = arith.constant 255383827 : i32
      %add3A_622 = vector.broadcast %add3A_621 : i32 to vector<16xi32>
      %add3A_623 = arith.addi %add3A_612, %add3A_622 : vector<16xi32>
      %add3A_624 = arith.constant -2045582813 : i32
      %add3A_625 = vector.broadcast %add3A_624 : i32 to vector<16xi32>
      %add3A_626 = arith.addi %xor3A_620, %add3A_625 : vector<16xi32>
      %add3A_627 = arith.constant 1 : i32
      %add3A_628 = vector.broadcast %add3A_627 : i32 to vector<16xi32>
      %add3A_629 = arith.addi %add3A_626, %add3A_628 : vector<16xi32>
      %add3A_630 = arith.addi %add3A_623, %add3A_629 : vector<16xi32>
      %shift_left3A_631 = arith.constant 17 : i32
      %shift_left3A_632 = vector.broadcast %shift_left3A_631 : i32 to vector<16xi32>
      %shift_left3A_633 = arith.shli %add3A_629, %shift_left3A_632 : vector<16xi32>
      %shift_right_logical3A_634 = arith.constant 15 : i32
      %shift_right_logical3A_635 = vector.broadcast %shift_right_logical3A_634 : i32 to vector<16xi32>
      %shift_right_logical3A_636 = arith.shrui %add3A_629, %shift_right_logical3A_635 : vector<16xi32>
      %or3A_637 = arith.ori %shift_left3A_633, %shift_right_logical3A_636 : vector<16xi32>
      %xor3A_638 = arith.xori %add3A_630, %or3A_637 : vector<16xi32>
      %add3A_639 = arith.addi %add3A_630, %xor3A_638 : vector<16xi32>
      %shift_left3A_640 = arith.constant 29 : i32
      %shift_left3A_641 = vector.broadcast %shift_left3A_640 : i32 to vector<16xi32>
      %shift_left3A_642 = arith.shli %xor3A_638, %shift_left3A_641 : vector<16xi32>
      %shift_right_logical3A_643 = arith.constant 3 : i32
      %shift_right_logical3A_644 = vector.broadcast %shift_right_logical3A_643 : i32 to vector<16xi32>
      %shift_right_logical3A_645 = arith.shrui %xor3A_638, %shift_right_logical3A_644 : vector<16xi32>
      %or3A_646 = arith.ori %shift_left3A_642, %shift_right_logical3A_645 : vector<16xi32>
      %xor3A_647 = arith.xori %add3A_639, %or3A_646 : vector<16xi32>
      %add3A_648 = arith.addi %add3A_639, %xor3A_647 : vector<16xi32>
      %shift_left3A_649 = arith.constant 16 : i32
      %shift_left3A_650 = vector.broadcast %shift_left3A_649 : i32 to vector<16xi32>
      %shift_left3A_651 = arith.shli %xor3A_647, %shift_left3A_650 : vector<16xi32>
      %shift_right_logical3A_652 = arith.constant 16 : i32
      %shift_right_logical3A_653 = vector.broadcast %shift_right_logical3A_652 : i32 to vector<16xi32>
      %shift_right_logical3A_654 = arith.shrui %xor3A_647, %shift_right_logical3A_653 : vector<16xi32>
      %or3A_655 = arith.ori %shift_left3A_651, %shift_right_logical3A_654 : vector<16xi32>
      %xor3A_656 = arith.xori %add3A_648, %or3A_655 : vector<16xi32>
      %add3A_657 = arith.addi %add3A_648, %xor3A_656 : vector<16xi32>
      %shift_left3A_658 = arith.constant 24 : i32
      %shift_left3A_659 = vector.broadcast %shift_left3A_658 : i32 to vector<16xi32>
      %shift_left3A_660 = arith.shli %xor3A_656, %shift_left3A_659 : vector<16xi32>
      %shift_right_logical3A_661 = arith.constant 8 : i32
      %shift_right_logical3A_662 = vector.broadcast %shift_right_logical3A_661 : i32 to vector<16xi32>
      %shift_right_logical3A_663 = arith.shrui %xor3A_656, %shift_right_logical3A_662 : vector<16xi32>
      %or3A_664 = arith.ori %shift_left3A_660, %shift_right_logical3A_663 : vector<16xi32>
      %xor3A_665 = arith.xori %add3A_657, %or3A_664 : vector<16xi32>
      %add3A_666 = arith.constant -2045582813 : i32
      %add3A_667 = vector.broadcast %add3A_666 : i32 to vector<16xi32>
      %add3A_668 = arith.addi %add3A_657, %add3A_667 : vector<16xi32>
      %add3A_669 = arith.constant -1829035798 : i32
      %add3A_670 = vector.broadcast %add3A_669 : i32 to vector<16xi32>
      %add3A_671 = arith.addi %xor3A_665, %add3A_670 : vector<16xi32>
      %add3A_672 = arith.constant 2 : i32
      %add3A_673 = vector.broadcast %add3A_672 : i32 to vector<16xi32>
      %add3A_674 = arith.addi %add3A_671, %add3A_673 : vector<16xi32>
      %add3A_675 = arith.addi %add3A_668, %add3A_674 : vector<16xi32>
      %shift_left3A_676 = arith.constant 13 : i32
      %shift_left3A_677 = vector.broadcast %shift_left3A_676 : i32 to vector<16xi32>
      %shift_left3A_678 = arith.shli %add3A_674, %shift_left3A_677 : vector<16xi32>
      %shift_right_logical3A_679 = arith.constant 19 : i32
      %shift_right_logical3A_680 = vector.broadcast %shift_right_logical3A_679 : i32 to vector<16xi32>
      %shift_right_logical3A_681 = arith.shrui %add3A_674, %shift_right_logical3A_680 : vector<16xi32>
      %or3A_682 = arith.ori %shift_left3A_678, %shift_right_logical3A_681 : vector<16xi32>
      %xor3A_683 = arith.xori %add3A_675, %or3A_682 : vector<16xi32>
      %add3A_684 = arith.addi %add3A_675, %xor3A_683 : vector<16xi32>
      %shift_left3A_685 = arith.constant 15 : i32
      %shift_left3A_686 = vector.broadcast %shift_left3A_685 : i32 to vector<16xi32>
      %shift_left3A_687 = arith.shli %xor3A_683, %shift_left3A_686 : vector<16xi32>
      %shift_right_logical3A_688 = arith.constant 17 : i32
      %shift_right_logical3A_689 = vector.broadcast %shift_right_logical3A_688 : i32 to vector<16xi32>
      %shift_right_logical3A_690 = arith.shrui %xor3A_683, %shift_right_logical3A_689 : vector<16xi32>
      %or3A_691 = arith.ori %shift_left3A_687, %shift_right_logical3A_690 : vector<16xi32>
      %xor3A_692 = arith.xori %add3A_684, %or3A_691 : vector<16xi32>
      %add3A_693 = arith.addi %add3A_684, %xor3A_692 : vector<16xi32>
      %shift_left3A_694 = arith.constant 26 : i32
      %shift_left3A_695 = vector.broadcast %shift_left3A_694 : i32 to vector<16xi32>
      %shift_left3A_696 = arith.shli %xor3A_692, %shift_left3A_695 : vector<16xi32>
      %shift_right_logical3A_697 = arith.constant 6 : i32
      %shift_right_logical3A_698 = vector.broadcast %shift_right_logical3A_697 : i32 to vector<16xi32>
      %shift_right_logical3A_699 = arith.shrui %xor3A_692, %shift_right_logical3A_698 : vector<16xi32>
      %or3A_700 = arith.ori %shift_left3A_696, %shift_right_logical3A_699 : vector<16xi32>
      %xor3A_701 = arith.xori %add3A_693, %or3A_700 : vector<16xi32>
      %add3A_702 = arith.addi %add3A_693, %xor3A_701 : vector<16xi32>
      %shift_left3A_703 = arith.constant 6 : i32
      %shift_left3A_704 = vector.broadcast %shift_left3A_703 : i32 to vector<16xi32>
      %shift_left3A_705 = arith.shli %xor3A_701, %shift_left3A_704 : vector<16xi32>
      %shift_right_logical3A_706 = arith.constant 26 : i32
      %shift_right_logical3A_707 = vector.broadcast %shift_right_logical3A_706 : i32 to vector<16xi32>
      %shift_right_logical3A_708 = arith.shrui %xor3A_701, %shift_right_logical3A_707 : vector<16xi32>
      %or3A_709 = arith.ori %shift_left3A_705, %shift_right_logical3A_708 : vector<16xi32>
      %xor3A_710 = arith.xori %add3A_702, %or3A_709 : vector<16xi32>
      %add3A_711 = arith.constant -1829035798 : i32
      %add3A_712 = vector.broadcast %add3A_711 : i32 to vector<16xi32>
      %add3A_713 = arith.addi %add3A_702, %add3A_712 : vector<16xi32>
      %add3A_714 = arith.constant 255383827 : i32
      %add3A_715 = vector.broadcast %add3A_714 : i32 to vector<16xi32>
      %add3A_716 = arith.addi %xor3A_710, %add3A_715 : vector<16xi32>
      %add3A_717 = arith.constant 3 : i32
      %add3A_718 = vector.broadcast %add3A_717 : i32 to vector<16xi32>
      %add3A_719 = arith.addi %add3A_716, %add3A_718 : vector<16xi32>
      %add3A_720 = arith.addi %add3A_713, %add3A_719 : vector<16xi32>
      %shift_left3A_721 = arith.constant 17 : i32
      %shift_left3A_722 = vector.broadcast %shift_left3A_721 : i32 to vector<16xi32>
      %shift_left3A_723 = arith.shli %add3A_719, %shift_left3A_722 : vector<16xi32>
      %shift_right_logical3A_724 = arith.constant 15 : i32
      %shift_right_logical3A_725 = vector.broadcast %shift_right_logical3A_724 : i32 to vector<16xi32>
      %shift_right_logical3A_726 = arith.shrui %add3A_719, %shift_right_logical3A_725 : vector<16xi32>
      %or3A_727 = arith.ori %shift_left3A_723, %shift_right_logical3A_726 : vector<16xi32>
      %xor3A_728 = arith.xori %add3A_720, %or3A_727 : vector<16xi32>
      %add3A_729 = arith.addi %add3A_720, %xor3A_728 : vector<16xi32>
      %shift_left3A_730 = arith.constant 29 : i32
      %shift_left3A_731 = vector.broadcast %shift_left3A_730 : i32 to vector<16xi32>
      %shift_left3A_732 = arith.shli %xor3A_728, %shift_left3A_731 : vector<16xi32>
      %shift_right_logical3A_733 = arith.constant 3 : i32
      %shift_right_logical3A_734 = vector.broadcast %shift_right_logical3A_733 : i32 to vector<16xi32>
      %shift_right_logical3A_735 = arith.shrui %xor3A_728, %shift_right_logical3A_734 : vector<16xi32>
      %or3A_736 = arith.ori %shift_left3A_732, %shift_right_logical3A_735 : vector<16xi32>
      %xor3A_737 = arith.xori %add3A_729, %or3A_736 : vector<16xi32>
      %add3A_738 = arith.addi %add3A_729, %xor3A_737 : vector<16xi32>
      %shift_left3A_739 = arith.constant 16 : i32
      %shift_left3A_740 = vector.broadcast %shift_left3A_739 : i32 to vector<16xi32>
      %shift_left3A_741 = arith.shli %xor3A_737, %shift_left3A_740 : vector<16xi32>
      %shift_right_logical3A_742 = arith.constant 16 : i32
      %shift_right_logical3A_743 = vector.broadcast %shift_right_logical3A_742 : i32 to vector<16xi32>
      %shift_right_logical3A_744 = arith.shrui %xor3A_737, %shift_right_logical3A_743 : vector<16xi32>
      %or3A_745 = arith.ori %shift_left3A_741, %shift_right_logical3A_744 : vector<16xi32>
      %xor3A_746 = arith.xori %add3A_738, %or3A_745 : vector<16xi32>
      %add3A_747 = arith.addi %add3A_738, %xor3A_746 : vector<16xi32>
      %shift_left3A_748 = arith.constant 24 : i32
      %shift_left3A_749 = vector.broadcast %shift_left3A_748 : i32 to vector<16xi32>
      %shift_left3A_750 = arith.shli %xor3A_746, %shift_left3A_749 : vector<16xi32>
      %shift_right_logical3A_751 = arith.constant 8 : i32
      %shift_right_logical3A_752 = vector.broadcast %shift_right_logical3A_751 : i32 to vector<16xi32>
      %shift_right_logical3A_753 = arith.shrui %xor3A_746, %shift_right_logical3A_752 : vector<16xi32>
      %or3A_754 = arith.ori %shift_left3A_750, %shift_right_logical3A_753 : vector<16xi32>
      %xor3A_755 = arith.xori %add3A_747, %or3A_754 : vector<16xi32>
      %add3A_756 = arith.constant 255383827 : i32
      %add3A_757 = vector.broadcast %add3A_756 : i32 to vector<16xi32>
      %add3A_758 = arith.addi %add3A_747, %add3A_757 : vector<16xi32>
      %add3A_759 = arith.constant -2045582813 : i32
      %add3A_760 = vector.broadcast %add3A_759 : i32 to vector<16xi32>
      %add3A_761 = arith.addi %xor3A_755, %add3A_760 : vector<16xi32>
      %add3A_762 = arith.constant 4 : i32
      %add3A_763 = vector.broadcast %add3A_762 : i32 to vector<16xi32>
      %add3A_764 = arith.addi %add3A_761, %add3A_763 : vector<16xi32>
      %add3A_765 = arith.addi %add3A_758, %add3A_764 : vector<16xi32>
      %shift_left3A_766 = arith.constant 13 : i32
      %shift_left3A_767 = vector.broadcast %shift_left3A_766 : i32 to vector<16xi32>
      %shift_left3A_768 = arith.shli %add3A_764, %shift_left3A_767 : vector<16xi32>
      %shift_right_logical3A_769 = arith.constant 19 : i32
      %shift_right_logical3A_770 = vector.broadcast %shift_right_logical3A_769 : i32 to vector<16xi32>
      %shift_right_logical3A_771 = arith.shrui %add3A_764, %shift_right_logical3A_770 : vector<16xi32>
      %or3A_772 = arith.ori %shift_left3A_768, %shift_right_logical3A_771 : vector<16xi32>
      %xor3A_773 = arith.xori %add3A_765, %or3A_772 : vector<16xi32>
      %add3A_774 = arith.addi %add3A_765, %xor3A_773 : vector<16xi32>
      %shift_left3A_775 = arith.constant 15 : i32
      %shift_left3A_776 = vector.broadcast %shift_left3A_775 : i32 to vector<16xi32>
      %shift_left3A_777 = arith.shli %xor3A_773, %shift_left3A_776 : vector<16xi32>
      %shift_right_logical3A_778 = arith.constant 17 : i32
      %shift_right_logical3A_779 = vector.broadcast %shift_right_logical3A_778 : i32 to vector<16xi32>
      %shift_right_logical3A_780 = arith.shrui %xor3A_773, %shift_right_logical3A_779 : vector<16xi32>
      %or3A_781 = arith.ori %shift_left3A_777, %shift_right_logical3A_780 : vector<16xi32>
      %xor3A_782 = arith.xori %add3A_774, %or3A_781 : vector<16xi32>
      %add3A_783 = arith.addi %add3A_774, %xor3A_782 : vector<16xi32>
      %shift_left3A_784 = arith.constant 26 : i32
      %shift_left3A_785 = vector.broadcast %shift_left3A_784 : i32 to vector<16xi32>
      %shift_left3A_786 = arith.shli %xor3A_782, %shift_left3A_785 : vector<16xi32>
      %shift_right_logical3A_787 = arith.constant 6 : i32
      %shift_right_logical3A_788 = vector.broadcast %shift_right_logical3A_787 : i32 to vector<16xi32>
      %shift_right_logical3A_789 = arith.shrui %xor3A_782, %shift_right_logical3A_788 : vector<16xi32>
      %or3A_790 = arith.ori %shift_left3A_786, %shift_right_logical3A_789 : vector<16xi32>
      %xor3A_791 = arith.xori %add3A_783, %or3A_790 : vector<16xi32>
      %add3A_792 = arith.addi %add3A_783, %xor3A_791 : vector<16xi32>
      %shift_left3A_793 = arith.constant 6 : i32
      %shift_left3A_794 = vector.broadcast %shift_left3A_793 : i32 to vector<16xi32>
      %shift_left3A_795 = arith.shli %xor3A_791, %shift_left3A_794 : vector<16xi32>
      %shift_right_logical3A_796 = arith.constant 26 : i32
      %shift_right_logical3A_797 = vector.broadcast %shift_right_logical3A_796 : i32 to vector<16xi32>
      %shift_right_logical3A_798 = arith.shrui %xor3A_791, %shift_right_logical3A_797 : vector<16xi32>
      %or3A_799 = arith.ori %shift_left3A_795, %shift_right_logical3A_798 : vector<16xi32>
      %xor3A_800 = arith.xori %add3A_792, %or3A_799 : vector<16xi32>
      %add3A_801 = arith.constant -2045582813 : i32
      %add3A_802 = vector.broadcast %add3A_801 : i32 to vector<16xi32>
      %add3A_803 = arith.addi %add3A_792, %add3A_802 : vector<16xi32>
      %add3A_804 = arith.constant -1829035798 : i32
      %add3A_805 = vector.broadcast %add3A_804 : i32 to vector<16xi32>
      %add3A_806 = arith.addi %xor3A_800, %add3A_805 : vector<16xi32>
      %add3A_807 = arith.constant 5 : i32
      %add3A_808 = vector.broadcast %add3A_807 : i32 to vector<16xi32>
      %add3A_809 = arith.addi %add3A_806, %add3A_808 : vector<16xi32>
      %xor3A_810 = arith.xori %add3A_803, %add3A_809 : vector<16xi32>
      %swap3A_811 = arith.index_cast %shift_right_logical3A_568 : i32 to index
      %swap3A_812 = arith.index_cast %multiple_of3A_573 : i32 to index
      %swap3A_813 = tpu.vector_load %arg3[%swap3A_811, %swap3A_812] {strides = array<i32>} : memref<32x1024xi32, #tpu.memory_space<vmem>>, vector<1x16xi32>,
      %swap3A_814 = vector.shape_cast %swap3A_813 : vector<1x16xi32> to vector<16xi32>
      %swap3A_815 = vector.shape_cast %xor3A_810 : vector<16xi32> to vector<1x16xi32>
      tpu.vector_store %arg3[%swap3A_811, %swap3A_812], %swap3A_815 {strides = array<i32>} : memref<32x1024xi32, #tpu.memory_space<vmem>>, vector<1x16xi32>,
      %mul3A_816 = arith.constant 4 : i32
      %mul3A_817 = arith.muli %scan3A_64, %mul3A_816 : i32
      %add3A_818 = arith.constant 3 : i32
      %add3A_819 = arith.addi %mul3A_817, %add3A_818 : i32
      %shift_right_logical3A_820 = arith.constant 6 : i32
      %shift_right_logical3A_821 = arith.shrui %add3A_819, %shift_right_logical3A_820 : i32
      %and3A_822 = arith.constant 63 : i32
      %and3A_823 = arith.andi %add3A_819, %and3A_822 : i32
      %shift_left3A_824 = arith.constant 4 : i32
      %shift_left3A_825 = arith.shli %and3A_823, %shift_left3A_824 : i32
      %multiple_of3A_826 = tpu.assume_multiple %shift_left3A_825, 16 : i32
      %add3A_827 = arith.addi %add3A_4, %shift_right_logical3A_821 : i32
      %mul3A_828 = arith.constant 1000 : i32
      %mul3A_829 = arith.muli %add3A_827, %mul3A_828 : i32
      %add3A_830 = arith.addi %mul3A_829, %multiple_of3A_826 : i32
      %add3A_831 = vector.broadcast %add3A_830 : i32 to vector<16xi32>
      %add3A_832 = arith.addi %iota3A, %add3A_831 : vector<16xi32>
      %broadcast_in_dim3A_833 = arith.constant -1829035798 : i32
      %broadcast_in_dim3A_834 = vector.broadcast %broadcast_in_dim3A_833 : i32 to vector<16xi32>
      %add3A_835 = arith.constant 255383827 : i32
      %add3A_836 = vector.broadcast %add3A_835 : i32 to vector<16xi32>
      %add3A_837 = arith.addi %add3A_832, %add3A_836 : vector<16xi32>
      %add3A_838 = arith.addi %broadcast_in_dim3A_834, %add3A_837 : vector<16xi32>
      %shift_left3A_839 = arith.constant 13 : i32
      %shift_left3A_840 = vector.broadcast %shift_left3A_839 : i32 to vector<16xi32>
      %shift_left3A_841 = arith.shli %add3A_837, %shift_left3A_840 : vector<16xi32>
      %shift_right_logical3A_842 = arith.constant 19 : i32
      %shift_right_logical3A_843 = vector.broadcast %shift_right_logical3A_842 : i32 to vector<16xi32>
      %shift_right_logical3A_844 = arith.shrui %add3A_837, %shift_right_logical3A_843 : vector<16xi32>
      %or3A_845 = arith.ori %shift_left3A_841, %shift_right_logical3A_844 : vector<16xi32>
      %xor3A_846 = arith.xori %add3A_838, %or3A_845 : vector<16xi32>
      %add3A_847 = arith.addi %add3A_838, %xor3A_846 : vector<16xi32>
      %shift_left3A_848 = arith.constant 15 : i32
      %shift_left3A_849 = vector.broadcast %shift_left3A_848 : i32 to vector<16xi32>
      %shift_left3A_850 = arith.shli %xor3A_846, %shift_left3A_849 : vector<16xi32>
      %shift_right_logical3A_851 = arith.constant 17 : i32
      %shift_right_logical3A_852 = vector.broadcast %shift_right_logical3A_851 : i32 to vector<16xi32>
      %shift_right_logical3A_853 = arith.shrui %xor3A_846, %shift_right_logical3A_852 : vector<16xi32>
      %or3A_854 = arith.ori %shift_left3A_850, %shift_right_logical3A_853 : vector<16xi32>
      %xor3A_855 = arith.xori %add3A_847, %or3A_854 : vector<16xi32>
      %add3A_856 = arith.addi %add3A_847, %xor3A_855 : vector<16xi32>
      %shift_left3A_857 = arith.constant 26 : i32
      %shift_left3A_858 = vector.broadcast %shift_left3A_857 : i32 to vector<16xi32>
      %shift_left3A_859 = arith.shli %xor3A_855, %shift_left3A_858 : vector<16xi32>
      %shift_right_logical3A_860 = arith.constant 6 : i32
      %shift_right_logical3A_861 = vector.broadcast %shift_right_logical3A_860 : i32 to vector<16xi32>
      %shift_right_logical3A_862 = arith.shrui %xor3A_855, %shift_right_logical3A_861 : vector<16xi32>
      %or3A_863 = arith.ori %shift_left3A_859, %shift_right_logical3A_862 : vector<16xi32>
      %xor3A_864 = arith.xori %add3A_856, %or3A_863 : vector<16xi32>
      %add3A_865 = arith.addi %add3A_856, %xor3A_864 : vector<16xi32>
      %shift_left3A_866 = arith.constant 6 : i32
      %shift_left3A_867 = vector.broadcast %shift_left3A_866 : i32 to vector<16xi32>
      %shift_left3A_868 = arith.shli %xor3A_864, %shift_left3A_867 : vector<16xi32>
      %shift_right_logical3A_869 = arith.constant 26 : i32
      %shift_right_logical3A_870 = vector.broadcast %shift_right_logical3A_869 : i32 to vector<16xi32>
      %shift_right_logical3A_871 = arith.shrui %xor3A_864, %shift_right_logical3A_870 : vector<16xi32>
      %or3A_872 = arith.ori %shift_left3A_868, %shift_right_logical3A_871 : vector<16xi32>
      %xor3A_873 = arith.xori %add3A_865, %or3A_872 : vector<16xi32>
      %add3A_874 = arith.constant 255383827 : i32
      %add3A_875 = vector.broadcast %add3A_874 : i32 to vector<16xi32>
      %add3A_876 = arith.addi %add3A_865, %add3A_875 : vector<16xi32>
      %add3A_877 = arith.constant -2045582813 : i32
      %add3A_878 = vector.broadcast %add3A_877 : i32 to vector<16xi32>
      %add3A_879 = arith.addi %xor3A_873, %add3A_878 : vector<16xi32>
      %add3A_880 = arith.constant 1 : i32
      %add3A_881 = vector.broadcast %add3A_880 : i32 to vector<16xi32>
      %add3A_882 = arith.addi %add3A_879, %add3A_881 : vector<16xi32>
      %add3A_883 = arith.addi %add3A_876, %add3A_882 : vector<16xi32>
      %shift_left3A_884 = arith.constant 17 : i32
      %shift_left3A_885 = vector.broadcast %shift_left3A_884 : i32 to vector<16xi32>
      %shift_left3A_886 = arith.shli %add3A_882, %shift_left3A_885 : vector<16xi32>
      %shift_right_logical3A_887 = arith.constant 15 : i32
      %shift_right_logical3A_888 = vector.broadcast %shift_right_logical3A_887 : i32 to vector<16xi32>
      %shift_right_logical3A_889 = arith.shrui %add3A_882, %shift_right_logical3A_888 : vector<16xi32>
      %or3A_890 = arith.ori %shift_left3A_886, %shift_right_logical3A_889 : vector<16xi32>
      %xor3A_891 = arith.xori %add3A_883, %or3A_890 : vector<16xi32>
      %add3A_892 = arith.addi %add3A_883, %xor3A_891 : vector<16xi32>
      %shift_left3A_893 = arith.constant 29 : i32
      %shift_left3A_894 = vector.broadcast %shift_left3A_893 : i32 to vector<16xi32>
      %shift_left3A_895 = arith.shli %xor3A_891, %shift_left3A_894 : vector<16xi32>
      %shift_right_logical3A_896 = arith.constant 3 : i32
      %shift_right_logical3A_897 = vector.broadcast %shift_right_logical3A_896 : i32 to vector<16xi32>
      %shift_right_logical3A_898 = arith.shrui %xor3A_891, %shift_right_logical3A_897 : vector<16xi32>
      %or3A_899 = arith.ori %shift_left3A_895, %shift_right_logical3A_898 : vector<16xi32>
      %xor3A_900 = arith.xori %add3A_892, %or3A_899 : vector<16xi32>
      %add3A_901 = arith.addi %add3A_892, %xor3A_900 : vector<16xi32>
      %shift_left3A_902 = arith.constant 16 : i32
      %shift_left3A_903 = vector.broadcast %shift_left3A_902 : i32 to vector<16xi32>
      %shift_left3A_904 = arith.shli %xor3A_900, %shift_left3A_903 : vector<16xi32>
      %shift_right_logical3A_905 = arith.constant 16 : i32
      %shift_right_logical3A_906 = vector.broadcast %shift_right_logical3A_905 : i32 to vector<16xi32>
      %shift_right_logical3A_907 = arith.shrui %xor3A_900, %shift_right_logical3A_906 : vector<16xi32>
      %or3A_908 = arith.ori %shift_left3A_904, %shift_right_logical3A_907 : vector<16xi32>
      %xor3A_909 = arith.xori %add3A_901, %or3A_908 : vector<16xi32>
      %add3A_910 = arith.addi %add3A_901, %xor3A_909 : vector<16xi32>
      %shift_left3A_911 = arith.constant 24 : i32
      %shift_left3A_912 = vector.broadcast %shift_left3A_911 : i32 to vector<16xi32>
      %shift_left3A_913 = arith.shli %xor3A_909, %shift_left3A_912 : vector<16xi32>
      %shift_right_logical3A_914 = arith.constant 8 : i32
      %shift_right_logical3A_915 = vector.broadcast %shift_right_logical3A_914 : i32 to vector<16xi32>
      %shift_right_logical3A_916 = arith.shrui %xor3A_909, %shift_right_logical3A_915 : vector<16xi32>
      %or3A_917 = arith.ori %shift_left3A_913, %shift_right_logical3A_916 : vector<16xi32>
      %xor3A_918 = arith.xori %add3A_910, %or3A_917 : vector<16xi32>
      %add3A_919 = arith.constant -2045582813 : i32
      %add3A_920 = vector.broadcast %add3A_919 : i32 to vector<16xi32>
      %add3A_921 = arith.addi %add3A_910, %add3A_920 : vector<16xi32>
      %add3A_922 = arith.constant -1829035798 : i32
      %add3A_923 = vector.broadcast %add3A_922 : i32 to vector<16xi32>
      %add3A_924 = arith.addi %xor3A_918, %add3A_923 : vector<16xi32>
      %add3A_925 = arith.constant 2 : i32
      %add3A_926 = vector.broadcast %add3A_925 : i32 to vector<16xi32>
      %add3A_927 = arith.addi %add3A_924, %add3A_926 : vector<16xi32>
      %add3A_928 = arith.addi %add3A_921, %add3A_927 : vector<16xi32>
      %shift_left3A_929 = arith.constant 13 : i32
      %shift_left3A_930 = vector.broadcast %shift_left3A_929 : i32 to vector<16xi32>
      %shift_left3A_931 = arith.shli %add3A_927, %shift_left3A_930 : vector<16xi32>
      %shift_right_logical3A_932 = arith.constant 19 : i32
      %shift_right_logical3A_933 = vector.broadcast %shift_right_logical3A_932 : i32 to vector<16xi32>
      %shift_right_logical3A_934 = arith.shrui %add3A_927, %shift_right_logical3A_933 : vector<16xi32>
      %or3A_935 = arith.ori %shift_left3A_931, %shift_right_logical3A_934 : vector<16xi32>
      %xor3A_936 = arith.xori %add3A_928, %or3A_935 : vector<16xi32>
      %add3A_937 = arith.addi %add3A_928, %xor3A_936 : vector<16xi32>
      %shift_left3A_938 = arith.constant 15 : i32
      %shift_left3A_939 = vector.broadcast %shift_left3A_938 : i32 to vector<16xi32>
      %shift_left3A_940 = arith.shli %xor3A_936, %shift_left3A_939 : vector<16xi32>
      %shift_right_logical3A_941 = arith.constant 17 : i32
      %shift_right_logical3A_942 = vector.broadcast %shift_right_logical3A_941 : i32 to vector<16xi32>
      %shift_right_logical3A_943 = arith.shrui %xor3A_936, %shift_right_logical3A_942 : vector<16xi32>
      %or3A_944 = arith.ori %shift_left3A_940, %shift_right_logical3A_943 : vector<16xi32>
      %xor3A_945 = arith.xori %add3A_937, %or3A_944 : vector<16xi32>
      %add3A_946 = arith.addi %add3A_937, %xor3A_945 : vector<16xi32>
      %shift_left3A_947 = arith.constant 26 : i32
      %shift_left3A_948 = vector.broadcast %shift_left3A_947 : i32 to vector<16xi32>
      %shift_left3A_949 = arith.shli %xor3A_945, %shift_left3A_948 : vector<16xi32>
      %shift_right_logical3A_950 = arith.constant 6 : i32
      %shift_right_logical3A_951 = vector.broadcast %shift_right_logical3A_950 : i32 to vector<16xi32>
      %shift_right_logical3A_952 = arith.shrui %xor3A_945, %shift_right_logical3A_951 : vector<16xi32>
      %or3A_953 = arith.ori %shift_left3A_949, %shift_right_logical3A_952 : vector<16xi32>
      %xor3A_954 = arith.xori %add3A_946, %or3A_953 : vector<16xi32>
      %add3A_955 = arith.addi %add3A_946, %xor3A_954 : vector<16xi32>
      %shift_left3A_956 = arith.constant 6 : i32
      %shift_left3A_957 = vector.broadcast %shift_left3A_956 : i32 to vector<16xi32>
      %shift_left3A_958 = arith.shli %xor3A_954, %shift_left3A_957 : vector<16xi32>
      %shift_right_logical3A_959 = arith.constant 26 : i32
      %shift_right_logical3A_960 = vector.broadcast %shift_right_logical3A_959 : i32 to vector<16xi32>
      %shift_right_logical3A_961 = arith.shrui %xor3A_954, %shift_right_logical3A_960 : vector<16xi32>
      %or3A_962 = arith.ori %shift_left3A_958, %shift_right_logical3A_961 : vector<16xi32>
      %xor3A_963 = arith.xori %add3A_955, %or3A_962 : vector<16xi32>
      %add3A_964 = arith.constant -1829035798 : i32
      %add3A_965 = vector.broadcast %add3A_964 : i32 to vector<16xi32>
      %add3A_966 = arith.addi %add3A_955, %add3A_965 : vector<16xi32>
      %add3A_967 = arith.constant 255383827 : i32
      %add3A_968 = vector.broadcast %add3A_967 : i32 to vector<16xi32>
      %add3A_969 = arith.addi %xor3A_963, %add3A_968 : vector<16xi32>
      %add3A_970 = arith.constant 3 : i32
      %add3A_971 = vector.broadcast %add3A_970 : i32 to vector<16xi32>
      %add3A_972 = arith.addi %add3A_969, %add3A_971 : vector<16xi32>
      %add3A_973 = arith.addi %add3A_966, %add3A_972 : vector<16xi32>
      %shift_left3A_974 = arith.constant 17 : i32
      %shift_left3A_975 = vector.broadcast %shift_left3A_974 : i32 to vector<16xi32>
      %shift_left3A_976 = arith.shli %add3A_972, %shift_left3A_975 : vector<16xi32>
      %shift_right_logical3A_977 = arith.constant 15 : i32
      %shift_right_logical3A_978 = vector.broadcast %shift_right_logical3A_977 : i32 to vector<16xi32>
      %shift_right_logical3A_979 = arith.shrui %add3A_972, %shift_right_logical3A_978 : vector<16xi32>
      %or3A_980 = arith.ori %shift_left3A_976, %shift_right_logical3A_979 : vector<16xi32>
      %xor3A_981 = arith.xori %add3A_973, %or3A_980 : vector<16xi32>
      %add3A_982 = arith.addi %add3A_973, %xor3A_981 : vector<16xi32>
      %shift_left3A_983 = arith.constant 29 : i32
      %shift_left3A_984 = vector.broadcast %shift_left3A_983 : i32 to vector<16xi32>
      %shift_left3A_985 = arith.shli %xor3A_981, %shift_left3A_984 : vector<16xi32>
      %shift_right_logical3A_986 = arith.constant 3 : i32
      %shift_right_logical3A_987 = vector.broadcast %shift_right_logical3A_986 : i32 to vector<16xi32>
      %shift_right_logical3A_988 = arith.shrui %xor3A_981, %shift_right_logical3A_987 : vector<16xi32>
      %or3A_989 = arith.ori %shift_left3A_985, %shift_right_logical3A_988 : vector<16xi32>
      %xor3A_990 = arith.xori %add3A_982, %or3A_989 : vector<16xi32>
      %add3A_991 = arith.addi %add3A_982, %xor3A_990 : vector<16xi32>
      %shift_left3A_992 = arith.constant 16 : i32
      %shift_left3A_993 = vector.broadcast %shift_left3A_992 : i32 to vector<16xi32>
      %shift_left3A_994 = arith.shli %xor3A_990, %shift_left3A_993 : vector<16xi32>
      %shift_right_logical3A_995 = arith.constant 16 : i32
      %shift_right_logical3A_996 = vector.broadcast %shift_right_logical3A_995 : i32 to vector<16xi32>
      %shift_right_logical3A_997 = arith.shrui %xor3A_990, %shift_right_logical3A_996 : vector<16xi32>
      %or3A_998 = arith.ori %shift_left3A_994, %shift_right_logical3A_997 : vector<16xi32>
      %xor3A_999 = arith.xori %add3A_991, %or3A_998 : vector<16xi32>
      %add3A_1000 = arith.addi %add3A_991, %xor3A_999 : vector<16xi32>
      %shift_left3A_1001 = arith.constant 24 : i32
      %shift_left3A_1002 = vector.broadcast %shift_left3A_1001 : i32 to vector<16xi32>
      %shift_left3A_1003 = arith.shli %xor3A_999, %shift_left3A_1002 : vector<16xi32>
      %shift_right_logical3A_1004 = arith.constant 8 : i32
      %shift_right_logical3A_1005 = vector.broadcast %shift_right_logical3A_1004 : i32 to vector<16xi32>
      %shift_right_logical3A_1006 = arith.shrui %xor3A_999, %shift_right_logical3A_1005 : vector<16xi32>
      %or3A_1007 = arith.ori %shift_left3A_1003, %shift_right_logical3A_1006 : vector<16xi32>
      %xor3A_1008 = arith.xori %add3A_1000, %or3A_1007 : vector<16xi32>
      %add3A_1009 = arith.constant 255383827 : i32
      %add3A_1010 = vector.broadcast %add3A_1009 : i32 to vector<16xi32>
      %add3A_1011 = arith.addi %add3A_1000, %add3A_1010 : vector<16xi32>
      %add3A_1012 = arith.constant -2045582813 : i32
      %add3A_1013 = vector.broadcast %add3A_1012 : i32 to vector<16xi32>
      %add3A_1014 = arith.addi %xor3A_1008, %add3A_1013 : vector<16xi32>
      %add3A_1015 = arith.constant 4 : i32
      %add3A_1016 = vector.broadcast %add3A_1015 : i32 to vector<16xi32>
      %add3A_1017 = arith.addi %add3A_1014, %add3A_1016 : vector<16xi32>
      %add3A_1018 = arith.addi %add3A_1011, %add3A_1017 : vector<16xi32>
      %shift_left3A_1019 = arith.constant 13 : i32
      %shift_left3A_1020 = vector.broadcast %shift_left3A_1019 : i32 to vector<16xi32>
      %shift_left3A_1021 = arith.shli %add3A_1017, %shift_left3A_1020 : vector<16xi32>
      %shift_right_logical3A_1022 = arith.constant 19 : i32
      %shift_right_logical3A_1023 = vector.broadcast %shift_right_logical3A_1022 : i32 to vector<16xi32>
      %shift_right_logical3A_1024 = arith.shrui %add3A_1017, %shift_right_logical3A_1023 : vector<16xi32>
      %or3A_1025 = arith.ori %shift_left3A_1021, %shift_right_logical3A_1024 : vector<16xi32>
      %xor3A_1026 = arith.xori %add3A_1018, %or3A_1025 : vector<16xi32>
      %add3A_1027 = arith.addi %add3A_1018, %xor3A_1026 : vector<16xi32>
      %shift_left3A_1028 = arith.constant 15 : i32
      %shift_left3A_1029 = vector.broadcast %shift_left3A_1028 : i32 to vector<16xi32>
      %shift_left3A_1030 = arith.shli %xor3A_1026, %shift_left3A_1029 : vector<16xi32>
      %shift_right_logical3A_1031 = arith.constant 17 : i32
      %shift_right_logical3A_1032 = vector.broadcast %shift_right_logical3A_1031 : i32 to vector<16xi32>
      %shift_right_logical3A_1033 = arith.shrui %xor3A_1026, %shift_right_logical3A_1032 : vector<16xi32>
      %or3A_1034 = arith.ori %shift_left3A_1030, %shift_right_logical3A_1033 : vector<16xi32>
      %xor3A_1035 = arith.xori %add3A_1027, %or3A_1034 : vector<16xi32>
      %add3A_1036 = arith.addi %add3A_1027, %xor3A_1035 : vector<16xi32>
      %shift_left3A_1037 = arith.constant 26 : i32
      %shift_left3A_1038 = vector.broadcast %shift_left3A_1037 : i32 to vector<16xi32>
      %shift_left3A_1039 = arith.shli %xor3A_1035, %shift_left3A_1038 : vector<16xi32>
      %shift_right_logical3A_1040 = arith.constant 6 : i32
      %shift_right_logical3A_1041 = vector.broadcast %shift_right_logical3A_1040 : i32 to vector<16xi32>
      %shift_right_logical3A_1042 = arith.shrui %xor3A_1035, %shift_right_logical3A_1041 : vector<16xi32>
      %or3A_1043 = arith.ori %shift_left3A_1039, %shift_right_logical3A_1042 : vector<16xi32>
      %xor3A_1044 = arith.xori %add3A_1036, %or3A_1043 : vector<16xi32>
      %add3A_1045 = arith.addi %add3A_1036, %xor3A_1044 : vector<16xi32>
      %shift_left3A_1046 = arith.constant 6 : i32
      %shift_left3A_1047 = vector.broadcast %shift_left3A_1046 : i32 to vector<16xi32>
      %shift_left3A_1048 = arith.shli %xor3A_1044, %shift_left3A_1047 : vector<16xi32>
      %shift_right_logical3A_1049 = arith.constant 26 : i32
      %shift_right_logical3A_1050 = vector.broadcast %shift_right_logical3A_1049 : i32 to vector<16xi32>
      %shift_right_logical3A_1051 = arith.shrui %xor3A_1044, %shift_right_logical3A_1050 : vector<16xi32>
      %or3A_1052 = arith.ori %shift_left3A_1048, %shift_right_logical3A_1051 : vector<16xi32>
      %xor3A_1053 = arith.xori %add3A_1045, %or3A_1052 : vector<16xi32>
      %add3A_1054 = arith.constant -2045582813 : i32
      %add3A_1055 = vector.broadcast %add3A_1054 : i32 to vector<16xi32>
      %add3A_1056 = arith.addi %add3A_1045, %add3A_1055 : vector<16xi32>
      %add3A_1057 = arith.constant -1829035798 : i32
      %add3A_1058 = vector.broadcast %add3A_1057 : i32 to vector<16xi32>
      %add3A_1059 = arith.addi %xor3A_1053, %add3A_1058 : vector<16xi32>
      %add3A_1060 = arith.constant 5 : i32
      %add3A_1061 = vector.broadcast %add3A_1060 : i32 to vector<16xi32>
      %add3A_1062 = arith.addi %add3A_1059, %add3A_1061 : vector<16xi32>
      %xor3A_1063 = arith.xori %add3A_1056, %add3A_1062 : vector<16xi32>
      %swap3A_1064 = arith.index_cast %shift_right_logical3A_821 : i32 to index
      %swap3A_1065 = arith.index_cast %multiple_of3A_826 : i32 to index
      %swap3A_1066 = tpu.vector_load %arg3[%swap3A_1064, %swap3A_1065] {strides = array<i32>} : memref<32x1024xi32, #tpu.memory_space<vmem>>, vector<1x16xi32>,
      %swap3A_1067 = vector.shape_cast %swap3A_1066 : vector<1x16xi32> to vector<16xi32>
      %swap3A_1068 = vector.shape_cast %xor3A_1063 : vector<16xi32> to vector<1x16xi32>
      tpu.vector_store %arg3[%swap3A_1064, %swap3A_1065], %swap3A_1068 {strides = array<i32>} : memref<32x1024xi32, #tpu.memory_space<vmem>>, vector<1x16xi32>,
    }
    %scan3A_9 = arith.constant 512 : i32
    %dma_start3A = arith.constant 0 : i32
    %dma_start3A_10 = tpu.memref_slice %arg2[%add3A_4, %dma_start3A] : memref<4096x1024xi32, #tpu.memory_space<hbm>> -> memref<32x1024xi32, #tpu.memory_space<hbm>>
    %dma_start3A_11 = arith.constant 0 : i32
    %dma_start3A_12 = tpu.memref_slice %arg2[%add3A_4, %dma_start3A_11] : memref<4096x1024xi32, #tpu.memory_space<hbm>> -> memref<32x1024xi32, #tpu.memory_space<hbm>>
    tpu.enqueue_dma source(%arg3 : memref<32x1024xi32, #tpu.memory_space<vmem>>) target(%dma_start3A_12 : memref<32x1024xi32, #tpu.memory_space<hbm>>) target_semaphore(%arg5 : memref<!tpu.dma_semaphore, #tpu.memory_space<semaphore_mem>>)
    %add3A_13 = arith.constant 32 : i32
    %add3A_14 = arith.addi %mul3A_2, %add3A_13 : i32
    %scan3A_15 = arith.constant 0 : i32
    %scan3A_16 = arith.constant 0 : i32
    %scan3A_17 = arith.constant 512 : i32
    %scan3A_18 = arith.addi %scan3A_16, %scan3A_17 : i32
    %scan3A_19 = arith.constant 1 : i32
    scf.for %scan3A_64 = %scan3A_16 to %scan3A_18 step %scan3A_19  : i32 {
      %mul3A_65 = arith.constant 4 : i32
      %mul3A_66 = arith.muli %scan3A_64, %mul3A_65 : i32
      %add3A_67 = arith.constant 0 : i32
      %add3A_68 = arith.addi %mul3A_66, %add3A_67 : i32
      %shift_right_logical3A = arith.constant 6 : i32
      %shift_right_logical3A_69 = arith.shrui %add3A_68, %shift_right_logical3A : i32
      %and3A = arith.constant 63 : i32
      %and3A_70 = arith.andi %add3A_68, %and3A : i32
      %shift_left3A = arith.constant 4 : i32
      %shift_left3A_71 = arith.shli %and3A_70, %shift_left3A : i32
      %multiple_of3A = tpu.assume_multiple %shift_left3A_71, 16 : i32
      %add3A_72 = arith.addi %add3A_14, %shift_right_logical3A_69 : i32
      %mul3A_73 = arith.constant 1000 : i32
      %mul3A_74 = arith.muli %add3A_72, %mul3A_73 : i32
      %add3A_75 = arith.addi %mul3A_74, %multiple_of3A : i32
      %add3A_76 = vector.broadcast %add3A_75 : i32 to vector<16xi32>
      %add3A_77 = arith.addi %iota3A, %add3A_76 : vector<16xi32>
      %broadcast_in_dim3A = arith.constant -1829035798 : i32
      %broadcast_in_dim3A_78 = vector.broadcast %broadcast_in_dim3A : i32 to vector<16xi32>
      %add3A_79 = arith.constant 255383827 : i32
      %add3A_80 = vector.broadcast %add3A_79 : i32 to vector<16xi32>
      %add3A_81 = arith.addi %add3A_77, %add3A_80 : vector<16xi32>
      %add3A_82 = arith.addi %broadcast_in_dim3A_78, %add3A_81 : vector<16xi32>
      %shift_left3A_83 = arith.constant 13 : i32
      %shift_left3A_84 = vector.broadcast %shift_left3A_83 : i32 to vector<16xi32>
      %shift_left3A_85 = arith.shli %add3A_81, %shift_left3A_84 : vector<16xi32>
      %shift_right_logical3A_86 = arith.constant 19 : i32
      %shift_right_logical3A_87 = vector.broadcast %shift_right_logical3A_86 : i32 to vector<16xi32>
      %shift_right_logical3A_88 = arith.shrui %add3A_81, %shift_right_logical3A_87 : vector<16xi32>
      %or3A = arith.ori %shift_left3A_85, %shift_right_logical3A_88 : vector<16xi32>
      %xor3A = arith.xori %add3A_82, %or3A : vector<16xi32>
      %add3A_89 = arith.addi %add3A_82, %xor3A : vector<16xi32>
      %shift_left3A_90 = arith.constant 15 : i32
      %shift_left3A_91 = vector.broadcast %shift_left3A_90 : i32 to vector<16xi32>
      %shift_left3A_92 = arith.shli %xor3A, %shift_left3A_91 : vector<16xi32>
      %shift_right_logical3A_93 = arith.constant 17 : i32
      %shift_right_logical3A_94 = vector.broadcast %shift_right_logical3A_93 : i32 to vector<16xi32>
      %shift_right_logical3A_95 = arith.shrui %xor3A, %shift_right_logical3A_94 : vector<16xi32>
      %or3A_96 = arith.ori %shift_left3A_92, %shift_right_logical3A_95 : vector<16xi32>
      %xor3A_97 = arith.xori %add3A_89, %or3A_96 : vector<16xi32>
      %add3A_98 = arith.addi %add3A_89, %xor3A_97 : vector<16xi32>
      %shift_left3A_99 = arith.constant 26 : i32
      %shift_left3A_100 = vector.broadcast %shift_left3A_99 : i32 to vector<16xi32>
      %shift_left3A_101 = arith.shli %xor3A_97, %shift_left3A_100 : vector<16xi32>
      %shift_right_logical3A_102 = arith.constant 6 : i32
      %shift_right_logical3A_103 = vector.broadcast %shift_right_logical3A_102 : i32 to vector<16xi32>
      %shift_right_logical3A_104 = arith.shrui %xor3A_97, %shift_right_logical3A_103 : vector<16xi32>
      %or3A_105 = arith.ori %shift_left3A_101, %shift_right_logical3A_104 : vector<16xi32>
      %xor3A_106 = arith.xori %add3A_98, %or3A_105 : vector<16xi32>
      %add3A_107 = arith.addi %add3A_98, %xor3A_106 : vector<16xi32>
      %shift_left3A_108 = arith.constant 6 : i32
      %shift_left3A_109 = vector.broadcast %shift_left3A_108 : i32 to vector<16xi32>
      %shift_left3A_110 = arith.shli %xor3A_106, %shift_left3A_109 : vector<16xi32>
      %shift_right_logical3A_111 = arith.constant 26 : i32
      %shift_right_logical3A_112 = vector.broadcast %shift_right_logical3A_111 : i32 to vector<16xi32>
      %shift_right_logical3A_113 = arith.shrui %xor3A_106, %shift_right_logical3A_112 : vector<16xi32>
      %or3A_114 = arith.ori %shift_left3A_110, %shift_right_logical3A_113 : vector<16xi32>
      %xor3A_115 = arith.xori %add3A_107, %or3A_114 : vector<16xi32>
      %add3A_116 = arith.constant 255383827 : i32
      %add3A_117 = vector.broadcast %add3A_116 : i32 to vector<16xi32>
      %add3A_118 = arith.addi %add3A_107, %add3A_117 : vector<16xi32>
      %add3A_119 = arith.constant -2045582813 : i32
      %add3A_120 = vector.broadcast %add3A_119 : i32 to vector<16xi32>
      %add3A_121 = arith.addi %xor3A_115, %add3A_120 : vector<16xi32>
      %add3A_122 = arith.constant 1 : i32
      %add3A_123 = vector.broadcast %add3A_122 : i32 to vector<16xi32>
      %add3A_124 = arith.addi %add3A_121, %add3A_123 : vector<16xi32>
      %add3A_125 = arith.addi %add3A_118, %add3A_124 : vector<16xi32>
      %shift_left3A_126 = arith.constant 17 : i32
      %shift_left3A_127 = vector.broadcast %shift_left3A_126 : i32 to vector<16xi32>
      %shift_left3A_128 = arith.shli %add3A_124, %shift_left3A_127 : vector<16xi32>
      %shift_right_logical3A_129 = arith.constant 15 : i32
      %shift_right_logical3A_130 = vector.broadcast %shift_right_logical3A_129 : i32 to vector<16xi32>
      %shift_right_logical3A_131 = arith.shrui %add3A_124, %shift_right_logical3A_130 : vector<16xi32>
      %or3A_132 = arith.ori %shift_left3A_128, %shift_right_logical3A_131 : vector<16xi32>
      %xor3A_133 = arith.xori %add3A_125, %or3A_132 : vector<16xi32>
      %add3A_134 = arith.addi %add3A_125, %xor3A_133 : vector<16xi32>
      %shift_left3A_135 = arith.constant 29 : i32
      %shift_left3A_136 = vector.broadcast %shift_left3A_135 : i32 to vector<16xi32>
      %shift_left3A_137 = arith.shli %xor3A_133, %shift_left3A_136 : vector<16xi32>
      %shift_right_logical3A_138 = arith.constant 3 : i32
      %shift_right_logical3A_139 = vector.broadcast %shift_right_logical3A_138 : i32 to vector<16xi32>
      %shift_right_logical3A_140 = arith.shrui %xor3A_133, %shift_right_logical3A_139 : vector<16xi32>
      %or3A_141 = arith.ori %shift_left3A_137, %shift_right_logical3A_140 : vector<16xi32>
      %xor3A_142 = arith.xori %add3A_134, %or3A_141 : vector<16xi32>
      %add3A_143 = arith.addi %add3A_134, %xor3A_142 : vector<16xi32>
      %shift_left3A_144 = arith.constant 16 : i32
      %shift_left3A_145 = vector.broadcast %shift_left3A_144 : i32 to vector<16xi32>
      %shift_left3A_146 = arith.shli %xor3A_142, %shift_left3A_145 : vector<16xi32>
      %shift_right_logical3A_147 = arith.constant 16 : i32
      %shift_right_logical3A_148 = vector.broadcast %shift_right_logical3A_147 : i32 to vector<16xi32>
      %shift_right_logical3A_149 = arith.shrui %xor3A_142, %shift_right_logical3A_148 : vector<16xi32>
      %or3A_150 = arith.ori %shift_left3A_146, %shift_right_logical3A_149 : vector<16xi32>
      %xor3A_151 = arith.xori %add3A_143, %or3A_150 : vector<16xi32>
      %add3A_152 = arith.addi %add3A_143, %xor3A_151 : vector<16xi32>
      %shift_left3A_153 = arith.constant 24 : i32
      %shift_left3A_154 = vector.broadcast %shift_left3A_153 : i32 to vector<16xi32>
      %shift_left3A_155 = arith.shli %xor3A_151, %shift_left3A_154 : vector<16xi32>
      %shift_right_logical3A_156 = arith.constant 8 : i32
      %shift_right_logical3A_157 = vector.broadcast %shift_right_logical3A_156 : i32 to vector<16xi32>
      %shift_right_logical3A_158 = arith.shrui %xor3A_151, %shift_right_logical3A_157 : vector<16xi32>
      %or3A_159 = arith.ori %shift_left3A_155, %shift_right_logical3A_158 : vector<16xi32>
      %xor3A_160 = arith.xori %add3A_152, %or3A_159 : vector<16xi32>
      %add3A_161 = arith.constant -2045582813 : i32
      %add3A_162 = vector.broadcast %add3A_161 : i32 to vector<16xi32>
      %add3A_163 = arith.addi %add3A_152, %add3A_162 : vector<16xi32>
      %add3A_164 = arith.constant -1829035798 : i32
      %add3A_165 = vector.broadcast %add3A_164 : i32 to vector<16xi32>
      %add3A_166 = arith.addi %xor3A_160, %add3A_165 : vector<16xi32>
      %add3A_167 = arith.constant 2 : i32
      %add3A_168 = vector.broadcast %add3A_167 : i32 to vector<16xi32>
      %add3A_169 = arith.addi %add3A_166, %add3A_168 : vector<16xi32>
      %add3A_170 = arith.addi %add3A_163, %add3A_169 : vector<16xi32>
      %shift_left3A_171 = arith.constant 13 : i32
      %shift_left3A_172 = vector.broadcast %shift_left3A_171 : i32 to vector<16xi32>
      %shift_left3A_173 = arith.shli %add3A_169, %shift_left3A_172 : vector<16xi32>
      %shift_right_logical3A_174 = arith.constant 19 : i32
      %shift_right_logical3A_175 = vector.broadcast %shift_right_logical3A_174 : i32 to vector<16xi32>
      %shift_right_logical3A_176 = arith.shrui %add3A_169, %shift_right_logical3A_175 : vector<16xi32>
      %or3A_177 = arith.ori %shift_left3A_173, %shift_right_logical3A_176 : vector<16xi32>
      %xor3A_178 = arith.xori %add3A_170, %or3A_177 : vector<16xi32>
      %add3A_179 = arith.addi %add3A_170, %xor3A_178 : vector<16xi32>
      %shift_left3A_180 = arith.constant 15 : i32
      %shift_left3A_181 = vector.broadcast %shift_left3A_180 : i32 to vector<16xi32>
      %shift_left3A_182 = arith.shli %xor3A_178, %shift_left3A_181 : vector<16xi32>
      %shift_right_logical3A_183 = arith.constant 17 : i32
      %shift_right_logical3A_184 = vector.broadcast %shift_right_logical3A_183 : i32 to vector<16xi32>
      %shift_right_logical3A_185 = arith.shrui %xor3A_178, %shift_right_logical3A_184 : vector<16xi32>
      %or3A_186 = arith.ori %shift_left3A_182, %shift_right_logical3A_185 : vector<16xi32>
      %xor3A_187 = arith.xori %add3A_179, %or3A_186 : vector<16xi32>
      %add3A_188 = arith.addi %add3A_179, %xor3A_187 : vector<16xi32>
      %shift_left3A_189 = arith.constant 26 : i32
      %shift_left3A_190 = vector.broadcast %shift_left3A_189 : i32 to vector<16xi32>
      %shift_left3A_191 = arith.shli %xor3A_187, %shift_left3A_190 : vector<16xi32>
      %shift_right_logical3A_192 = arith.constant 6 : i32
      %shift_right_logical3A_193 = vector.broadcast %shift_right_logical3A_192 : i32 to vector<16xi32>
      %shift_right_logical3A_194 = arith.shrui %xor3A_187, %shift_right_logical3A_193 : vector<16xi32>
      %or3A_195 = arith.ori %shift_left3A_191, %shift_right_logical3A_194 : vector<16xi32>
      %xor3A_196 = arith.xori %add3A_188, %or3A_195 : vector<16xi32>
      %add3A_197 = arith.addi %add3A_188, %xor3A_196 : vector<16xi32>
      %shift_left3A_198 = arith.constant 6 : i32
      %shift_left3A_199 = vector.broadcast %shift_left3A_198 : i32 to vector<16xi32>
      %shift_left3A_200 = arith.shli %xor3A_196, %shift_left3A_199 : vector<16xi32>
      %shift_right_logical3A_201 = arith.constant 26 : i32
      %shift_right_logical3A_202 = vector.broadcast %shift_right_logical3A_201 : i32 to vector<16xi32>
      %shift_right_logical3A_203 = arith.shrui %xor3A_196, %shift_right_logical3A_202 : vector<16xi32>
      %or3A_204 = arith.ori %shift_left3A_200, %shift_right_logical3A_203 : vector<16xi32>
      %xor3A_205 = arith.xori %add3A_197, %or3A_204 : vector<16xi32>
      %add3A_206 = arith.constant -1829035798 : i32
      %add3A_207 = vector.broadcast %add3A_206 : i32 to vector<16xi32>
      %add3A_208 = arith.addi %add3A_197, %add3A_207 : vector<16xi32>
      %add3A_209 = arith.constant 255383827 : i32
      %add3A_210 = vector.broadcast %add3A_209 : i32 to vector<16xi32>
      %add3A_211 = arith.addi %xor3A_205, %add3A_210 : vector<16xi32>
      %add3A_212 = arith.constant 3 : i32
      %add3A_213 = vector.broadcast %add3A_212 : i32 to vector<16xi32>
      %add3A_214 = arith.addi %add3A_211, %add3A_213 : vector<16xi32>
      %add3A_215 = arith.addi %add3A_208, %add3A_214 : vector<16xi32>
      %shift_left3A_216 = arith.constant 17 : i32
      %shift_left3A_217 = vector.broadcast %shift_left3A_216 : i32 to vector<16xi32>
      %shift_left3A_218 = arith.shli %add3A_214, %shift_left3A_217 : vector<16xi32>
      %shift_right_logical3A_219 = arith.constant 15 : i32
      %shift_right_logical3A_220 = vector.broadcast %shift_right_logical3A_219 : i32 to vector<16xi32>
      %shift_right_logical3A_221 = arith.shrui %add3A_214, %shift_right_logical3A_220 : vector<16xi32>
      %or3A_222 = arith.ori %shift_left3A_218, %shift_right_logical3A_221 : vector<16xi32>
      %xor3A_223 = arith.xori %add3A_215, %or3A_222 : vector<16xi32>
      %add3A_224 = arith.addi %add3A_215, %xor3A_223 : vector<16xi32>
      %shift_left3A_225 = arith.constant 29 : i32
      %shift_left3A_226 = vector.broadcast %shift_left3A_225 : i32 to vector<16xi32>
      %shift_left3A_227 = arith.shli %xor3A_223, %shift_left3A_226 : vector<16xi32>
      %shift_right_logical3A_228 = arith.constant 3 : i32
      %shift_right_logical3A_229 = vector.broadcast %shift_right_logical3A_228 : i32 to vector<16xi32>
      %shift_right_logical3A_230 = arith.shrui %xor3A_223, %shift_right_logical3A_229 : vector<16xi32>
      %or3A_231 = arith.ori %shift_left3A_227, %shift_right_logical3A_230 : vector<16xi32>
      %xor3A_232 = arith.xori %add3A_224, %or3A_231 : vector<16xi32>
      %add3A_233 = arith.addi %add3A_224, %xor3A_232 : vector<16xi32>
      %shift_left3A_234 = arith.constant 16 : i32
      %shift_left3A_235 = vector.broadcast %shift_left3A_234 : i32 to vector<16xi32>
      %shift_left3A_236 = arith.shli %xor3A_232, %shift_left3A_235 : vector<16xi32>
      %shift_right_logical3A_237 = arith.constant 16 : i32
      %shift_right_logical3A_238 = vector.broadcast %shift_right_logical3A_237 : i32 to vector<16xi32>
      %shift_right_logical3A_239 = arith.shrui %xor3A_232, %shift_right_logical3A_238 : vector<16xi32>
      %or3A_240 = arith.ori %shift_left3A_236, %shift_right_logical3A_239 : vector<16xi32>
      %xor3A_241 = arith.xori %add3A_233, %or3A_240 : vector<16xi32>
      %add3A_242 = arith.addi %add3A_233, %xor3A_241 : vector<16xi32>
      %shift_left3A_243 = arith.constant 24 : i32
      %shift_left3A_244 = vector.broadcast %shift_left3A_243 : i32 to vector<16xi32>
      %shift_left3A_245 = arith.shli %xor3A_241, %shift_left3A_244 : vector<16xi32>
      %shift_right_logical3A_246 = arith.constant 8 : i32
      %shift_right_logical3A_247 = vector.broadcast %shift_right_logical3A_246 : i32 to vector<16xi32>
      %shift_right_logical3A_248 = arith.shrui %xor3A_241, %shift_right_logical3A_247 : vector<16xi32>
      %or3A_249 = arith.ori %shift_left3A_245, %shift_right_logical3A_248 : vector<16xi32>
      %xor3A_250 = arith.xori %add3A_242, %or3A_249 : vector<16xi32>
      %add3A_251 = arith.constant 255383827 : i32
      %add3A_252 = vector.broadcast %add3A_251 : i32 to vector<16xi32>
      %add3A_253 = arith.addi %add3A_242, %add3A_252 : vector<16xi32>
      %add3A_254 = arith.constant -2045582813 : i32
      %add3A_255 = vector.broadcast %add3A_254 : i32 to vector<16xi32>
      %add3A_256 = arith.addi %xor3A_250, %add3A_255 : vector<16xi32>
      %add3A_257 = arith.constant 4 : i32
      %add3A_258 = vector.broadcast %add3A_257 : i32 to vector<16xi32>
      %add3A_259 = arith.addi %add3A_256, %add3A_258 : vector<16xi32>
      %add3A_260 = arith.addi %add3A_253, %add3A_259 : vector<16xi32>
      %shift_left3A_261 = arith.constant 13 : i32
      %shift_left3A_262 = vector.broadcast %shift_left3A_261 : i32 to vector<16xi32>
      %shift_left3A_263 = arith.shli %add3A_259, %shift_left3A_262 : vector<16xi32>
      %shift_right_logical3A_264 = arith.constant 19 : i32
      %shift_right_logical3A_265 = vector.broadcast %shift_right_logical3A_264 : i32 to vector<16xi32>
      %shift_right_logical3A_266 = arith.shrui %add3A_259, %shift_right_logical3A_265 : vector<16xi32>
      %or3A_267 = arith.ori %shift_left3A_263, %shift_right_logical3A_266 : vector<16xi32>
      %xor3A_268 = arith.xori %add3A_260, %or3A_267 : vector<16xi32>
      %add3A_269 = arith.addi %add3A_260, %xor3A_268 : vector<16xi32>
      %shift_left3A_270 = arith.constant 15 : i32
      %shift_left3A_271 = vector.broadcast %shift_left3A_270 : i32 to vector<16xi32>
      %shift_left3A_272 = arith.shli %xor3A_268, %shift_left3A_271 : vector<16xi32>
      %shift_right_logical3A_273 = arith.constant 17 : i32
      %shift_right_logical3A_274 = vector.broadcast %shift_right_logical3A_273 : i32 to vector<16xi32>
      %shift_right_logical3A_275 = arith.shrui %xor3A_268, %shift_right_logical3A_274 : vector<16xi32>
      %or3A_276 = arith.ori %shift_left3A_272, %shift_right_logical3A_275 : vector<16xi32>
      %xor3A_277 = arith.xori %add3A_269, %or3A_276 : vector<16xi32>
      %add3A_278 = arith.addi %add3A_269, %xor3A_277 : vector<16xi32>
      %shift_left3A_279 = arith.constant 26 : i32
      %shift_left3A_280 = vector.broadcast %shift_left3A_279 : i32 to vector<16xi32>
      %shift_left3A_281 = arith.shli %xor3A_277, %shift_left3A_280 : vector<16xi32>
      %shift_right_logical3A_282 = arith.constant 6 : i32
      %shift_right_logical3A_283 = vector.broadcast %shift_right_logical3A_282 : i32 to vector<16xi32>
      %shift_right_logical3A_284 = arith.shrui %xor3A_277, %shift_right_logical3A_283 : vector<16xi32>
      %or3A_285 = arith.ori %shift_left3A_281, %shift_right_logical3A_284 : vector<16xi32>
      %xor3A_286 = arith.xori %add3A_278, %or3A_285 : vector<16xi32>
      %add3A_287 = arith.addi %add3A_278, %xor3A_286 : vector<16xi32>
      %shift_left3A_288 = arith.constant 6 : i32
      %shift_left3A_289 = vector.broadcast %shift_left3A_288 : i32 to vector<16xi32>
      %shift_left3A_290 = arith.shli %xor3A_286, %shift_left3A_289 : vector<16xi32>
      %shift_right_logical3A_291 = arith.constant 26 : i32
      %shift_right_logical3A_292 = vector.broadcast %shift_right_logical3A_291 : i32 to vector<16xi32>
      %shift_right_logical3A_293 = arith.shrui %xor3A_286, %shift_right_logical3A_292 : vector<16xi32>
      %or3A_294 = arith.ori %shift_left3A_290, %shift_right_logical3A_293 : vector<16xi32>
      %xor3A_295 = arith.xori %add3A_287, %or3A_294 : vector<16xi32>
      %add3A_296 = arith.constant -2045582813 : i32
      %add3A_297 = vector.broadcast %add3A_296 : i32 to vector<16xi32>
      %add3A_298 = arith.addi %add3A_287, %add3A_297 : vector<16xi32>
      %add3A_299 = arith.constant -1829035798 : i32
      %add3A_300 = vector.broadcast %add3A_299 : i32 to vector<16xi32>
      %add3A_301 = arith.addi %xor3A_295, %add3A_300 : vector<16xi32>
      %add3A_302 = arith.constant 5 : i32
      %add3A_303 = vector.broadcast %add3A_302 : i32 to vector<16xi32>
      %add3A_304 = arith.addi %add3A_301, %add3A_303 : vector<16xi32>
      %xor3A_305 = arith.xori %add3A_298, %add3A_304 : vector<16xi32>
      %swap3A = arith.index_cast %shift_right_logical3A_69 : i32 to index
      %swap3A_306 = arith.index_cast %multiple_of3A : i32 to index
      %swap3A_307 = tpu.vector_load %arg4[%swap3A, %swap3A_306] {strides = array<i32>} : memref<32x1024xi32, #tpu.memory_space<vmem>>, vector<1x16xi32>,
      %swap3A_308 = vector.shape_cast %swap3A_307 : vector<1x16xi32> to vector<16xi32>
      %swap3A_309 = vector.shape_cast %xor3A_305 : vector<16xi32> to vector<1x16xi32>
      tpu.vector_store %arg4[%swap3A, %swap3A_306], %swap3A_309 {strides = array<i32>} : memref<32x1024xi32, #tpu.memory_space<vmem>>, vector<1x16xi32>,
      %mul3A_310 = arith.constant 4 : i32
      %mul3A_311 = arith.muli %scan3A_64, %mul3A_310 : i32
      %add3A_312 = arith.constant 1 : i32
      %add3A_313 = arith.addi %mul3A_311, %add3A_312 : i32
      %shift_right_logical3A_314 = arith.constant 6 : i32
      %shift_right_logical3A_315 = arith.shrui %add3A_313, %shift_right_logical3A_314 : i32
      %and3A_316 = arith.constant 63 : i32
      %and3A_317 = arith.andi %add3A_313, %and3A_316 : i32
      %shift_left3A_318 = arith.constant 4 : i32
      %shift_left3A_319 = arith.shli %and3A_317, %shift_left3A_318 : i32
      %multiple_of3A_320 = tpu.assume_multiple %shift_left3A_319, 16 : i32
      %add3A_321 = arith.addi %add3A_14, %shift_right_logical3A_315 : i32
      %mul3A_322 = arith.constant 1000 : i32
      %mul3A_323 = arith.muli %add3A_321, %mul3A_322 : i32
      %add3A_324 = arith.addi %mul3A_323, %multiple_of3A_320 : i32
      %add3A_325 = vector.broadcast %add3A_324 : i32 to vector<16xi32>
      %add3A_326 = arith.addi %iota3A, %add3A_325 : vector<16xi32>
      %broadcast_in_dim3A_327 = arith.constant -1829035798 : i32
      %broadcast_in_dim3A_328 = vector.broadcast %broadcast_in_dim3A_327 : i32 to vector<16xi32>
      %add3A_329 = arith.constant 255383827 : i32
      %add3A_330 = vector.broadcast %add3A_329 : i32 to vector<16xi32>
      %add3A_331 = arith.addi %add3A_326, %add3A_330 : vector<16xi32>
      %add3A_332 = arith.addi %broadcast_in_dim3A_328, %add3A_331 : vector<16xi32>
      %shift_left3A_333 = arith.constant 13 : i32
      %shift_left3A_334 = vector.broadcast %shift_left3A_333 : i32 to vector<16xi32>
      %shift_left3A_335 = arith.shli %add3A_331, %shift_left3A_334 : vector<16xi32>
      %shift_right_logical3A_336 = arith.constant 19 : i32
      %shift_right_logical3A_337 = vector.broadcast %shift_right_logical3A_336 : i32 to vector<16xi32>
      %shift_right_logical3A_338 = arith.shrui %add3A_331, %shift_right_logical3A_337 : vector<16xi32>
      %or3A_339 = arith.ori %shift_left3A_335, %shift_right_logical3A_338 : vector<16xi32>
      %xor3A_340 = arith.xori %add3A_332, %or3A_339 : vector<16xi32>
      %add3A_341 = arith.addi %add3A_332, %xor3A_340 : vector<16xi32>
      %shift_left3A_342 = arith.constant 15 : i32
      %shift_left3A_343 = vector.broadcast %shift_left3A_342 : i32 to vector<16xi32>
      %shift_left3A_344 = arith.shli %xor3A_340, %shift_left3A_343 : vector<16xi32>
      %shift_right_logical3A_345 = arith.constant 17 : i32
      %shift_right_logical3A_346 = vector.broadcast %shift_right_logical3A_345 : i32 to vector<16xi32>
      %shift_right_logical3A_347 = arith.shrui %xor3A_340, %shift_right_logical3A_346 : vector<16xi32>
      %or3A_348 = arith.ori %shift_left3A_344, %shift_right_logical3A_347 : vector<16xi32>
      %xor3A_349 = arith.xori %add3A_341, %or3A_348 : vector<16xi32>
      %add3A_350 = arith.addi %add3A_341, %xor3A_349 : vector<16xi32>
      %shift_left3A_351 = arith.constant 26 : i32
      %shift_left3A_352 = vector.broadcast %shift_left3A_351 : i32 to vector<16xi32>
      %shift_left3A_353 = arith.shli %xor3A_349, %shift_left3A_352 : vector<16xi32>
      %shift_right_logical3A_354 = arith.constant 6 : i32
      %shift_right_logical3A_355 = vector.broadcast %shift_right_logical3A_354 : i32 to vector<16xi32>
      %shift_right_logical3A_356 = arith.shrui %xor3A_349, %shift_right_logical3A_355 : vector<16xi32>
      %or3A_357 = arith.ori %shift_left3A_353, %shift_right_logical3A_356 : vector<16xi32>
      %xor3A_358 = arith.xori %add3A_350, %or3A_357 : vector<16xi32>
      %add3A_359 = arith.addi %add3A_350, %xor3A_358 : vector<16xi32>
      %shift_left3A_360 = arith.constant 6 : i32
      %shift_left3A_361 = vector.broadcast %shift_left3A_360 : i32 to vector<16xi32>
      %shift_left3A_362 = arith.shli %xor3A_358, %shift_left3A_361 : vector<16xi32>
      %shift_right_logical3A_363 = arith.constant 26 : i32
      %shift_right_logical3A_364 = vector.broadcast %shift_right_logical3A_363 : i32 to vector<16xi32>
      %shift_right_logical3A_365 = arith.shrui %xor3A_358, %shift_right_logical3A_364 : vector<16xi32>
      %or3A_366 = arith.ori %shift_left3A_362, %shift_right_logical3A_365 : vector<16xi32>
      %xor3A_367 = arith.xori %add3A_359, %or3A_366 : vector<16xi32>
      %add3A_368 = arith.constant 255383827 : i32
      %add3A_369 = vector.broadcast %add3A_368 : i32 to vector<16xi32>
      %add3A_370 = arith.addi %add3A_359, %add3A_369 : vector<16xi32>
      %add3A_371 = arith.constant -2045582813 : i32
      %add3A_372 = vector.broadcast %add3A_371 : i32 to vector<16xi32>
      %add3A_373 = arith.addi %xor3A_367, %add3A_372 : vector<16xi32>
      %add3A_374 = arith.constant 1 : i32
      %add3A_375 = vector.broadcast %add3A_374 : i32 to vector<16xi32>
      %add3A_376 = arith.addi %add3A_373, %add3A_375 : vector<16xi32>
      %add3A_377 = arith.addi %add3A_370, %add3A_376 : vector<16xi32>
      %shift_left3A_378 = arith.constant 17 : i32
      %shift_left3A_379 = vector.broadcast %shift_left3A_378 : i32 to vector<16xi32>
      %shift_left3A_380 = arith.shli %add3A_376, %shift_left3A_379 : vector<16xi32>
      %shift_right_logical3A_381 = arith.constant 15 : i32
      %shift_right_logical3A_382 = vector.broadcast %shift_right_logical3A_381 : i32 to vector<16xi32>
      %shift_right_logical3A_383 = arith.shrui %add3A_376, %shift_right_logical3A_382 : vector<16xi32>
      %or3A_384 = arith.ori %shift_left3A_380, %shift_right_logical3A_383 : vector<16xi32>
      %xor3A_385 = arith.xori %add3A_377, %or3A_384 : vector<16xi32>
      %add3A_386 = arith.addi %add3A_377, %xor3A_385 : vector<16xi32>
      %shift_left3A_387 = arith.constant 29 : i32
      %shift_left3A_388 = vector.broadcast %shift_left3A_387 : i32 to vector<16xi32>
      %shift_left3A_389 = arith.shli %xor3A_385, %shift_left3A_388 : vector<16xi32>
      %shift_right_logical3A_390 = arith.constant 3 : i32
      %shift_right_logical3A_391 = vector.broadcast %shift_right_logical3A_390 : i32 to vector<16xi32>
      %shift_right_logical3A_392 = arith.shrui %xor3A_385, %shift_right_logical3A_391 : vector<16xi32>
      %or3A_393 = arith.ori %shift_left3A_389, %shift_right_logical3A_392 : vector<16xi32>
      %xor3A_394 = arith.xori %add3A_386, %or3A_393 : vector<16xi32>
      %add3A_395 = arith.addi %add3A_386, %xor3A_394 : vector<16xi32>
      %shift_left3A_396 = arith.constant 16 : i32
      %shift_left3A_397 = vector.broadcast %shift_left3A_396 : i32 to vector<16xi32>
      %shift_left3A_398 = arith.shli %xor3A_394, %shift_left3A_397 : vector<16xi32>
      %shift_right_logical3A_399 = arith.constant 16 : i32
      %shift_right_logical3A_400 = vector.broadcast %shift_right_logical3A_399 : i32 to vector<16xi32>
      %shift_right_logical3A_401 = arith.shrui %xor3A_394, %shift_right_logical3A_400 : vector<16xi32>
      %or3A_402 = arith.ori %shift_left3A_398, %shift_right_logical3A_401 : vector<16xi32>
      %xor3A_403 = arith.xori %add3A_395, %or3A_402 : vector<16xi32>
      %add3A_404 = arith.addi %add3A_395, %xor3A_403 : vector<16xi32>
      %shift_left3A_405 = arith.constant 24 : i32
      %shift_left3A_406 = vector.broadcast %shift_left3A_405 : i32 to vector<16xi32>
      %shift_left3A_407 = arith.shli %xor3A_403, %shift_left3A_406 : vector<16xi32>
      %shift_right_logical3A_408 = arith.constant 8 : i32
      %shift_right_logical3A_409 = vector.broadcast %shift_right_logical3A_408 : i32 to vector<16xi32>
      %shift_right_logical3A_410 = arith.shrui %xor3A_403, %shift_right_logical3A_409 : vector<16xi32>
      %or3A_411 = arith.ori %shift_left3A_407, %shift_right_logical3A_410 : vector<16xi32>
      %xor3A_412 = arith.xori %add3A_404, %or3A_411 : vector<16xi32>
      %add3A_413 = arith.constant -2045582813 : i32
      %add3A_414 = vector.broadcast %add3A_413 : i32 to vector<16xi32>
      %add3A_415 = arith.addi %add3A_404, %add3A_414 : vector<16xi32>
      %add3A_416 = arith.constant -1829035798 : i32
      %add3A_417 = vector.broadcast %add3A_416 : i32 to vector<16xi32>
      %add3A_418 = arith.addi %xor3A_412, %add3A_417 : vector<16xi32>
      %add3A_419 = arith.constant 2 : i32
      %add3A_420 = vector.broadcast %add3A_419 : i32 to vector<16xi32>
      %add3A_421 = arith.addi %add3A_418, %add3A_420 : vector<16xi32>
      %add3A_422 = arith.addi %add3A_415, %add3A_421 : vector<16xi32>
      %shift_left3A_423 = arith.constant 13 : i32
      %shift_left3A_424 = vector.broadcast %shift_left3A_423 : i32 to vector<16xi32>
      %shift_left3A_425 = arith.shli %add3A_421, %shift_left3A_424 : vector<16xi32>
      %shift_right_logical3A_426 = arith.constant 19 : i32
      %shift_right_logical3A_427 = vector.broadcast %shift_right_logical3A_426 : i32 to vector<16xi32>
      %shift_right_logical3A_428 = arith.shrui %add3A_421, %shift_right_logical3A_427 : vector<16xi32>
      %or3A_429 = arith.ori %shift_left3A_425, %shift_right_logical3A_428 : vector<16xi32>
      %xor3A_430 = arith.xori %add3A_422, %or3A_429 : vector<16xi32>
      %add3A_431 = arith.addi %add3A_422, %xor3A_430 : vector<16xi32>
      %shift_left3A_432 = arith.constant 15 : i32
      %shift_left3A_433 = vector.broadcast %shift_left3A_432 : i32 to vector<16xi32>
      %shift_left3A_434 = arith.shli %xor3A_430, %shift_left3A_433 : vector<16xi32>
      %shift_right_logical3A_435 = arith.constant 17 : i32
      %shift_right_logical3A_436 = vector.broadcast %shift_right_logical3A_435 : i32 to vector<16xi32>
      %shift_right_logical3A_437 = arith.shrui %xor3A_430, %shift_right_logical3A_436 : vector<16xi32>
      %or3A_438 = arith.ori %shift_left3A_434, %shift_right_logical3A_437 : vector<16xi32>
      %xor3A_439 = arith.xori %add3A_431, %or3A_438 : vector<16xi32>
      %add3A_440 = arith.addi %add3A_431, %xor3A_439 : vector<16xi32>
      %shift_left3A_441 = arith.constant 26 : i32
      %shift_left3A_442 = vector.broadcast %shift_left3A_441 : i32 to vector<16xi32>
      %shift_left3A_443 = arith.shli %xor3A_439, %shift_left3A_442 : vector<16xi32>
      %shift_right_logical3A_444 = arith.constant 6 : i32
      %shift_right_logical3A_445 = vector.broadcast %shift_right_logical3A_444 : i32 to vector<16xi32>
      %shift_right_logical3A_446 = arith.shrui %xor3A_439, %shift_right_logical3A_445 : vector<16xi32>
      %or3A_447 = arith.ori %shift_left3A_443, %shift_right_logical3A_446 : vector<16xi32>
      %xor3A_448 = arith.xori %add3A_440, %or3A_447 : vector<16xi32>
      %add3A_449 = arith.addi %add3A_440, %xor3A_448 : vector<16xi32>
      %shift_left3A_450 = arith.constant 6 : i32
      %shift_left3A_451 = vector.broadcast %shift_left3A_450 : i32 to vector<16xi32>
      %shift_left3A_452 = arith.shli %xor3A_448, %shift_left3A_451 : vector<16xi32>
      %shift_right_logical3A_453 = arith.constant 26 : i32
      %shift_right_logical3A_454 = vector.broadcast %shift_right_logical3A_453 : i32 to vector<16xi32>
      %shift_right_logical3A_455 = arith.shrui %xor3A_448, %shift_right_logical3A_454 : vector<16xi32>
      %or3A_456 = arith.ori %shift_left3A_452, %shift_right_logical3A_455 : vector<16xi32>
      %xor3A_457 = arith.xori %add3A_449, %or3A_456 : vector<16xi32>
      %add3A_458 = arith.constant -1829035798 : i32
      %add3A_459 = vector.broadcast %add3A_458 : i32 to vector<16xi32>
      %add3A_460 = arith.addi %add3A_449, %add3A_459 : vector<16xi32>
      %add3A_461 = arith.constant 255383827 : i32
      %add3A_462 = vector.broadcast %add3A_461 : i32 to vector<16xi32>
      %add3A_463 = arith.addi %xor3A_457, %add3A_462 : vector<16xi32>
      %add3A_464 = arith.constant 3 : i32
      %add3A_465 = vector.broadcast %add3A_464 : i32 to vector<16xi32>
      %add3A_466 = arith.addi %add3A_463, %add3A_465 : vector<16xi32>
      %add3A_467 = arith.addi %add3A_460, %add3A_466 : vector<16xi32>
      %shift_left3A_468 = arith.constant 17 : i32
      %shift_left3A_469 = vector.broadcast %shift_left3A_468 : i32 to vector<16xi32>
      %shift_left3A_470 = arith.shli %add3A_466, %shift_left3A_469 : vector<16xi32>
      %shift_right_logical3A_471 = arith.constant 15 : i32
      %shift_right_logical3A_472 = vector.broadcast %shift_right_logical3A_471 : i32 to vector<16xi32>
      %shift_right_logical3A_473 = arith.shrui %add3A_466, %shift_right_logical3A_472 : vector<16xi32>
      %or3A_474 = arith.ori %shift_left3A_470, %shift_right_logical3A_473 : vector<16xi32>
      %xor3A_475 = arith.xori %add3A_467, %or3A_474 : vector<16xi32>
      %add3A_476 = arith.addi %add3A_467, %xor3A_475 : vector<16xi32>
      %shift_left3A_477 = arith.constant 29 : i32
      %shift_left3A_478 = vector.broadcast %shift_left3A_477 : i32 to vector<16xi32>
      %shift_left3A_479 = arith.shli %xor3A_475, %shift_left3A_478 : vector<16xi32>
      %shift_right_logical3A_480 = arith.constant 3 : i32
      %shift_right_logical3A_481 = vector.broadcast %shift_right_logical3A_480 : i32 to vector<16xi32>
      %shift_right_logical3A_482 = arith.shrui %xor3A_475, %shift_right_logical3A_481 : vector<16xi32>
      %or3A_483 = arith.ori %shift_left3A_479, %shift_right_logical3A_482 : vector<16xi32>
      %xor3A_484 = arith.xori %add3A_476, %or3A_483 : vector<16xi32>
      %add3A_485 = arith.addi %add3A_476, %xor3A_484 : vector<16xi32>
      %shift_left3A_486 = arith.constant 16 : i32
      %shift_left3A_487 = vector.broadcast %shift_left3A_486 : i32 to vector<16xi32>
      %shift_left3A_488 = arith.shli %xor3A_484, %shift_left3A_487 : vector<16xi32>
      %shift_right_logical3A_489 = arith.constant 16 : i32
      %shift_right_logical3A_490 = vector.broadcast %shift_right_logical3A_489 : i32 to vector<16xi32>
      %shift_right_logical3A_491 = arith.shrui %xor3A_484, %shift_right_logical3A_490 : vector<16xi32>
      %or3A_492 = arith.ori %shift_left3A_488, %shift_right_logical3A_491 : vector<16xi32>
      %xor3A_493 = arith.xori %add3A_485, %or3A_492 : vector<16xi32>
      %add3A_494 = arith.addi %add3A_485, %xor3A_493 : vector<16xi32>
      %shift_left3A_495 = arith.constant 24 : i32
      %shift_left3A_496 = vector.broadcast %shift_left3A_495 : i32 to vector<16xi32>
      %shift_left3A_497 = arith.shli %xor3A_493, %shift_left3A_496 : vector<16xi32>
      %shift_right_logical3A_498 = arith.constant 8 : i32
      %shift_right_logical3A_499 = vector.broadcast %shift_right_logical3A_498 : i32 to vector<16xi32>
      %shift_right_logical3A_500 = arith.shrui %xor3A_493, %shift_right_logical3A_499 : vector<16xi32>
      %or3A_501 = arith.ori %shift_left3A_497, %shift_right_logical3A_500 : vector<16xi32>
      %xor3A_502 = arith.xori %add3A_494, %or3A_501 : vector<16xi32>
      %add3A_503 = arith.constant 255383827 : i32
      %add3A_504 = vector.broadcast %add3A_503 : i32 to vector<16xi32>
      %add3A_505 = arith.addi %add3A_494, %add3A_504 : vector<16xi32>
      %add3A_506 = arith.constant -2045582813 : i32
      %add3A_507 = vector.broadcast %add3A_506 : i32 to vector<16xi32>
      %add3A_508 = arith.addi %xor3A_502, %add3A_507 : vector<16xi32>
      %add3A_509 = arith.constant 4 : i32
      %add3A_510 = vector.broadcast %add3A_509 : i32 to vector<16xi32>
      %add3A_511 = arith.addi %add3A_508, %add3A_510 : vector<16xi32>
      %add3A_512 = arith.addi %add3A_505, %add3A_511 : vector<16xi32>
      %shift_left3A_513 = arith.constant 13 : i32
      %shift_left3A_514 = vector.broadcast %shift_left3A_513 : i32 to vector<16xi32>
      %shift_left3A_515 = arith.shli %add3A_511, %shift_left3A_514 : vector<16xi32>
      %shift_right_logical3A_516 = arith.constant 19 : i32
      %shift_right_logical3A_517 = vector.broadcast %shift_right_logical3A_516 : i32 to vector<16xi32>
      %shift_right_logical3A_518 = arith.shrui %add3A_511, %shift_right_logical3A_517 : vector<16xi32>
      %or3A_519 = arith.ori %shift_left3A_515, %shift_right_logical3A_518 : vector<16xi32>
      %xor3A_520 = arith.xori %add3A_512, %or3A_519 : vector<16xi32>
      %add3A_521 = arith.addi %add3A_512, %xor3A_520 : vector<16xi32>
      %shift_left3A_522 = arith.constant 15 : i32
      %shift_left3A_523 = vector.broadcast %shift_left3A_522 : i32 to vector<16xi32>
      %shift_left3A_524 = arith.shli %xor3A_520, %shift_left3A_523 : vector<16xi32>
      %shift_right_logical3A_525 = arith.constant 17 : i32
      %shift_right_logical3A_526 = vector.broadcast %shift_right_logical3A_525 : i32 to vector<16xi32>
      %shift_right_logical3A_527 = arith.shrui %xor3A_520, %shift_right_logical3A_526 : vector<16xi32>
      %or3A_528 = arith.ori %shift_left3A_524, %shift_right_logical3A_527 : vector<16xi32>
      %xor3A_529 = arith.xori %add3A_521, %or3A_528 : vector<16xi32>
      %add3A_530 = arith.addi %add3A_521, %xor3A_529 : vector<16xi32>
      %shift_left3A_531 = arith.constant 26 : i32
      %shift_left3A_532 = vector.broadcast %shift_left3A_531 : i32 to vector<16xi32>
      %shift_left3A_533 = arith.shli %xor3A_529, %shift_left3A_532 : vector<16xi32>
      %shift_right_logical3A_534 = arith.constant 6 : i32
      %shift_right_logical3A_535 = vector.broadcast %shift_right_logical3A_534 : i32 to vector<16xi32>
      %shift_right_logical3A_536 = arith.shrui %xor3A_529, %shift_right_logical3A_535 : vector<16xi32>
      %or3A_537 = arith.ori %shift_left3A_533, %shift_right_logical3A_536 : vector<16xi32>
      %xor3A_538 = arith.xori %add3A_530, %or3A_537 : vector<16xi32>
      %add3A_539 = arith.addi %add3A_530, %xor3A_538 : vector<16xi32>
      %shift_left3A_540 = arith.constant 6 : i32
      %shift_left3A_541 = vector.broadcast %shift_left3A_540 : i32 to vector<16xi32>
      %shift_left3A_542 = arith.shli %xor3A_538, %shift_left3A_541 : vector<16xi32>
      %shift_right_logical3A_543 = arith.constant 26 : i32
      %shift_right_logical3A_544 = vector.broadcast %shift_right_logical3A_543 : i32 to vector<16xi32>
      %shift_right_logical3A_545 = arith.shrui %xor3A_538, %shift_right_logical3A_544 : vector<16xi32>
      %or3A_546 = arith.ori %shift_left3A_542, %shift_right_logical3A_545 : vector<16xi32>
      %xor3A_547 = arith.xori %add3A_539, %or3A_546 : vector<16xi32>
      %add3A_548 = arith.constant -2045582813 : i32
      %add3A_549 = vector.broadcast %add3A_548 : i32 to vector<16xi32>
      %add3A_550 = arith.addi %add3A_539, %add3A_549 : vector<16xi32>
      %add3A_551 = arith.constant -1829035798 : i32
      %add3A_552 = vector.broadcast %add3A_551 : i32 to vector<16xi32>
      %add3A_553 = arith.addi %xor3A_547, %add3A_552 : vector<16xi32>
      %add3A_554 = arith.constant 5 : i32
      %add3A_555 = vector.broadcast %add3A_554 : i32 to vector<16xi32>
      %add3A_556 = arith.addi %add3A_553, %add3A_555 : vector<16xi32>
      %xor3A_557 = arith.xori %add3A_550, %add3A_556 : vector<16xi32>
      %swap3A_558 = arith.index_cast %shift_right_logical3A_315 : i32 to index
      %swap3A_559 = arith.index_cast %multiple_of3A_320 : i32 to index
      %swap3A_560 = tpu.vector_load %arg4[%swap3A_558, %swap3A_559] {strides = array<i32>} : memref<32x1024xi32, #tpu.memory_space<vmem>>, vector<1x16xi32>,
      %swap3A_561 = vector.shape_cast %swap3A_560 : vector<1x16xi32> to vector<16xi32>
      %swap3A_562 = vector.shape_cast %xor3A_557 : vector<16xi32> to vector<1x16xi32>
      tpu.vector_store %arg4[%swap3A_558, %swap3A_559], %swap3A_562 {strides = array<i32>} : memref<32x1024xi32, #tpu.memory_space<vmem>>, vector<1x16xi32>,
      %mul3A_563 = arith.constant 4 : i32
      %mul3A_564 = arith.muli %scan3A_64, %mul3A_563 : i32
      %add3A_565 = arith.constant 2 : i32
      %add3A_566 = arith.addi %mul3A_564, %add3A_565 : i32
      %shift_right_logical3A_567 = arith.constant 6 : i32
      %shift_right_logical3A_568 = arith.shrui %add3A_566, %shift_right_logical3A_567 : i32
      %and3A_569 = arith.constant 63 : i32
      %and3A_570 = arith.andi %add3A_566, %and3A_569 : i32
      %shift_left3A_571 = arith.constant 4 : i32
      %shift_left3A_572 = arith.shli %and3A_570, %shift_left3A_571 : i32
      %multiple_of3A_573 = tpu.assume_multiple %shift_left3A_572, 16 : i32
      %add3A_574 = arith.addi %add3A_14, %shift_right_logical3A_568 : i32
      %mul3A_575 = arith.constant 1000 : i32
      %mul3A_576 = arith.muli %add3A_574, %mul3A_575 : i32
      %add3A_577 = arith.addi %mul3A_576, %multiple_of3A_573 : i32
      %add3A_578 = vector.broadcast %add3A_577 : i32 to vector<16xi32>
      %add3A_579 = arith.addi %iota3A, %add3A_578 : vector<16xi32>
      %broadcast_in_dim3A_580 = arith.constant -1829035798 : i32
      %broadcast_in_dim3A_581 = vector.broadcast %broadcast_in_dim3A_580 : i32 to vector<16xi32>
      %add3A_582 = arith.constant 255383827 : i32
      %add3A_583 = vector.broadcast %add3A_582 : i32 to vector<16xi32>
      %add3A_584 = arith.addi %add3A_579, %add3A_583 : vector<16xi32>
      %add3A_585 = arith.addi %broadcast_in_dim3A_581, %add3A_584 : vector<16xi32>
      %shift_left3A_586 = arith.constant 13 : i32
      %shift_left3A_587 = vector.broadcast %shift_left3A_586 : i32 to vector<16xi32>
      %shift_left3A_588 = arith.shli %add3A_584, %shift_left3A_587 : vector<16xi32>
      %shift_right_logical3A_589 = arith.constant 19 : i32
      %shift_right_logical3A_590 = vector.broadcast %shift_right_logical3A_589 : i32 to vector<16xi32>
      %shift_right_logical3A_591 = arith.shrui %add3A_584, %shift_right_logical3A_590 : vector<16xi32>
      %or3A_592 = arith.ori %shift_left3A_588, %shift_right_logical3A_591 : vector<16xi32>
      %xor3A_593 = arith.xori %add3A_585, %or3A_592 : vector<16xi32>
      %add3A_594 = arith.addi %add3A_585, %xor3A_593 : vector<16xi32>
      %shift_left3A_595 = arith.constant 15 : i32
      %shift_left3A_596 = vector.broadcast %shift_left3A_595 : i32 to vector<16xi32>
      %shift_left3A_597 = arith.shli %xor3A_593, %shift_left3A_596 : vector<16xi32>
      %shift_right_logical3A_598 = arith.constant 17 : i32
      %shift_right_logical3A_599 = vector.broadcast %shift_right_logical3A_598 : i32 to vector<16xi32>
      %shift_right_logical3A_600 = arith.shrui %xor3A_593, %shift_right_logical3A_599 : vector<16xi32>
      %or3A_601 = arith.ori %shift_left3A_597, %shift_right_logical3A_600 : vector<16xi32>
      %xor3A_602 = arith.xori %add3A_594, %or3A_601 : vector<16xi32>
      %add3A_603 = arith.addi %add3A_594, %xor3A_602 : vector<16xi32>
      %shift_left3A_604 = arith.constant 26 : i32
      %shift_left3A_605 = vector.broadcast %shift_left3A_604 : i32 to vector<16xi32>
      %shift_left3A_606 = arith.shli %xor3A_602, %shift_left3A_605 : vector<16xi32>
      %shift_right_logical3A_607 = arith.constant 6 : i32
      %shift_right_logical3A_608 = vector.broadcast %shift_right_logical3A_607 : i32 to vector<16xi32>
      %shift_right_logical3A_609 = arith.shrui %xor3A_602, %shift_right_logical3A_608 : vector<16xi32>
      %or3A_610 = arith.ori %shift_left3A_606, %shift_right_logical3A_609 : vector<16xi32>
      %xor3A_611 = arith.xori %add3A_603, %or3A_610 : vector<16xi32>
      %add3A_612 = arith.addi %add3A_603, %xor3A_611 : vector<16xi32>
      %shift_left3A_613 = arith.constant 6 : i32
      %shift_left3A_614 = vector.broadcast %shift_left3A_613 : i32 to vector<16xi32>
      %shift_left3A_615 = arith.shli %xor3A_611, %shift_left3A_614 : vector<16xi32>
      %shift_right_logical3A_616 = arith.constant 26 : i32
      %shift_right_logical3A_617 = vector.broadcast %shift_right_logical3A_616 : i32 to vector<16xi32>
      %shift_right_logical3A_618 = arith.shrui %xor3A_611, %shift_right_logical3A_617 : vector<16xi32>
      %or3A_619 = arith.ori %shift_left3A_615, %shift_right_logical3A_618 : vector<16xi32>
      %xor3A_620 = arith.xori %add3A_612, %or3A_619 : vector<16xi32>
      %add3A_621 = arith.constant 255383827 : i32
      %add3A_622 = vector.broadcast %add3A_621 : i32 to vector<16xi32>
      %add3A_623 = arith.addi %add3A_612, %add3A_622 : vector<16xi32>
      %add3A_624 = arith.constant -2045582813 : i32
      %add3A_625 = vector.broadcast %add3A_624 : i32 to vector<16xi32>
      %add3A_626 = arith.addi %xor3A_620, %add3A_625 : vector<16xi32>
      %add3A_627 = arith.constant 1 : i32
      %add3A_628 = vector.broadcast %add3A_627 : i32 to vector<16xi32>
      %add3A_629 = arith.addi %add3A_626, %add3A_628 : vector<16xi32>
      %add3A_630 = arith.addi %add3A_623, %add3A_629 : vector<16xi32>
      %shift_left3A_631 = arith.constant 17 : i32
      %shift_left3A_632 = vector.broadcast %shift_left3A_631 : i32 to vector<16xi32>
      %shift_left3A_633 = arith.shli %add3A_629, %shift_left3A_632 : vector<16xi32>
      %shift_right_logical3A_634 = arith.constant 15 : i32
      %shift_right_logical3A_635 = vector.broadcast %shift_right_logical3A_634 : i32 to vector<16xi32>
      %shift_right_logical3A_636 = arith.shrui %add3A_629, %shift_right_logical3A_635 : vector<16xi32>
      %or3A_637 = arith.ori %shift_left3A_633, %shift_right_logical3A_636 : vector<16xi32>
      %xor3A_638 = arith.xori %add3A_630, %or3A_637 : vector<16xi32>
      %add3A_639 = arith.addi %add3A_630, %xor3A_638 : vector<16xi32>
      %shift_left3A_640 = arith.constant 29 : i32
      %shift_left3A_641 = vector.broadcast %shift_left3A_640 : i32 to vector<16xi32>
      %shift_left3A_642 = arith.shli %xor3A_638, %shift_left3A_641 : vector<16xi32>
      %shift_right_logical3A_643 = arith.constant 3 : i32
      %shift_right_logical3A_644 = vector.broadcast %shift_right_logical3A_643 : i32 to vector<16xi32>
      %shift_right_logical3A_645 = arith.shrui %xor3A_638, %shift_right_logical3A_644 : vector<16xi32>
      %or3A_646 = arith.ori %shift_left3A_642, %shift_right_logical3A_645 : vector<16xi32>
      %xor3A_647 = arith.xori %add3A_639, %or3A_646 : vector<16xi32>
      %add3A_648 = arith.addi %add3A_639, %xor3A_647 : vector<16xi32>
      %shift_left3A_649 = arith.constant 16 : i32
      %shift_left3A_650 = vector.broadcast %shift_left3A_649 : i32 to vector<16xi32>
      %shift_left3A_651 = arith.shli %xor3A_647, %shift_left3A_650 : vector<16xi32>
      %shift_right_logical3A_652 = arith.constant 16 : i32
      %shift_right_logical3A_653 = vector.broadcast %shift_right_logical3A_652 : i32 to vector<16xi32>
      %shift_right_logical3A_654 = arith.shrui %xor3A_647, %shift_right_logical3A_653 : vector<16xi32>
      %or3A_655 = arith.ori %shift_left3A_651, %shift_right_logical3A_654 : vector<16xi32>
      %xor3A_656 = arith.xori %add3A_648, %or3A_655 : vector<16xi32>
      %add3A_657 = arith.addi %add3A_648, %xor3A_656 : vector<16xi32>
      %shift_left3A_658 = arith.constant 24 : i32
      %shift_left3A_659 = vector.broadcast %shift_left3A_658 : i32 to vector<16xi32>
      %shift_left3A_660 = arith.shli %xor3A_656, %shift_left3A_659 : vector<16xi32>
      %shift_right_logical3A_661 = arith.constant 8 : i32
      %shift_right_logical3A_662 = vector.broadcast %shift_right_logical3A_661 : i32 to vector<16xi32>
      %shift_right_logical3A_663 = arith.shrui %xor3A_656, %shift_right_logical3A_662 : vector<16xi32>
      %or3A_664 = arith.ori %shift_left3A_660, %shift_right_logical3A_663 : vector<16xi32>
      %xor3A_665 = arith.xori %add3A_657, %or3A_664 : vector<16xi32>
      %add3A_666 = arith.constant -2045582813 : i32
      %add3A_667 = vector.broadcast %add3A_666 : i32 to vector<16xi32>
      %add3A_668 = arith.addi %add3A_657, %add3A_667 : vector<16xi32>
      %add3A_669 = arith.constant -1829035798 : i32
      %add3A_670 = vector.broadcast %add3A_669 : i32 to vector<16xi32>
      %add3A_671 = arith.addi %xor3A_665, %add3A_670 : vector<16xi32>
      %add3A_672 = arith.constant 2 : i32
      %add3A_673 = vector.broadcast %add3A_672 : i32 to vector<16xi32>
      %add3A_674 = arith.addi %add3A_671, %add3A_673 : vector<16xi32>
      %add3A_675 = arith.addi %add3A_668, %add3A_674 : vector<16xi32>
      %shift_left3A_676 = arith.constant 13 : i32
      %shift_left3A_677 = vector.broadcast %shift_left3A_676 : i32 to vector<16xi32>
      %shift_left3A_678 = arith.shli %add3A_674, %shift_left3A_677 : vector<16xi32>
      %shift_right_logical3A_679 = arith.constant 19 : i32
      %shift_right_logical3A_680 = vector.broadcast %shift_right_logical3A_679 : i32 to vector<16xi32>
      %shift_right_logical3A_681 = arith.shrui %add3A_674, %shift_right_logical3A_680 : vector<16xi32>
      %or3A_682 = arith.ori %shift_left3A_678, %shift_right_logical3A_681 : vector<16xi32>
      %xor3A_683 = arith.xori %add3A_675, %or3A_682 : vector<16xi32>
      %add3A_684 = arith.addi %add3A_675, %xor3A_683 : vector<16xi32>
      %shift_left3A_685 = arith.constant 15 : i32
      %shift_left3A_686 = vector.broadcast %shift_left3A_685 : i32 to vector<16xi32>
      %shift_left3A_687 = arith.shli %xor3A_683, %shift_left3A_686 : vector<16xi32>
      %shift_right_logical3A_688 = arith.constant 17 : i32
      %shift_right_logical3A_689 = vector.broadcast %shift_right_logical3A_688 : i32 to vector<16xi32>
      %shift_right_logical3A_690 = arith.shrui %xor3A_683, %shift_right_logical3A_689 : vector<16xi32>
      %or3A_691 = arith.ori %shift_left3A_687, %shift_right_logical3A_690 : vector<16xi32>
      %xor3A_692 = arith.xori %add3A_684, %or3A_691 : vector<16xi32>
      %add3A_693 = arith.addi %add3A_684, %xor3A_692 : vector<16xi32>
      %shift_left3A_694 = arith.constant 26 : i32
      %shift_left3A_695 = vector.broadcast %shift_left3A_694 : i32 to vector<16xi32>
      %shift_left3A_696 = arith.shli %xor3A_692, %shift_left3A_695 : vector<16xi32>
      %shift_right_logical3A_697 = arith.constant 6 : i32
      %shift_right_logical3A_698 = vector.broadcast %shift_right_logical3A_697 : i32 to vector<16xi32>
      %shift_right_logical3A_699 = arith.shrui %xor3A_692, %shift_right_logical3A_698 : vector<16xi32>
      %or3A_700 = arith.ori %shift_left3A_696, %shift_right_logical3A_699 : vector<16xi32>
      %xor3A_701 = arith.xori %add3A_693, %or3A_700 : vector<16xi32>
      %add3A_702 = arith.addi %add3A_693, %xor3A_701 : vector<16xi32>
      %shift_left3A_703 = arith.constant 6 : i32
      %shift_left3A_704 = vector.broadcast %shift_left3A_703 : i32 to vector<16xi32>
      %shift_left3A_705 = arith.shli %xor3A_701, %shift_left3A_704 : vector<16xi32>
      %shift_right_logical3A_706 = arith.constant 26 : i32
      %shift_right_logical3A_707 = vector.broadcast %shift_right_logical3A_706 : i32 to vector<16xi32>
      %shift_right_logical3A_708 = arith.shrui %xor3A_701, %shift_right_logical3A_707 : vector<16xi32>
      %or3A_709 = arith.ori %shift_left3A_705, %shift_right_logical3A_708 : vector<16xi32>
      %xor3A_710 = arith.xori %add3A_702, %or3A_709 : vector<16xi32>
      %add3A_711 = arith.constant -1829035798 : i32
      %add3A_712 = vector.broadcast %add3A_711 : i32 to vector<16xi32>
      %add3A_713 = arith.addi %add3A_702, %add3A_712 : vector<16xi32>
      %add3A_714 = arith.constant 255383827 : i32
      %add3A_715 = vector.broadcast %add3A_714 : i32 to vector<16xi32>
      %add3A_716 = arith.addi %xor3A_710, %add3A_715 : vector<16xi32>
      %add3A_717 = arith.constant 3 : i32
      %add3A_718 = vector.broadcast %add3A_717 : i32 to vector<16xi32>
      %add3A_719 = arith.addi %add3A_716, %add3A_718 : vector<16xi32>
      %add3A_720 = arith.addi %add3A_713, %add3A_719 : vector<16xi32>
      %shift_left3A_721 = arith.constant 17 : i32
      %shift_left3A_722 = vector.broadcast %shift_left3A_721 : i32 to vector<16xi32>
      %shift_left3A_723 = arith.shli %add3A_719, %shift_left3A_722 : vector<16xi32>
      %shift_right_logical3A_724 = arith.constant 15 : i32
      %shift_right_logical3A_725 = vector.broadcast %shift_right_logical3A_724 : i32 to vector<16xi32>
      %shift_right_logical3A_726 = arith.shrui %add3A_719, %shift_right_logical3A_725 : vector<16xi32>
      %or3A_727 = arith.ori %shift_left3A_723, %shift_right_logical3A_726 : vector<16xi32>
      %xor3A_728 = arith.xori %add3A_720, %or3A_727 : vector<16xi32>
      %add3A_729 = arith.addi %add3A_720, %xor3A_728 : vector<16xi32>
      %shift_left3A_730 = arith.constant 29 : i32
      %shift_left3A_731 = vector.broadcast %shift_left3A_730 : i32 to vector<16xi32>
      %shift_left3A_732 = arith.shli %xor3A_728, %shift_left3A_731 : vector<16xi32>
      %shift_right_logical3A_733 = arith.constant 3 : i32
      %shift_right_logical3A_734 = vector.broadcast %shift_right_logical3A_733 : i32 to vector<16xi32>
      %shift_right_logical3A_735 = arith.shrui %xor3A_728, %shift_right_logical3A_734 : vector<16xi32>
      %or3A_736 = arith.ori %shift_left3A_732, %shift_right_logical3A_735 : vector<16xi32>
      %xor3A_737 = arith.xori %add3A_729, %or3A_736 : vector<16xi32>
      %add3A_738 = arith.addi %add3A_729, %xor3A_737 : vector<16xi32>
      %shift_left3A_739 = arith.constant 16 : i32
      %shift_left3A_740 = vector.broadcast %shift_left3A_739 : i32 to vector<16xi32>
      %shift_left3A_741 = arith.shli %xor3A_737, %shift_left3A_740 : vector<16xi32>
      %shift_right_logical3A_742 = arith.constant 16 : i32
      %shift_right_logical3A_743 = vector.broadcast %shift_right_logical3A_742 : i32 to vector<16xi32>
      %shift_right_logical3A_744 = arith.shrui %xor3A_737, %shift_right_logical3A_743 : vector<16xi32>
      %or3A_745 = arith.ori %shift_left3A_741, %shift_right_logical3A_744 : vector<16xi32>
      %xor3A_746 = arith.xori %add3A_738, %or3A_745 : vector<16xi32>
      %add3A_747 = arith.addi %add3A_738, %xor3A_746 : vector<16xi32>
      %shift_left3A_748 = arith.constant 24 : i32
      %shift_left3A_749 = vector.broadcast %shift_left3A_748 : i32 to vector<16xi32>
      %shift_left3A_750 = arith.shli %xor3A_746, %shift_left3A_749 : vector<16xi32>
      %shift_right_logical3A_751 = arith.constant 8 : i32
      %shift_right_logical3A_752 = vector.broadcast %shift_right_logical3A_751 : i32 to vector<16xi32>
      %shift_right_logical3A_753 = arith.shrui %xor3A_746, %shift_right_logical3A_752 : vector<16xi32>
      %or3A_754 = arith.ori %shift_left3A_750, %shift_right_logical3A_753 : vector<16xi32>
      %xor3A_755 = arith.xori %add3A_747, %or3A_754 : vector<16xi32>
      %add3A_756 = arith.constant 255383827 : i32
      %add3A_757 = vector.broadcast %add3A_756 : i32 to vector<16xi32>
      %add3A_758 = arith.addi %add3A_747, %add3A_757 : vector<16xi32>
      %add3A_759 = arith.constant -2045582813 : i32
      %add3A_760 = vector.broadcast %add3A_759 : i32 to vector<16xi32>
      %add3A_761 = arith.addi %xor3A_755, %add3A_760 : vector<16xi32>
      %add3A_762 = arith.constant 4 : i32
      %add3A_763 = vector.broadcast %add3A_762 : i32 to vector<16xi32>
      %add3A_764 = arith.addi %add3A_761, %add3A_763 : vector<16xi32>
      %add3A_765 = arith.addi %add3A_758, %add3A_764 : vector<16xi32>
      %shift_left3A_766 = arith.constant 13 : i32
      %shift_left3A_767 = vector.broadcast %shift_left3A_766 : i32 to vector<16xi32>
      %shift_left3A_768 = arith.shli %add3A_764, %shift_left3A_767 : vector<16xi32>
      %shift_right_logical3A_769 = arith.constant 19 : i32
      %shift_right_logical3A_770 = vector.broadcast %shift_right_logical3A_769 : i32 to vector<16xi32>
      %shift_right_logical3A_771 = arith.shrui %add3A_764, %shift_right_logical3A_770 : vector<16xi32>
      %or3A_772 = arith.ori %shift_left3A_768, %shift_right_logical3A_771 : vector<16xi32>
      %xor3A_773 = arith.xori %add3A_765, %or3A_772 : vector<16xi32>
      %add3A_774 = arith.addi %add3A_765, %xor3A_773 : vector<16xi32>
      %shift_left3A_775 = arith.constant 15 : i32
      %shift_left3A_776 = vector.broadcast %shift_left3A_775 : i32 to vector<16xi32>
      %shift_left3A_777 = arith.shli %xor3A_773, %shift_left3A_776 : vector<16xi32>
      %shift_right_logical3A_778 = arith.constant 17 : i32
      %shift_right_logical3A_779 = vector.broadcast %shift_right_logical3A_778 : i32 to vector<16xi32>
      %shift_right_logical3A_780 = arith.shrui %xor3A_773, %shift_right_logical3A_779 : vector<16xi32>
      %or3A_781 = arith.ori %shift_left3A_777, %shift_right_logical3A_780 : vector<16xi32>
      %xor3A_782 = arith.xori %add3A_774, %or3A_781 : vector<16xi32>
      %add3A_783 = arith.addi %add3A_774, %xor3A_782 : vector<16xi32>
      %shift_left3A_784 = arith.constant 26 : i32
      %shift_left3A_785 = vector.broadcast %shift_left3A_784 : i32 to vector<16xi32>
      %shift_left3A_786 = arith.shli %xor3A_782, %shift_left3A_785 : vector<16xi32>
      %shift_right_logical3A_787 = arith.constant 6 : i32
      %shift_right_logical3A_788 = vector.broadcast %shift_right_logical3A_787 : i32 to vector<16xi32>
      %shift_right_logical3A_789 = arith.shrui %xor3A_782, %shift_right_logical3A_788 : vector<16xi32>
      %or3A_790 = arith.ori %shift_left3A_786, %shift_right_logical3A_789 : vector<16xi32>
      %xor3A_791 = arith.xori %add3A_783, %or3A_790 : vector<16xi32>
      %add3A_792 = arith.addi %add3A_783, %xor3A_791 : vector<16xi32>
      %shift_left3A_793 = arith.constant 6 : i32
      %shift_left3A_794 = vector.broadcast %shift_left3A_793 : i32 to vector<16xi32>
      %shift_left3A_795 = arith.shli %xor3A_791, %shift_left3A_794 : vector<16xi32>
      %shift_right_logical3A_796 = arith.constant 26 : i32
      %shift_right_logical3A_797 = vector.broadcast %shift_right_logical3A_796 : i32 to vector<16xi32>
      %shift_right_logical3A_798 = arith.shrui %xor3A_791, %shift_right_logical3A_797 : vector<16xi32>
      %or3A_799 = arith.ori %shift_left3A_795, %shift_right_logical3A_798 : vector<16xi32>
      %xor3A_800 = arith.xori %add3A_792, %or3A_799 : vector<16xi32>
      %add3A_801 = arith.constant -2045582813 : i32
      %add3A_802 = vector.broadcast %add3A_801 : i32 to vector<16xi32>
      %add3A_803 = arith.addi %add3A_792, %add3A_802 : vector<16xi32>
      %add3A_804 = arith.constant -1829035798 : i32
      %add3A_805 = vector.broadcast %add3A_804 : i32 to vector<16xi32>
      %add3A_806 = arith.addi %xor3A_800, %add3A_805 : vector<16xi32>
      %add3A_807 = arith.constant 5 : i32
      %add3A_808 = vector.broadcast %add3A_807 : i32 to vector<16xi32>
      %add3A_809 = arith.addi %add3A_806, %add3A_808 : vector<16xi32>
      %xor3A_810 = arith.xori %add3A_803, %add3A_809 : vector<16xi32>
      %swap3A_811 = arith.index_cast %shift_right_logical3A_568 : i32 to index
      %swap3A_812 = arith.index_cast %multiple_of3A_573 : i32 to index
      %swap3A_813 = tpu.vector_load %arg4[%swap3A_811, %swap3A_812] {strides = array<i32>} : memref<32x1024xi32, #tpu.memory_space<vmem>>, vector<1x16xi32>,
      %swap3A_814 = vector.shape_cast %swap3A_813 : vector<1x16xi32> to vector<16xi32>
      %swap3A_815 = vector.shape_cast %xor3A_810 : vector<16xi32> to vector<1x16xi32>
      tpu.vector_store %arg4[%swap3A_811, %swap3A_812], %swap3A_815 {strides = array<i32>} : memref<32x1024xi32, #tpu.memory_space<vmem>>, vector<1x16xi32>,
      %mul3A_816 = arith.constant 4 : i32
      %mul3A_817 = arith.muli %scan3A_64, %mul3A_816 : i32
      %add3A_818 = arith.constant 3 : i32
      %add3A_819 = arith.addi %mul3A_817, %add3A_818 : i32
      %shift_right_logical3A_820 = arith.constant 6 : i32
      %shift_right_logical3A_821 = arith.shrui %add3A_819, %shift_right_logical3A_820 : i32
      %and3A_822 = arith.constant 63 : i32
      %and3A_823 = arith.andi %add3A_819, %and3A_822 : i32
      %shift_left3A_824 = arith.constant 4 : i32
      %shift_left3A_825 = arith.shli %and3A_823, %shift_left3A_824 : i32
      %multiple_of3A_826 = tpu.assume_multiple %shift_left3A_825, 16 : i32
      %add3A_827 = arith.addi %add3A_14, %shift_right_logical3A_821 : i32
      %mul3A_828 = arith.constant 1000 : i32
      %mul3A_829 = arith.muli %add3A_827, %mul3A_828 : i32
      %add3A_830 = arith.addi %mul3A_829, %multiple_of3A_826 : i32
      %add3A_831 = vector.broadcast %add3A_830 : i32 to vector<16xi32>
      %add3A_832 = arith.addi %iota3A, %add3A_831 : vector<16xi32>
      %broadcast_in_dim3A_833 = arith.constant -1829035798 : i32
      %broadcast_in_dim3A_834 = vector.broadcast %broadcast_in_dim3A_833 : i32 to vector<16xi32>
      %add3A_835 = arith.constant 255383827 : i32
      %add3A_836 = vector.broadcast %add3A_835 : i32 to vector<16xi32>
      %add3A_837 = arith.addi %add3A_832, %add3A_836 : vector<16xi32>
      %add3A_838 = arith.addi %broadcast_in_dim3A_834, %add3A_837 : vector<16xi32>
      %shift_left3A_839 = arith.constant 13 : i32
      %shift_left3A_840 = vector.broadcast %shift_left3A_839 : i32 to vector<16xi32>
      %shift_left3A_841 = arith.shli %add3A_837, %shift_left3A_840 : vector<16xi32>
      %shift_right_logical3A_842 = arith.constant 19 : i32
      %shift_right_logical3A_843 = vector.broadcast %shift_right_logical3A_842 : i32 to vector<16xi32>
      %shift_right_logical3A_844 = arith.shrui %add3A_837, %shift_right_logical3A_843 : vector<16xi32>
      %or3A_845 = arith.ori %shift_left3A_841, %shift_right_logical3A_844 : vector<16xi32>
      %xor3A_846 = arith.xori %add3A_838, %or3A_845 : vector<16xi32>
      %add3A_847 = arith.addi %add3A_838, %xor3A_846 : vector<16xi32>
      %shift_left3A_848 = arith.constant 15 : i32
      %shift_left3A_849 = vector.broadcast %shift_left3A_848 : i32 to vector<16xi32>
      %shift_left3A_850 = arith.shli %xor3A_846, %shift_left3A_849 : vector<16xi32>
      %shift_right_logical3A_851 = arith.constant 17 : i32
      %shift_right_logical3A_852 = vector.broadcast %shift_right_logical3A_851 : i32 to vector<16xi32>
      %shift_right_logical3A_853 = arith.shrui %xor3A_846, %shift_right_logical3A_852 : vector<16xi32>
      %or3A_854 = arith.ori %shift_left3A_850, %shift_right_logical3A_853 : vector<16xi32>
      %xor3A_855 = arith.xori %add3A_847, %or3A_854 : vector<16xi32>
      %add3A_856 = arith.addi %add3A_847, %xor3A_855 : vector<16xi32>
      %shift_left3A_857 = arith.constant 26 : i32
      %shift_left3A_858 = vector.broadcast %shift_left3A_857 : i32 to vector<16xi32>
      %shift_left3A_859 = arith.shli %xor3A_855, %shift_left3A_858 : vector<16xi32>
      %shift_right_logical3A_860 = arith.constant 6 : i32
      %shift_right_logical3A_861 = vector.broadcast %shift_right_logical3A_860 : i32 to vector<16xi32>
      %shift_right_logical3A_862 = arith.shrui %xor3A_855, %shift_right_logical3A_861 : vector<16xi32>
      %or3A_863 = arith.ori %shift_left3A_859, %shift_right_logical3A_862 : vector<16xi32>
      %xor3A_864 = arith.xori %add3A_856, %or3A_863 : vector<16xi32>
      %add3A_865 = arith.addi %add3A_856, %xor3A_864 : vector<16xi32>
      %shift_left3A_866 = arith.constant 6 : i32
      %shift_left3A_867 = vector.broadcast %shift_left3A_866 : i32 to vector<16xi32>
      %shift_left3A_868 = arith.shli %xor3A_864, %shift_left3A_867 : vector<16xi32>
      %shift_right_logical3A_869 = arith.constant 26 : i32
      %shift_right_logical3A_870 = vector.broadcast %shift_right_logical3A_869 : i32 to vector<16xi32>
      %shift_right_logical3A_871 = arith.shrui %xor3A_864, %shift_right_logical3A_870 : vector<16xi32>
      %or3A_872 = arith.ori %shift_left3A_868, %shift_right_logical3A_871 : vector<16xi32>
      %xor3A_873 = arith.xori %add3A_865, %or3A_872 : vector<16xi32>
      %add3A_874 = arith.constant 255383827 : i32
      %add3A_875 = vector.broadcast %add3A_874 : i32 to vector<16xi32>
      %add3A_876 = arith.addi %add3A_865, %add3A_875 : vector<16xi32>
      %add3A_877 = arith.constant -2045582813 : i32
      %add3A_878 = vector.broadcast %add3A_877 : i32 to vector<16xi32>
      %add3A_879 = arith.addi %xor3A_873, %add3A_878 : vector<16xi32>
      %add3A_880 = arith.constant 1 : i32
      %add3A_881 = vector.broadcast %add3A_880 : i32 to vector<16xi32>
      %add3A_882 = arith.addi %add3A_879, %add3A_881 : vector<16xi32>
      %add3A_883 = arith.addi %add3A_876, %add3A_882 : vector<16xi32>
      %shift_left3A_884 = arith.constant 17 : i32
      %shift_left3A_885 = vector.broadcast %shift_left3A_884 : i32 to vector<16xi32>
      %shift_left3A_886 = arith.shli %add3A_882, %shift_left3A_885 : vector<16xi32>
      %shift_right_logical3A_887 = arith.constant 15 : i32
      %shift_right_logical3A_888 = vector.broadcast %shift_right_logical3A_887 : i32 to vector<16xi32>
      %shift_right_logical3A_889 = arith.shrui %add3A_882, %shift_right_logical3A_888 : vector<16xi32>
      %or3A_890 = arith.ori %shift_left3A_886, %shift_right_logical3A_889 : vector<16xi32>
      %xor3A_891 = arith.xori %add3A_883, %or3A_890 : vector<16xi32>
      %add3A_892 = arith.addi %add3A_883, %xor3A_891 : vector<16xi32>
      %shift_left3A_893 = arith.constant 29 : i32
      %shift_left3A_894 = vector.broadcast %shift_left3A_893 : i32 to vector<16xi32>
      %shift_left3A_895 = arith.shli %xor3A_891, %shift_left3A_894 : vector<16xi32>
      %shift_right_logical3A_896 = arith.constant 3 : i32
      %shift_right_logical3A_897 = vector.broadcast %shift_right_logical3A_896 : i32 to vector<16xi32>
      %shift_right_logical3A_898 = arith.shrui %xor3A_891, %shift_right_logical3A_897 : vector<16xi32>
      %or3A_899 = arith.ori %shift_left3A_895, %shift_right_logical3A_898 : vector<16xi32>
      %xor3A_900 = arith.xori %add3A_892, %or3A_899 : vector<16xi32>
      %add3A_901 = arith.addi %add3A_892, %xor3A_900 : vector<16xi32>
      %shift_left3A_902 = arith.constant 16 : i32
      %shift_left3A_903 = vector.broadcast %shift_left3A_902 : i32 to vector<16xi32>
      %shift_left3A_904 = arith.shli %xor3A_900, %shift_left3A_903 : vector<16xi32>
      %shift_right_logical3A_905 = arith.constant 16 : i32
      %shift_right_logical3A_906 = vector.broadcast %shift_right_logical3A_905 : i32 to vector<16xi32>
      %shift_right_logical3A_907 = arith.shrui %xor3A_900, %shift_right_logical3A_906 : vector<16xi32>
      %or3A_908 = arith.ori %shift_left3A_904, %shift_right_logical3A_907 : vector<16xi32>
      %xor3A_909 = arith.xori %add3A_901, %or3A_908 : vector<16xi32>
      %add3A_910 = arith.addi %add3A_901, %xor3A_909 : vector<16xi32>
      %shift_left3A_911 = arith.constant 24 : i32
      %shift_left3A_912 = vector.broadcast %shift_left3A_911 : i32 to vector<16xi32>
      %shift_left3A_913 = arith.shli %xor3A_909, %shift_left3A_912 : vector<16xi32>
      %shift_right_logical3A_914 = arith.constant 8 : i32
      %shift_right_logical3A_915 = vector.broadcast %shift_right_logical3A_914 : i32 to vector<16xi32>
      %shift_right_logical3A_916 = arith.shrui %xor3A_909, %shift_right_logical3A_915 : vector<16xi32>
      %or3A_917 = arith.ori %shift_left3A_913, %shift_right_logical3A_916 : vector<16xi32>
      %xor3A_918 = arith.xori %add3A_910, %or3A_917 : vector<16xi32>
      %add3A_919 = arith.constant -2045582813 : i32
      %add3A_920 = vector.broadcast %add3A_919 : i32 to vector<16xi32>
      %add3A_921 = arith.addi %add3A_910, %add3A_920 : vector<16xi32>
      %add3A_922 = arith.constant -1829035798 : i32
      %add3A_923 = vector.broadcast %add3A_922 : i32 to vector<16xi32>
      %add3A_924 = arith.addi %xor3A_918, %add3A_923 : vector<16xi32>
      %add3A_925 = arith.constant 2 : i32
      %add3A_926 = vector.broadcast %add3A_925 : i32 to vector<16xi32>
      %add3A_927 = arith.addi %add3A_924, %add3A_926 : vector<16xi32>
      %add3A_928 = arith.addi %add3A_921, %add3A_927 : vector<16xi32>
      %shift_left3A_929 = arith.constant 13 : i32
      %shift_left3A_930 = vector.broadcast %shift_left3A_929 : i32 to vector<16xi32>
      %shift_left3A_931 = arith.shli %add3A_927, %shift_left3A_930 : vector<16xi32>
      %shift_right_logical3A_932 = arith.constant 19 : i32
      %shift_right_logical3A_933 = vector.broadcast %shift_right_logical3A_932 : i32 to vector<16xi32>
      %shift_right_logical3A_934 = arith.shrui %add3A_927, %shift_right_logical3A_933 : vector<16xi32>
      %or3A_935 = arith.ori %shift_left3A_931, %shift_right_logical3A_934 : vector<16xi32>
      %xor3A_936 = arith.xori %add3A_928, %or3A_935 : vector<16xi32>
      %add3A_937 = arith.addi %add3A_928, %xor3A_936 : vector<16xi32>
      %shift_left3A_938 = arith.constant 15 : i32
      %shift_left3A_939 = vector.broadcast %shift_left3A_938 : i32 to vector<16xi32>
      %shift_left3A_940 = arith.shli %xor3A_936, %shift_left3A_939 : vector<16xi32>
      %shift_right_logical3A_941 = arith.constant 17 : i32
      %shift_right_logical3A_942 = vector.broadcast %shift_right_logical3A_941 : i32 to vector<16xi32>
      %shift_right_logical3A_943 = arith.shrui %xor3A_936, %shift_right_logical3A_942 : vector<16xi32>
      %or3A_944 = arith.ori %shift_left3A_940, %shift_right_logical3A_943 : vector<16xi32>
      %xor3A_945 = arith.xori %add3A_937, %or3A_944 : vector<16xi32>
      %add3A_946 = arith.addi %add3A_937, %xor3A_945 : vector<16xi32>
      %shift_left3A_947 = arith.constant 26 : i32
      %shift_left3A_948 = vector.broadcast %shift_left3A_947 : i32 to vector<16xi32>
      %shift_left3A_949 = arith.shli %xor3A_945, %shift_left3A_948 : vector<16xi32>
      %shift_right_logical3A_950 = arith.constant 6 : i32
      %shift_right_logical3A_951 = vector.broadcast %shift_right_logical3A_950 : i32 to vector<16xi32>
      %shift_right_logical3A_952 = arith.shrui %xor3A_945, %shift_right_logical3A_951 : vector<16xi32>
      %or3A_953 = arith.ori %shift_left3A_949, %shift_right_logical3A_952 : vector<16xi32>
      %xor3A_954 = arith.xori %add3A_946, %or3A_953 : vector<16xi32>
      %add3A_955 = arith.addi %add3A_946, %xor3A_954 : vector<16xi32>
      %shift_left3A_956 = arith.constant 6 : i32
      %shift_left3A_957 = vector.broadcast %shift_left3A_956 : i32 to vector<16xi32>
      %shift_left3A_958 = arith.shli %xor3A_954, %shift_left3A_957 : vector<16xi32>
      %shift_right_logical3A_959 = arith.constant 26 : i32
      %shift_right_logical3A_960 = vector.broadcast %shift_right_logical3A_959 : i32 to vector<16xi32>
      %shift_right_logical3A_961 = arith.shrui %xor3A_954, %shift_right_logical3A_960 : vector<16xi32>
      %or3A_962 = arith.ori %shift_left3A_958, %shift_right_logical3A_961 : vector<16xi32>
      %xor3A_963 = arith.xori %add3A_955, %or3A_962 : vector<16xi32>
      %add3A_964 = arith.constant -1829035798 : i32
      %add3A_965 = vector.broadcast %add3A_964 : i32 to vector<16xi32>
      %add3A_966 = arith.addi %add3A_955, %add3A_965 : vector<16xi32>
      %add3A_967 = arith.constant 255383827 : i32
      %add3A_968 = vector.broadcast %add3A_967 : i32 to vector<16xi32>
      %add3A_969 = arith.addi %xor3A_963, %add3A_968 : vector<16xi32>
      %add3A_970 = arith.constant 3 : i32
      %add3A_971 = vector.broadcast %add3A_970 : i32 to vector<16xi32>
      %add3A_972 = arith.addi %add3A_969, %add3A_971 : vector<16xi32>
      %add3A_973 = arith.addi %add3A_966, %add3A_972 : vector<16xi32>
      %shift_left3A_974 = arith.constant 17 : i32
      %shift_left3A_975 = vector.broadcast %shift_left3A_974 : i32 to vector<16xi32>
      %shift_left3A_976 = arith.shli %add3A_972, %shift_left3A_975 : vector<16xi32>
      %shift_right_logical3A_977 = arith.constant 15 : i32
      %shift_right_logical3A_978 = vector.broadcast %shift_right_logical3A_977 : i32 to vector<16xi32>
      %shift_right_logical3A_979 = arith.shrui %add3A_972, %shift_right_logical3A_978 : vector<16xi32>
      %or3A_980 = arith.ori %shift_left3A_976, %shift_right_logical3A_979 : vector<16xi32>
      %xor3A_981 = arith.xori %add3A_973, %or3A_980 : vector<16xi32>
      %add3A_982 = arith.addi %add3A_973, %xor3A_981 : vector<16xi32>
      %shift_left3A_983 = arith.constant 29 : i32
      %shift_left3A_984 = vector.broadcast %shift_left3A_983 : i32 to vector<16xi32>
      %shift_left3A_985 = arith.shli %xor3A_981, %shift_left3A_984 : vector<16xi32>
      %shift_right_logical3A_986 = arith.constant 3 : i32
      %shift_right_logical3A_987 = vector.broadcast %shift_right_logical3A_986 : i32 to vector<16xi32>
      %shift_right_logical3A_988 = arith.shrui %xor3A_981, %shift_right_logical3A_987 : vector<16xi32>
      %or3A_989 = arith.ori %shift_left3A_985, %shift_right_logical3A_988 : vector<16xi32>
      %xor3A_990 = arith.xori %add3A_982, %or3A_989 : vector<16xi32>
      %add3A_991 = arith.addi %add3A_982, %xor3A_990 : vector<16xi32>
      %shift_left3A_992 = arith.constant 16 : i32
      %shift_left3A_993 = vector.broadcast %shift_left3A_992 : i32 to vector<16xi32>
      %shift_left3A_994 = arith.shli %xor3A_990, %shift_left3A_993 : vector<16xi32>
      %shift_right_logical3A_995 = arith.constant 16 : i32
      %shift_right_logical3A_996 = vector.broadcast %shift_right_logical3A_995 : i32 to vector<16xi32>
      %shift_right_logical3A_997 = arith.shrui %xor3A_990, %shift_right_logical3A_996 : vector<16xi32>
      %or3A_998 = arith.ori %shift_left3A_994, %shift_right_logical3A_997 : vector<16xi32>
      %xor3A_999 = arith.xori %add3A_991, %or3A_998 : vector<16xi32>
      %add3A_1000 = arith.addi %add3A_991, %xor3A_999 : vector<16xi32>
      %shift_left3A_1001 = arith.constant 24 : i32
      %shift_left3A_1002 = vector.broadcast %shift_left3A_1001 : i32 to vector<16xi32>
      %shift_left3A_1003 = arith.shli %xor3A_999, %shift_left3A_1002 : vector<16xi32>
      %shift_right_logical3A_1004 = arith.constant 8 : i32
      %shift_right_logical3A_1005 = vector.broadcast %shift_right_logical3A_1004 : i32 to vector<16xi32>
      %shift_right_logical3A_1006 = arith.shrui %xor3A_999, %shift_right_logical3A_1005 : vector<16xi32>
      %or3A_1007 = arith.ori %shift_left3A_1003, %shift_right_logical3A_1006 : vector<16xi32>
      %xor3A_1008 = arith.xori %add3A_1000, %or3A_1007 : vector<16xi32>
      %add3A_1009 = arith.constant 255383827 : i32
      %add3A_1010 = vector.broadcast %add3A_1009 : i32 to vector<16xi32>
      %add3A_1011 = arith.addi %add3A_1000, %add3A_1010 : vector<16xi32>
      %add3A_1012 = arith.constant -2045582813 : i32
      %add3A_1013 = vector.broadcast %add3A_1012 : i32 to vector<16xi32>
      %add3A_1014 = arith.addi %xor3A_1008, %add3A_1013 : vector<16xi32>
      %add3A_1015 = arith.constant 4 : i32
      %add3A_1016 = vector.broadcast %add3A_1015 : i32 to vector<16xi32>
      %add3A_1017 = arith.addi %add3A_1014, %add3A_1016 : vector<16xi32>
      %add3A_1018 = arith.addi %add3A_1011, %add3A_1017 : vector<16xi32>
      %shift_left3A_1019 = arith.constant 13 : i32
      %shift_left3A_1020 = vector.broadcast %shift_left3A_1019 : i32 to vector<16xi32>
      %shift_left3A_1021 = arith.shli %add3A_1017, %shift_left3A_1020 : vector<16xi32>
      %shift_right_logical3A_1022 = arith.constant 19 : i32
      %shift_right_logical3A_1023 = vector.broadcast %shift_right_logical3A_1022 : i32 to vector<16xi32>
      %shift_right_logical3A_1024 = arith.shrui %add3A_1017, %shift_right_logical3A_1023 : vector<16xi32>
      %or3A_1025 = arith.ori %shift_left3A_1021, %shift_right_logical3A_1024 : vector<16xi32>
      %xor3A_1026 = arith.xori %add3A_1018, %or3A_1025 : vector<16xi32>
      %add3A_1027 = arith.addi %add3A_1018, %xor3A_1026 : vector<16xi32>
      %shift_left3A_1028 = arith.constant 15 : i32
      %shift_left3A_1029 = vector.broadcast %shift_left3A_1028 : i32 to vector<16xi32>
      %shift_left3A_1030 = arith.shli %xor3A_1026, %shift_left3A_1029 : vector<16xi32>
      %shift_right_logical3A_1031 = arith.constant 17 : i32
      %shift_right_logical3A_1032 = vector.broadcast %shift_right_logical3A_1031 : i32 to vector<16xi32>
      %shift_right_logical3A_1033 = arith.shrui %xor3A_1026, %shift_right_logical3A_1032 : vector<16xi32>
      %or3A_1034 = arith.ori %shift_left3A_1030, %shift_right_logical3A_1033 : vector<16xi32>
      %xor3A_1035 = arith.xori %add3A_1027, %or3A_1034 : vector<16xi32>
      %add3A_1036 = arith.addi %add3A_1027, %xor3A_1035 : vector<16xi32>
      %shift_left3A_1037 = arith.constant 26 : i32
      %shift_left3A_1038 = vector.broadcast %shift_left3A_1037 : i32 to vector<16xi32>
      %shift_left3A_1039 = arith.shli %xor3A_1035, %shift_left3A_1038 : vector<16xi32>
      %shift_right_logical3A_1040 = arith.constant 6 : i32
      %shift_right_logical3A_1041 = vector.broadcast %shift_right_logical3A_1040 : i32 to vector<16xi32>
      %shift_right_logical3A_1042 = arith.shrui %xor3A_1035, %shift_right_logical3A_1041 : vector<16xi32>
      %or3A_1043 = arith.ori %shift_left3A_1039, %shift_right_logical3A_1042 : vector<16xi32>
      %xor3A_1044 = arith.xori %add3A_1036, %or3A_1043 : vector<16xi32>
      %add3A_1045 = arith.addi %add3A_1036, %xor3A_1044 : vector<16xi32>
      %shift_left3A_1046 = arith.constant 6 : i32
      %shift_left3A_1047 = vector.broadcast %shift_left3A_1046 : i32 to vector<16xi32>
      %shift_left3A_1048 = arith.shli %xor3A_1044, %shift_left3A_1047 : vector<16xi32>
      %shift_right_logical3A_1049 = arith.constant 26 : i32
      %shift_right_logical3A_1050 = vector.broadcast %shift_right_logical3A_1049 : i32 to vector<16xi32>
      %shift_right_logical3A_1051 = arith.shrui %xor3A_1044, %shift_right_logical3A_1050 : vector<16xi32>
      %or3A_1052 = arith.ori %shift_left3A_1048, %shift_right_logical3A_1051 : vector<16xi32>
      %xor3A_1053 = arith.xori %add3A_1045, %or3A_1052 : vector<16xi32>
      %add3A_1054 = arith.constant -2045582813 : i32
      %add3A_1055 = vector.broadcast %add3A_1054 : i32 to vector<16xi32>
      %add3A_1056 = arith.addi %add3A_1045, %add3A_1055 : vector<16xi32>
      %add3A_1057 = arith.constant -1829035798 : i32
      %add3A_1058 = vector.broadcast %add3A_1057 : i32 to vector<16xi32>
      %add3A_1059 = arith.addi %xor3A_1053, %add3A_1058 : vector<16xi32>
      %add3A_1060 = arith.constant 5 : i32
      %add3A_1061 = vector.broadcast %add3A_1060 : i32 to vector<16xi32>
      %add3A_1062 = arith.addi %add3A_1059, %add3A_1061 : vector<16xi32>
      %xor3A_1063 = arith.xori %add3A_1056, %add3A_1062 : vector<16xi32>
      %swap3A_1064 = arith.index_cast %shift_right_logical3A_821 : i32 to index
      %swap3A_1065 = arith.index_cast %multiple_of3A_826 : i32 to index
      %swap3A_1066 = tpu.vector_load %arg4[%swap3A_1064, %swap3A_1065] {strides = array<i32>} : memref<32x1024xi32, #tpu.memory_space<vmem>>, vector<1x16xi32>,
      %swap3A_1067 = vector.shape_cast %swap3A_1066 : vector<1x16xi32> to vector<16xi32>
      %swap3A_1068 = vector.shape_cast %xor3A_1063 : vector<16xi32> to vector<1x16xi32>
      tpu.vector_store %arg4[%swap3A_1064, %swap3A_1065], %swap3A_1068 {strides = array<i32>} : memref<32x1024xi32, #tpu.memory_space<vmem>>, vector<1x16xi32>,
    }
    %scan3A_20 = arith.constant 512 : i32
    %dma_start3A_21 = arith.constant 0 : i32
    %dma_start3A_22 = tpu.memref_slice %arg2[%add3A_14, %dma_start3A_21] : memref<4096x1024xi32, #tpu.memory_space<hbm>> -> memref<32x1024xi32, #tpu.memory_space<hbm>>
    %dma_start3A_23 = arith.constant 0 : i32
    %dma_start3A_24 = tpu.memref_slice %arg2[%add3A_14, %dma_start3A_23] : memref<4096x1024xi32, #tpu.memory_space<hbm>> -> memref<32x1024xi32, #tpu.memory_space<hbm>>
    tpu.enqueue_dma source(%arg4 : memref<32x1024xi32, #tpu.memory_space<vmem>>) target(%dma_start3A_24 : memref<32x1024xi32, #tpu.memory_space<hbm>>) target_semaphore(%arg6 : memref<!tpu.dma_semaphore, #tpu.memory_space<semaphore_mem>>)
    %dma_wait3A = arith.constant 0 : i32
    %dma_wait3A_25 = tpu.memref_slice %arg2[%add3A_4, %dma_wait3A] : memref<4096x1024xi32, #tpu.memory_space<hbm>> -> memref<32x1024xi32, #tpu.memory_space<hbm>>
    %dma_wait3A_26 = arith.constant 0 : i32
    %dma_wait3A_27 = tpu.memref_slice %arg2[%add3A_4, %dma_wait3A_26] : memref<4096x1024xi32, #tpu.memory_space<hbm>> -> memref<32x1024xi32, #tpu.memory_space<hbm>>
    tpu.wait_dma2 semaphore(%arg5 : memref<!tpu.dma_semaphore, #tpu.memory_space<semaphore_mem>>) src(%arg3 : memref<32x1024xi32, #tpu.memory_space<vmem>>) dst(%dma_wait3A_27 : memref<32x1024xi32, #tpu.memory_space<hbm>>)
    %add3A_28 = arith.constant 64 : i32
    %add3A_29 = arith.addi %mul3A_2, %add3A_28 : i32
    %scan3A_30 = arith.constant 0 : i32
    %scan3A_31 = arith.constant 0 : i32
    %scan3A_32 = arith.constant 512 : i32
    %scan3A_33 = arith.addi %scan3A_31, %scan3A_32 : i32
    %scan3A_34 = arith.constant 1 : i32
    scf.for %scan3A_64 = %scan3A_31 to %scan3A_33 step %scan3A_34  : i32 {
      %mul3A_65 = arith.constant 4 : i32
      %mul3A_66 = arith.muli %scan3A_64, %mul3A_65 : i32
      %add3A_67 = arith.constant 0 : i32
      %add3A_68 = arith.addi %mul3A_66, %add3A_67 : i32
      %shift_right_logical3A = arith.constant 6 : i32
      %shift_right_logical3A_69 = arith.shrui %add3A_68, %shift_right_logical3A : i32
      %and3A = arith.constant 63 : i32
      %and3A_70 = arith.andi %add3A_68, %and3A : i32
      %shift_left3A = arith.constant 4 : i32
      %shift_left3A_71 = arith.shli %and3A_70, %shift_left3A : i32
      %multiple_of3A = tpu.assume_multiple %shift_left3A_71, 16 : i32
      %add3A_72 = arith.addi %add3A_29, %shift_right_logical3A_69 : i32
      %mul3A_73 = arith.constant 1000 : i32
      %mul3A_74 = arith.muli %add3A_72, %mul3A_73 : i32
      %add3A_75 = arith.addi %mul3A_74, %multiple_of3A : i32
      %add3A_76 = vector.broadcast %add3A_75 : i32 to vector<16xi32>
      %add3A_77 = arith.addi %iota3A, %add3A_76 : vector<16xi32>
      %broadcast_in_dim3A = arith.constant -1829035798 : i32
      %broadcast_in_dim3A_78 = vector.broadcast %broadcast_in_dim3A : i32 to vector<16xi32>
      %add3A_79 = arith.constant 255383827 : i32
      %add3A_80 = vector.broadcast %add3A_79 : i32 to vector<16xi32>
      %add3A_81 = arith.addi %add3A_77, %add3A_80 : vector<16xi32>
      %add3A_82 = arith.addi %broadcast_in_dim3A_78, %add3A_81 : vector<16xi32>
      %shift_left3A_83 = arith.constant 13 : i32
      %shift_left3A_84 = vector.broadcast %shift_left3A_83 : i32 to vector<16xi32>
      %shift_left3A_85 = arith.shli %add3A_81, %shift_left3A_84 : vector<16xi32>
      %shift_right_logical3A_86 = arith.constant 19 : i32
      %shift_right_logical3A_87 = vector.broadcast %shift_right_logical3A_86 : i32 to vector<16xi32>
      %shift_right_logical3A_88 = arith.shrui %add3A_81, %shift_right_logical3A_87 : vector<16xi32>
      %or3A = arith.ori %shift_left3A_85, %shift_right_logical3A_88 : vector<16xi32>
      %xor3A = arith.xori %add3A_82, %or3A : vector<16xi32>
      %add3A_89 = arith.addi %add3A_82, %xor3A : vector<16xi32>
      %shift_left3A_90 = arith.constant 15 : i32
      %shift_left3A_91 = vector.broadcast %shift_left3A_90 : i32 to vector<16xi32>
      %shift_left3A_92 = arith.shli %xor3A, %shift_left3A_91 : vector<16xi32>
      %shift_right_logical3A_93 = arith.constant 17 : i32
      %shift_right_logical3A_94 = vector.broadcast %shift_right_logical3A_93 : i32 to vector<16xi32>
      %shift_right_logical3A_95 = arith.shrui %xor3A, %shift_right_logical3A_94 : vector<16xi32>
      %or3A_96 = arith.ori %shift_left3A_92, %shift_right_logical3A_95 : vector<16xi32>
      %xor3A_97 = arith.xori %add3A_89, %or3A_96 : vector<16xi32>
      %add3A_98 = arith.addi %add3A_89, %xor3A_97 : vector<16xi32>
      %shift_left3A_99 = arith.constant 26 : i32
      %shift_left3A_100 = vector.broadcast %shift_left3A_99 : i32 to vector<16xi32>
      %shift_left3A_101 = arith.shli %xor3A_97, %shift_left3A_100 : vector<16xi32>
      %shift_right_logical3A_102 = arith.constant 6 : i32
      %shift_right_logical3A_103 = vector.broadcast %shift_right_logical3A_102 : i32 to vector<16xi32>
      %shift_right_logical3A_104 = arith.shrui %xor3A_97, %shift_right_logical3A_103 : vector<16xi32>
      %or3A_105 = arith.ori %shift_left3A_101, %shift_right_logical3A_104 : vector<16xi32>
      %xor3A_106 = arith.xori %add3A_98, %or3A_105 : vector<16xi32>
      %add3A_107 = arith.addi %add3A_98, %xor3A_106 : vector<16xi32>
      %shift_left3A_108 = arith.constant 6 : i32
      %shift_left3A_109 = vector.broadcast %shift_left3A_108 : i32 to vector<16xi32>
      %shift_left3A_110 = arith.shli %xor3A_106, %shift_left3A_109 : vector<16xi32>
      %shift_right_logical3A_111 = arith.constant 26 : i32
      %shift_right_logical3A_112 = vector.broadcast %shift_right_logical3A_111 : i32 to vector<16xi32>
      %shift_right_logical3A_113 = arith.shrui %xor3A_106, %shift_right_logical3A_112 : vector<16xi32>
      %or3A_114 = arith.ori %shift_left3A_110, %shift_right_logical3A_113 : vector<16xi32>
      %xor3A_115 = arith.xori %add3A_107, %or3A_114 : vector<16xi32>
      %add3A_116 = arith.constant 255383827 : i32
      %add3A_117 = vector.broadcast %add3A_116 : i32 to vector<16xi32>
      %add3A_118 = arith.addi %add3A_107, %add3A_117 : vector<16xi32>
      %add3A_119 = arith.constant -2045582813 : i32
      %add3A_120 = vector.broadcast %add3A_119 : i32 to vector<16xi32>
      %add3A_121 = arith.addi %xor3A_115, %add3A_120 : vector<16xi32>
      %add3A_122 = arith.constant 1 : i32
      %add3A_123 = vector.broadcast %add3A_122 : i32 to vector<16xi32>
      %add3A_124 = arith.addi %add3A_121, %add3A_123 : vector<16xi32>
      %add3A_125 = arith.addi %add3A_118, %add3A_124 : vector<16xi32>
      %shift_left3A_126 = arith.constant 17 : i32
      %shift_left3A_127 = vector.broadcast %shift_left3A_126 : i32 to vector<16xi32>
      %shift_left3A_128 = arith.shli %add3A_124, %shift_left3A_127 : vector<16xi32>
      %shift_right_logical3A_129 = arith.constant 15 : i32
      %shift_right_logical3A_130 = vector.broadcast %shift_right_logical3A_129 : i32 to vector<16xi32>
      %shift_right_logical3A_131 = arith.shrui %add3A_124, %shift_right_logical3A_130 : vector<16xi32>
      %or3A_132 = arith.ori %shift_left3A_128, %shift_right_logical3A_131 : vector<16xi32>
      %xor3A_133 = arith.xori %add3A_125, %or3A_132 : vector<16xi32>
      %add3A_134 = arith.addi %add3A_125, %xor3A_133 : vector<16xi32>
      %shift_left3A_135 = arith.constant 29 : i32
      %shift_left3A_136 = vector.broadcast %shift_left3A_135 : i32 to vector<16xi32>
      %shift_left3A_137 = arith.shli %xor3A_133, %shift_left3A_136 : vector<16xi32>
      %shift_right_logical3A_138 = arith.constant 3 : i32
      %shift_right_logical3A_139 = vector.broadcast %shift_right_logical3A_138 : i32 to vector<16xi32>
      %shift_right_logical3A_140 = arith.shrui %xor3A_133, %shift_right_logical3A_139 : vector<16xi32>
      %or3A_141 = arith.ori %shift_left3A_137, %shift_right_logical3A_140 : vector<16xi32>
      %xor3A_142 = arith.xori %add3A_134, %or3A_141 : vector<16xi32>
      %add3A_143 = arith.addi %add3A_134, %xor3A_142 : vector<16xi32>
      %shift_left3A_144 = arith.constant 16 : i32
      %shift_left3A_145 = vector.broadcast %shift_left3A_144 : i32 to vector<16xi32>
      %shift_left3A_146 = arith.shli %xor3A_142, %shift_left3A_145 : vector<16xi32>
      %shift_right_logical3A_147 = arith.constant 16 : i32
      %shift_right_logical3A_148 = vector.broadcast %shift_right_logical3A_147 : i32 to vector<16xi32>
      %shift_right_logical3A_149 = arith.shrui %xor3A_142, %shift_right_logical3A_148 : vector<16xi32>
      %or3A_150 = arith.ori %shift_left3A_146, %shift_right_logical3A_149 : vector<16xi32>
      %xor3A_151 = arith.xori %add3A_143, %or3A_150 : vector<16xi32>
      %add3A_152 = arith.addi %add3A_143, %xor3A_151 : vector<16xi32>
      %shift_left3A_153 = arith.constant 24 : i32
      %shift_left3A_154 = vector.broadcast %shift_left3A_153 : i32 to vector<16xi32>
      %shift_left3A_155 = arith.shli %xor3A_151, %shift_left3A_154 : vector<16xi32>
      %shift_right_logical3A_156 = arith.constant 8 : i32
      %shift_right_logical3A_157 = vector.broadcast %shift_right_logical3A_156 : i32 to vector<16xi32>
      %shift_right_logical3A_158 = arith.shrui %xor3A_151, %shift_right_logical3A_157 : vector<16xi32>
      %or3A_159 = arith.ori %shift_left3A_155, %shift_right_logical3A_158 : vector<16xi32>
      %xor3A_160 = arith.xori %add3A_152, %or3A_159 : vector<16xi32>
      %add3A_161 = arith.constant -2045582813 : i32
      %add3A_162 = vector.broadcast %add3A_161 : i32 to vector<16xi32>
      %add3A_163 = arith.addi %add3A_152, %add3A_162 : vector<16xi32>
      %add3A_164 = arith.constant -1829035798 : i32
      %add3A_165 = vector.broadcast %add3A_164 : i32 to vector<16xi32>
      %add3A_166 = arith.addi %xor3A_160, %add3A_165 : vector<16xi32>
      %add3A_167 = arith.constant 2 : i32
      %add3A_168 = vector.broadcast %add3A_167 : i32 to vector<16xi32>
      %add3A_169 = arith.addi %add3A_166, %add3A_168 : vector<16xi32>
      %add3A_170 = arith.addi %add3A_163, %add3A_169 : vector<16xi32>
      %shift_left3A_171 = arith.constant 13 : i32
      %shift_left3A_172 = vector.broadcast %shift_left3A_171 : i32 to vector<16xi32>
      %shift_left3A_173 = arith.shli %add3A_169, %shift_left3A_172 : vector<16xi32>
      %shift_right_logical3A_174 = arith.constant 19 : i32
      %shift_right_logical3A_175 = vector.broadcast %shift_right_logical3A_174 : i32 to vector<16xi32>
      %shift_right_logical3A_176 = arith.shrui %add3A_169, %shift_right_logical3A_175 : vector<16xi32>
      %or3A_177 = arith.ori %shift_left3A_173, %shift_right_logical3A_176 : vector<16xi32>
      %xor3A_178 = arith.xori %add3A_170, %or3A_177 : vector<16xi32>
      %add3A_179 = arith.addi %add3A_170, %xor3A_178 : vector<16xi32>
      %shift_left3A_180 = arith.constant 15 : i32
      %shift_left3A_181 = vector.broadcast %shift_left3A_180 : i32 to vector<16xi32>
      %shift_left3A_182 = arith.shli %xor3A_178, %shift_left3A_181 : vector<16xi32>
      %shift_right_logical3A_183 = arith.constant 17 : i32
      %shift_right_logical3A_184 = vector.broadcast %shift_right_logical3A_183 : i32 to vector<16xi32>
      %shift_right_logical3A_185 = arith.shrui %xor3A_178, %shift_right_logical3A_184 : vector<16xi32>
      %or3A_186 = arith.ori %shift_left3A_182, %shift_right_logical3A_185 : vector<16xi32>
      %xor3A_187 = arith.xori %add3A_179, %or3A_186 : vector<16xi32>
      %add3A_188 = arith.addi %add3A_179, %xor3A_187 : vector<16xi32>
      %shift_left3A_189 = arith.constant 26 : i32
      %shift_left3A_190 = vector.broadcast %shift_left3A_189 : i32 to vector<16xi32>
      %shift_left3A_191 = arith.shli %xor3A_187, %shift_left3A_190 : vector<16xi32>
      %shift_right_logical3A_192 = arith.constant 6 : i32
      %shift_right_logical3A_193 = vector.broadcast %shift_right_logical3A_192 : i32 to vector<16xi32>
      %shift_right_logical3A_194 = arith.shrui %xor3A_187, %shift_right_logical3A_193 : vector<16xi32>
      %or3A_195 = arith.ori %shift_left3A_191, %shift_right_logical3A_194 : vector<16xi32>
      %xor3A_196 = arith.xori %add3A_188, %or3A_195 : vector<16xi32>
      %add3A_197 = arith.addi %add3A_188, %xor3A_196 : vector<16xi32>
      %shift_left3A_198 = arith.constant 6 : i32
      %shift_left3A_199 = vector.broadcast %shift_left3A_198 : i32 to vector<16xi32>
      %shift_left3A_200 = arith.shli %xor3A_196, %shift_left3A_199 : vector<16xi32>
      %shift_right_logical3A_201 = arith.constant 26 : i32
      %shift_right_logical3A_202 = vector.broadcast %shift_right_logical3A_201 : i32 to vector<16xi32>
      %shift_right_logical3A_203 = arith.shrui %xor3A_196, %shift_right_logical3A_202 : vector<16xi32>
      %or3A_204 = arith.ori %shift_left3A_200, %shift_right_logical3A_203 : vector<16xi32>
      %xor3A_205 = arith.xori %add3A_197, %or3A_204 : vector<16xi32>
      %add3A_206 = arith.constant -1829035798 : i32
      %add3A_207 = vector.broadcast %add3A_206 : i32 to vector<16xi32>
      %add3A_208 = arith.addi %add3A_197, %add3A_207 : vector<16xi32>
      %add3A_209 = arith.constant 255383827 : i32
      %add3A_210 = vector.broadcast %add3A_209 : i32 to vector<16xi32>
      %add3A_211 = arith.addi %xor3A_205, %add3A_210 : vector<16xi32>
      %add3A_212 = arith.constant 3 : i32
      %add3A_213 = vector.broadcast %add3A_212 : i32 to vector<16xi32>
      %add3A_214 = arith.addi %add3A_211, %add3A_213 : vector<16xi32>
      %add3A_215 = arith.addi %add3A_208, %add3A_214 : vector<16xi32>
      %shift_left3A_216 = arith.constant 17 : i32
      %shift_left3A_217 = vector.broadcast %shift_left3A_216 : i32 to vector<16xi32>
      %shift_left3A_218 = arith.shli %add3A_214, %shift_left3A_217 : vector<16xi32>
      %shift_right_logical3A_219 = arith.constant 15 : i32
      %shift_right_logical3A_220 = vector.broadcast %shift_right_logical3A_219 : i32 to vector<16xi32>
      %shift_right_logical3A_221 = arith.shrui %add3A_214, %shift_right_logical3A_220 : vector<16xi32>
      %or3A_222 = arith.ori %shift_left3A_218, %shift_right_logical3A_221 : vector<16xi32>
      %xor3A_223 = arith.xori %add3A_215, %or3A_222 : vector<16xi32>
      %add3A_224 = arith.addi %add3A_215, %xor3A_223 : vector<16xi32>
      %shift_left3A_225 = arith.constant 29 : i32
      %shift_left3A_226 = vector.broadcast %shift_left3A_225 : i32 to vector<16xi32>
      %shift_left3A_227 = arith.shli %xor3A_223, %shift_left3A_226 : vector<16xi32>
      %shift_right_logical3A_228 = arith.constant 3 : i32
      %shift_right_logical3A_229 = vector.broadcast %shift_right_logical3A_228 : i32 to vector<16xi32>
      %shift_right_logical3A_230 = arith.shrui %xor3A_223, %shift_right_logical3A_229 : vector<16xi32>
      %or3A_231 = arith.ori %shift_left3A_227, %shift_right_logical3A_230 : vector<16xi32>
      %xor3A_232 = arith.xori %add3A_224, %or3A_231 : vector<16xi32>
      %add3A_233 = arith.addi %add3A_224, %xor3A_232 : vector<16xi32>
      %shift_left3A_234 = arith.constant 16 : i32
      %shift_left3A_235 = vector.broadcast %shift_left3A_234 : i32 to vector<16xi32>
      %shift_left3A_236 = arith.shli %xor3A_232, %shift_left3A_235 : vector<16xi32>
      %shift_right_logical3A_237 = arith.constant 16 : i32
      %shift_right_logical3A_238 = vector.broadcast %shift_right_logical3A_237 : i32 to vector<16xi32>
      %shift_right_logical3A_239 = arith.shrui %xor3A_232, %shift_right_logical3A_238 : vector<16xi32>
      %or3A_240 = arith.ori %shift_left3A_236, %shift_right_logical3A_239 : vector<16xi32>
      %xor3A_241 = arith.xori %add3A_233, %or3A_240 : vector<16xi32>
      %add3A_242 = arith.addi %add3A_233, %xor3A_241 : vector<16xi32>
      %shift_left3A_243 = arith.constant 24 : i32
      %shift_left3A_244 = vector.broadcast %shift_left3A_243 : i32 to vector<16xi32>
      %shift_left3A_245 = arith.shli %xor3A_241, %shift_left3A_244 : vector<16xi32>
      %shift_right_logical3A_246 = arith.constant 8 : i32
      %shift_right_logical3A_247 = vector.broadcast %shift_right_logical3A_246 : i32 to vector<16xi32>
      %shift_right_logical3A_248 = arith.shrui %xor3A_241, %shift_right_logical3A_247 : vector<16xi32>
      %or3A_249 = arith.ori %shift_left3A_245, %shift_right_logical3A_248 : vector<16xi32>
      %xor3A_250 = arith.xori %add3A_242, %or3A_249 : vector<16xi32>
      %add3A_251 = arith.constant 255383827 : i32
      %add3A_252 = vector.broadcast %add3A_251 : i32 to vector<16xi32>
      %add3A_253 = arith.addi %add3A_242, %add3A_252 : vector<16xi32>
      %add3A_254 = arith.constant -2045582813 : i32
      %add3A_255 = vector.broadcast %add3A_254 : i32 to vector<16xi32>
      %add3A_256 = arith.addi %xor3A_250, %add3A_255 : vector<16xi32>
      %add3A_257 = arith.constant 4 : i32
      %add3A_258 = vector.broadcast %add3A_257 : i32 to vector<16xi32>
      %add3A_259 = arith.addi %add3A_256, %add3A_258 : vector<16xi32>
      %add3A_260 = arith.addi %add3A_253, %add3A_259 : vector<16xi32>
      %shift_left3A_261 = arith.constant 13 : i32
      %shift_left3A_262 = vector.broadcast %shift_left3A_261 : i32 to vector<16xi32>
      %shift_left3A_263 = arith.shli %add3A_259, %shift_left3A_262 : vector<16xi32>
      %shift_right_logical3A_264 = arith.constant 19 : i32
      %shift_right_logical3A_265 = vector.broadcast %shift_right_logical3A_264 : i32 to vector<16xi32>
      %shift_right_logical3A_266 = arith.shrui %add3A_259, %shift_right_logical3A_265 : vector<16xi32>
      %or3A_267 = arith.ori %shift_left3A_263, %shift_right_logical3A_266 : vector<16xi32>
      %xor3A_268 = arith.xori %add3A_260, %or3A_267 : vector<16xi32>
      %add3A_269 = arith.addi %add3A_260, %xor3A_268 : vector<16xi32>
      %shift_left3A_270 = arith.constant 15 : i32
      %shift_left3A_271 = vector.broadcast %shift_left3A_270 : i32 to vector<16xi32>
      %shift_left3A_272 = arith.shli %xor3A_268, %shift_left3A_271 : vector<16xi32>
      %shift_right_logical3A_273 = arith.constant 17 : i32
      %shift_right_logical3A_274 = vector.broadcast %shift_right_logical3A_273 : i32 to vector<16xi32>
      %shift_right_logical3A_275 = arith.shrui %xor3A_268, %shift_right_logical3A_274 : vector<16xi32>
      %or3A_276 = arith.ori %shift_left3A_272, %shift_right_logical3A_275 : vector<16xi32>
      %xor3A_277 = arith.xori %add3A_269, %or3A_276 : vector<16xi32>
      %add3A_278 = arith.addi %add3A_269, %xor3A_277 : vector<16xi32>
      %shift_left3A_279 = arith.constant 26 : i32
      %shift_left3A_280 = vector.broadcast %shift_left3A_279 : i32 to vector<16xi32>
      %shift_left3A_281 = arith.shli %xor3A_277, %shift_left3A_280 : vector<16xi32>
      %shift_right_logical3A_282 = arith.constant 6 : i32
      %shift_right_logical3A_283 = vector.broadcast %shift_right_logical3A_282 : i32 to vector<16xi32>
      %shift_right_logical3A_284 = arith.shrui %xor3A_277, %shift_right_logical3A_283 : vector<16xi32>
      %or3A_285 = arith.ori %shift_left3A_281, %shift_right_logical3A_284 : vector<16xi32>
      %xor3A_286 = arith.xori %add3A_278, %or3A_285 : vector<16xi32>
      %add3A_287 = arith.addi %add3A_278, %xor3A_286 : vector<16xi32>
      %shift_left3A_288 = arith.constant 6 : i32
      %shift_left3A_289 = vector.broadcast %shift_left3A_288 : i32 to vector<16xi32>
      %shift_left3A_290 = arith.shli %xor3A_286, %shift_left3A_289 : vector<16xi32>
      %shift_right_logical3A_291 = arith.constant 26 : i32
      %shift_right_logical3A_292 = vector.broadcast %shift_right_logical3A_291 : i32 to vector<16xi32>
      %shift_right_logical3A_293 = arith.shrui %xor3A_286, %shift_right_logical3A_292 : vector<16xi32>
      %or3A_294 = arith.ori %shift_left3A_290, %shift_right_logical3A_293 : vector<16xi32>
      %xor3A_295 = arith.xori %add3A_287, %or3A_294 : vector<16xi32>
      %add3A_296 = arith.constant -2045582813 : i32
      %add3A_297 = vector.broadcast %add3A_296 : i32 to vector<16xi32>
      %add3A_298 = arith.addi %add3A_287, %add3A_297 : vector<16xi32>
      %add3A_299 = arith.constant -1829035798 : i32
      %add3A_300 = vector.broadcast %add3A_299 : i32 to vector<16xi32>
      %add3A_301 = arith.addi %xor3A_295, %add3A_300 : vector<16xi32>
      %add3A_302 = arith.constant 5 : i32
      %add3A_303 = vector.broadcast %add3A_302 : i32 to vector<16xi32>
      %add3A_304 = arith.addi %add3A_301, %add3A_303 : vector<16xi32>
      %xor3A_305 = arith.xori %add3A_298, %add3A_304 : vector<16xi32>
      %swap3A = arith.index_cast %shift_right_logical3A_69 : i32 to index
      %swap3A_306 = arith.index_cast %multiple_of3A : i32 to index
      %swap3A_307 = tpu.vector_load %arg3[%swap3A, %swap3A_306] {strides = array<i32>} : memref<32x1024xi32, #tpu.memory_space<vmem>>, vector<1x16xi32>,
      %swap3A_308 = vector.shape_cast %swap3A_307 : vector<1x16xi32> to vector<16xi32>
      %swap3A_309 = vector.shape_cast %xor3A_305 : vector<16xi32> to vector<1x16xi32>
      tpu.vector_store %arg3[%swap3A, %swap3A_306], %swap3A_309 {strides = array<i32>} : memref<32x1024xi32, #tpu.memory_space<vmem>>, vector<1x16xi32>,
      %mul3A_310 = arith.constant 4 : i32
      %mul3A_311 = arith.muli %scan3A_64, %mul3A_310 : i32
      %add3A_312 = arith.constant 1 : i32
      %add3A_313 = arith.addi %mul3A_311, %add3A_312 : i32
      %shift_right_logical3A_314 = arith.constant 6 : i32
      %shift_right_logical3A_315 = arith.shrui %add3A_313, %shift_right_logical3A_314 : i32
      %and3A_316 = arith.constant 63 : i32
      %and3A_317 = arith.andi %add3A_313, %and3A_316 : i32
      %shift_left3A_318 = arith.constant 4 : i32
      %shift_left3A_319 = arith.shli %and3A_317, %shift_left3A_318 : i32
      %multiple_of3A_320 = tpu.assume_multiple %shift_left3A_319, 16 : i32
      %add3A_321 = arith.addi %add3A_29, %shift_right_logical3A_315 : i32
      %mul3A_322 = arith.constant 1000 : i32
      %mul3A_323 = arith.muli %add3A_321, %mul3A_322 : i32
      %add3A_324 = arith.addi %mul3A_323, %multiple_of3A_320 : i32
      %add3A_325 = vector.broadcast %add3A_324 : i32 to vector<16xi32>
      %add3A_326 = arith.addi %iota3A, %add3A_325 : vector<16xi32>
      %broadcast_in_dim3A_327 = arith.constant -1829035798 : i32
      %broadcast_in_dim3A_328 = vector.broadcast %broadcast_in_dim3A_327 : i32 to vector<16xi32>
      %add3A_329 = arith.constant 255383827 : i32
      %add3A_330 = vector.broadcast %add3A_329 : i32 to vector<16xi32>
      %add3A_331 = arith.addi %add3A_326, %add3A_330 : vector<16xi32>
      %add3A_332 = arith.addi %broadcast_in_dim3A_328, %add3A_331 : vector<16xi32>
      %shift_left3A_333 = arith.constant 13 : i32
      %shift_left3A_334 = vector.broadcast %shift_left3A_333 : i32 to vector<16xi32>
      %shift_left3A_335 = arith.shli %add3A_331, %shift_left3A_334 : vector<16xi32>
      %shift_right_logical3A_336 = arith.constant 19 : i32
      %shift_right_logical3A_337 = vector.broadcast %shift_right_logical3A_336 : i32 to vector<16xi32>
      %shift_right_logical3A_338 = arith.shrui %add3A_331, %shift_right_logical3A_337 : vector<16xi32>
      %or3A_339 = arith.ori %shift_left3A_335, %shift_right_logical3A_338 : vector<16xi32>
      %xor3A_340 = arith.xori %add3A_332, %or3A_339 : vector<16xi32>
      %add3A_341 = arith.addi %add3A_332, %xor3A_340 : vector<16xi32>
      %shift_left3A_342 = arith.constant 15 : i32
      %shift_left3A_343 = vector.broadcast %shift_left3A_342 : i32 to vector<16xi32>
      %shift_left3A_344 = arith.shli %xor3A_340, %shift_left3A_343 : vector<16xi32>
      %shift_right_logical3A_345 = arith.constant 17 : i32
      %shift_right_logical3A_346 = vector.broadcast %shift_right_logical3A_345 : i32 to vector<16xi32>
      %shift_right_logical3A_347 = arith.shrui %xor3A_340, %shift_right_logical3A_346 : vector<16xi32>
      %or3A_348 = arith.ori %shift_left3A_344, %shift_right_logical3A_347 : vector<16xi32>
      %xor3A_349 = arith.xori %add3A_341, %or3A_348 : vector<16xi32>
      %add3A_350 = arith.addi %add3A_341, %xor3A_349 : vector<16xi32>
      %shift_left3A_351 = arith.constant 26 : i32
      %shift_left3A_352 = vector.broadcast %shift_left3A_351 : i32 to vector<16xi32>
      %shift_left3A_353 = arith.shli %xor3A_349, %shift_left3A_352 : vector<16xi32>
      %shift_right_logical3A_354 = arith.constant 6 : i32
      %shift_right_logical3A_355 = vector.broadcast %shift_right_logical3A_354 : i32 to vector<16xi32>
      %shift_right_logical3A_356 = arith.shrui %xor3A_349, %shift_right_logical3A_355 : vector<16xi32>
      %or3A_357 = arith.ori %shift_left3A_353, %shift_right_logical3A_356 : vector<16xi32>
      %xor3A_358 = arith.xori %add3A_350, %or3A_357 : vector<16xi32>
      %add3A_359 = arith.addi %add3A_350, %xor3A_358 : vector<16xi32>
      %shift_left3A_360 = arith.constant 6 : i32
      %shift_left3A_361 = vector.broadcast %shift_left3A_360 : i32 to vector<16xi32>
      %shift_left3A_362 = arith.shli %xor3A_358, %shift_left3A_361 : vector<16xi32>
      %shift_right_logical3A_363 = arith.constant 26 : i32
      %shift_right_logical3A_364 = vector.broadcast %shift_right_logical3A_363 : i32 to vector<16xi32>
      %shift_right_logical3A_365 = arith.shrui %xor3A_358, %shift_right_logical3A_364 : vector<16xi32>
      %or3A_366 = arith.ori %shift_left3A_362, %shift_right_logical3A_365 : vector<16xi32>
      %xor3A_367 = arith.xori %add3A_359, %or3A_366 : vector<16xi32>
      %add3A_368 = arith.constant 255383827 : i32
      %add3A_369 = vector.broadcast %add3A_368 : i32 to vector<16xi32>
      %add3A_370 = arith.addi %add3A_359, %add3A_369 : vector<16xi32>
      %add3A_371 = arith.constant -2045582813 : i32
      %add3A_372 = vector.broadcast %add3A_371 : i32 to vector<16xi32>
      %add3A_373 = arith.addi %xor3A_367, %add3A_372 : vector<16xi32>
      %add3A_374 = arith.constant 1 : i32
      %add3A_375 = vector.broadcast %add3A_374 : i32 to vector<16xi32>
      %add3A_376 = arith.addi %add3A_373, %add3A_375 : vector<16xi32>
      %add3A_377 = arith.addi %add3A_370, %add3A_376 : vector<16xi32>
      %shift_left3A_378 = arith.constant 17 : i32
      %shift_left3A_379 = vector.broadcast %shift_left3A_378 : i32 to vector<16xi32>
      %shift_left3A_380 = arith.shli %add3A_376, %shift_left3A_379 : vector<16xi32>
      %shift_right_logical3A_381 = arith.constant 15 : i32
      %shift_right_logical3A_382 = vector.broadcast %shift_right_logical3A_381 : i32 to vector<16xi32>
      %shift_right_logical3A_383 = arith.shrui %add3A_376, %shift_right_logical3A_382 : vector<16xi32>
      %or3A_384 = arith.ori %shift_left3A_380, %shift_right_logical3A_383 : vector<16xi32>
      %xor3A_385 = arith.xori %add3A_377, %or3A_384 : vector<16xi32>
      %add3A_386 = arith.addi %add3A_377, %xor3A_385 : vector<16xi32>
      %shift_left3A_387 = arith.constant 29 : i32
      %shift_left3A_388 = vector.broadcast %shift_left3A_387 : i32 to vector<16xi32>
      %shift_left3A_389 = arith.shli %xor3A_385, %shift_left3A_388 : vector<16xi32>
      %shift_right_logical3A_390 = arith.constant 3 : i32
      %shift_right_logical3A_391 = vector.broadcast %shift_right_logical3A_390 : i32 to vector<16xi32>
      %shift_right_logical3A_392 = arith.shrui %xor3A_385, %shift_right_logical3A_391 : vector<16xi32>
      %or3A_393 = arith.ori %shift_left3A_389, %shift_right_logical3A_392 : vector<16xi32>
      %xor3A_394 = arith.xori %add3A_386, %or3A_393 : vector<16xi32>
      %add3A_395 = arith.addi %add3A_386, %xor3A_394 : vector<16xi32>
      %shift_left3A_396 = arith.constant 16 : i32
      %shift_left3A_397 = vector.broadcast %shift_left3A_396 : i32 to vector<16xi32>
      %shift_left3A_398 = arith.shli %xor3A_394, %shift_left3A_397 : vector<16xi32>
      %shift_right_logical3A_399 = arith.constant 16 : i32
      %shift_right_logical3A_400 = vector.broadcast %shift_right_logical3A_399 : i32 to vector<16xi32>
      %shift_right_logical3A_401 = arith.shrui %xor3A_394, %shift_right_logical3A_400 : vector<16xi32>
      %or3A_402 = arith.ori %shift_left3A_398, %shift_right_logical3A_401 : vector<16xi32>
      %xor3A_403 = arith.xori %add3A_395, %or3A_402 : vector<16xi32>
      %add3A_404 = arith.addi %add3A_395, %xor3A_403 : vector<16xi32>
      %shift_left3A_405 = arith.constant 24 : i32
      %shift_left3A_406 = vector.broadcast %shift_left3A_405 : i32 to vector<16xi32>
      %shift_left3A_407 = arith.shli %xor3A_403, %shift_left3A_406 : vector<16xi32>
      %shift_right_logical3A_408 = arith.constant 8 : i32
      %shift_right_logical3A_409 = vector.broadcast %shift_right_logical3A_408 : i32 to vector<16xi32>
      %shift_right_logical3A_410 = arith.shrui %xor3A_403, %shift_right_logical3A_409 : vector<16xi32>
      %or3A_411 = arith.ori %shift_left3A_407, %shift_right_logical3A_410 : vector<16xi32>
      %xor3A_412 = arith.xori %add3A_404, %or3A_411 : vector<16xi32>
      %add3A_413 = arith.constant -2045582813 : i32
      %add3A_414 = vector.broadcast %add3A_413 : i32 to vector<16xi32>
      %add3A_415 = arith.addi %add3A_404, %add3A_414 : vector<16xi32>
      %add3A_416 = arith.constant -1829035798 : i32
      %add3A_417 = vector.broadcast %add3A_416 : i32 to vector<16xi32>
      %add3A_418 = arith.addi %xor3A_412, %add3A_417 : vector<16xi32>
      %add3A_419 = arith.constant 2 : i32
      %add3A_420 = vector.broadcast %add3A_419 : i32 to vector<16xi32>
      %add3A_421 = arith.addi %add3A_418, %add3A_420 : vector<16xi32>
      %add3A_422 = arith.addi %add3A_415, %add3A_421 : vector<16xi32>
      %shift_left3A_423 = arith.constant 13 : i32
      %shift_left3A_424 = vector.broadcast %shift_left3A_423 : i32 to vector<16xi32>
      %shift_left3A_425 = arith.shli %add3A_421, %shift_left3A_424 : vector<16xi32>
      %shift_right_logical3A_426 = arith.constant 19 : i32
      %shift_right_logical3A_427 = vector.broadcast %shift_right_logical3A_426 : i32 to vector<16xi32>
      %shift_right_logical3A_428 = arith.shrui %add3A_421, %shift_right_logical3A_427 : vector<16xi32>
      %or3A_429 = arith.ori %shift_left3A_425, %shift_right_logical3A_428 : vector<16xi32>
      %xor3A_430 = arith.xori %add3A_422, %or3A_429 : vector<16xi32>
      %add3A_431 = arith.addi %add3A_422, %xor3A_430 : vector<16xi32>
      %shift_left3A_432 = arith.constant 15 : i32
      %shift_left3A_433 = vector.broadcast %shift_left3A_432 : i32 to vector<16xi32>
      %shift_left3A_434 = arith.shli %xor3A_430, %shift_left3A_433 : vector<16xi32>
      %shift_right_logical3A_435 = arith.constant 17 : i32
      %shift_right_logical3A_436 = vector.broadcast %shift_right_logical3A_435 : i32 to vector<16xi32>
      %shift_right_logical3A_437 = arith.shrui %xor3A_430, %shift_right_logical3A_436 : vector<16xi32>
      %or3A_438 = arith.ori %shift_left3A_434, %shift_right_logical3A_437 : vector<16xi32>
      %xor3A_439 = arith.xori %add3A_431, %or3A_438 : vector<16xi32>
      %add3A_440 = arith.addi %add3A_431, %xor3A_439 : vector<16xi32>
      %shift_left3A_441 = arith.constant 26 : i32
      %shift_left3A_442 = vector.broadcast %shift_left3A_441 : i32 to vector<16xi32>
      %shift_left3A_443 = arith.shli %xor3A_439, %shift_left3A_442 : vector<16xi32>
      %shift_right_logical3A_444 = arith.constant 6 : i32
      %shift_right_logical3A_445 = vector.broadcast %shift_right_logical3A_444 : i32 to vector<16xi32>
      %shift_right_logical3A_446 = arith.shrui %xor3A_439, %shift_right_logical3A_445 : vector<16xi32>
      %or3A_447 = arith.ori %shift_left3A_443, %shift_right_logical3A_446 : vector<16xi32>
      %xor3A_448 = arith.xori %add3A_440, %or3A_447 : vector<16xi32>
      %add3A_449 = arith.addi %add3A_440, %xor3A_448 : vector<16xi32>
      %shift_left3A_450 = arith.constant 6 : i32
      %shift_left3A_451 = vector.broadcast %shift_left3A_450 : i32 to vector<16xi32>
      %shift_left3A_452 = arith.shli %xor3A_448, %shift_left3A_451 : vector<16xi32>
      %shift_right_logical3A_453 = arith.constant 26 : i32
      %shift_right_logical3A_454 = vector.broadcast %shift_right_logical3A_453 : i32 to vector<16xi32>
      %shift_right_logical3A_455 = arith.shrui %xor3A_448, %shift_right_logical3A_454 : vector<16xi32>
      %or3A_456 = arith.ori %shift_left3A_452, %shift_right_logical3A_455 : vector<16xi32>
      %xor3A_457 = arith.xori %add3A_449, %or3A_456 : vector<16xi32>
      %add3A_458 = arith.constant -1829035798 : i32
      %add3A_459 = vector.broadcast %add3A_458 : i32 to vector<16xi32>
      %add3A_460 = arith.addi %add3A_449, %add3A_459 : vector<16xi32>
      %add3A_461 = arith.constant 255383827 : i32
      %add3A_462 = vector.broadcast %add3A_461 : i32 to vector<16xi32>
      %add3A_463 = arith.addi %xor3A_457, %add3A_462 : vector<16xi32>
      %add3A_464 = arith.constant 3 : i32
      %add3A_465 = vector.broadcast %add3A_464 : i32 to vector<16xi32>
      %add3A_466 = arith.addi %add3A_463, %add3A_465 : vector<16xi32>
      %add3A_467 = arith.addi %add3A_460, %add3A_466 : vector<16xi32>
      %shift_left3A_468 = arith.constant 17 : i32
      %shift_left3A_469 = vector.broadcast %shift_left3A_468 : i32 to vector<16xi32>
      %shift_left3A_470 = arith.shli %add3A_466, %shift_left3A_469 : vector<16xi32>
      %shift_right_logical3A_471 = arith.constant 15 : i32
      %shift_right_logical3A_472 = vector.broadcast %shift_right_logical3A_471 : i32 to vector<16xi32>
      %shift_right_logical3A_473 = arith.shrui %add3A_466, %shift_right_logical3A_472 : vector<16xi32>
      %or3A_474 = arith.ori %shift_left3A_470, %shift_right_logical3A_473 : vector<16xi32>
      %xor3A_475 = arith.xori %add3A_467, %or3A_474 : vector<16xi32>
      %add3A_476 = arith.addi %add3A_467, %xor3A_475 : vector<16xi32>
      %shift_left3A_477 = arith.constant 29 : i32
      %shift_left3A_478 = vector.broadcast %shift_left3A_477 : i32 to vector<16xi32>
      %shift_left3A_479 = arith.shli %xor3A_475, %shift_left3A_478 : vector<16xi32>
      %shift_right_logical3A_480 = arith.constant 3 : i32
      %shift_right_logical3A_481 = vector.broadcast %shift_right_logical3A_480 : i32 to vector<16xi32>
      %shift_right_logical3A_482 = arith.shrui %xor3A_475, %shift_right_logical3A_481 : vector<16xi32>
      %or3A_483 = arith.ori %shift_left3A_479, %shift_right_logical3A_482 : vector<16xi32>
      %xor3A_484 = arith.xori %add3A_476, %or3A_483 : vector<16xi32>
      %add3A_485 = arith.addi %add3A_476, %xor3A_484 : vector<16xi32>
      %shift_left3A_486 = arith.constant 16 : i32
      %shift_left3A_487 = vector.broadcast %shift_left3A_486 : i32 to vector<16xi32>
      %shift_left3A_488 = arith.shli %xor3A_484, %shift_left3A_487 : vector<16xi32>
      %shift_right_logical3A_489 = arith.constant 16 : i32
      %shift_right_logical3A_490 = vector.broadcast %shift_right_logical3A_489 : i32 to vector<16xi32>
      %shift_right_logical3A_491 = arith.shrui %xor3A_484, %shift_right_logical3A_490 : vector<16xi32>
      %or3A_492 = arith.ori %shift_left3A_488, %shift_right_logical3A_491 : vector<16xi32>
      %xor3A_493 = arith.xori %add3A_485, %or3A_492 : vector<16xi32>
      %add3A_494 = arith.addi %add3A_485, %xor3A_493 : vector<16xi32>
      %shift_left3A_495 = arith.constant 24 : i32
      %shift_left3A_496 = vector.broadcast %shift_left3A_495 : i32 to vector<16xi32>
      %shift_left3A_497 = arith.shli %xor3A_493, %shift_left3A_496 : vector<16xi32>
      %shift_right_logical3A_498 = arith.constant 8 : i32
      %shift_right_logical3A_499 = vector.broadcast %shift_right_logical3A_498 : i32 to vector<16xi32>
      %shift_right_logical3A_500 = arith.shrui %xor3A_493, %shift_right_logical3A_499 : vector<16xi32>
      %or3A_501 = arith.ori %shift_left3A_497, %shift_right_logical3A_500 : vector<16xi32>
      %xor3A_502 = arith.xori %add3A_494, %or3A_501 : vector<16xi32>
      %add3A_503 = arith.constant 255383827 : i32
      %add3A_504 = vector.broadcast %add3A_503 : i32 to vector<16xi32>
      %add3A_505 = arith.addi %add3A_494, %add3A_504 : vector<16xi32>
      %add3A_506 = arith.constant -2045582813 : i32
      %add3A_507 = vector.broadcast %add3A_506 : i32 to vector<16xi32>
      %add3A_508 = arith.addi %xor3A_502, %add3A_507 : vector<16xi32>
      %add3A_509 = arith.constant 4 : i32
      %add3A_510 = vector.broadcast %add3A_509 : i32 to vector<16xi32>
      %add3A_511 = arith.addi %add3A_508, %add3A_510 : vector<16xi32>
      %add3A_512 = arith.addi %add3A_505, %add3A_511 : vector<16xi32>
      %shift_left3A_513 = arith.constant 13 : i32
      %shift_left3A_514 = vector.broadcast %shift_left3A_513 : i32 to vector<16xi32>
      %shift_left3A_515 = arith.shli %add3A_511, %shift_left3A_514 : vector<16xi32>
      %shift_right_logical3A_516 = arith.constant 19 : i32
      %shift_right_logical3A_517 = vector.broadcast %shift_right_logical3A_516 : i32 to vector<16xi32>
      %shift_right_logical3A_518 = arith.shrui %add3A_511, %shift_right_logical3A_517 : vector<16xi32>
      %or3A_519 = arith.ori %shift_left3A_515, %shift_right_logical3A_518 : vector<16xi32>
      %xor3A_520 = arith.xori %add3A_512, %or3A_519 : vector<16xi32>
      %add3A_521 = arith.addi %add3A_512, %xor3A_520 : vector<16xi32>
      %shift_left3A_522 = arith.constant 15 : i32
      %shift_left3A_523 = vector.broadcast %shift_left3A_522 : i32 to vector<16xi32>
      %shift_left3A_524 = arith.shli %xor3A_520, %shift_left3A_523 : vector<16xi32>
      %shift_right_logical3A_525 = arith.constant 17 : i32
      %shift_right_logical3A_526 = vector.broadcast %shift_right_logical3A_525 : i32 to vector<16xi32>
      %shift_right_logical3A_527 = arith.shrui %xor3A_520, %shift_right_logical3A_526 : vector<16xi32>
      %or3A_528 = arith.ori %shift_left3A_524, %shift_right_logical3A_527 : vector<16xi32>
      %xor3A_529 = arith.xori %add3A_521, %or3A_528 : vector<16xi32>
      %add3A_530 = arith.addi %add3A_521, %xor3A_529 : vector<16xi32>
      %shift_left3A_531 = arith.constant 26 : i32
      %shift_left3A_532 = vector.broadcast %shift_left3A_531 : i32 to vector<16xi32>
      %shift_left3A_533 = arith.shli %xor3A_529, %shift_left3A_532 : vector<16xi32>
      %shift_right_logical3A_534 = arith.constant 6 : i32
      %shift_right_logical3A_535 = vector.broadcast %shift_right_logical3A_534 : i32 to vector<16xi32>
      %shift_right_logical3A_536 = arith.shrui %xor3A_529, %shift_right_logical3A_535 : vector<16xi32>
      %or3A_537 = arith.ori %shift_left3A_533, %shift_right_logical3A_536 : vector<16xi32>
      %xor3A_538 = arith.xori %add3A_530, %or3A_537 : vector<16xi32>
      %add3A_539 = arith.addi %add3A_530, %xor3A_538 : vector<16xi32>
      %shift_left3A_540 = arith.constant 6 : i32
      %shift_left3A_541 = vector.broadcast %shift_left3A_540 : i32 to vector<16xi32>
      %shift_left3A_542 = arith.shli %xor3A_538, %shift_left3A_541 : vector<16xi32>
      %shift_right_logical3A_543 = arith.constant 26 : i32
      %shift_right_logical3A_544 = vector.broadcast %shift_right_logical3A_543 : i32 to vector<16xi32>
      %shift_right_logical3A_545 = arith.shrui %xor3A_538, %shift_right_logical3A_544 : vector<16xi32>
      %or3A_546 = arith.ori %shift_left3A_542, %shift_right_logical3A_545 : vector<16xi32>
      %xor3A_547 = arith.xori %add3A_539, %or3A_546 : vector<16xi32>
      %add3A_548 = arith.constant -2045582813 : i32
      %add3A_549 = vector.broadcast %add3A_548 : i32 to vector<16xi32>
      %add3A_550 = arith.addi %add3A_539, %add3A_549 : vector<16xi32>
      %add3A_551 = arith.constant -1829035798 : i32
      %add3A_552 = vector.broadcast %add3A_551 : i32 to vector<16xi32>
      %add3A_553 = arith.addi %xor3A_547, %add3A_552 : vector<16xi32>
      %add3A_554 = arith.constant 5 : i32
      %add3A_555 = vector.broadcast %add3A_554 : i32 to vector<16xi32>
      %add3A_556 = arith.addi %add3A_553, %add3A_555 : vector<16xi32>
      %xor3A_557 = arith.xori %add3A_550, %add3A_556 : vector<16xi32>
      %swap3A_558 = arith.index_cast %shift_right_logical3A_315 : i32 to index
      %swap3A_559 = arith.index_cast %multiple_of3A_320 : i32 to index
      %swap3A_560 = tpu.vector_load %arg3[%swap3A_558, %swap3A_559] {strides = array<i32>} : memref<32x1024xi32, #tpu.memory_space<vmem>>, vector<1x16xi32>,
      %swap3A_561 = vector.shape_cast %swap3A_560 : vector<1x16xi32> to vector<16xi32>
      %swap3A_562 = vector.shape_cast %xor3A_557 : vector<16xi32> to vector<1x16xi32>
      tpu.vector_store %arg3[%swap3A_558, %swap3A_559], %swap3A_562 {strides = array<i32>} : memref<32x1024xi32, #tpu.memory_space<vmem>>, vector<1x16xi32>,
      %mul3A_563 = arith.constant 4 : i32
      %mul3A_564 = arith.muli %scan3A_64, %mul3A_563 : i32
      %add3A_565 = arith.constant 2 : i32
      %add3A_566 = arith.addi %mul3A_564, %add3A_565 : i32
      %shift_right_logical3A_567 = arith.constant 6 : i32
      %shift_right_logical3A_568 = arith.shrui %add3A_566, %shift_right_logical3A_567 : i32
      %and3A_569 = arith.constant 63 : i32
      %and3A_570 = arith.andi %add3A_566, %and3A_569 : i32
      %shift_left3A_571 = arith.constant 4 : i32
      %shift_left3A_572 = arith.shli %and3A_570, %shift_left3A_571 : i32
      %multiple_of3A_573 = tpu.assume_multiple %shift_left3A_572, 16 : i32
      %add3A_574 = arith.addi %add3A_29, %shift_right_logical3A_568 : i32
      %mul3A_575 = arith.constant 1000 : i32
      %mul3A_576 = arith.muli %add3A_574, %mul3A_575 : i32
      %add3A_577 = arith.addi %mul3A_576, %multiple_of3A_573 : i32
      %add3A_578 = vector.broadcast %add3A_577 : i32 to vector<16xi32>
      %add3A_579 = arith.addi %iota3A, %add3A_578 : vector<16xi32>
      %broadcast_in_dim3A_580 = arith.constant -1829035798 : i32
      %broadcast_in_dim3A_581 = vector.broadcast %broadcast_in_dim3A_580 : i32 to vector<16xi32>
      %add3A_582 = arith.constant 255383827 : i32
      %add3A_583 = vector.broadcast %add3A_582 : i32 to vector<16xi32>
      %add3A_584 = arith.addi %add3A_579, %add3A_583 : vector<16xi32>
      %add3A_585 = arith.addi %broadcast_in_dim3A_581, %add3A_584 : vector<16xi32>
      %shift_left3A_586 = arith.constant 13 : i32
      %shift_left3A_587 = vector.broadcast %shift_left3A_586 : i32 to vector<16xi32>
      %shift_left3A_588 = arith.shli %add3A_584, %shift_left3A_587 : vector<16xi32>
      %shift_right_logical3A_589 = arith.constant 19 : i32
      %shift_right_logical3A_590 = vector.broadcast %shift_right_logical3A_589 : i32 to vector<16xi32>
      %shift_right_logical3A_591 = arith.shrui %add3A_584, %shift_right_logical3A_590 : vector<16xi32>
      %or3A_592 = arith.ori %shift_left3A_588, %shift_right_logical3A_591 : vector<16xi32>
      %xor3A_593 = arith.xori %add3A_585, %or3A_592 : vector<16xi32>
      %add3A_594 = arith.addi %add3A_585, %xor3A_593 : vector<16xi32>
      %shift_left3A_595 = arith.constant 15 : i32
      %shift_left3A_596 = vector.broadcast %shift_left3A_595 : i32 to vector<16xi32>
      %shift_left3A_597 = arith.shli %xor3A_593, %shift_left3A_596 : vector<16xi32>
      %shift_right_logical3A_598 = arith.constant 17 : i32
      %shift_right_logical3A_599 = vector.broadcast %shift_right_logical3A_598 : i32 to vector<16xi32>
      %shift_right_logical3A_600 = arith.shrui %xor3A_593, %shift_right_logical3A_599 : vector<16xi32>
      %or3A_601 = arith.ori %shift_left3A_597, %shift_right_logical3A_600 : vector<16xi32>
      %xor3A_602 = arith.xori %add3A_594, %or3A_601 : vector<16xi32>
      %add3A_603 = arith.addi %add3A_594, %xor3A_602 : vector<16xi32>
      %shift_left3A_604 = arith.constant 26 : i32
      %shift_left3A_605 = vector.broadcast %shift_left3A_604 : i32 to vector<16xi32>
      %shift_left3A_606 = arith.shli %xor3A_602, %shift_left3A_605 : vector<16xi32>
      %shift_right_logical3A_607 = arith.constant 6 : i32
      %shift_right_logical3A_608 = vector.broadcast %shift_right_logical3A_607 : i32 to vector<16xi32>
      %shift_right_logical3A_609 = arith.shrui %xor3A_602, %shift_right_logical3A_608 : vector<16xi32>
      %or3A_610 = arith.ori %shift_left3A_606, %shift_right_logical3A_609 : vector<16xi32>
      %xor3A_611 = arith.xori %add3A_603, %or3A_610 : vector<16xi32>
      %add3A_612 = arith.addi %add3A_603, %xor3A_611 : vector<16xi32>
      %shift_left3A_613 = arith.constant 6 : i32
      %shift_left3A_614 = vector.broadcast %shift_left3A_613 : i32 to vector<16xi32>
      %shift_left3A_615 = arith.shli %xor3A_611, %shift_left3A_614 : vector<16xi32>
      %shift_right_logical3A_616 = arith.constant 26 : i32
      %shift_right_logical3A_617 = vector.broadcast %shift_right_logical3A_616 : i32 to vector<16xi32>
      %shift_right_logical3A_618 = arith.shrui %xor3A_611, %shift_right_logical3A_617 : vector<16xi32>
      %or3A_619 = arith.ori %shift_left3A_615, %shift_right_logical3A_618 : vector<16xi32>
      %xor3A_620 = arith.xori %add3A_612, %or3A_619 : vector<16xi32>
      %add3A_621 = arith.constant 255383827 : i32
      %add3A_622 = vector.broadcast %add3A_621 : i32 to vector<16xi32>
      %add3A_623 = arith.addi %add3A_612, %add3A_622 : vector<16xi32>
      %add3A_624 = arith.constant -2045582813 : i32
      %add3A_625 = vector.broadcast %add3A_624 : i32 to vector<16xi32>
      %add3A_626 = arith.addi %xor3A_620, %add3A_625 : vector<16xi32>
      %add3A_627 = arith.constant 1 : i32
      %add3A_628 = vector.broadcast %add3A_627 : i32 to vector<16xi32>
      %add3A_629 = arith.addi %add3A_626, %add3A_628 : vector<16xi32>
      %add3A_630 = arith.addi %add3A_623, %add3A_629 : vector<16xi32>
      %shift_left3A_631 = arith.constant 17 : i32
      %shift_left3A_632 = vector.broadcast %shift_left3A_631 : i32 to vector<16xi32>
      %shift_left3A_633 = arith.shli %add3A_629, %shift_left3A_632 : vector<16xi32>
      %shift_right_logical3A_634 = arith.constant 15 : i32
      %shift_right_logical3A_635 = vector.broadcast %shift_right_logical3A_634 : i32 to vector<16xi32>
      %shift_right_logical3A_636 = arith.shrui %add3A_629, %shift_right_logical3A_635 : vector<16xi32>
      %or3A_637 = arith.ori %shift_left3A_633, %shift_right_logical3A_636 : vector<16xi32>
      %xor3A_638 = arith.xori %add3A_630, %or3A_637 : vector<16xi32>
      %add3A_639 = arith.addi %add3A_630, %xor3A_638 : vector<16xi32>
      %shift_left3A_640 = arith.constant 29 : i32
      %shift_left3A_641 = vector.broadcast %shift_left3A_640 : i32 to vector<16xi32>
      %shift_left3A_642 = arith.shli %xor3A_638, %shift_left3A_641 : vector<16xi32>
      %shift_right_logical3A_643 = arith.constant 3 : i32
      %shift_right_logical3A_644 = vector.broadcast %shift_right_logical3A_643 : i32 to vector<16xi32>
      %shift_right_logical3A_645 = arith.shrui %xor3A_638, %shift_right_logical3A_644 : vector<16xi32>
      %or3A_646 = arith.ori %shift_left3A_642, %shift_right_logical3A_645 : vector<16xi32>
      %xor3A_647 = arith.xori %add3A_639, %or3A_646 : vector<16xi32>
      %add3A_648 = arith.addi %add3A_639, %xor3A_647 : vector<16xi32>
      %shift_left3A_649 = arith.constant 16 : i32
      %shift_left3A_650 = vector.broadcast %shift_left3A_649 : i32 to vector<16xi32>
      %shift_left3A_651 = arith.shli %xor3A_647, %shift_left3A_650 : vector<16xi32>
      %shift_right_logical3A_652 = arith.constant 16 : i32
      %shift_right_logical3A_653 = vector.broadcast %shift_right_logical3A_652 : i32 to vector<16xi32>
      %shift_right_logical3A_654 = arith.shrui %xor3A_647, %shift_right_logical3A_653 : vector<16xi32>
      %or3A_655 = arith.ori %shift_left3A_651, %shift_right_logical3A_654 : vector<16xi32>
      %xor3A_656 = arith.xori %add3A_648, %or3A_655 : vector<16xi32>
      %add3A_657 = arith.addi %add3A_648, %xor3A_656 : vector<16xi32>
      %shift_left3A_658 = arith.constant 24 : i32
      %shift_left3A_659 = vector.broadcast %shift_left3A_658 : i32 to vector<16xi32>
      %shift_left3A_660 = arith.shli %xor3A_656, %shift_left3A_659 : vector<16xi32>
      %shift_right_logical3A_661 = arith.constant 8 : i32
      %shift_right_logical3A_662 = vector.broadcast %shift_right_logical3A_661 : i32 to vector<16xi32>
      %shift_right_logical3A_663 = arith.shrui %xor3A_656, %shift_right_logical3A_662 : vector<16xi32>
      %or3A_664 = arith.ori %shift_left3A_660, %shift_right_logical3A_663 : vector<16xi32>
      %xor3A_665 = arith.xori %add3A_657, %or3A_664 : vector<16xi32>
      %add3A_666 = arith.constant -2045582813 : i32
      %add3A_667 = vector.broadcast %add3A_666 : i32 to vector<16xi32>
      %add3A_668 = arith.addi %add3A_657, %add3A_667 : vector<16xi32>
      %add3A_669 = arith.constant -1829035798 : i32
      %add3A_670 = vector.broadcast %add3A_669 : i32 to vector<16xi32>
      %add3A_671 = arith.addi %xor3A_665, %add3A_670 : vector<16xi32>
      %add3A_672 = arith.constant 2 : i32
      %add3A_673 = vector.broadcast %add3A_672 : i32 to vector<16xi32>
      %add3A_674 = arith.addi %add3A_671, %add3A_673 : vector<16xi32>
      %add3A_675 = arith.addi %add3A_668, %add3A_674 : vector<16xi32>
      %shift_left3A_676 = arith.constant 13 : i32
      %shift_left3A_677 = vector.broadcast %shift_left3A_676 : i32 to vector<16xi32>
      %shift_left3A_678 = arith.shli %add3A_674, %shift_left3A_677 : vector<16xi32>
      %shift_right_logical3A_679 = arith.constant 19 : i32
      %shift_right_logical3A_680 = vector.broadcast %shift_right_logical3A_679 : i32 to vector<16xi32>
      %shift_right_logical3A_681 = arith.shrui %add3A_674, %shift_right_logical3A_680 : vector<16xi32>
      %or3A_682 = arith.ori %shift_left3A_678, %shift_right_logical3A_681 : vector<16xi32>
      %xor3A_683 = arith.xori %add3A_675, %or3A_682 : vector<16xi32>
      %add3A_684 = arith.addi %add3A_675, %xor3A_683 : vector<16xi32>
      %shift_left3A_685 = arith.constant 15 : i32
      %shift_left3A_686 = vector.broadcast %shift_left3A_685 : i32 to vector<16xi32>
      %shift_left3A_687 = arith.shli %xor3A_683, %shift_left3A_686 : vector<16xi32>
      %shift_right_logical3A_688 = arith.constant 17 : i32
      %shift_right_logical3A_689 = vector.broadcast %shift_right_logical3A_688 : i32 to vector<16xi32>
      %shift_right_logical3A_690 = arith.shrui %xor3A_683, %shift_right_logical3A_689 : vector<16xi32>
      %or3A_691 = arith.ori %shift_left3A_687, %shift_right_logical3A_690 : vector<16xi32>
      %xor3A_692 = arith.xori %add3A_684, %or3A_691 : vector<16xi32>
      %add3A_693 = arith.addi %add3A_684, %xor3A_692 : vector<16xi32>
      %shift_left3A_694 = arith.constant 26 : i32
      %shift_left3A_695 = vector.broadcast %shift_left3A_694 : i32 to vector<16xi32>
      %shift_left3A_696 = arith.shli %xor3A_692, %shift_left3A_695 : vector<16xi32>
      %shift_right_logical3A_697 = arith.constant 6 : i32
      %shift_right_logical3A_698 = vector.broadcast %shift_right_logical3A_697 : i32 to vector<16xi32>
      %shift_right_logical3A_699 = arith.shrui %xor3A_692, %shift_right_logical3A_698 : vector<16xi32>
      %or3A_700 = arith.ori %shift_left3A_696, %shift_right_logical3A_699 : vector<16xi32>
      %xor3A_701 = arith.xori %add3A_693, %or3A_700 : vector<16xi32>
      %add3A_702 = arith.addi %add3A_693, %xor3A_701 : vector<16xi32>
      %shift_left3A_703 = arith.constant 6 : i32
      %shift_left3A_704 = vector.broadcast %shift_left3A_703 : i32 to vector<16xi32>
      %shift_left3A_705 = arith.shli %xor3A_701, %shift_left3A_704 : vector<16xi32>
      %shift_right_logical3A_706 = arith.constant 26 : i32
      %shift_right_logical3A_707 = vector.broadcast %shift_right_logical3A_706 : i32 to vector<16xi32>
      %shift_right_logical3A_708 = arith.shrui %xor3A_701, %shift_right_logical3A_707 : vector<16xi32>
      %or3A_709 = arith.ori %shift_left3A_705, %shift_right_logical3A_708 : vector<16xi32>
      %xor3A_710 = arith.xori %add3A_702, %or3A_709 : vector<16xi32>
      %add3A_711 = arith.constant -1829035798 : i32
      %add3A_712 = vector.broadcast %add3A_711 : i32 to vector<16xi32>
      %add3A_713 = arith.addi %add3A_702, %add3A_712 : vector<16xi32>
      %add3A_714 = arith.constant 255383827 : i32
      %add3A_715 = vector.broadcast %add3A_714 : i32 to vector<16xi32>
      %add3A_716 = arith.addi %xor3A_710, %add3A_715 : vector<16xi32>
      %add3A_717 = arith.constant 3 : i32
      %add3A_718 = vector.broadcast %add3A_717 : i32 to vector<16xi32>
      %add3A_719 = arith.addi %add3A_716, %add3A_718 : vector<16xi32>
      %add3A_720 = arith.addi %add3A_713, %add3A_719 : vector<16xi32>
      %shift_left3A_721 = arith.constant 17 : i32
      %shift_left3A_722 = vector.broadcast %shift_left3A_721 : i32 to vector<16xi32>
      %shift_left3A_723 = arith.shli %add3A_719, %shift_left3A_722 : vector<16xi32>
      %shift_right_logical3A_724 = arith.constant 15 : i32
      %shift_right_logical3A_725 = vector.broadcast %shift_right_logical3A_724 : i32 to vector<16xi32>
      %shift_right_logical3A_726 = arith.shrui %add3A_719, %shift_right_logical3A_725 : vector<16xi32>
      %or3A_727 = arith.ori %shift_left3A_723, %shift_right_logical3A_726 : vector<16xi32>
      %xor3A_728 = arith.xori %add3A_720, %or3A_727 : vector<16xi32>
      %add3A_729 = arith.addi %add3A_720, %xor3A_728 : vector<16xi32>
      %shift_left3A_730 = arith.constant 29 : i32
      %shift_left3A_731 = vector.broadcast %shift_left3A_730 : i32 to vector<16xi32>
      %shift_left3A_732 = arith.shli %xor3A_728, %shift_left3A_731 : vector<16xi32>
      %shift_right_logical3A_733 = arith.constant 3 : i32
      %shift_right_logical3A_734 = vector.broadcast %shift_right_logical3A_733 : i32 to vector<16xi32>
      %shift_right_logical3A_735 = arith.shrui %xor3A_728, %shift_right_logical3A_734 : vector<16xi32>
      %or3A_736 = arith.ori %shift_left3A_732, %shift_right_logical3A_735 : vector<16xi32>
      %xor3A_737 = arith.xori %add3A_729, %or3A_736 : vector<16xi32>
      %add3A_738 = arith.addi %add3A_729, %xor3A_737 : vector<16xi32>
      %shift_left3A_739 = arith.constant 16 : i32
      %shift_left3A_740 = vector.broadcast %shift_left3A_739 : i32 to vector<16xi32>
      %shift_left3A_741 = arith.shli %xor3A_737, %shift_left3A_740 : vector<16xi32>
      %shift_right_logical3A_742 = arith.constant 16 : i32
      %shift_right_logical3A_743 = vector.broadcast %shift_right_logical3A_742 : i32 to vector<16xi32>
      %shift_right_logical3A_744 = arith.shrui %xor3A_737, %shift_right_logical3A_743 : vector<16xi32>
      %or3A_745 = arith.ori %shift_left3A_741, %shift_right_logical3A_744 : vector<16xi32>
      %xor3A_746 = arith.xori %add3A_738, %or3A_745 : vector<16xi32>
      %add3A_747 = arith.addi %add3A_738, %xor3A_746 : vector<16xi32>
      %shift_left3A_748 = arith.constant 24 : i32
      %shift_left3A_749 = vector.broadcast %shift_left3A_748 : i32 to vector<16xi32>
      %shift_left3A_750 = arith.shli %xor3A_746, %shift_left3A_749 : vector<16xi32>
      %shift_right_logical3A_751 = arith.constant 8 : i32
      %shift_right_logical3A_752 = vector.broadcast %shift_right_logical3A_751 : i32 to vector<16xi32>
      %shift_right_logical3A_753 = arith.shrui %xor3A_746, %shift_right_logical3A_752 : vector<16xi32>
      %or3A_754 = arith.ori %shift_left3A_750, %shift_right_logical3A_753 : vector<16xi32>
      %xor3A_755 = arith.xori %add3A_747, %or3A_754 : vector<16xi32>
      %add3A_756 = arith.constant 255383827 : i32
      %add3A_757 = vector.broadcast %add3A_756 : i32 to vector<16xi32>
      %add3A_758 = arith.addi %add3A_747, %add3A_757 : vector<16xi32>
      %add3A_759 = arith.constant -2045582813 : i32
      %add3A_760 = vector.broadcast %add3A_759 : i32 to vector<16xi32>
      %add3A_761 = arith.addi %xor3A_755, %add3A_760 : vector<16xi32>
      %add3A_762 = arith.constant 4 : i32
      %add3A_763 = vector.broadcast %add3A_762 : i32 to vector<16xi32>
      %add3A_764 = arith.addi %add3A_761, %add3A_763 : vector<16xi32>
      %add3A_765 = arith.addi %add3A_758, %add3A_764 : vector<16xi32>
      %shift_left3A_766 = arith.constant 13 : i32
      %shift_left3A_767 = vector.broadcast %shift_left3A_766 : i32 to vector<16xi32>
      %shift_left3A_768 = arith.shli %add3A_764, %shift_left3A_767 : vector<16xi32>
      %shift_right_logical3A_769 = arith.constant 19 : i32
      %shift_right_logical3A_770 = vector.broadcast %shift_right_logical3A_769 : i32 to vector<16xi32>
      %shift_right_logical3A_771 = arith.shrui %add3A_764, %shift_right_logical3A_770 : vector<16xi32>
      %or3A_772 = arith.ori %shift_left3A_768, %shift_right_logical3A_771 : vector<16xi32>
      %xor3A_773 = arith.xori %add3A_765, %or3A_772 : vector<16xi32>
      %add3A_774 = arith.addi %add3A_765, %xor3A_773 : vector<16xi32>
      %shift_left3A_775 = arith.constant 15 : i32
      %shift_left3A_776 = vector.broadcast %shift_left3A_775 : i32 to vector<16xi32>
      %shift_left3A_777 = arith.shli %xor3A_773, %shift_left3A_776 : vector<16xi32>
      %shift_right_logical3A_778 = arith.constant 17 : i32
      %shift_right_logical3A_779 = vector.broadcast %shift_right_logical3A_778 : i32 to vector<16xi32>
      %shift_right_logical3A_780 = arith.shrui %xor3A_773, %shift_right_logical3A_779 : vector<16xi32>
      %or3A_781 = arith.ori %shift_left3A_777, %shift_right_logical3A_780 : vector<16xi32>
      %xor3A_782 = arith.xori %add3A_774, %or3A_781 : vector<16xi32>
      %add3A_783 = arith.addi %add3A_774, %xor3A_782 : vector<16xi32>
      %shift_left3A_784 = arith.constant 26 : i32
      %shift_left3A_785 = vector.broadcast %shift_left3A_784 : i32 to vector<16xi32>
      %shift_left3A_786 = arith.shli %xor3A_782, %shift_left3A_785 : vector<16xi32>
      %shift_right_logical3A_787 = arith.constant 6 : i32
      %shift_right_logical3A_788 = vector.broadcast %shift_right_logical3A_787 : i32 to vector<16xi32>
      %shift_right_logical3A_789 = arith.shrui %xor3A_782, %shift_right_logical3A_788 : vector<16xi32>
      %or3A_790 = arith.ori %shift_left3A_786, %shift_right_logical3A_789 : vector<16xi32>
      %xor3A_791 = arith.xori %add3A_783, %or3A_790 : vector<16xi32>
      %add3A_792 = arith.addi %add3A_783, %xor3A_791 : vector<16xi32>
      %shift_left3A_793 = arith.constant 6 : i32
      %shift_left3A_794 = vector.broadcast %shift_left3A_793 : i32 to vector<16xi32>
      %shift_left3A_795 = arith.shli %xor3A_791, %shift_left3A_794 : vector<16xi32>
      %shift_right_logical3A_796 = arith.constant 26 : i32
      %shift_right_logical3A_797 = vector.broadcast %shift_right_logical3A_796 : i32 to vector<16xi32>
      %shift_right_logical3A_798 = arith.shrui %xor3A_791, %shift_right_logical3A_797 : vector<16xi32>
      %or3A_799 = arith.ori %shift_left3A_795, %shift_right_logical3A_798 : vector<16xi32>
      %xor3A_800 = arith.xori %add3A_792, %or3A_799 : vector<16xi32>
      %add3A_801 = arith.constant -2045582813 : i32
      %add3A_802 = vector.broadcast %add3A_801 : i32 to vector<16xi32>
      %add3A_803 = arith.addi %add3A_792, %add3A_802 : vector<16xi32>
      %add3A_804 = arith.constant -1829035798 : i32
      %add3A_805 = vector.broadcast %add3A_804 : i32 to vector<16xi32>
      %add3A_806 = arith.addi %xor3A_800, %add3A_805 : vector<16xi32>
      %add3A_807 = arith.constant 5 : i32
      %add3A_808 = vector.broadcast %add3A_807 : i32 to vector<16xi32>
      %add3A_809 = arith.addi %add3A_806, %add3A_808 : vector<16xi32>
      %xor3A_810 = arith.xori %add3A_803, %add3A_809 : vector<16xi32>
      %swap3A_811 = arith.index_cast %shift_right_logical3A_568 : i32 to index
      %swap3A_812 = arith.index_cast %multiple_of3A_573 : i32 to index
      %swap3A_813 = tpu.vector_load %arg3[%swap3A_811, %swap3A_812] {strides = array<i32>} : memref<32x1024xi32, #tpu.memory_space<vmem>>, vector<1x16xi32>,
      %swap3A_814 = vector.shape_cast %swap3A_813 : vector<1x16xi32> to vector<16xi32>
      %swap3A_815 = vector.shape_cast %xor3A_810 : vector<16xi32> to vector<1x16xi32>
      tpu.vector_store %arg3[%swap3A_811, %swap3A_812], %swap3A_815 {strides = array<i32>} : memref<32x1024xi32, #tpu.memory_space<vmem>>, vector<1x16xi32>,
      %mul3A_816 = arith.constant 4 : i32
      %mul3A_817 = arith.muli %scan3A_64, %mul3A_816 : i32
      %add3A_818 = arith.constant 3 : i32
      %add3A_819 = arith.addi %mul3A_817, %add3A_818 : i32
      %shift_right_logical3A_820 = arith.constant 6 : i32
      %shift_right_logical3A_821 = arith.shrui %add3A_819, %shift_right_logical3A_820 : i32
      %and3A_822 = arith.constant 63 : i32
      %and3A_823 = arith.andi %add3A_819, %and3A_822 : i32
      %shift_left3A_824 = arith.constant 4 : i32
      %shift_left3A_825 = arith.shli %and3A_823, %shift_left3A_824 : i32
      %multiple_of3A_826 = tpu.assume_multiple %shift_left3A_825, 16 : i32
      %add3A_827 = arith.addi %add3A_29, %shift_right_logical3A_821 : i32
      %mul3A_828 = arith.constant 1000 : i32
      %mul3A_829 = arith.muli %add3A_827, %mul3A_828 : i32
      %add3A_830 = arith.addi %mul3A_829, %multiple_of3A_826 : i32
      %add3A_831 = vector.broadcast %add3A_830 : i32 to vector<16xi32>
      %add3A_832 = arith.addi %iota3A, %add3A_831 : vector<16xi32>
      %broadcast_in_dim3A_833 = arith.constant -1829035798 : i32
      %broadcast_in_dim3A_834 = vector.broadcast %broadcast_in_dim3A_833 : i32 to vector<16xi32>
      %add3A_835 = arith.constant 255383827 : i32
      %add3A_836 = vector.broadcast %add3A_835 : i32 to vector<16xi32>
      %add3A_837 = arith.addi %add3A_832, %add3A_836 : vector<16xi32>
      %add3A_838 = arith.addi %broadcast_in_dim3A_834, %add3A_837 : vector<16xi32>
      %shift_left3A_839 = arith.constant 13 : i32
      %shift_left3A_840 = vector.broadcast %shift_left3A_839 : i32 to vector<16xi32>
      %shift_left3A_841 = arith.shli %add3A_837, %shift_left3A_840 : vector<16xi32>
      %shift_right_logical3A_842 = arith.constant 19 : i32
      %shift_right_logical3A_843 = vector.broadcast %shift_right_logical3A_842 : i32 to vector<16xi32>
      %shift_right_logical3A_844 = arith.shrui %add3A_837, %shift_right_logical3A_843 : vector<16xi32>
      %or3A_845 = arith.ori %shift_left3A_841, %shift_right_logical3A_844 : vector<16xi32>
      %xor3A_846 = arith.xori %add3A_838, %or3A_845 : vector<16xi32>
      %add3A_847 = arith.addi %add3A_838, %xor3A_846 : vector<16xi32>
      %shift_left3A_848 = arith.constant 15 : i32
      %shift_left3A_849 = vector.broadcast %shift_left3A_848 : i32 to vector<16xi32>
      %shift_left3A_850 = arith.shli %xor3A_846, %shift_left3A_849 : vector<16xi32>
      %shift_right_logical3A_851 = arith.constant 17 : i32
      %shift_right_logical3A_852 = vector.broadcast %shift_right_logical3A_851 : i32 to vector<16xi32>
      %shift_right_logical3A_853 = arith.shrui %xor3A_846, %shift_right_logical3A_852 : vector<16xi32>
      %or3A_854 = arith.ori %shift_left3A_850, %shift_right_logical3A_853 : vector<16xi32>
      %xor3A_855 = arith.xori %add3A_847, %or3A_854 : vector<16xi32>
      %add3A_856 = arith.addi %add3A_847, %xor3A_855 : vector<16xi32>
      %shift_left3A_857 = arith.constant 26 : i32
      %shift_left3A_858 = vector.broadcast %shift_left3A_857 : i32 to vector<16xi32>
      %shift_left3A_859 = arith.shli %xor3A_855, %shift_left3A_858 : vector<16xi32>
      %shift_right_logical3A_860 = arith.constant 6 : i32
      %shift_right_logical3A_861 = vector.broadcast %shift_right_logical3A_860 : i32 to vector<16xi32>
      %shift_right_logical3A_862 = arith.shrui %xor3A_855, %shift_right_logical3A_861 : vector<16xi32>
      %or3A_863 = arith.ori %shift_left3A_859, %shift_right_logical3A_862 : vector<16xi32>
      %xor3A_864 = arith.xori %add3A_856, %or3A_863 : vector<16xi32>
      %add3A_865 = arith.addi %add3A_856, %xor3A_864 : vector<16xi32>
      %shift_left3A_866 = arith.constant 6 : i32
      %shift_left3A_867 = vector.broadcast %shift_left3A_866 : i32 to vector<16xi32>
      %shift_left3A_868 = arith.shli %xor3A_864, %shift_left3A_867 : vector<16xi32>
      %shift_right_logical3A_869 = arith.constant 26 : i32
      %shift_right_logical3A_870 = vector.broadcast %shift_right_logical3A_869 : i32 to vector<16xi32>
      %shift_right_logical3A_871 = arith.shrui %xor3A_864, %shift_right_logical3A_870 : vector<16xi32>
      %or3A_872 = arith.ori %shift_left3A_868, %shift_right_logical3A_871 : vector<16xi32>
      %xor3A_873 = arith.xori %add3A_865, %or3A_872 : vector<16xi32>
      %add3A_874 = arith.constant 255383827 : i32
      %add3A_875 = vector.broadcast %add3A_874 : i32 to vector<16xi32>
      %add3A_876 = arith.addi %add3A_865, %add3A_875 : vector<16xi32>
      %add3A_877 = arith.constant -2045582813 : i32
      %add3A_878 = vector.broadcast %add3A_877 : i32 to vector<16xi32>
      %add3A_879 = arith.addi %xor3A_873, %add3A_878 : vector<16xi32>
      %add3A_880 = arith.constant 1 : i32
      %add3A_881 = vector.broadcast %add3A_880 : i32 to vector<16xi32>
      %add3A_882 = arith.addi %add3A_879, %add3A_881 : vector<16xi32>
      %add3A_883 = arith.addi %add3A_876, %add3A_882 : vector<16xi32>
      %shift_left3A_884 = arith.constant 17 : i32
      %shift_left3A_885 = vector.broadcast %shift_left3A_884 : i32 to vector<16xi32>
      %shift_left3A_886 = arith.shli %add3A_882, %shift_left3A_885 : vector<16xi32>
      %shift_right_logical3A_887 = arith.constant 15 : i32
      %shift_right_logical3A_888 = vector.broadcast %shift_right_logical3A_887 : i32 to vector<16xi32>
      %shift_right_logical3A_889 = arith.shrui %add3A_882, %shift_right_logical3A_888 : vector<16xi32>
      %or3A_890 = arith.ori %shift_left3A_886, %shift_right_logical3A_889 : vector<16xi32>
      %xor3A_891 = arith.xori %add3A_883, %or3A_890 : vector<16xi32>
      %add3A_892 = arith.addi %add3A_883, %xor3A_891 : vector<16xi32>
      %shift_left3A_893 = arith.constant 29 : i32
      %shift_left3A_894 = vector.broadcast %shift_left3A_893 : i32 to vector<16xi32>
      %shift_left3A_895 = arith.shli %xor3A_891, %shift_left3A_894 : vector<16xi32>
      %shift_right_logical3A_896 = arith.constant 3 : i32
      %shift_right_logical3A_897 = vector.broadcast %shift_right_logical3A_896 : i32 to vector<16xi32>
      %shift_right_logical3A_898 = arith.shrui %xor3A_891, %shift_right_logical3A_897 : vector<16xi32>
      %or3A_899 = arith.ori %shift_left3A_895, %shift_right_logical3A_898 : vector<16xi32>
      %xor3A_900 = arith.xori %add3A_892, %or3A_899 : vector<16xi32>
      %add3A_901 = arith.addi %add3A_892, %xor3A_900 : vector<16xi32>
      %shift_left3A_902 = arith.constant 16 : i32
      %shift_left3A_903 = vector.broadcast %shift_left3A_902 : i32 to vector<16xi32>
      %shift_left3A_904 = arith.shli %xor3A_900, %shift_left3A_903 : vector<16xi32>
      %shift_right_logical3A_905 = arith.constant 16 : i32
      %shift_right_logical3A_906 = vector.broadcast %shift_right_logical3A_905 : i32 to vector<16xi32>
      %shift_right_logical3A_907 = arith.shrui %xor3A_900, %shift_right_logical3A_906 : vector<16xi32>
      %or3A_908 = arith.ori %shift_left3A_904, %shift_right_logical3A_907 : vector<16xi32>
      %xor3A_909 = arith.xori %add3A_901, %or3A_908 : vector<16xi32>
      %add3A_910 = arith.addi %add3A_901, %xor3A_909 : vector<16xi32>
      %shift_left3A_911 = arith.constant 24 : i32
      %shift_left3A_912 = vector.broadcast %shift_left3A_911 : i32 to vector<16xi32>
      %shift_left3A_913 = arith.shli %xor3A_909, %shift_left3A_912 : vector<16xi32>
      %shift_right_logical3A_914 = arith.constant 8 : i32
      %shift_right_logical3A_915 = vector.broadcast %shift_right_logical3A_914 : i32 to vector<16xi32>
      %shift_right_logical3A_916 = arith.shrui %xor3A_909, %shift_right_logical3A_915 : vector<16xi32>
      %or3A_917 = arith.ori %shift_left3A_913, %shift_right_logical3A_916 : vector<16xi32>
      %xor3A_918 = arith.xori %add3A_910, %or3A_917 : vector<16xi32>
      %add3A_919 = arith.constant -2045582813 : i32
      %add3A_920 = vector.broadcast %add3A_919 : i32 to vector<16xi32>
      %add3A_921 = arith.addi %add3A_910, %add3A_920 : vector<16xi32>
      %add3A_922 = arith.constant -1829035798 : i32
      %add3A_923 = vector.broadcast %add3A_922 : i32 to vector<16xi32>
      %add3A_924 = arith.addi %xor3A_918, %add3A_923 : vector<16xi32>
      %add3A_925 = arith.constant 2 : i32
      %add3A_926 = vector.broadcast %add3A_925 : i32 to vector<16xi32>
      %add3A_927 = arith.addi %add3A_924, %add3A_926 : vector<16xi32>
      %add3A_928 = arith.addi %add3A_921, %add3A_927 : vector<16xi32>
      %shift_left3A_929 = arith.constant 13 : i32
      %shift_left3A_930 = vector.broadcast %shift_left3A_929 : i32 to vector<16xi32>
      %shift_left3A_931 = arith.shli %add3A_927, %shift_left3A_930 : vector<16xi32>
      %shift_right_logical3A_932 = arith.constant 19 : i32
      %shift_right_logical3A_933 = vector.broadcast %shift_right_logical3A_932 : i32 to vector<16xi32>
      %shift_right_logical3A_934 = arith.shrui %add3A_927, %shift_right_logical3A_933 : vector<16xi32>
      %or3A_935 = arith.ori %shift_left3A_931, %shift_right_logical3A_934 : vector<16xi32>
      %xor3A_936 = arith.xori %add3A_928, %or3A_935 : vector<16xi32>
      %add3A_937 = arith.addi %add3A_928, %xor3A_936 : vector<16xi32>
      %shift_left3A_938 = arith.constant 15 : i32
      %shift_left3A_939 = vector.broadcast %shift_left3A_938 : i32 to vector<16xi32>
      %shift_left3A_940 = arith.shli %xor3A_936, %shift_left3A_939 : vector<16xi32>
      %shift_right_logical3A_941 = arith.constant 17 : i32
      %shift_right_logical3A_942 = vector.broadcast %shift_right_logical3A_941 : i32 to vector<16xi32>
      %shift_right_logical3A_943 = arith.shrui %xor3A_936, %shift_right_logical3A_942 : vector<16xi32>
      %or3A_944 = arith.ori %shift_left3A_940, %shift_right_logical3A_943 : vector<16xi32>
      %xor3A_945 = arith.xori %add3A_937, %or3A_944 : vector<16xi32>
      %add3A_946 = arith.addi %add3A_937, %xor3A_945 : vector<16xi32>
      %shift_left3A_947 = arith.constant 26 : i32
      %shift_left3A_948 = vector.broadcast %shift_left3A_947 : i32 to vector<16xi32>
      %shift_left3A_949 = arith.shli %xor3A_945, %shift_left3A_948 : vector<16xi32>
      %shift_right_logical3A_950 = arith.constant 6 : i32
      %shift_right_logical3A_951 = vector.broadcast %shift_right_logical3A_950 : i32 to vector<16xi32>
      %shift_right_logical3A_952 = arith.shrui %xor3A_945, %shift_right_logical3A_951 : vector<16xi32>
      %or3A_953 = arith.ori %shift_left3A_949, %shift_right_logical3A_952 : vector<16xi32>
      %xor3A_954 = arith.xori %add3A_946, %or3A_953 : vector<16xi32>
      %add3A_955 = arith.addi %add3A_946, %xor3A_954 : vector<16xi32>
      %shift_left3A_956 = arith.constant 6 : i32
      %shift_left3A_957 = vector.broadcast %shift_left3A_956 : i32 to vector<16xi32>
      %shift_left3A_958 = arith.shli %xor3A_954, %shift_left3A_957 : vector<16xi32>
      %shift_right_logical3A_959 = arith.constant 26 : i32
      %shift_right_logical3A_960 = vector.broadcast %shift_right_logical3A_959 : i32 to vector<16xi32>
      %shift_right_logical3A_961 = arith.shrui %xor3A_954, %shift_right_logical3A_960 : vector<16xi32>
      %or3A_962 = arith.ori %shift_left3A_958, %shift_right_logical3A_961 : vector<16xi32>
      %xor3A_963 = arith.xori %add3A_955, %or3A_962 : vector<16xi32>
      %add3A_964 = arith.constant -1829035798 : i32
      %add3A_965 = vector.broadcast %add3A_964 : i32 to vector<16xi32>
      %add3A_966 = arith.addi %add3A_955, %add3A_965 : vector<16xi32>
      %add3A_967 = arith.constant 255383827 : i32
      %add3A_968 = vector.broadcast %add3A_967 : i32 to vector<16xi32>
      %add3A_969 = arith.addi %xor3A_963, %add3A_968 : vector<16xi32>
      %add3A_970 = arith.constant 3 : i32
      %add3A_971 = vector.broadcast %add3A_970 : i32 to vector<16xi32>
      %add3A_972 = arith.addi %add3A_969, %add3A_971 : vector<16xi32>
      %add3A_973 = arith.addi %add3A_966, %add3A_972 : vector<16xi32>
      %shift_left3A_974 = arith.constant 17 : i32
      %shift_left3A_975 = vector.broadcast %shift_left3A_974 : i32 to vector<16xi32>
      %shift_left3A_976 = arith.shli %add3A_972, %shift_left3A_975 : vector<16xi32>
      %shift_right_logical3A_977 = arith.constant 15 : i32
      %shift_right_logical3A_978 = vector.broadcast %shift_right_logical3A_977 : i32 to vector<16xi32>
      %shift_right_logical3A_979 = arith.shrui %add3A_972, %shift_right_logical3A_978 : vector<16xi32>
      %or3A_980 = arith.ori %shift_left3A_976, %shift_right_logical3A_979 : vector<16xi32>
      %xor3A_981 = arith.xori %add3A_973, %or3A_980 : vector<16xi32>
      %add3A_982 = arith.addi %add3A_973, %xor3A_981 : vector<16xi32>
      %shift_left3A_983 = arith.constant 29 : i32
      %shift_left3A_984 = vector.broadcast %shift_left3A_983 : i32 to vector<16xi32>
      %shift_left3A_985 = arith.shli %xor3A_981, %shift_left3A_984 : vector<16xi32>
      %shift_right_logical3A_986 = arith.constant 3 : i32
      %shift_right_logical3A_987 = vector.broadcast %shift_right_logical3A_986 : i32 to vector<16xi32>
      %shift_right_logical3A_988 = arith.shrui %xor3A_981, %shift_right_logical3A_987 : vector<16xi32>
      %or3A_989 = arith.ori %shift_left3A_985, %shift_right_logical3A_988 : vector<16xi32>
      %xor3A_990 = arith.xori %add3A_982, %or3A_989 : vector<16xi32>
      %add3A_991 = arith.addi %add3A_982, %xor3A_990 : vector<16xi32>
      %shift_left3A_992 = arith.constant 16 : i32
      %shift_left3A_993 = vector.broadcast %shift_left3A_992 : i32 to vector<16xi32>
      %shift_left3A_994 = arith.shli %xor3A_990, %shift_left3A_993 : vector<16xi32>
      %shift_right_logical3A_995 = arith.constant 16 : i32
      %shift_right_logical3A_996 = vector.broadcast %shift_right_logical3A_995 : i32 to vector<16xi32>
      %shift_right_logical3A_997 = arith.shrui %xor3A_990, %shift_right_logical3A_996 : vector<16xi32>
      %or3A_998 = arith.ori %shift_left3A_994, %shift_right_logical3A_997 : vector<16xi32>
      %xor3A_999 = arith.xori %add3A_991, %or3A_998 : vector<16xi32>
      %add3A_1000 = arith.addi %add3A_991, %xor3A_999 : vector<16xi32>
      %shift_left3A_1001 = arith.constant 24 : i32
      %shift_left3A_1002 = vector.broadcast %shift_left3A_1001 : i32 to vector<16xi32>
      %shift_left3A_1003 = arith.shli %xor3A_999, %shift_left3A_1002 : vector<16xi32>
      %shift_right_logical3A_1004 = arith.constant 8 : i32
      %shift_right_logical3A_1005 = vector.broadcast %shift_right_logical3A_1004 : i32 to vector<16xi32>
      %shift_right_logical3A_1006 = arith.shrui %xor3A_999, %shift_right_logical3A_1005 : vector<16xi32>
      %or3A_1007 = arith.ori %shift_left3A_1003, %shift_right_logical3A_1006 : vector<16xi32>
      %xor3A_1008 = arith.xori %add3A_1000, %or3A_1007 : vector<16xi32>
      %add3A_1009 = arith.constant 255383827 : i32
      %add3A_1010 = vector.broadcast %add3A_1009 : i32 to vector<16xi32>
      %add3A_1011 = arith.addi %add3A_1000, %add3A_1010 : vector<16xi32>
      %add3A_1012 = arith.constant -2045582813 : i32
      %add3A_1013 = vector.broadcast %add3A_1012 : i32 to vector<16xi32>
      %add3A_1014 = arith.addi %xor3A_1008, %add3A_1013 : vector<16xi32>
      %add3A_1015 = arith.constant 4 : i32
      %add3A_1016 = vector.broadcast %add3A_1015 : i32 to vector<16xi32>
      %add3A_1017 = arith.addi %add3A_1014, %add3A_1016 : vector<16xi32>
      %add3A_1018 = arith.addi %add3A_1011, %add3A_1017 : vector<16xi32>
      %shift_left3A_1019 = arith.constant 13 : i32
      %shift_left3A_1020 = vector.broadcast %shift_left3A_1019 : i32 to vector<16xi32>
      %shift_left3A_1021 = arith.shli %add3A_1017, %shift_left3A_1020 : vector<16xi32>
      %shift_right_logical3A_1022 = arith.constant 19 : i32
      %shift_right_logical3A_1023 = vector.broadcast %shift_right_logical3A_1022 : i32 to vector<16xi32>
      %shift_right_logical3A_1024 = arith.shrui %add3A_1017, %shift_right_logical3A_1023 : vector<16xi32>
      %or3A_1025 = arith.ori %shift_left3A_1021, %shift_right_logical3A_1024 : vector<16xi32>
      %xor3A_1026 = arith.xori %add3A_1018, %or3A_1025 : vector<16xi32>
      %add3A_1027 = arith.addi %add3A_1018, %xor3A_1026 : vector<16xi32>
      %shift_left3A_1028 = arith.constant 15 : i32
      %shift_left3A_1029 = vector.broadcast %shift_left3A_1028 : i32 to vector<16xi32>
      %shift_left3A_1030 = arith.shli %xor3A_1026, %shift_left3A_1029 : vector<16xi32>
      %shift_right_logical3A_1031 = arith.constant 17 : i32
      %shift_right_logical3A_1032 = vector.broadcast %shift_right_logical3A_1031 : i32 to vector<16xi32>
      %shift_right_logical3A_1033 = arith.shrui %xor3A_1026, %shift_right_logical3A_1032 : vector<16xi32>
      %or3A_1034 = arith.ori %shift_left3A_1030, %shift_right_logical3A_1033 : vector<16xi32>
      %xor3A_1035 = arith.xori %add3A_1027, %or3A_1034 : vector<16xi32>
      %add3A_1036 = arith.addi %add3A_1027, %xor3A_1035 : vector<16xi32>
      %shift_left3A_1037 = arith.constant 26 : i32
      %shift_left3A_1038 = vector.broadcast %shift_left3A_1037 : i32 to vector<16xi32>
      %shift_left3A_1039 = arith.shli %xor3A_1035, %shift_left3A_1038 : vector<16xi32>
      %shift_right_logical3A_1040 = arith.constant 6 : i32
      %shift_right_logical3A_1041 = vector.broadcast %shift_right_logical3A_1040 : i32 to vector<16xi32>
      %shift_right_logical3A_1042 = arith.shrui %xor3A_1035, %shift_right_logical3A_1041 : vector<16xi32>
      %or3A_1043 = arith.ori %shift_left3A_1039, %shift_right_logical3A_1042 : vector<16xi32>
      %xor3A_1044 = arith.xori %add3A_1036, %or3A_1043 : vector<16xi32>
      %add3A_1045 = arith.addi %add3A_1036, %xor3A_1044 : vector<16xi32>
      %shift_left3A_1046 = arith.constant 6 : i32
      %shift_left3A_1047 = vector.broadcast %shift_left3A_1046 : i32 to vector<16xi32>
      %shift_left3A_1048 = arith.shli %xor3A_1044, %shift_left3A_1047 : vector<16xi32>
      %shift_right_logical3A_1049 = arith.constant 26 : i32
      %shift_right_logical3A_1050 = vector.broadcast %shift_right_logical3A_1049 : i32 to vector<16xi32>
      %shift_right_logical3A_1051 = arith.shrui %xor3A_1044, %shift_right_logical3A_1050 : vector<16xi32>
      %or3A_1052 = arith.ori %shift_left3A_1048, %shift_right_logical3A_1051 : vector<16xi32>
      %xor3A_1053 = arith.xori %add3A_1045, %or3A_1052 : vector<16xi32>
      %add3A_1054 = arith.constant -2045582813 : i32
      %add3A_1055 = vector.broadcast %add3A_1054 : i32 to vector<16xi32>
      %add3A_1056 = arith.addi %add3A_1045, %add3A_1055 : vector<16xi32>
      %add3A_1057 = arith.constant -1829035798 : i32
      %add3A_1058 = vector.broadcast %add3A_1057 : i32 to vector<16xi32>
      %add3A_1059 = arith.addi %xor3A_1053, %add3A_1058 : vector<16xi32>
      %add3A_1060 = arith.constant 5 : i32
      %add3A_1061 = vector.broadcast %add3A_1060 : i32 to vector<16xi32>
      %add3A_1062 = arith.addi %add3A_1059, %add3A_1061 : vector<16xi32>
      %xor3A_1063 = arith.xori %add3A_1056, %add3A_1062 : vector<16xi32>
      %swap3A_1064 = arith.index_cast %shift_right_logical3A_821 : i32 to index
      %swap3A_1065 = arith.index_cast %multiple_of3A_826 : i32 to index
      %swap3A_1066 = tpu.vector_load %arg3[%swap3A_1064, %swap3A_1065] {strides = array<i32>} : memref<32x1024xi32, #tpu.memory_space<vmem>>, vector<1x16xi32>,
      %swap3A_1067 = vector.shape_cast %swap3A_1066 : vector<1x16xi32> to vector<16xi32>
      %swap3A_1068 = vector.shape_cast %xor3A_1063 : vector<16xi32> to vector<1x16xi32>
      tpu.vector_store %arg3[%swap3A_1064, %swap3A_1065], %swap3A_1068 {strides = array<i32>} : memref<32x1024xi32, #tpu.memory_space<vmem>>, vector<1x16xi32>,
    }
    %scan3A_35 = arith.constant 512 : i32
    %dma_start3A_36 = arith.constant 0 : i32
    %dma_start3A_37 = tpu.memref_slice %arg2[%add3A_29, %dma_start3A_36] : memref<4096x1024xi32, #tpu.memory_space<hbm>> -> memref<32x1024xi32, #tpu.memory_space<hbm>>
    %dma_start3A_38 = arith.constant 0 : i32
    %dma_start3A_39 = tpu.memref_slice %arg2[%add3A_29, %dma_start3A_38] : memref<4096x1024xi32, #tpu.memory_space<hbm>> -> memref<32x1024xi32, #tpu.memory_space<hbm>>
    tpu.enqueue_dma source(%arg3 : memref<32x1024xi32, #tpu.memory_space<vmem>>) target(%dma_start3A_39 : memref<32x1024xi32, #tpu.memory_space<hbm>>) target_semaphore(%arg5 : memref<!tpu.dma_semaphore, #tpu.memory_space<semaphore_mem>>)
    %dma_wait3A_40 = arith.constant 0 : i32
    %dma_wait3A_41 = tpu.memref_slice %arg2[%add3A_14, %dma_wait3A_40] : memref<4096x1024xi32, #tpu.memory_space<hbm>> -> memref<32x1024xi32, #tpu.memory_space<hbm>>
    %dma_wait3A_42 = arith.constant 0 : i32
    %dma_wait3A_43 = tpu.memref_slice %arg2[%add3A_14, %dma_wait3A_42] : memref<4096x1024xi32, #tpu.memory_space<hbm>> -> memref<32x1024xi32, #tpu.memory_space<hbm>>
    tpu.wait_dma2 semaphore(%arg6 : memref<!tpu.dma_semaphore, #tpu.memory_space<semaphore_mem>>) src(%arg4 : memref<32x1024xi32, #tpu.memory_space<vmem>>) dst(%dma_wait3A_43 : memref<32x1024xi32, #tpu.memory_space<hbm>>)
    %add3A_44 = arith.constant 96 : i32
    %add3A_45 = arith.addi %mul3A_2, %add3A_44 : i32
    %scan3A_46 = arith.constant 0 : i32
    %scan3A_47 = arith.constant 0 : i32
    %scan3A_48 = arith.constant 512 : i32
    %scan3A_49 = arith.addi %scan3A_47, %scan3A_48 : i32
    %scan3A_50 = arith.constant 1 : i32
    scf.for %scan3A_64 = %scan3A_47 to %scan3A_49 step %scan3A_50  : i32 {
      %mul3A_65 = arith.constant 4 : i32
      %mul3A_66 = arith.muli %scan3A_64, %mul3A_65 : i32
      %add3A_67 = arith.constant 0 : i32
      %add3A_68 = arith.addi %mul3A_66, %add3A_67 : i32
      %shift_right_logical3A = arith.constant 6 : i32
      %shift_right_logical3A_69 = arith.shrui %add3A_68, %shift_right_logical3A : i32
      %and3A = arith.constant 63 : i32
      %and3A_70 = arith.andi %add3A_68, %and3A : i32
      %shift_left3A = arith.constant 4 : i32
      %shift_left3A_71 = arith.shli %and3A_70, %shift_left3A : i32
      %multiple_of3A = tpu.assume_multiple %shift_left3A_71, 16 : i32
      %add3A_72 = arith.addi %add3A_45, %shift_right_logical3A_69 : i32
      %mul3A_73 = arith.constant 1000 : i32
      %mul3A_74 = arith.muli %add3A_72, %mul3A_73 : i32
      %add3A_75 = arith.addi %mul3A_74, %multiple_of3A : i32
      %add3A_76 = vector.broadcast %add3A_75 : i32 to vector<16xi32>
      %add3A_77 = arith.addi %iota3A, %add3A_76 : vector<16xi32>
      %broadcast_in_dim3A = arith.constant -1829035798 : i32
      %broadcast_in_dim3A_78 = vector.broadcast %broadcast_in_dim3A : i32 to vector<16xi32>
      %add3A_79 = arith.constant 255383827 : i32
      %add3A_80 = vector.broadcast %add3A_79 : i32 to vector<16xi32>
      %add3A_81 = arith.addi %add3A_77, %add3A_80 : vector<16xi32>
      %add3A_82 = arith.addi %broadcast_in_dim3A_78, %add3A_81 : vector<16xi32>
      %shift_left3A_83 = arith.constant 13 : i32
      %shift_left3A_84 = vector.broadcast %shift_left3A_83 : i32 to vector<16xi32>
      %shift_left3A_85 = arith.shli %add3A_81, %shift_left3A_84 : vector<16xi32>
      %shift_right_logical3A_86 = arith.constant 19 : i32
      %shift_right_logical3A_87 = vector.broadcast %shift_right_logical3A_86 : i32 to vector<16xi32>
      %shift_right_logical3A_88 = arith.shrui %add3A_81, %shift_right_logical3A_87 : vector<16xi32>
      %or3A = arith.ori %shift_left3A_85, %shift_right_logical3A_88 : vector<16xi32>
      %xor3A = arith.xori %add3A_82, %or3A : vector<16xi32>
      %add3A_89 = arith.addi %add3A_82, %xor3A : vector<16xi32>
      %shift_left3A_90 = arith.constant 15 : i32
      %shift_left3A_91 = vector.broadcast %shift_left3A_90 : i32 to vector<16xi32>
      %shift_left3A_92 = arith.shli %xor3A, %shift_left3A_91 : vector<16xi32>
      %shift_right_logical3A_93 = arith.constant 17 : i32
      %shift_right_logical3A_94 = vector.broadcast %shift_right_logical3A_93 : i32 to vector<16xi32>
      %shift_right_logical3A_95 = arith.shrui %xor3A, %shift_right_logical3A_94 : vector<16xi32>
      %or3A_96 = arith.ori %shift_left3A_92, %shift_right_logical3A_95 : vector<16xi32>
      %xor3A_97 = arith.xori %add3A_89, %or3A_96 : vector<16xi32>
      %add3A_98 = arith.addi %add3A_89, %xor3A_97 : vector<16xi32>
      %shift_left3A_99 = arith.constant 26 : i32
      %shift_left3A_100 = vector.broadcast %shift_left3A_99 : i32 to vector<16xi32>
      %shift_left3A_101 = arith.shli %xor3A_97, %shift_left3A_100 : vector<16xi32>
      %shift_right_logical3A_102 = arith.constant 6 : i32
      %shift_right_logical3A_103 = vector.broadcast %shift_right_logical3A_102 : i32 to vector<16xi32>
      %shift_right_logical3A_104 = arith.shrui %xor3A_97, %shift_right_logical3A_103 : vector<16xi32>
      %or3A_105 = arith.ori %shift_left3A_101, %shift_right_logical3A_104 : vector<16xi32>
      %xor3A_106 = arith.xori %add3A_98, %or3A_105 : vector<16xi32>
      %add3A_107 = arith.addi %add3A_98, %xor3A_106 : vector<16xi32>
      %shift_left3A_108 = arith.constant 6 : i32
      %shift_left3A_109 = vector.broadcast %shift_left3A_108 : i32 to vector<16xi32>
      %shift_left3A_110 = arith.shli %xor3A_106, %shift_left3A_109 : vector<16xi32>
      %shift_right_logical3A_111 = arith.constant 26 : i32
      %shift_right_logical3A_112 = vector.broadcast %shift_right_logical3A_111 : i32 to vector<16xi32>
      %shift_right_logical3A_113 = arith.shrui %xor3A_106, %shift_right_logical3A_112 : vector<16xi32>
      %or3A_114 = arith.ori %shift_left3A_110, %shift_right_logical3A_113 : vector<16xi32>
      %xor3A_115 = arith.xori %add3A_107, %or3A_114 : vector<16xi32>
      %add3A_116 = arith.constant 255383827 : i32
      %add3A_117 = vector.broadcast %add3A_116 : i32 to vector<16xi32>
      %add3A_118 = arith.addi %add3A_107, %add3A_117 : vector<16xi32>
      %add3A_119 = arith.constant -2045582813 : i32
      %add3A_120 = vector.broadcast %add3A_119 : i32 to vector<16xi32>
      %add3A_121 = arith.addi %xor3A_115, %add3A_120 : vector<16xi32>
      %add3A_122 = arith.constant 1 : i32
      %add3A_123 = vector.broadcast %add3A_122 : i32 to vector<16xi32>
      %add3A_124 = arith.addi %add3A_121, %add3A_123 : vector<16xi32>
      %add3A_125 = arith.addi %add3A_118, %add3A_124 : vector<16xi32>
      %shift_left3A_126 = arith.constant 17 : i32
      %shift_left3A_127 = vector.broadcast %shift_left3A_126 : i32 to vector<16xi32>
      %shift_left3A_128 = arith.shli %add3A_124, %shift_left3A_127 : vector<16xi32>
      %shift_right_logical3A_129 = arith.constant 15 : i32
      %shift_right_logical3A_130 = vector.broadcast %shift_right_logical3A_129 : i32 to vector<16xi32>
      %shift_right_logical3A_131 = arith.shrui %add3A_124, %shift_right_logical3A_130 : vector<16xi32>
      %or3A_132 = arith.ori %shift_left3A_128, %shift_right_logical3A_131 : vector<16xi32>
      %xor3A_133 = arith.xori %add3A_125, %or3A_132 : vector<16xi32>
      %add3A_134 = arith.addi %add3A_125, %xor3A_133 : vector<16xi32>
      %shift_left3A_135 = arith.constant 29 : i32
      %shift_left3A_136 = vector.broadcast %shift_left3A_135 : i32 to vector<16xi32>
      %shift_left3A_137 = arith.shli %xor3A_133, %shift_left3A_136 : vector<16xi32>
      %shift_right_logical3A_138 = arith.constant 3 : i32
      %shift_right_logical3A_139 = vector.broadcast %shift_right_logical3A_138 : i32 to vector<16xi32>
      %shift_right_logical3A_140 = arith.shrui %xor3A_133, %shift_right_logical3A_139 : vector<16xi32>
      %or3A_141 = arith.ori %shift_left3A_137, %shift_right_logical3A_140 : vector<16xi32>
      %xor3A_142 = arith.xori %add3A_134, %or3A_141 : vector<16xi32>
      %add3A_143 = arith.addi %add3A_134, %xor3A_142 : vector<16xi32>
      %shift_left3A_144 = arith.constant 16 : i32
      %shift_left3A_145 = vector.broadcast %shift_left3A_144 : i32 to vector<16xi32>
      %shift_left3A_146 = arith.shli %xor3A_142, %shift_left3A_145 : vector<16xi32>
      %shift_right_logical3A_147 = arith.constant 16 : i32
      %shift_right_logical3A_148 = vector.broadcast %shift_right_logical3A_147 : i32 to vector<16xi32>
      %shift_right_logical3A_149 = arith.shrui %xor3A_142, %shift_right_logical3A_148 : vector<16xi32>
      %or3A_150 = arith.ori %shift_left3A_146, %shift_right_logical3A_149 : vector<16xi32>
      %xor3A_151 = arith.xori %add3A_143, %or3A_150 : vector<16xi32>
      %add3A_152 = arith.addi %add3A_143, %xor3A_151 : vector<16xi32>
      %shift_left3A_153 = arith.constant 24 : i32
      %shift_left3A_154 = vector.broadcast %shift_left3A_153 : i32 to vector<16xi32>
      %shift_left3A_155 = arith.shli %xor3A_151, %shift_left3A_154 : vector<16xi32>
      %shift_right_logical3A_156 = arith.constant 8 : i32
      %shift_right_logical3A_157 = vector.broadcast %shift_right_logical3A_156 : i32 to vector<16xi32>
      %shift_right_logical3A_158 = arith.shrui %xor3A_151, %shift_right_logical3A_157 : vector<16xi32>
      %or3A_159 = arith.ori %shift_left3A_155, %shift_right_logical3A_158 : vector<16xi32>
      %xor3A_160 = arith.xori %add3A_152, %or3A_159 : vector<16xi32>
      %add3A_161 = arith.constant -2045582813 : i32
      %add3A_162 = vector.broadcast %add3A_161 : i32 to vector<16xi32>
      %add3A_163 = arith.addi %add3A_152, %add3A_162 : vector<16xi32>
      %add3A_164 = arith.constant -1829035798 : i32
      %add3A_165 = vector.broadcast %add3A_164 : i32 to vector<16xi32>
      %add3A_166 = arith.addi %xor3A_160, %add3A_165 : vector<16xi32>
      %add3A_167 = arith.constant 2 : i32
      %add3A_168 = vector.broadcast %add3A_167 : i32 to vector<16xi32>
      %add3A_169 = arith.addi %add3A_166, %add3A_168 : vector<16xi32>
      %add3A_170 = arith.addi %add3A_163, %add3A_169 : vector<16xi32>
      %shift_left3A_171 = arith.constant 13 : i32
      %shift_left3A_172 = vector.broadcast %shift_left3A_171 : i32 to vector<16xi32>
      %shift_left3A_173 = arith.shli %add3A_169, %shift_left3A_172 : vector<16xi32>
      %shift_right_logical3A_174 = arith.constant 19 : i32
      %shift_right_logical3A_175 = vector.broadcast %shift_right_logical3A_174 : i32 to vector<16xi32>
      %shift_right_logical3A_176 = arith.shrui %add3A_169, %shift_right_logical3A_175 : vector<16xi32>
      %or3A_177 = arith.ori %shift_left3A_173, %shift_right_logical3A_176 : vector<16xi32>
      %xor3A_178 = arith.xori %add3A_170, %or3A_177 : vector<16xi32>
      %add3A_179 = arith.addi %add3A_170, %xor3A_178 : vector<16xi32>
      %shift_left3A_180 = arith.constant 15 : i32
      %shift_left3A_181 = vector.broadcast %shift_left3A_180 : i32 to vector<16xi32>
      %shift_left3A_182 = arith.shli %xor3A_178, %shift_left3A_181 : vector<16xi32>
      %shift_right_logical3A_183 = arith.constant 17 : i32
      %shift_right_logical3A_184 = vector.broadcast %shift_right_logical3A_183 : i32 to vector<16xi32>
      %shift_right_logical3A_185 = arith.shrui %xor3A_178, %shift_right_logical3A_184 : vector<16xi32>
      %or3A_186 = arith.ori %shift_left3A_182, %shift_right_logical3A_185 : vector<16xi32>
      %xor3A_187 = arith.xori %add3A_179, %or3A_186 : vector<16xi32>
      %add3A_188 = arith.addi %add3A_179, %xor3A_187 : vector<16xi32>
      %shift_left3A_189 = arith.constant 26 : i32
      %shift_left3A_190 = vector.broadcast %shift_left3A_189 : i32 to vector<16xi32>
      %shift_left3A_191 = arith.shli %xor3A_187, %shift_left3A_190 : vector<16xi32>
      %shift_right_logical3A_192 = arith.constant 6 : i32
      %shift_right_logical3A_193 = vector.broadcast %shift_right_logical3A_192 : i32 to vector<16xi32>
      %shift_right_logical3A_194 = arith.shrui %xor3A_187, %shift_right_logical3A_193 : vector<16xi32>
      %or3A_195 = arith.ori %shift_left3A_191, %shift_right_logical3A_194 : vector<16xi32>
      %xor3A_196 = arith.xori %add3A_188, %or3A_195 : vector<16xi32>
      %add3A_197 = arith.addi %add3A_188, %xor3A_196 : vector<16xi32>
      %shift_left3A_198 = arith.constant 6 : i32
      %shift_left3A_199 = vector.broadcast %shift_left3A_198 : i32 to vector<16xi32>
      %shift_left3A_200 = arith.shli %xor3A_196, %shift_left3A_199 : vector<16xi32>
      %shift_right_logical3A_201 = arith.constant 26 : i32
      %shift_right_logical3A_202 = vector.broadcast %shift_right_logical3A_201 : i32 to vector<16xi32>
      %shift_right_logical3A_203 = arith.shrui %xor3A_196, %shift_right_logical3A_202 : vector<16xi32>
      %or3A_204 = arith.ori %shift_left3A_200, %shift_right_logical3A_203 : vector<16xi32>
      %xor3A_205 = arith.xori %add3A_197, %or3A_204 : vector<16xi32>
      %add3A_206 = arith.constant -1829035798 : i32
      %add3A_207 = vector.broadcast %add3A_206 : i32 to vector<16xi32>
      %add3A_208 = arith.addi %add3A_197, %add3A_207 : vector<16xi32>
      %add3A_209 = arith.constant 255383827 : i32
      %add3A_210 = vector.broadcast %add3A_209 : i32 to vector<16xi32>
      %add3A_211 = arith.addi %xor3A_205, %add3A_210 : vector<16xi32>
      %add3A_212 = arith.constant 3 : i32
      %add3A_213 = vector.broadcast %add3A_212 : i32 to vector<16xi32>
      %add3A_214 = arith.addi %add3A_211, %add3A_213 : vector<16xi32>
      %add3A_215 = arith.addi %add3A_208, %add3A_214 : vector<16xi32>
      %shift_left3A_216 = arith.constant 17 : i32
      %shift_left3A_217 = vector.broadcast %shift_left3A_216 : i32 to vector<16xi32>
      %shift_left3A_218 = arith.shli %add3A_214, %shift_left3A_217 : vector<16xi32>
      %shift_right_logical3A_219 = arith.constant 15 : i32
      %shift_right_logical3A_220 = vector.broadcast %shift_right_logical3A_219 : i32 to vector<16xi32>
      %shift_right_logical3A_221 = arith.shrui %add3A_214, %shift_right_logical3A_220 : vector<16xi32>
      %or3A_222 = arith.ori %shift_left3A_218, %shift_right_logical3A_221 : vector<16xi32>
      %xor3A_223 = arith.xori %add3A_215, %or3A_222 : vector<16xi32>
      %add3A_224 = arith.addi %add3A_215, %xor3A_223 : vector<16xi32>
      %shift_left3A_225 = arith.constant 29 : i32
      %shift_left3A_226 = vector.broadcast %shift_left3A_225 : i32 to vector<16xi32>
      %shift_left3A_227 = arith.shli %xor3A_223, %shift_left3A_226 : vector<16xi32>
      %shift_right_logical3A_228 = arith.constant 3 : i32
      %shift_right_logical3A_229 = vector.broadcast %shift_right_logical3A_228 : i32 to vector<16xi32>
      %shift_right_logical3A_230 = arith.shrui %xor3A_223, %shift_right_logical3A_229 : vector<16xi32>
      %or3A_231 = arith.ori %shift_left3A_227, %shift_right_logical3A_230 : vector<16xi32>
      %xor3A_232 = arith.xori %add3A_224, %or3A_231 : vector<16xi32>
      %add3A_233 = arith.addi %add3A_224, %xor3A_232 : vector<16xi32>
      %shift_left3A_234 = arith.constant 16 : i32
      %shift_left3A_235 = vector.broadcast %shift_left3A_234 : i32 to vector<16xi32>
      %shift_left3A_236 = arith.shli %xor3A_232, %shift_left3A_235 : vector<16xi32>
      %shift_right_logical3A_237 = arith.constant 16 : i32
      %shift_right_logical3A_238 = vector.broadcast %shift_right_logical3A_237 : i32 to vector<16xi32>
      %shift_right_logical3A_239 = arith.shrui %xor3A_232, %shift_right_logical3A_238 : vector<16xi32>
      %or3A_240 = arith.ori %shift_left3A_236, %shift_right_logical3A_239 : vector<16xi32>
      %xor3A_241 = arith.xori %add3A_233, %or3A_240 : vector<16xi32>
      %add3A_242 = arith.addi %add3A_233, %xor3A_241 : vector<16xi32>
      %shift_left3A_243 = arith.constant 24 : i32
      %shift_left3A_244 = vector.broadcast %shift_left3A_243 : i32 to vector<16xi32>
      %shift_left3A_245 = arith.shli %xor3A_241, %shift_left3A_244 : vector<16xi32>
      %shift_right_logical3A_246 = arith.constant 8 : i32
      %shift_right_logical3A_247 = vector.broadcast %shift_right_logical3A_246 : i32 to vector<16xi32>
      %shift_right_logical3A_248 = arith.shrui %xor3A_241, %shift_right_logical3A_247 : vector<16xi32>
      %or3A_249 = arith.ori %shift_left3A_245, %shift_right_logical3A_248 : vector<16xi32>
      %xor3A_250 = arith.xori %add3A_242, %or3A_249 : vector<16xi32>
      %add3A_251 = arith.constant 255383827 : i32
      %add3A_252 = vector.broadcast %add3A_251 : i32 to vector<16xi32>
      %add3A_253 = arith.addi %add3A_242, %add3A_252 : vector<16xi32>
      %add3A_254 = arith.constant -2045582813 : i32
      %add3A_255 = vector.broadcast %add3A_254 : i32 to vector<16xi32>
      %add3A_256 = arith.addi %xor3A_250, %add3A_255 : vector<16xi32>
      %add3A_257 = arith.constant 4 : i32
      %add3A_258 = vector.broadcast %add3A_257 : i32 to vector<16xi32>
      %add3A_259 = arith.addi %add3A_256, %add3A_258 : vector<16xi32>
      %add3A_260 = arith.addi %add3A_253, %add3A_259 : vector<16xi32>
      %shift_left3A_261 = arith.constant 13 : i32
      %shift_left3A_262 = vector.broadcast %shift_left3A_261 : i32 to vector<16xi32>
      %shift_left3A_263 = arith.shli %add3A_259, %shift_left3A_262 : vector<16xi32>
      %shift_right_logical3A_264 = arith.constant 19 : i32
      %shift_right_logical3A_265 = vector.broadcast %shift_right_logical3A_264 : i32 to vector<16xi32>
      %shift_right_logical3A_266 = arith.shrui %add3A_259, %shift_right_logical3A_265 : vector<16xi32>
      %or3A_267 = arith.ori %shift_left3A_263, %shift_right_logical3A_266 : vector<16xi32>
      %xor3A_268 = arith.xori %add3A_260, %or3A_267 : vector<16xi32>
      %add3A_269 = arith.addi %add3A_260, %xor3A_268 : vector<16xi32>
      %shift_left3A_270 = arith.constant 15 : i32
      %shift_left3A_271 = vector.broadcast %shift_left3A_270 : i32 to vector<16xi32>
      %shift_left3A_272 = arith.shli %xor3A_268, %shift_left3A_271 : vector<16xi32>
      %shift_right_logical3A_273 = arith.constant 17 : i32
      %shift_right_logical3A_274 = vector.broadcast %shift_right_logical3A_273 : i32 to vector<16xi32>
      %shift_right_logical3A_275 = arith.shrui %xor3A_268, %shift_right_logical3A_274 : vector<16xi32>
      %or3A_276 = arith.ori %shift_left3A_272, %shift_right_logical3A_275 : vector<16xi32>
      %xor3A_277 = arith.xori %add3A_269, %or3A_276 : vector<16xi32>
      %add3A_278 = arith.addi %add3A_269, %xor3A_277 : vector<16xi32>
      %shift_left3A_279 = arith.constant 26 : i32
      %shift_left3A_280 = vector.broadcast %shift_left3A_279 : i32 to vector<16xi32>
      %shift_left3A_281 = arith.shli %xor3A_277, %shift_left3A_280 : vector<16xi32>
      %shift_right_logical3A_282 = arith.constant 6 : i32
      %shift_right_logical3A_283 = vector.broadcast %shift_right_logical3A_282 : i32 to vector<16xi32>
      %shift_right_logical3A_284 = arith.shrui %xor3A_277, %shift_right_logical3A_283 : vector<16xi32>
      %or3A_285 = arith.ori %shift_left3A_281, %shift_right_logical3A_284 : vector<16xi32>
      %xor3A_286 = arith.xori %add3A_278, %or3A_285 : vector<16xi32>
      %add3A_287 = arith.addi %add3A_278, %xor3A_286 : vector<16xi32>
      %shift_left3A_288 = arith.constant 6 : i32
      %shift_left3A_289 = vector.broadcast %shift_left3A_288 : i32 to vector<16xi32>
      %shift_left3A_290 = arith.shli %xor3A_286, %shift_left3A_289 : vector<16xi32>
      %shift_right_logical3A_291 = arith.constant 26 : i32
      %shift_right_logical3A_292 = vector.broadcast %shift_right_logical3A_291 : i32 to vector<16xi32>
      %shift_right_logical3A_293 = arith.shrui %xor3A_286, %shift_right_logical3A_292 : vector<16xi32>
      %or3A_294 = arith.ori %shift_left3A_290, %shift_right_logical3A_293 : vector<16xi32>
      %xor3A_295 = arith.xori %add3A_287, %or3A_294 : vector<16xi32>
      %add3A_296 = arith.constant -2045582813 : i32
      %add3A_297 = vector.broadcast %add3A_296 : i32 to vector<16xi32>
      %add3A_298 = arith.addi %add3A_287, %add3A_297 : vector<16xi32>
      %add3A_299 = arith.constant -1829035798 : i32
      %add3A_300 = vector.broadcast %add3A_299 : i32 to vector<16xi32>
      %add3A_301 = arith.addi %xor3A_295, %add3A_300 : vector<16xi32>
      %add3A_302 = arith.constant 5 : i32
      %add3A_303 = vector.broadcast %add3A_302 : i32 to vector<16xi32>
      %add3A_304 = arith.addi %add3A_301, %add3A_303 : vector<16xi32>
      %xor3A_305 = arith.xori %add3A_298, %add3A_304 : vector<16xi32>
      %swap3A = arith.index_cast %shift_right_logical3A_69 : i32 to index
      %swap3A_306 = arith.index_cast %multiple_of3A : i32 to index
      %swap3A_307 = tpu.vector_load %arg4[%swap3A, %swap3A_306] {strides = array<i32>} : memref<32x1024xi32, #tpu.memory_space<vmem>>, vector<1x16xi32>,
      %swap3A_308 = vector.shape_cast %swap3A_307 : vector<1x16xi32> to vector<16xi32>
      %swap3A_309 = vector.shape_cast %xor3A_305 : vector<16xi32> to vector<1x16xi32>
      tpu.vector_store %arg4[%swap3A, %swap3A_306], %swap3A_309 {strides = array<i32>} : memref<32x1024xi32, #tpu.memory_space<vmem>>, vector<1x16xi32>,
      %mul3A_310 = arith.constant 4 : i32
      %mul3A_311 = arith.muli %scan3A_64, %mul3A_310 : i32
      %add3A_312 = arith.constant 1 : i32
      %add3A_313 = arith.addi %mul3A_311, %add3A_312 : i32
      %shift_right_logical3A_314 = arith.constant 6 : i32
      %shift_right_logical3A_315 = arith.shrui %add3A_313, %shift_right_logical3A_314 : i32
      %and3A_316 = arith.constant 63 : i32
      %and3A_317 = arith.andi %add3A_313, %and3A_316 : i32
      %shift_left3A_318 = arith.constant 4 : i32
      %shift_left3A_319 = arith.shli %and3A_317, %shift_left3A_318 : i32
      %multiple_of3A_320 = tpu.assume_multiple %shift_left3A_319, 16 : i32
      %add3A_321 = arith.addi %add3A_45, %shift_right_logical3A_315 : i32
      %mul3A_322 = arith.constant 1000 : i32
      %mul3A_323 = arith.muli %add3A_321, %mul3A_322 : i32
      %add3A_324 = arith.addi %mul3A_323, %multiple_of3A_320 : i32
      %add3A_325 = vector.broadcast %add3A_324 : i32 to vector<16xi32>
      %add3A_326 = arith.addi %iota3A, %add3A_325 : vector<16xi32>
      %broadcast_in_dim3A_327 = arith.constant -1829035798 : i32
      %broadcast_in_dim3A_328 = vector.broadcast %broadcast_in_dim3A_327 : i32 to vector<16xi32>
      %add3A_329 = arith.constant 255383827 : i32
      %add3A_330 = vector.broadcast %add3A_329 : i32 to vector<16xi32>
      %add3A_331 = arith.addi %add3A_326, %add3A_330 : vector<16xi32>
      %add3A_332 = arith.addi %broadcast_in_dim3A_328, %add3A_331 : vector<16xi32>
      %shift_left3A_333 = arith.constant 13 : i32
      %shift_left3A_334 = vector.broadcast %shift_left3A_333 : i32 to vector<16xi32>
      %shift_left3A_335 = arith.shli %add3A_331, %shift_left3A_334 : vector<16xi32>
      %shift_right_logical3A_336 = arith.constant 19 : i32
      %shift_right_logical3A_337 = vector.broadcast %shift_right_logical3A_336 : i32 to vector<16xi32>
      %shift_right_logical3A_338 = arith.shrui %add3A_331, %shift_right_logical3A_337 : vector<16xi32>
      %or3A_339 = arith.ori %shift_left3A_335, %shift_right_logical3A_338 : vector<16xi32>
      %xor3A_340 = arith.xori %add3A_332, %or3A_339 : vector<16xi32>
      %add3A_341 = arith.addi %add3A_332, %xor3A_340 : vector<16xi32>
      %shift_left3A_342 = arith.constant 15 : i32
      %shift_left3A_343 = vector.broadcast %shift_left3A_342 : i32 to vector<16xi32>
      %shift_left3A_344 = arith.shli %xor3A_340, %shift_left3A_343 : vector<16xi32>
      %shift_right_logical3A_345 = arith.constant 17 : i32
      %shift_right_logical3A_346 = vector.broadcast %shift_right_logical3A_345 : i32 to vector<16xi32>
      %shift_right_logical3A_347 = arith.shrui %xor3A_340, %shift_right_logical3A_346 : vector<16xi32>
      %or3A_348 = arith.ori %shift_left3A_344, %shift_right_logical3A_347 : vector<16xi32>
      %xor3A_349 = arith.xori %add3A_341, %or3A_348 : vector<16xi32>
      %add3A_350 = arith.addi %add3A_341, %xor3A_349 : vector<16xi32>
      %shift_left3A_351 = arith.constant 26 : i32
      %shift_left3A_352 = vector.broadcast %shift_left3A_351 : i32 to vector<16xi32>
      %shift_left3A_353 = arith.shli %xor3A_349, %shift_left3A_352 : vector<16xi32>
      %shift_right_logical3A_354 = arith.constant 6 : i32
      %shift_right_logical3A_355 = vector.broadcast %shift_right_logical3A_354 : i32 to vector<16xi32>
      %shift_right_logical3A_356 = arith.shrui %xor3A_349, %shift_right_logical3A_355 : vector<16xi32>
      %or3A_357 = arith.ori %shift_left3A_353, %shift_right_logical3A_356 : vector<16xi32>
      %xor3A_358 = arith.xori %add3A_350, %or3A_357 : vector<16xi32>
      %add3A_359 = arith.addi %add3A_350, %xor3A_358 : vector<16xi32>
      %shift_left3A_360 = arith.constant 6 : i32
      %shift_left3A_361 = vector.broadcast %shift_left3A_360 : i32 to vector<16xi32>
      %shift_left3A_362 = arith.shli %xor3A_358, %shift_left3A_361 : vector<16xi32>
      %shift_right_logical3A_363 = arith.constant 26 : i32
      %shift_right_logical3A_364 = vector.broadcast %shift_right_logical3A_363 : i32 to vector<16xi32>
      %shift_right_logical3A_365 = arith.shrui %xor3A_358, %shift_right_logical3A_364 : vector<16xi32>
      %or3A_366 = arith.ori %shift_left3A_362, %shift_right_logical3A_365 : vector<16xi32>
      %xor3A_367 = arith.xori %add3A_359, %or3A_366 : vector<16xi32>
      %add3A_368 = arith.constant 255383827 : i32
      %add3A_369 = vector.broadcast %add3A_368 : i32 to vector<16xi32>
      %add3A_370 = arith.addi %add3A_359, %add3A_369 : vector<16xi32>
      %add3A_371 = arith.constant -2045582813 : i32
      %add3A_372 = vector.broadcast %add3A_371 : i32 to vector<16xi32>
      %add3A_373 = arith.addi %xor3A_367, %add3A_372 : vector<16xi32>
      %add3A_374 = arith.constant 1 : i32
      %add3A_375 = vector.broadcast %add3A_374 : i32 to vector<16xi32>
      %add3A_376 = arith.addi %add3A_373, %add3A_375 : vector<16xi32>
      %add3A_377 = arith.addi %add3A_370, %add3A_376 : vector<16xi32>
      %shift_left3A_378 = arith.constant 17 : i32
      %shift_left3A_379 = vector.broadcast %shift_left3A_378 : i32 to vector<16xi32>
      %shift_left3A_380 = arith.shli %add3A_376, %shift_left3A_379 : vector<16xi32>
      %shift_right_logical3A_381 = arith.constant 15 : i32
      %shift_right_logical3A_382 = vector.broadcast %shift_right_logical3A_381 : i32 to vector<16xi32>
      %shift_right_logical3A_383 = arith.shrui %add3A_376, %shift_right_logical3A_382 : vector<16xi32>
      %or3A_384 = arith.ori %shift_left3A_380, %shift_right_logical3A_383 : vector<16xi32>
      %xor3A_385 = arith.xori %add3A_377, %or3A_384 : vector<16xi32>
      %add3A_386 = arith.addi %add3A_377, %xor3A_385 : vector<16xi32>
      %shift_left3A_387 = arith.constant 29 : i32
      %shift_left3A_388 = vector.broadcast %shift_left3A_387 : i32 to vector<16xi32>
      %shift_left3A_389 = arith.shli %xor3A_385, %shift_left3A_388 : vector<16xi32>
      %shift_right_logical3A_390 = arith.constant 3 : i32
      %shift_right_logical3A_391 = vector.broadcast %shift_right_logical3A_390 : i32 to vector<16xi32>
      %shift_right_logical3A_392 = arith.shrui %xor3A_385, %shift_right_logical3A_391 : vector<16xi32>
      %or3A_393 = arith.ori %shift_left3A_389, %shift_right_logical3A_392 : vector<16xi32>
      %xor3A_394 = arith.xori %add3A_386, %or3A_393 : vector<16xi32>
      %add3A_395 = arith.addi %add3A_386, %xor3A_394 : vector<16xi32>
      %shift_left3A_396 = arith.constant 16 : i32
      %shift_left3A_397 = vector.broadcast %shift_left3A_396 : i32 to vector<16xi32>
      %shift_left3A_398 = arith.shli %xor3A_394, %shift_left3A_397 : vector<16xi32>
      %shift_right_logical3A_399 = arith.constant 16 : i32
      %shift_right_logical3A_400 = vector.broadcast %shift_right_logical3A_399 : i32 to vector<16xi32>
      %shift_right_logical3A_401 = arith.shrui %xor3A_394, %shift_right_logical3A_400 : vector<16xi32>
      %or3A_402 = arith.ori %shift_left3A_398, %shift_right_logical3A_401 : vector<16xi32>
      %xor3A_403 = arith.xori %add3A_395, %or3A_402 : vector<16xi32>
      %add3A_404 = arith.addi %add3A_395, %xor3A_403 : vector<16xi32>
      %shift_left3A_405 = arith.constant 24 : i32
      %shift_left3A_406 = vector.broadcast %shift_left3A_405 : i32 to vector<16xi32>
      %shift_left3A_407 = arith.shli %xor3A_403, %shift_left3A_406 : vector<16xi32>
      %shift_right_logical3A_408 = arith.constant 8 : i32
      %shift_right_logical3A_409 = vector.broadcast %shift_right_logical3A_408 : i32 to vector<16xi32>
      %shift_right_logical3A_410 = arith.shrui %xor3A_403, %shift_right_logical3A_409 : vector<16xi32>
      %or3A_411 = arith.ori %shift_left3A_407, %shift_right_logical3A_410 : vector<16xi32>
      %xor3A_412 = arith.xori %add3A_404, %or3A_411 : vector<16xi32>
      %add3A_413 = arith.constant -2045582813 : i32
      %add3A_414 = vector.broadcast %add3A_413 : i32 to vector<16xi32>
      %add3A_415 = arith.addi %add3A_404, %add3A_414 : vector<16xi32>
      %add3A_416 = arith.constant -1829035798 : i32
      %add3A_417 = vector.broadcast %add3A_416 : i32 to vector<16xi32>
      %add3A_418 = arith.addi %xor3A_412, %add3A_417 : vector<16xi32>
      %add3A_419 = arith.constant 2 : i32
      %add3A_420 = vector.broadcast %add3A_419 : i32 to vector<16xi32>
      %add3A_421 = arith.addi %add3A_418, %add3A_420 : vector<16xi32>
      %add3A_422 = arith.addi %add3A_415, %add3A_421 : vector<16xi32>
      %shift_left3A_423 = arith.constant 13 : i32
      %shift_left3A_424 = vector.broadcast %shift_left3A_423 : i32 to vector<16xi32>
      %shift_left3A_425 = arith.shli %add3A_421, %shift_left3A_424 : vector<16xi32>
      %shift_right_logical3A_426 = arith.constant 19 : i32
      %shift_right_logical3A_427 = vector.broadcast %shift_right_logical3A_426 : i32 to vector<16xi32>
      %shift_right_logical3A_428 = arith.shrui %add3A_421, %shift_right_logical3A_427 : vector<16xi32>
      %or3A_429 = arith.ori %shift_left3A_425, %shift_right_logical3A_428 : vector<16xi32>
      %xor3A_430 = arith.xori %add3A_422, %or3A_429 : vector<16xi32>
      %add3A_431 = arith.addi %add3A_422, %xor3A_430 : vector<16xi32>
      %shift_left3A_432 = arith.constant 15 : i32
      %shift_left3A_433 = vector.broadcast %shift_left3A_432 : i32 to vector<16xi32>
      %shift_left3A_434 = arith.shli %xor3A_430, %shift_left3A_433 : vector<16xi32>
      %shift_right_logical3A_435 = arith.constant 17 : i32
      %shift_right_logical3A_436 = vector.broadcast %shift_right_logical3A_435 : i32 to vector<16xi32>
      %shift_right_logical3A_437 = arith.shrui %xor3A_430, %shift_right_logical3A_436 : vector<16xi32>
      %or3A_438 = arith.ori %shift_left3A_434, %shift_right_logical3A_437 : vector<16xi32>
      %xor3A_439 = arith.xori %add3A_431, %or3A_438 : vector<16xi32>
      %add3A_440 = arith.addi %add3A_431, %xor3A_439 : vector<16xi32>
      %shift_left3A_441 = arith.constant 26 : i32
      %shift_left3A_442 = vector.broadcast %shift_left3A_441 : i32 to vector<16xi32>
      %shift_left3A_443 = arith.shli %xor3A_439, %shift_left3A_442 : vector<16xi32>
      %shift_right_logical3A_444 = arith.constant 6 : i32
      %shift_right_logical3A_445 = vector.broadcast %shift_right_logical3A_444 : i32 to vector<16xi32>
      %shift_right_logical3A_446 = arith.shrui %xor3A_439, %shift_right_logical3A_445 : vector<16xi32>
      %or3A_447 = arith.ori %shift_left3A_443, %shift_right_logical3A_446 : vector<16xi32>
      %xor3A_448 = arith.xori %add3A_440, %or3A_447 : vector<16xi32>
      %add3A_449 = arith.addi %add3A_440, %xor3A_448 : vector<16xi32>
      %shift_left3A_450 = arith.constant 6 : i32
      %shift_left3A_451 = vector.broadcast %shift_left3A_450 : i32 to vector<16xi32>
      %shift_left3A_452 = arith.shli %xor3A_448, %shift_left3A_451 : vector<16xi32>
      %shift_right_logical3A_453 = arith.constant 26 : i32
      %shift_right_logical3A_454 = vector.broadcast %shift_right_logical3A_453 : i32 to vector<16xi32>
      %shift_right_logical3A_455 = arith.shrui %xor3A_448, %shift_right_logical3A_454 : vector<16xi32>
      %or3A_456 = arith.ori %shift_left3A_452, %shift_right_logical3A_455 : vector<16xi32>
      %xor3A_457 = arith.xori %add3A_449, %or3A_456 : vector<16xi32>
      %add3A_458 = arith.constant -1829035798 : i32
      %add3A_459 = vector.broadcast %add3A_458 : i32 to vector<16xi32>
      %add3A_460 = arith.addi %add3A_449, %add3A_459 : vector<16xi32>
      %add3A_461 = arith.constant 255383827 : i32
      %add3A_462 = vector.broadcast %add3A_461 : i32 to vector<16xi32>
      %add3A_463 = arith.addi %xor3A_457, %add3A_462 : vector<16xi32>
      %add3A_464 = arith.constant 3 : i32
      %add3A_465 = vector.broadcast %add3A_464 : i32 to vector<16xi32>
      %add3A_466 = arith.addi %add3A_463, %add3A_465 : vector<16xi32>
      %add3A_467 = arith.addi %add3A_460, %add3A_466 : vector<16xi32>
      %shift_left3A_468 = arith.constant 17 : i32
      %shift_left3A_469 = vector.broadcast %shift_left3A_468 : i32 to vector<16xi32>
      %shift_left3A_470 = arith.shli %add3A_466, %shift_left3A_469 : vector<16xi32>
      %shift_right_logical3A_471 = arith.constant 15 : i32
      %shift_right_logical3A_472 = vector.broadcast %shift_right_logical3A_471 : i32 to vector<16xi32>
      %shift_right_logical3A_473 = arith.shrui %add3A_466, %shift_right_logical3A_472 : vector<16xi32>
      %or3A_474 = arith.ori %shift_left3A_470, %shift_right_logical3A_473 : vector<16xi32>
      %xor3A_475 = arith.xori %add3A_467, %or3A_474 : vector<16xi32>
      %add3A_476 = arith.addi %add3A_467, %xor3A_475 : vector<16xi32>
      %shift_left3A_477 = arith.constant 29 : i32
      %shift_left3A_478 = vector.broadcast %shift_left3A_477 : i32 to vector<16xi32>
      %shift_left3A_479 = arith.shli %xor3A_475, %shift_left3A_478 : vector<16xi32>
      %shift_right_logical3A_480 = arith.constant 3 : i32
      %shift_right_logical3A_481 = vector.broadcast %shift_right_logical3A_480 : i32 to vector<16xi32>
      %shift_right_logical3A_482 = arith.shrui %xor3A_475, %shift_right_logical3A_481 : vector<16xi32>
      %or3A_483 = arith.ori %shift_left3A_479, %shift_right_logical3A_482 : vector<16xi32>
      %xor3A_484 = arith.xori %add3A_476, %or3A_483 : vector<16xi32>
      %add3A_485 = arith.addi %add3A_476, %xor3A_484 : vector<16xi32>
      %shift_left3A_486 = arith.constant 16 : i32
      %shift_left3A_487 = vector.broadcast %shift_left3A_486 : i32 to vector<16xi32>
      %shift_left3A_488 = arith.shli %xor3A_484, %shift_left3A_487 : vector<16xi32>
      %shift_right_logical3A_489 = arith.constant 16 : i32
      %shift_right_logical3A_490 = vector.broadcast %shift_right_logical3A_489 : i32 to vector<16xi32>
      %shift_right_logical3A_491 = arith.shrui %xor3A_484, %shift_right_logical3A_490 : vector<16xi32>
      %or3A_492 = arith.ori %shift_left3A_488, %shift_right_logical3A_491 : vector<16xi32>
      %xor3A_493 = arith.xori %add3A_485, %or3A_492 : vector<16xi32>
      %add3A_494 = arith.addi %add3A_485, %xor3A_493 : vector<16xi32>
      %shift_left3A_495 = arith.constant 24 : i32
      %shift_left3A_496 = vector.broadcast %shift_left3A_495 : i32 to vector<16xi32>
      %shift_left3A_497 = arith.shli %xor3A_493, %shift_left3A_496 : vector<16xi32>
      %shift_right_logical3A_498 = arith.constant 8 : i32
      %shift_right_logical3A_499 = vector.broadcast %shift_right_logical3A_498 : i32 to vector<16xi32>
      %shift_right_logical3A_500 = arith.shrui %xor3A_493, %shift_right_logical3A_499 : vector<16xi32>
      %or3A_501 = arith.ori %shift_left3A_497, %shift_right_logical3A_500 : vector<16xi32>
      %xor3A_502 = arith.xori %add3A_494, %or3A_501 : vector<16xi32>
      %add3A_503 = arith.constant 255383827 : i32
      %add3A_504 = vector.broadcast %add3A_503 : i32 to vector<16xi32>
      %add3A_505 = arith.addi %add3A_494, %add3A_504 : vector<16xi32>
      %add3A_506 = arith.constant -2045582813 : i32
      %add3A_507 = vector.broadcast %add3A_506 : i32 to vector<16xi32>
      %add3A_508 = arith.addi %xor3A_502, %add3A_507 : vector<16xi32>
      %add3A_509 = arith.constant 4 : i32
      %add3A_510 = vector.broadcast %add3A_509 : i32 to vector<16xi32>
      %add3A_511 = arith.addi %add3A_508, %add3A_510 : vector<16xi32>
      %add3A_512 = arith.addi %add3A_505, %add3A_511 : vector<16xi32>
      %shift_left3A_513 = arith.constant 13 : i32
      %shift_left3A_514 = vector.broadcast %shift_left3A_513 : i32 to vector<16xi32>
      %shift_left3A_515 = arith.shli %add3A_511, %shift_left3A_514 : vector<16xi32>
      %shift_right_logical3A_516 = arith.constant 19 : i32
      %shift_right_logical3A_517 = vector.broadcast %shift_right_logical3A_516 : i32 to vector<16xi32>
      %shift_right_logical3A_518 = arith.shrui %add3A_511, %shift_right_logical3A_517 : vector<16xi32>
      %or3A_519 = arith.ori %shift_left3A_515, %shift_right_logical3A_518 : vector<16xi32>
      %xor3A_520 = arith.xori %add3A_512, %or3A_519 : vector<16xi32>
      %add3A_521 = arith.addi %add3A_512, %xor3A_520 : vector<16xi32>
      %shift_left3A_522 = arith.constant 15 : i32
      %shift_left3A_523 = vector.broadcast %shift_left3A_522 : i32 to vector<16xi32>
      %shift_left3A_524 = arith.shli %xor3A_520, %shift_left3A_523 : vector<16xi32>
      %shift_right_logical3A_525 = arith.constant 17 : i32
      %shift_right_logical3A_526 = vector.broadcast %shift_right_logical3A_525 : i32 to vector<16xi32>
      %shift_right_logical3A_527 = arith.shrui %xor3A_520, %shift_right_logical3A_526 : vector<16xi32>
      %or3A_528 = arith.ori %shift_left3A_524, %shift_right_logical3A_527 : vector<16xi32>
      %xor3A_529 = arith.xori %add3A_521, %or3A_528 : vector<16xi32>
      %add3A_530 = arith.addi %add3A_521, %xor3A_529 : vector<16xi32>
      %shift_left3A_531 = arith.constant 26 : i32
      %shift_left3A_532 = vector.broadcast %shift_left3A_531 : i32 to vector<16xi32>
      %shift_left3A_533 = arith.shli %xor3A_529, %shift_left3A_532 : vector<16xi32>
      %shift_right_logical3A_534 = arith.constant 6 : i32
      %shift_right_logical3A_535 = vector.broadcast %shift_right_logical3A_534 : i32 to vector<16xi32>
      %shift_right_logical3A_536 = arith.shrui %xor3A_529, %shift_right_logical3A_535 : vector<16xi32>
      %or3A_537 = arith.ori %shift_left3A_533, %shift_right_logical3A_536 : vector<16xi32>
      %xor3A_538 = arith.xori %add3A_530, %or3A_537 : vector<16xi32>
      %add3A_539 = arith.addi %add3A_530, %xor3A_538 : vector<16xi32>
      %shift_left3A_540 = arith.constant 6 : i32
      %shift_left3A_541 = vector.broadcast %shift_left3A_540 : i32 to vector<16xi32>
      %shift_left3A_542 = arith.shli %xor3A_538, %shift_left3A_541 : vector<16xi32>
      %shift_right_logical3A_543 = arith.constant 26 : i32
      %shift_right_logical3A_544 = vector.broadcast %shift_right_logical3A_543 : i32 to vector<16xi32>
      %shift_right_logical3A_545 = arith.shrui %xor3A_538, %shift_right_logical3A_544 : vector<16xi32>
      %or3A_546 = arith.ori %shift_left3A_542, %shift_right_logical3A_545 : vector<16xi32>
      %xor3A_547 = arith.xori %add3A_539, %or3A_546 : vector<16xi32>
      %add3A_548 = arith.constant -2045582813 : i32
      %add3A_549 = vector.broadcast %add3A_548 : i32 to vector<16xi32>
      %add3A_550 = arith.addi %add3A_539, %add3A_549 : vector<16xi32>
      %add3A_551 = arith.constant -1829035798 : i32
      %add3A_552 = vector.broadcast %add3A_551 : i32 to vector<16xi32>
      %add3A_553 = arith.addi %xor3A_547, %add3A_552 : vector<16xi32>
      %add3A_554 = arith.constant 5 : i32
      %add3A_555 = vector.broadcast %add3A_554 : i32 to vector<16xi32>
      %add3A_556 = arith.addi %add3A_553, %add3A_555 : vector<16xi32>
      %xor3A_557 = arith.xori %add3A_550, %add3A_556 : vector<16xi32>
      %swap3A_558 = arith.index_cast %shift_right_logical3A_315 : i32 to index
      %swap3A_559 = arith.index_cast %multiple_of3A_320 : i32 to index
      %swap3A_560 = tpu.vector_load %arg4[%swap3A_558, %swap3A_559] {strides = array<i32>} : memref<32x1024xi32, #tpu.memory_space<vmem>>, vector<1x16xi32>,
      %swap3A_561 = vector.shape_cast %swap3A_560 : vector<1x16xi32> to vector<16xi32>
      %swap3A_562 = vector.shape_cast %xor3A_557 : vector<16xi32> to vector<1x16xi32>
      tpu.vector_store %arg4[%swap3A_558, %swap3A_559], %swap3A_562 {strides = array<i32>} : memref<32x1024xi32, #tpu.memory_space<vmem>>, vector<1x16xi32>,
      %mul3A_563 = arith.constant 4 : i32
      %mul3A_564 = arith.muli %scan3A_64, %mul3A_563 : i32
      %add3A_565 = arith.constant 2 : i32
      %add3A_566 = arith.addi %mul3A_564, %add3A_565 : i32
      %shift_right_logical3A_567 = arith.constant 6 : i32
      %shift_right_logical3A_568 = arith.shrui %add3A_566, %shift_right_logical3A_567 : i32
      %and3A_569 = arith.constant 63 : i32
      %and3A_570 = arith.andi %add3A_566, %and3A_569 : i32
      %shift_left3A_571 = arith.constant 4 : i32
      %shift_left3A_572 = arith.shli %and3A_570, %shift_left3A_571 : i32
      %multiple_of3A_573 = tpu.assume_multiple %shift_left3A_572, 16 : i32
      %add3A_574 = arith.addi %add3A_45, %shift_right_logical3A_568 : i32
      %mul3A_575 = arith.constant 1000 : i32
      %mul3A_576 = arith.muli %add3A_574, %mul3A_575 : i32
      %add3A_577 = arith.addi %mul3A_576, %multiple_of3A_573 : i32
      %add3A_578 = vector.broadcast %add3A_577 : i32 to vector<16xi32>
      %add3A_579 = arith.addi %iota3A, %add3A_578 : vector<16xi32>
      %broadcast_in_dim3A_580 = arith.constant -1829035798 : i32
      %broadcast_in_dim3A_581 = vector.broadcast %broadcast_in_dim3A_580 : i32 to vector<16xi32>
      %add3A_582 = arith.constant 255383827 : i32
      %add3A_583 = vector.broadcast %add3A_582 : i32 to vector<16xi32>
      %add3A_584 = arith.addi %add3A_579, %add3A_583 : vector<16xi32>
      %add3A_585 = arith.addi %broadcast_in_dim3A_581, %add3A_584 : vector<16xi32>
      %shift_left3A_586 = arith.constant 13 : i32
      %shift_left3A_587 = vector.broadcast %shift_left3A_586 : i32 to vector<16xi32>
      %shift_left3A_588 = arith.shli %add3A_584, %shift_left3A_587 : vector<16xi32>
      %shift_right_logical3A_589 = arith.constant 19 : i32
      %shift_right_logical3A_590 = vector.broadcast %shift_right_logical3A_589 : i32 to vector<16xi32>
      %shift_right_logical3A_591 = arith.shrui %add3A_584, %shift_right_logical3A_590 : vector<16xi32>
      %or3A_592 = arith.ori %shift_left3A_588, %shift_right_logical3A_591 : vector<16xi32>
      %xor3A_593 = arith.xori %add3A_585, %or3A_592 : vector<16xi32>
      %add3A_594 = arith.addi %add3A_585, %xor3A_593 : vector<16xi32>
      %shift_left3A_595 = arith.constant 15 : i32
      %shift_left3A_596 = vector.broadcast %shift_left3A_595 : i32 to vector<16xi32>
      %shift_left3A_597 = arith.shli %xor3A_593, %shift_left3A_596 : vector<16xi32>
      %shift_right_logical3A_598 = arith.constant 17 : i32
      %shift_right_logical3A_599 = vector.broadcast %shift_right_logical3A_598 : i32 to vector<16xi32>
      %shift_right_logical3A_600 = arith.shrui %xor3A_593, %shift_right_logical3A_599 : vector<16xi32>
      %or3A_601 = arith.ori %shift_left3A_597, %shift_right_logical3A_600 : vector<16xi32>
      %xor3A_602 = arith.xori %add3A_594, %or3A_601 : vector<16xi32>
      %add3A_603 = arith.addi %add3A_594, %xor3A_602 : vector<16xi32>
      %shift_left3A_604 = arith.constant 26 : i32
      %shift_left3A_605 = vector.broadcast %shift_left3A_604 : i32 to vector<16xi32>
      %shift_left3A_606 = arith.shli %xor3A_602, %shift_left3A_605 : vector<16xi32>
      %shift_right_logical3A_607 = arith.constant 6 : i32
      %shift_right_logical3A_608 = vector.broadcast %shift_right_logical3A_607 : i32 to vector<16xi32>
      %shift_right_logical3A_609 = arith.shrui %xor3A_602, %shift_right_logical3A_608 : vector<16xi32>
      %or3A_610 = arith.ori %shift_left3A_606, %shift_right_logical3A_609 : vector<16xi32>
      %xor3A_611 = arith.xori %add3A_603, %or3A_610 : vector<16xi32>
      %add3A_612 = arith.addi %add3A_603, %xor3A_611 : vector<16xi32>
      %shift_left3A_613 = arith.constant 6 : i32
      %shift_left3A_614 = vector.broadcast %shift_left3A_613 : i32 to vector<16xi32>
      %shift_left3A_615 = arith.shli %xor3A_611, %shift_left3A_614 : vector<16xi32>
      %shift_right_logical3A_616 = arith.constant 26 : i32
      %shift_right_logical3A_617 = vector.broadcast %shift_right_logical3A_616 : i32 to vector<16xi32>
      %shift_right_logical3A_618 = arith.shrui %xor3A_611, %shift_right_logical3A_617 : vector<16xi32>
      %or3A_619 = arith.ori %shift_left3A_615, %shift_right_logical3A_618 : vector<16xi32>
      %xor3A_620 = arith.xori %add3A_612, %or3A_619 : vector<16xi32>
      %add3A_621 = arith.constant 255383827 : i32
      %add3A_622 = vector.broadcast %add3A_621 : i32 to vector<16xi32>
      %add3A_623 = arith.addi %add3A_612, %add3A_622 : vector<16xi32>
      %add3A_624 = arith.constant -2045582813 : i32
      %add3A_625 = vector.broadcast %add3A_624 : i32 to vector<16xi32>
      %add3A_626 = arith.addi %xor3A_620, %add3A_625 : vector<16xi32>
      %add3A_627 = arith.constant 1 : i32
      %add3A_628 = vector.broadcast %add3A_627 : i32 to vector<16xi32>
      %add3A_629 = arith.addi %add3A_626, %add3A_628 : vector<16xi32>
      %add3A_630 = arith.addi %add3A_623, %add3A_629 : vector<16xi32>
      %shift_left3A_631 = arith.constant 17 : i32
      %shift_left3A_632 = vector.broadcast %shift_left3A_631 : i32 to vector<16xi32>
      %shift_left3A_633 = arith.shli %add3A_629, %shift_left3A_632 : vector<16xi32>
      %shift_right_logical3A_634 = arith.constant 15 : i32
      %shift_right_logical3A_635 = vector.broadcast %shift_right_logical3A_634 : i32 to vector<16xi32>
      %shift_right_logical3A_636 = arith.shrui %add3A_629, %shift_right_logical3A_635 : vector<16xi32>
      %or3A_637 = arith.ori %shift_left3A_633, %shift_right_logical3A_636 : vector<16xi32>
      %xor3A_638 = arith.xori %add3A_630, %or3A_637 : vector<16xi32>
      %add3A_639 = arith.addi %add3A_630, %xor3A_638 : vector<16xi32>
      %shift_left3A_640 = arith.constant 29 : i32
      %shift_left3A_641 = vector.broadcast %shift_left3A_640 : i32 to vector<16xi32>
      %shift_left3A_642 = arith.shli %xor3A_638, %shift_left3A_641 : vector<16xi32>
      %shift_right_logical3A_643 = arith.constant 3 : i32
      %shift_right_logical3A_644 = vector.broadcast %shift_right_logical3A_643 : i32 to vector<16xi32>
      %shift_right_logical3A_645 = arith.shrui %xor3A_638, %shift_right_logical3A_644 : vector<16xi32>
      %or3A_646 = arith.ori %shift_left3A_642, %shift_right_logical3A_645 : vector<16xi32>
      %xor3A_647 = arith.xori %add3A_639, %or3A_646 : vector<16xi32>
      %add3A_648 = arith.addi %add3A_639, %xor3A_647 : vector<16xi32>
      %shift_left3A_649 = arith.constant 16 : i32
      %shift_left3A_650 = vector.broadcast %shift_left3A_649 : i32 to vector<16xi32>
      %shift_left3A_651 = arith.shli %xor3A_647, %shift_left3A_650 : vector<16xi32>
      %shift_right_logical3A_652 = arith.constant 16 : i32
      %shift_right_logical3A_653 = vector.broadcast %shift_right_logical3A_652 : i32 to vector<16xi32>
      %shift_right_logical3A_654 = arith.shrui %xor3A_647, %shift_right_logical3A_653 : vector<16xi32>
      %or3A_655 = arith.ori %shift_left3A_651, %shift_right_logical3A_654 : vector<16xi32>
      %xor3A_656 = arith.xori %add3A_648, %or3A_655 : vector<16xi32>
      %add3A_657 = arith.addi %add3A_648, %xor3A_656 : vector<16xi32>
      %shift_left3A_658 = arith.constant 24 : i32
      %shift_left3A_659 = vector.broadcast %shift_left3A_658 : i32 to vector<16xi32>
      %shift_left3A_660 = arith.shli %xor3A_656, %shift_left3A_659 : vector<16xi32>
      %shift_right_logical3A_661 = arith.constant 8 : i32
      %shift_right_logical3A_662 = vector.broadcast %shift_right_logical3A_661 : i32 to vector<16xi32>
      %shift_right_logical3A_663 = arith.shrui %xor3A_656, %shift_right_logical3A_662 : vector<16xi32>
      %or3A_664 = arith.ori %shift_left3A_660, %shift_right_logical3A_663 : vector<16xi32>
      %xor3A_665 = arith.xori %add3A_657, %or3A_664 : vector<16xi32>
      %add3A_666 = arith.constant -2045582813 : i32
      %add3A_667 = vector.broadcast %add3A_666 : i32 to vector<16xi32>
      %add3A_668 = arith.addi %add3A_657, %add3A_667 : vector<16xi32>
      %add3A_669 = arith.constant -1829035798 : i32
      %add3A_670 = vector.broadcast %add3A_669 : i32 to vector<16xi32>
      %add3A_671 = arith.addi %xor3A_665, %add3A_670 : vector<16xi32>
      %add3A_672 = arith.constant 2 : i32
      %add3A_673 = vector.broadcast %add3A_672 : i32 to vector<16xi32>
      %add3A_674 = arith.addi %add3A_671, %add3A_673 : vector<16xi32>
      %add3A_675 = arith.addi %add3A_668, %add3A_674 : vector<16xi32>
      %shift_left3A_676 = arith.constant 13 : i32
      %shift_left3A_677 = vector.broadcast %shift_left3A_676 : i32 to vector<16xi32>
      %shift_left3A_678 = arith.shli %add3A_674, %shift_left3A_677 : vector<16xi32>
      %shift_right_logical3A_679 = arith.constant 19 : i32
      %shift_right_logical3A_680 = vector.broadcast %shift_right_logical3A_679 : i32 to vector<16xi32>
      %shift_right_logical3A_681 = arith.shrui %add3A_674, %shift_right_logical3A_680 : vector<16xi32>
      %or3A_682 = arith.ori %shift_left3A_678, %shift_right_logical3A_681 : vector<16xi32>
      %xor3A_683 = arith.xori %add3A_675, %or3A_682 : vector<16xi32>
      %add3A_684 = arith.addi %add3A_675, %xor3A_683 : vector<16xi32>
      %shift_left3A_685 = arith.constant 15 : i32
      %shift_left3A_686 = vector.broadcast %shift_left3A_685 : i32 to vector<16xi32>
      %shift_left3A_687 = arith.shli %xor3A_683, %shift_left3A_686 : vector<16xi32>
      %shift_right_logical3A_688 = arith.constant 17 : i32
      %shift_right_logical3A_689 = vector.broadcast %shift_right_logical3A_688 : i32 to vector<16xi32>
      %shift_right_logical3A_690 = arith.shrui %xor3A_683, %shift_right_logical3A_689 : vector<16xi32>
      %or3A_691 = arith.ori %shift_left3A_687, %shift_right_logical3A_690 : vector<16xi32>
      %xor3A_692 = arith.xori %add3A_684, %or3A_691 : vector<16xi32>
      %add3A_693 = arith.addi %add3A_684, %xor3A_692 : vector<16xi32>
      %shift_left3A_694 = arith.constant 26 : i32
      %shift_left3A_695 = vector.broadcast %shift_left3A_694 : i32 to vector<16xi32>
      %shift_left3A_696 = arith.shli %xor3A_692, %shift_left3A_695 : vector<16xi32>
      %shift_right_logical3A_697 = arith.constant 6 : i32
      %shift_right_logical3A_698 = vector.broadcast %shift_right_logical3A_697 : i32 to vector<16xi32>
      %shift_right_logical3A_699 = arith.shrui %xor3A_692, %shift_right_logical3A_698 : vector<16xi32>
      %or3A_700 = arith.ori %shift_left3A_696, %shift_right_logical3A_699 : vector<16xi32>
      %xor3A_701 = arith.xori %add3A_693, %or3A_700 : vector<16xi32>
      %add3A_702 = arith.addi %add3A_693, %xor3A_701 : vector<16xi32>
      %shift_left3A_703 = arith.constant 6 : i32
      %shift_left3A_704 = vector.broadcast %shift_left3A_703 : i32 to vector<16xi32>
      %shift_left3A_705 = arith.shli %xor3A_701, %shift_left3A_704 : vector<16xi32>
      %shift_right_logical3A_706 = arith.constant 26 : i32
      %shift_right_logical3A_707 = vector.broadcast %shift_right_logical3A_706 : i32 to vector<16xi32>
      %shift_right_logical3A_708 = arith.shrui %xor3A_701, %shift_right_logical3A_707 : vector<16xi32>
      %or3A_709 = arith.ori %shift_left3A_705, %shift_right_logical3A_708 : vector<16xi32>
      %xor3A_710 = arith.xori %add3A_702, %or3A_709 : vector<16xi32>
      %add3A_711 = arith.constant -1829035798 : i32
      %add3A_712 = vector.broadcast %add3A_711 : i32 to vector<16xi32>
      %add3A_713 = arith.addi %add3A_702, %add3A_712 : vector<16xi32>
      %add3A_714 = arith.constant 255383827 : i32
      %add3A_715 = vector.broadcast %add3A_714 : i32 to vector<16xi32>
      %add3A_716 = arith.addi %xor3A_710, %add3A_715 : vector<16xi32>
      %add3A_717 = arith.constant 3 : i32
      %add3A_718 = vector.broadcast %add3A_717 : i32 to vector<16xi32>
      %add3A_719 = arith.addi %add3A_716, %add3A_718 : vector<16xi32>
      %add3A_720 = arith.addi %add3A_713, %add3A_719 : vector<16xi32>
      %shift_left3A_721 = arith.constant 17 : i32
      %shift_left3A_722 = vector.broadcast %shift_left3A_721 : i32 to vector<16xi32>
      %shift_left3A_723 = arith.shli %add3A_719, %shift_left3A_722 : vector<16xi32>
      %shift_right_logical3A_724 = arith.constant 15 : i32
      %shift_right_logical3A_725 = vector.broadcast %shift_right_logical3A_724 : i32 to vector<16xi32>
      %shift_right_logical3A_726 = arith.shrui %add3A_719, %shift_right_logical3A_725 : vector<16xi32>
      %or3A_727 = arith.ori %shift_left3A_723, %shift_right_logical3A_726 : vector<16xi32>
      %xor3A_728 = arith.xori %add3A_720, %or3A_727 : vector<16xi32>
      %add3A_729 = arith.addi %add3A_720, %xor3A_728 : vector<16xi32>
      %shift_left3A_730 = arith.constant 29 : i32
      %shift_left3A_731 = vector.broadcast %shift_left3A_730 : i32 to vector<16xi32>
      %shift_left3A_732 = arith.shli %xor3A_728, %shift_left3A_731 : vector<16xi32>
      %shift_right_logical3A_733 = arith.constant 3 : i32
      %shift_right_logical3A_734 = vector.broadcast %shift_right_logical3A_733 : i32 to vector<16xi32>
      %shift_right_logical3A_735 = arith.shrui %xor3A_728, %shift_right_logical3A_734 : vector<16xi32>
      %or3A_736 = arith.ori %shift_left3A_732, %shift_right_logical3A_735 : vector<16xi32>
      %xor3A_737 = arith.xori %add3A_729, %or3A_736 : vector<16xi32>
      %add3A_738 = arith.addi %add3A_729, %xor3A_737 : vector<16xi32>
      %shift_left3A_739 = arith.constant 16 : i32
      %shift_left3A_740 = vector.broadcast %shift_left3A_739 : i32 to vector<16xi32>
      %shift_left3A_741 = arith.shli %xor3A_737, %shift_left3A_740 : vector<16xi32>
      %shift_right_logical3A_742 = arith.constant 16 : i32
      %shift_right_logical3A_743 = vector.broadcast %shift_right_logical3A_742 : i32 to vector<16xi32>
      %shift_right_logical3A_744 = arith.shrui %xor3A_737, %shift_right_logical3A_743 : vector<16xi32>
      %or3A_745 = arith.ori %shift_left3A_741, %shift_right_logical3A_744 : vector<16xi32>
      %xor3A_746 = arith.xori %add3A_738, %or3A_745 : vector<16xi32>
      %add3A_747 = arith.addi %add3A_738, %xor3A_746 : vector<16xi32>
      %shift_left3A_748 = arith.constant 24 : i32
      %shift_left3A_749 = vector.broadcast %shift_left3A_748 : i32 to vector<16xi32>
      %shift_left3A_750 = arith.shli %xor3A_746, %shift_left3A_749 : vector<16xi32>
      %shift_right_logical3A_751 = arith.constant 8 : i32
      %shift_right_logical3A_752 = vector.broadcast %shift_right_logical3A_751 : i32 to vector<16xi32>
      %shift_right_logical3A_753 = arith.shrui %xor3A_746, %shift_right_logical3A_752 : vector<16xi32>
      %or3A_754 = arith.ori %shift_left3A_750, %shift_right_logical3A_753 : vector<16xi32>
      %xor3A_755 = arith.xori %add3A_747, %or3A_754 : vector<16xi32>
      %add3A_756 = arith.constant 255383827 : i32
      %add3A_757 = vector.broadcast %add3A_756 : i32 to vector<16xi32>
      %add3A_758 = arith.addi %add3A_747, %add3A_757 : vector<16xi32>
      %add3A_759 = arith.constant -2045582813 : i32
      %add3A_760 = vector.broadcast %add3A_759 : i32 to vector<16xi32>
      %add3A_761 = arith.addi %xor3A_755, %add3A_760 : vector<16xi32>
      %add3A_762 = arith.constant 4 : i32
      %add3A_763 = vector.broadcast %add3A_762 : i32 to vector<16xi32>
      %add3A_764 = arith.addi %add3A_761, %add3A_763 : vector<16xi32>
      %add3A_765 = arith.addi %add3A_758, %add3A_764 : vector<16xi32>
      %shift_left3A_766 = arith.constant 13 : i32
      %shift_left3A_767 = vector.broadcast %shift_left3A_766 : i32 to vector<16xi32>
      %shift_left3A_768 = arith.shli %add3A_764, %shift_left3A_767 : vector<16xi32>
      %shift_right_logical3A_769 = arith.constant 19 : i32
      %shift_right_logical3A_770 = vector.broadcast %shift_right_logical3A_769 : i32 to vector<16xi32>
      %shift_right_logical3A_771 = arith.shrui %add3A_764, %shift_right_logical3A_770 : vector<16xi32>
      %or3A_772 = arith.ori %shift_left3A_768, %shift_right_logical3A_771 : vector<16xi32>
      %xor3A_773 = arith.xori %add3A_765, %or3A_772 : vector<16xi32>
      %add3A_774 = arith.addi %add3A_765, %xor3A_773 : vector<16xi32>
      %shift_left3A_775 = arith.constant 15 : i32
      %shift_left3A_776 = vector.broadcast %shift_left3A_775 : i32 to vector<16xi32>
      %shift_left3A_777 = arith.shli %xor3A_773, %shift_left3A_776 : vector<16xi32>
      %shift_right_logical3A_778 = arith.constant 17 : i32
      %shift_right_logical3A_779 = vector.broadcast %shift_right_logical3A_778 : i32 to vector<16xi32>
      %shift_right_logical3A_780 = arith.shrui %xor3A_773, %shift_right_logical3A_779 : vector<16xi32>
      %or3A_781 = arith.ori %shift_left3A_777, %shift_right_logical3A_780 : vector<16xi32>
      %xor3A_782 = arith.xori %add3A_774, %or3A_781 : vector<16xi32>
      %add3A_783 = arith.addi %add3A_774, %xor3A_782 : vector<16xi32>
      %shift_left3A_784 = arith.constant 26 : i32
      %shift_left3A_785 = vector.broadcast %shift_left3A_784 : i32 to vector<16xi32>
      %shift_left3A_786 = arith.shli %xor3A_782, %shift_left3A_785 : vector<16xi32>
      %shift_right_logical3A_787 = arith.constant 6 : i32
      %shift_right_logical3A_788 = vector.broadcast %shift_right_logical3A_787 : i32 to vector<16xi32>
      %shift_right_logical3A_789 = arith.shrui %xor3A_782, %shift_right_logical3A_788 : vector<16xi32>
      %or3A_790 = arith.ori %shift_left3A_786, %shift_right_logical3A_789 : vector<16xi32>
      %xor3A_791 = arith.xori %add3A_783, %or3A_790 : vector<16xi32>
      %add3A_792 = arith.addi %add3A_783, %xor3A_791 : vector<16xi32>
      %shift_left3A_793 = arith.constant 6 : i32
      %shift_left3A_794 = vector.broadcast %shift_left3A_793 : i32 to vector<16xi32>
      %shift_left3A_795 = arith.shli %xor3A_791, %shift_left3A_794 : vector<16xi32>
      %shift_right_logical3A_796 = arith.constant 26 : i32
      %shift_right_logical3A_797 = vector.broadcast %shift_right_logical3A_796 : i32 to vector<16xi32>
      %shift_right_logical3A_798 = arith.shrui %xor3A_791, %shift_right_logical3A_797 : vector<16xi32>
      %or3A_799 = arith.ori %shift_left3A_795, %shift_right_logical3A_798 : vector<16xi32>
      %xor3A_800 = arith.xori %add3A_792, %or3A_799 : vector<16xi32>
      %add3A_801 = arith.constant -2045582813 : i32
      %add3A_802 = vector.broadcast %add3A_801 : i32 to vector<16xi32>
      %add3A_803 = arith.addi %add3A_792, %add3A_802 : vector<16xi32>
      %add3A_804 = arith.constant -1829035798 : i32
      %add3A_805 = vector.broadcast %add3A_804 : i32 to vector<16xi32>
      %add3A_806 = arith.addi %xor3A_800, %add3A_805 : vector<16xi32>
      %add3A_807 = arith.constant 5 : i32
      %add3A_808 = vector.broadcast %add3A_807 : i32 to vector<16xi32>
      %add3A_809 = arith.addi %add3A_806, %add3A_808 : vector<16xi32>
      %xor3A_810 = arith.xori %add3A_803, %add3A_809 : vector<16xi32>
      %swap3A_811 = arith.index_cast %shift_right_logical3A_568 : i32 to index
      %swap3A_812 = arith.index_cast %multiple_of3A_573 : i32 to index
      %swap3A_813 = tpu.vector_load %arg4[%swap3A_811, %swap3A_812] {strides = array<i32>} : memref<32x1024xi32, #tpu.memory_space<vmem>>, vector<1x16xi32>,
      %swap3A_814 = vector.shape_cast %swap3A_813 : vector<1x16xi32> to vector<16xi32>
      %swap3A_815 = vector.shape_cast %xor3A_810 : vector<16xi32> to vector<1x16xi32>
      tpu.vector_store %arg4[%swap3A_811, %swap3A_812], %swap3A_815 {strides = array<i32>} : memref<32x1024xi32, #tpu.memory_space<vmem>>, vector<1x16xi32>,
      %mul3A_816 = arith.constant 4 : i32
      %mul3A_817 = arith.muli %scan3A_64, %mul3A_816 : i32
      %add3A_818 = arith.constant 3 : i32
      %add3A_819 = arith.addi %mul3A_817, %add3A_818 : i32
      %shift_right_logical3A_820 = arith.constant 6 : i32
      %shift_right_logical3A_821 = arith.shrui %add3A_819, %shift_right_logical3A_820 : i32
      %and3A_822 = arith.constant 63 : i32
      %and3A_823 = arith.andi %add3A_819, %and3A_822 : i32
      %shift_left3A_824 = arith.constant 4 : i32
      %shift_left3A_825 = arith.shli %and3A_823, %shift_left3A_824 : i32
      %multiple_of3A_826 = tpu.assume_multiple %shift_left3A_825, 16 : i32
      %add3A_827 = arith.addi %add3A_45, %shift_right_logical3A_821 : i32
      %mul3A_828 = arith.constant 1000 : i32
      %mul3A_829 = arith.muli %add3A_827, %mul3A_828 : i32
      %add3A_830 = arith.addi %mul3A_829, %multiple_of3A_826 : i32
      %add3A_831 = vector.broadcast %add3A_830 : i32 to vector<16xi32>
      %add3A_832 = arith.addi %iota3A, %add3A_831 : vector<16xi32>
      %broadcast_in_dim3A_833 = arith.constant -1829035798 : i32
      %broadcast_in_dim3A_834 = vector.broadcast %broadcast_in_dim3A_833 : i32 to vector<16xi32>
      %add3A_835 = arith.constant 255383827 : i32
      %add3A_836 = vector.broadcast %add3A_835 : i32 to vector<16xi32>
      %add3A_837 = arith.addi %add3A_832, %add3A_836 : vector<16xi32>
      %add3A_838 = arith.addi %broadcast_in_dim3A_834, %add3A_837 : vector<16xi32>
      %shift_left3A_839 = arith.constant 13 : i32
      %shift_left3A_840 = vector.broadcast %shift_left3A_839 : i32 to vector<16xi32>
      %shift_left3A_841 = arith.shli %add3A_837, %shift_left3A_840 : vector<16xi32>
      %shift_right_logical3A_842 = arith.constant 19 : i32
      %shift_right_logical3A_843 = vector.broadcast %shift_right_logical3A_842 : i32 to vector<16xi32>
      %shift_right_logical3A_844 = arith.shrui %add3A_837, %shift_right_logical3A_843 : vector<16xi32>
      %or3A_845 = arith.ori %shift_left3A_841, %shift_right_logical3A_844 : vector<16xi32>
      %xor3A_846 = arith.xori %add3A_838, %or3A_845 : vector<16xi32>
      %add3A_847 = arith.addi %add3A_838, %xor3A_846 : vector<16xi32>
      %shift_left3A_848 = arith.constant 15 : i32
      %shift_left3A_849 = vector.broadcast %shift_left3A_848 : i32 to vector<16xi32>
      %shift_left3A_850 = arith.shli %xor3A_846, %shift_left3A_849 : vector<16xi32>
      %shift_right_logical3A_851 = arith.constant 17 : i32
      %shift_right_logical3A_852 = vector.broadcast %shift_right_logical3A_851 : i32 to vector<16xi32>
      %shift_right_logical3A_853 = arith.shrui %xor3A_846, %shift_right_logical3A_852 : vector<16xi32>
      %or3A_854 = arith.ori %shift_left3A_850, %shift_right_logical3A_853 : vector<16xi32>
      %xor3A_855 = arith.xori %add3A_847, %or3A_854 : vector<16xi32>
      %add3A_856 = arith.addi %add3A_847, %xor3A_855 : vector<16xi32>
      %shift_left3A_857 = arith.constant 26 : i32
      %shift_left3A_858 = vector.broadcast %shift_left3A_857 : i32 to vector<16xi32>
      %shift_left3A_859 = arith.shli %xor3A_855, %shift_left3A_858 : vector<16xi32>
      %shift_right_logical3A_860 = arith.constant 6 : i32
      %shift_right_logical3A_861 = vector.broadcast %shift_right_logical3A_860 : i32 to vector<16xi32>
      %shift_right_logical3A_862 = arith.shrui %xor3A_855, %shift_right_logical3A_861 : vector<16xi32>
      %or3A_863 = arith.ori %shift_left3A_859, %shift_right_logical3A_862 : vector<16xi32>
      %xor3A_864 = arith.xori %add3A_856, %or3A_863 : vector<16xi32>
      %add3A_865 = arith.addi %add3A_856, %xor3A_864 : vector<16xi32>
      %shift_left3A_866 = arith.constant 6 : i32
      %shift_left3A_867 = vector.broadcast %shift_left3A_866 : i32 to vector<16xi32>
      %shift_left3A_868 = arith.shli %xor3A_864, %shift_left3A_867 : vector<16xi32>
      %shift_right_logical3A_869 = arith.constant 26 : i32
      %shift_right_logical3A_870 = vector.broadcast %shift_right_logical3A_869 : i32 to vector<16xi32>
      %shift_right_logical3A_871 = arith.shrui %xor3A_864, %shift_right_logical3A_870 : vector<16xi32>
      %or3A_872 = arith.ori %shift_left3A_868, %shift_right_logical3A_871 : vector<16xi32>
      %xor3A_873 = arith.xori %add3A_865, %or3A_872 : vector<16xi32>
      %add3A_874 = arith.constant 255383827 : i32
      %add3A_875 = vector.broadcast %add3A_874 : i32 to vector<16xi32>
      %add3A_876 = arith.addi %add3A_865, %add3A_875 : vector<16xi32>
      %add3A_877 = arith.constant -2045582813 : i32
      %add3A_878 = vector.broadcast %add3A_877 : i32 to vector<16xi32>
      %add3A_879 = arith.addi %xor3A_873, %add3A_878 : vector<16xi32>
      %add3A_880 = arith.constant 1 : i32
      %add3A_881 = vector.broadcast %add3A_880 : i32 to vector<16xi32>
      %add3A_882 = arith.addi %add3A_879, %add3A_881 : vector<16xi32>
      %add3A_883 = arith.addi %add3A_876, %add3A_882 : vector<16xi32>
      %shift_left3A_884 = arith.constant 17 : i32
      %shift_left3A_885 = vector.broadcast %shift_left3A_884 : i32 to vector<16xi32>
      %shift_left3A_886 = arith.shli %add3A_882, %shift_left3A_885 : vector<16xi32>
      %shift_right_logical3A_887 = arith.constant 15 : i32
      %shift_right_logical3A_888 = vector.broadcast %shift_right_logical3A_887 : i32 to vector<16xi32>
      %shift_right_logical3A_889 = arith.shrui %add3A_882, %shift_right_logical3A_888 : vector<16xi32>
      %or3A_890 = arith.ori %shift_left3A_886, %shift_right_logical3A_889 : vector<16xi32>
      %xor3A_891 = arith.xori %add3A_883, %or3A_890 : vector<16xi32>
      %add3A_892 = arith.addi %add3A_883, %xor3A_891 : vector<16xi32>
      %shift_left3A_893 = arith.constant 29 : i32
      %shift_left3A_894 = vector.broadcast %shift_left3A_893 : i32 to vector<16xi32>
      %shift_left3A_895 = arith.shli %xor3A_891, %shift_left3A_894 : vector<16xi32>
      %shift_right_logical3A_896 = arith.constant 3 : i32
      %shift_right_logical3A_897 = vector.broadcast %shift_right_logical3A_896 : i32 to vector<16xi32>
      %shift_right_logical3A_898 = arith.shrui %xor3A_891, %shift_right_logical3A_897 : vector<16xi32>
      %or3A_899 = arith.ori %shift_left3A_895, %shift_right_logical3A_898 : vector<16xi32>
      %xor3A_900 = arith.xori %add3A_892, %or3A_899 : vector<16xi32>
      %add3A_901 = arith.addi %add3A_892, %xor3A_900 : vector<16xi32>
      %shift_left3A_902 = arith.constant 16 : i32
      %shift_left3A_903 = vector.broadcast %shift_left3A_902 : i32 to vector<16xi32>
      %shift_left3A_904 = arith.shli %xor3A_900, %shift_left3A_903 : vector<16xi32>
      %shift_right_logical3A_905 = arith.constant 16 : i32
      %shift_right_logical3A_906 = vector.broadcast %shift_right_logical3A_905 : i32 to vector<16xi32>
      %shift_right_logical3A_907 = arith.shrui %xor3A_900, %shift_right_logical3A_906 : vector<16xi32>
      %or3A_908 = arith.ori %shift_left3A_904, %shift_right_logical3A_907 : vector<16xi32>
      %xor3A_909 = arith.xori %add3A_901, %or3A_908 : vector<16xi32>
      %add3A_910 = arith.addi %add3A_901, %xor3A_909 : vector<16xi32>
      %shift_left3A_911 = arith.constant 24 : i32
      %shift_left3A_912 = vector.broadcast %shift_left3A_911 : i32 to vector<16xi32>
      %shift_left3A_913 = arith.shli %xor3A_909, %shift_left3A_912 : vector<16xi32>
      %shift_right_logical3A_914 = arith.constant 8 : i32
      %shift_right_logical3A_915 = vector.broadcast %shift_right_logical3A_914 : i32 to vector<16xi32>
      %shift_right_logical3A_916 = arith.shrui %xor3A_909, %shift_right_logical3A_915 : vector<16xi32>
      %or3A_917 = arith.ori %shift_left3A_913, %shift_right_logical3A_916 : vector<16xi32>
      %xor3A_918 = arith.xori %add3A_910, %or3A_917 : vector<16xi32>
      %add3A_919 = arith.constant -2045582813 : i32
      %add3A_920 = vector.broadcast %add3A_919 : i32 to vector<16xi32>
      %add3A_921 = arith.addi %add3A_910, %add3A_920 : vector<16xi32>
      %add3A_922 = arith.constant -1829035798 : i32
      %add3A_923 = vector.broadcast %add3A_922 : i32 to vector<16xi32>
      %add3A_924 = arith.addi %xor3A_918, %add3A_923 : vector<16xi32>
      %add3A_925 = arith.constant 2 : i32
      %add3A_926 = vector.broadcast %add3A_925 : i32 to vector<16xi32>
      %add3A_927 = arith.addi %add3A_924, %add3A_926 : vector<16xi32>
      %add3A_928 = arith.addi %add3A_921, %add3A_927 : vector<16xi32>
      %shift_left3A_929 = arith.constant 13 : i32
      %shift_left3A_930 = vector.broadcast %shift_left3A_929 : i32 to vector<16xi32>
      %shift_left3A_931 = arith.shli %add3A_927, %shift_left3A_930 : vector<16xi32>
      %shift_right_logical3A_932 = arith.constant 19 : i32
      %shift_right_logical3A_933 = vector.broadcast %shift_right_logical3A_932 : i32 to vector<16xi32>
      %shift_right_logical3A_934 = arith.shrui %add3A_927, %shift_right_logical3A_933 : vector<16xi32>
      %or3A_935 = arith.ori %shift_left3A_931, %shift_right_logical3A_934 : vector<16xi32>
      %xor3A_936 = arith.xori %add3A_928, %or3A_935 : vector<16xi32>
      %add3A_937 = arith.addi %add3A_928, %xor3A_936 : vector<16xi32>
      %shift_left3A_938 = arith.constant 15 : i32
      %shift_left3A_939 = vector.broadcast %shift_left3A_938 : i32 to vector<16xi32>
      %shift_left3A_940 = arith.shli %xor3A_936, %shift_left3A_939 : vector<16xi32>
      %shift_right_logical3A_941 = arith.constant 17 : i32
      %shift_right_logical3A_942 = vector.broadcast %shift_right_logical3A_941 : i32 to vector<16xi32>
      %shift_right_logical3A_943 = arith.shrui %xor3A_936, %shift_right_logical3A_942 : vector<16xi32>
      %or3A_944 = arith.ori %shift_left3A_940, %shift_right_logical3A_943 : vector<16xi32>
      %xor3A_945 = arith.xori %add3A_937, %or3A_944 : vector<16xi32>
      %add3A_946 = arith.addi %add3A_937, %xor3A_945 : vector<16xi32>
      %shift_left3A_947 = arith.constant 26 : i32
      %shift_left3A_948 = vector.broadcast %shift_left3A_947 : i32 to vector<16xi32>
      %shift_left3A_949 = arith.shli %xor3A_945, %shift_left3A_948 : vector<16xi32>
      %shift_right_logical3A_950 = arith.constant 6 : i32
      %shift_right_logical3A_951 = vector.broadcast %shift_right_logical3A_950 : i32 to vector<16xi32>
      %shift_right_logical3A_952 = arith.shrui %xor3A_945, %shift_right_logical3A_951 : vector<16xi32>
      %or3A_953 = arith.ori %shift_left3A_949, %shift_right_logical3A_952 : vector<16xi32>
      %xor3A_954 = arith.xori %add3A_946, %or3A_953 : vector<16xi32>
      %add3A_955 = arith.addi %add3A_946, %xor3A_954 : vector<16xi32>
      %shift_left3A_956 = arith.constant 6 : i32
      %shift_left3A_957 = vector.broadcast %shift_left3A_956 : i32 to vector<16xi32>
      %shift_left3A_958 = arith.shli %xor3A_954, %shift_left3A_957 : vector<16xi32>
      %shift_right_logical3A_959 = arith.constant 26 : i32
      %shift_right_logical3A_960 = vector.broadcast %shift_right_logical3A_959 : i32 to vector<16xi32>
      %shift_right_logical3A_961 = arith.shrui %xor3A_954, %shift_right_logical3A_960 : vector<16xi32>
      %or3A_962 = arith.ori %shift_left3A_958, %shift_right_logical3A_961 : vector<16xi32>
      %xor3A_963 = arith.xori %add3A_955, %or3A_962 : vector<16xi32>
      %add3A_964 = arith.constant -1829035798 : i32
      %add3A_965 = vector.broadcast %add3A_964 : i32 to vector<16xi32>
      %add3A_966 = arith.addi %add3A_955, %add3A_965 : vector<16xi32>
      %add3A_967 = arith.constant 255383827 : i32
      %add3A_968 = vector.broadcast %add3A_967 : i32 to vector<16xi32>
      %add3A_969 = arith.addi %xor3A_963, %add3A_968 : vector<16xi32>
      %add3A_970 = arith.constant 3 : i32
      %add3A_971 = vector.broadcast %add3A_970 : i32 to vector<16xi32>
      %add3A_972 = arith.addi %add3A_969, %add3A_971 : vector<16xi32>
      %add3A_973 = arith.addi %add3A_966, %add3A_972 : vector<16xi32>
      %shift_left3A_974 = arith.constant 17 : i32
      %shift_left3A_975 = vector.broadcast %shift_left3A_974 : i32 to vector<16xi32>
      %shift_left3A_976 = arith.shli %add3A_972, %shift_left3A_975 : vector<16xi32>
      %shift_right_logical3A_977 = arith.constant 15 : i32
      %shift_right_logical3A_978 = vector.broadcast %shift_right_logical3A_977 : i32 to vector<16xi32>
      %shift_right_logical3A_979 = arith.shrui %add3A_972, %shift_right_logical3A_978 : vector<16xi32>
      %or3A_980 = arith.ori %shift_left3A_976, %shift_right_logical3A_979 : vector<16xi32>
      %xor3A_981 = arith.xori %add3A_973, %or3A_980 : vector<16xi32>
      %add3A_982 = arith.addi %add3A_973, %xor3A_981 : vector<16xi32>
      %shift_left3A_983 = arith.constant 29 : i32
      %shift_left3A_984 = vector.broadcast %shift_left3A_983 : i32 to vector<16xi32>
      %shift_left3A_985 = arith.shli %xor3A_981, %shift_left3A_984 : vector<16xi32>
      %shift_right_logical3A_986 = arith.constant 3 : i32
      %shift_right_logical3A_987 = vector.broadcast %shift_right_logical3A_986 : i32 to vector<16xi32>
      %shift_right_logical3A_988 = arith.shrui %xor3A_981, %shift_right_logical3A_987 : vector<16xi32>
      %or3A_989 = arith.ori %shift_left3A_985, %shift_right_logical3A_988 : vector<16xi32>
      %xor3A_990 = arith.xori %add3A_982, %or3A_989 : vector<16xi32>
      %add3A_991 = arith.addi %add3A_982, %xor3A_990 : vector<16xi32>
      %shift_left3A_992 = arith.constant 16 : i32
      %shift_left3A_993 = vector.broadcast %shift_left3A_992 : i32 to vector<16xi32>
      %shift_left3A_994 = arith.shli %xor3A_990, %shift_left3A_993 : vector<16xi32>
      %shift_right_logical3A_995 = arith.constant 16 : i32
      %shift_right_logical3A_996 = vector.broadcast %shift_right_logical3A_995 : i32 to vector<16xi32>
      %shift_right_logical3A_997 = arith.shrui %xor3A_990, %shift_right_logical3A_996 : vector<16xi32>
      %or3A_998 = arith.ori %shift_left3A_994, %shift_right_logical3A_997 : vector<16xi32>
      %xor3A_999 = arith.xori %add3A_991, %or3A_998 : vector<16xi32>
      %add3A_1000 = arith.addi %add3A_991, %xor3A_999 : vector<16xi32>
      %shift_left3A_1001 = arith.constant 24 : i32
      %shift_left3A_1002 = vector.broadcast %shift_left3A_1001 : i32 to vector<16xi32>
      %shift_left3A_1003 = arith.shli %xor3A_999, %shift_left3A_1002 : vector<16xi32>
      %shift_right_logical3A_1004 = arith.constant 8 : i32
      %shift_right_logical3A_1005 = vector.broadcast %shift_right_logical3A_1004 : i32 to vector<16xi32>
      %shift_right_logical3A_1006 = arith.shrui %xor3A_999, %shift_right_logical3A_1005 : vector<16xi32>
      %or3A_1007 = arith.ori %shift_left3A_1003, %shift_right_logical3A_1006 : vector<16xi32>
      %xor3A_1008 = arith.xori %add3A_1000, %or3A_1007 : vector<16xi32>
      %add3A_1009 = arith.constant 255383827 : i32
      %add3A_1010 = vector.broadcast %add3A_1009 : i32 to vector<16xi32>
      %add3A_1011 = arith.addi %add3A_1000, %add3A_1010 : vector<16xi32>
      %add3A_1012 = arith.constant -2045582813 : i32
      %add3A_1013 = vector.broadcast %add3A_1012 : i32 to vector<16xi32>
      %add3A_1014 = arith.addi %xor3A_1008, %add3A_1013 : vector<16xi32>
      %add3A_1015 = arith.constant 4 : i32
      %add3A_1016 = vector.broadcast %add3A_1015 : i32 to vector<16xi32>
      %add3A_1017 = arith.addi %add3A_1014, %add3A_1016 : vector<16xi32>
      %add3A_1018 = arith.addi %add3A_1011, %add3A_1017 : vector<16xi32>
      %shift_left3A_1019 = arith.constant 13 : i32
      %shift_left3A_1020 = vector.broadcast %shift_left3A_1019 : i32 to vector<16xi32>
      %shift_left3A_1021 = arith.shli %add3A_1017, %shift_left3A_1020 : vector<16xi32>
      %shift_right_logical3A_1022 = arith.constant 19 : i32
      %shift_right_logical3A_1023 = vector.broadcast %shift_right_logical3A_1022 : i32 to vector<16xi32>
      %shift_right_logical3A_1024 = arith.shrui %add3A_1017, %shift_right_logical3A_1023 : vector<16xi32>
      %or3A_1025 = arith.ori %shift_left3A_1021, %shift_right_logical3A_1024 : vector<16xi32>
      %xor3A_1026 = arith.xori %add3A_1018, %or3A_1025 : vector<16xi32>
      %add3A_1027 = arith.addi %add3A_1018, %xor3A_1026 : vector<16xi32>
      %shift_left3A_1028 = arith.constant 15 : i32
      %shift_left3A_1029 = vector.broadcast %shift_left3A_1028 : i32 to vector<16xi32>
      %shift_left3A_1030 = arith.shli %xor3A_1026, %shift_left3A_1029 : vector<16xi32>
      %shift_right_logical3A_1031 = arith.constant 17 : i32
      %shift_right_logical3A_1032 = vector.broadcast %shift_right_logical3A_1031 : i32 to vector<16xi32>
      %shift_right_logical3A_1033 = arith.shrui %xor3A_1026, %shift_right_logical3A_1032 : vector<16xi32>
      %or3A_1034 = arith.ori %shift_left3A_1030, %shift_right_logical3A_1033 : vector<16xi32>
      %xor3A_1035 = arith.xori %add3A_1027, %or3A_1034 : vector<16xi32>
      %add3A_1036 = arith.addi %add3A_1027, %xor3A_1035 : vector<16xi32>
      %shift_left3A_1037 = arith.constant 26 : i32
      %shift_left3A_1038 = vector.broadcast %shift_left3A_1037 : i32 to vector<16xi32>
      %shift_left3A_1039 = arith.shli %xor3A_1035, %shift_left3A_1038 : vector<16xi32>
      %shift_right_logical3A_1040 = arith.constant 6 : i32
      %shift_right_logical3A_1041 = vector.broadcast %shift_right_logical3A_1040 : i32 to vector<16xi32>
      %shift_right_logical3A_1042 = arith.shrui %xor3A_1035, %shift_right_logical3A_1041 : vector<16xi32>
      %or3A_1043 = arith.ori %shift_left3A_1039, %shift_right_logical3A_1042 : vector<16xi32>
      %xor3A_1044 = arith.xori %add3A_1036, %or3A_1043 : vector<16xi32>
      %add3A_1045 = arith.addi %add3A_1036, %xor3A_1044 : vector<16xi32>
      %shift_left3A_1046 = arith.constant 6 : i32
      %shift_left3A_1047 = vector.broadcast %shift_left3A_1046 : i32 to vector<16xi32>
      %shift_left3A_1048 = arith.shli %xor3A_1044, %shift_left3A_1047 : vector<16xi32>
      %shift_right_logical3A_1049 = arith.constant 26 : i32
      %shift_right_logical3A_1050 = vector.broadcast %shift_right_logical3A_1049 : i32 to vector<16xi32>
      %shift_right_logical3A_1051 = arith.shrui %xor3A_1044, %shift_right_logical3A_1050 : vector<16xi32>
      %or3A_1052 = arith.ori %shift_left3A_1048, %shift_right_logical3A_1051 : vector<16xi32>
      %xor3A_1053 = arith.xori %add3A_1045, %or3A_1052 : vector<16xi32>
      %add3A_1054 = arith.constant -2045582813 : i32
      %add3A_1055 = vector.broadcast %add3A_1054 : i32 to vector<16xi32>
      %add3A_1056 = arith.addi %add3A_1045, %add3A_1055 : vector<16xi32>
      %add3A_1057 = arith.constant -1829035798 : i32
      %add3A_1058 = vector.broadcast %add3A_1057 : i32 to vector<16xi32>
      %add3A_1059 = arith.addi %xor3A_1053, %add3A_1058 : vector<16xi32>
      %add3A_1060 = arith.constant 5 : i32
      %add3A_1061 = vector.broadcast %add3A_1060 : i32 to vector<16xi32>
      %add3A_1062 = arith.addi %add3A_1059, %add3A_1061 : vector<16xi32>
      %xor3A_1063 = arith.xori %add3A_1056, %add3A_1062 : vector<16xi32>
      %swap3A_1064 = arith.index_cast %shift_right_logical3A_821 : i32 to index
      %swap3A_1065 = arith.index_cast %multiple_of3A_826 : i32 to index
      %swap3A_1066 = tpu.vector_load %arg4[%swap3A_1064, %swap3A_1065] {strides = array<i32>} : memref<32x1024xi32, #tpu.memory_space<vmem>>, vector<1x16xi32>,
      %swap3A_1067 = vector.shape_cast %swap3A_1066 : vector<1x16xi32> to vector<16xi32>
      %swap3A_1068 = vector.shape_cast %xor3A_1063 : vector<16xi32> to vector<1x16xi32>
      tpu.vector_store %arg4[%swap3A_1064, %swap3A_1065], %swap3A_1068 {strides = array<i32>} : memref<32x1024xi32, #tpu.memory_space<vmem>>, vector<1x16xi32>,
    }
    %scan3A_51 = arith.constant 512 : i32
    %dma_start3A_52 = arith.constant 0 : i32
    %dma_start3A_53 = tpu.memref_slice %arg2[%add3A_45, %dma_start3A_52] : memref<4096x1024xi32, #tpu.memory_space<hbm>> -> memref<32x1024xi32, #tpu.memory_space<hbm>>
    %dma_start3A_54 = arith.constant 0 : i32
    %dma_start3A_55 = tpu.memref_slice %arg2[%add3A_45, %dma_start3A_54] : memref<4096x1024xi32, #tpu.memory_space<hbm>> -> memref<32x1024xi32, #tpu.memory_space<hbm>>
    tpu.enqueue_dma source(%arg4 : memref<32x1024xi32, #tpu.memory_space<vmem>>) target(%dma_start3A_55 : memref<32x1024xi32, #tpu.memory_space<hbm>>) target_semaphore(%arg6 : memref<!tpu.dma_semaphore, #tpu.memory_space<semaphore_mem>>)
    %dma_wait3A_56 = arith.constant 0 : i32
    %dma_wait3A_57 = tpu.memref_slice %arg2[%add3A_29, %dma_wait3A_56] : memref<4096x1024xi32, #tpu.memory_space<hbm>> -> memref<32x1024xi32, #tpu.memory_space<hbm>>
    %dma_wait3A_58 = arith.constant 0 : i32
    %dma_wait3A_59 = tpu.memref_slice %arg2[%add3A_29, %dma_wait3A_58] : memref<4096x1024xi32, #tpu.memory_space<hbm>> -> memref<32x1024xi32, #tpu.memory_space<hbm>>
    tpu.wait_dma2 semaphore(%arg5 : memref<!tpu.dma_semaphore, #tpu.memory_space<semaphore_mem>>) src(%arg3 : memref<32x1024xi32, #tpu.memory_space<vmem>>) dst(%dma_wait3A_59 : memref<32x1024xi32, #tpu.memory_space<hbm>>)
    %dma_wait3A_60 = arith.constant 0 : i32
    %dma_wait3A_61 = tpu.memref_slice %arg2[%add3A_45, %dma_wait3A_60] : memref<4096x1024xi32, #tpu.memory_space<hbm>> -> memref<32x1024xi32, #tpu.memory_space<hbm>>
    %dma_wait3A_62 = arith.constant 0 : i32
    %dma_wait3A_63 = tpu.memref_slice %arg2[%add3A_45, %dma_wait3A_62] : memref<4096x1024xi32, #tpu.memory_space<hbm>> -> memref<32x1024xi32, #tpu.memory_space<hbm>>
    tpu.wait_dma2 semaphore(%arg6 : memref<!tpu.dma_semaphore, #tpu.memory_space<semaphore_mem>>) src(%arg4 : memref<32x1024xi32, #tpu.memory_space<vmem>>) dst(%dma_wait3A_63 : memref<32x1024xi32, #tpu.memory_space<hbm>>)
    return
  }
}

module attributes {stable_mosaic.version = 14 : i64} {
  func.func @_body1(%arg0: i32, %arg1: memref<256x1000xf32, #tpu.memory_space<vmem>>, %arg2: memref<256x1000xf32, #tpu.memory_space<vmem>>, %arg3: memref<256xi32, #tpu.memory_space<vmem>>, %arg4: memref<256xi32, #tpu.memory_space<vmem>>) attributes {dimension_semantics = [#tpu.dimension_semantics<arbitrary>], iteration_bounds = array<i64: 16>, scalar_prefetch = 0 : i64, scratch_operands = 0 : i64, tpu.core_type = #tpu.core_type<tc>, window_params = [{transform_indices = @transform_0, window_bounds = array<i64: 256, 1000>}, {transform_indices = @transform_1, window_bounds = array<i64: 256, 1000>}, {transform_indices = @transform_2, window_bounds = array<i64: 256>}, {transform_indices = @transform_3, window_bounds = array<i64: 256>}]} {
    %iota3A = tpu.iota {dimensions = array<i32: 0>} : vector<256x1000xi32>
    %iota3A_0 = tpu.iota {dimensions = array<i32: 1>} : vector<256x1000xi32>
    %mul3A = arith.constant 256 : i32
    %mul3A_1 = arith.muli %arg0, %mul3A : i32
    %add3A = vector.broadcast %mul3A_1 : i32 to vector<256x1000xi32>
    %add3A_2 = arith.addi %add3A, %iota3A : vector<256x1000xi32>
    %mul3A_3 = arith.constant 1000 : i32
    %mul3A_4 = vector.broadcast %mul3A_3 : i32 to vector<256x1000xi32>
    %mul3A_5 = arith.muli %add3A_2, %mul3A_4 : vector<256x1000xi32>
    %add3A_6 = arith.addi %mul3A_5, %iota3A_0 : vector<256x1000xi32>
    %broadcast_in_dim3A = arith.constant 1832780943 : i32
    %broadcast_in_dim3A_7 = vector.broadcast %broadcast_in_dim3A : i32 to vector<256x1000xi32>
    %add3A_8 = arith.constant 270669613 : i32
    %add3A_9 = vector.broadcast %add3A_8 : i32 to vector<256x1000xi32>
    %add3A_10 = arith.addi %add3A_6, %add3A_9 : vector<256x1000xi32>
    %add3A_11 = arith.addi %broadcast_in_dim3A_7, %add3A_10 : vector<256x1000xi32>
    %shift_left3A = arith.constant 13 : i32
    %shift_left3A_12 = vector.broadcast %shift_left3A : i32 to vector<256x1000xi32>
    %shift_left3A_13 = arith.shli %add3A_10, %shift_left3A_12 : vector<256x1000xi32>
    %shift_right_logical3A = arith.constant 19 : i32
    %shift_right_logical3A_14 = vector.broadcast %shift_right_logical3A : i32 to vector<256x1000xi32>
    %shift_right_logical3A_15 = arith.shrui %add3A_10, %shift_right_logical3A_14 : vector<256x1000xi32>
    %or3A = arith.ori %shift_left3A_13, %shift_right_logical3A_15 : vector<256x1000xi32>
    %xor3A = arith.xori %add3A_11, %or3A : vector<256x1000xi32>
    %add3A_16 = arith.addi %add3A_11, %xor3A : vector<256x1000xi32>
    %shift_left3A_17 = arith.constant 15 : i32
    %shift_left3A_18 = vector.broadcast %shift_left3A_17 : i32 to vector<256x1000xi32>
    %shift_left3A_19 = arith.shli %xor3A, %shift_left3A_18 : vector<256x1000xi32>
    %shift_right_logical3A_20 = arith.constant 17 : i32
    %shift_right_logical3A_21 = vector.broadcast %shift_right_logical3A_20 : i32 to vector<256x1000xi32>
    %shift_right_logical3A_22 = arith.shrui %xor3A, %shift_right_logical3A_21 : vector<256x1000xi32>
    %or3A_23 = arith.ori %shift_left3A_19, %shift_right_logical3A_22 : vector<256x1000xi32>
    %xor3A_24 = arith.xori %add3A_16, %or3A_23 : vector<256x1000xi32>
    %add3A_25 = arith.addi %add3A_16, %xor3A_24 : vector<256x1000xi32>
    %shift_left3A_26 = arith.constant 26 : i32
    %shift_left3A_27 = vector.broadcast %shift_left3A_26 : i32 to vector<256x1000xi32>
    %shift_left3A_28 = arith.shli %xor3A_24, %shift_left3A_27 : vector<256x1000xi32>
    %shift_right_logical3A_29 = arith.constant 6 : i32
    %shift_right_logical3A_30 = vector.broadcast %shift_right_logical3A_29 : i32 to vector<256x1000xi32>
    %shift_right_logical3A_31 = arith.shrui %xor3A_24, %shift_right_logical3A_30 : vector<256x1000xi32>
    %or3A_32 = arith.ori %shift_left3A_28, %shift_right_logical3A_31 : vector<256x1000xi32>
    %xor3A_33 = arith.xori %add3A_25, %or3A_32 : vector<256x1000xi32>
    %add3A_34 = arith.addi %add3A_25, %xor3A_33 : vector<256x1000xi32>
    %shift_left3A_35 = arith.constant 6 : i32
    %shift_left3A_36 = vector.broadcast %shift_left3A_35 : i32 to vector<256x1000xi32>
    %shift_left3A_37 = arith.shli %xor3A_33, %shift_left3A_36 : vector<256x1000xi32>
    %shift_right_logical3A_38 = arith.constant 26 : i32
    %shift_right_logical3A_39 = vector.broadcast %shift_right_logical3A_38 : i32 to vector<256x1000xi32>
    %shift_right_logical3A_40 = arith.shrui %xor3A_33, %shift_right_logical3A_39 : vector<256x1000xi32>
    %or3A_41 = arith.ori %shift_left3A_37, %shift_right_logical3A_40 : vector<256x1000xi32>
    %xor3A_42 = arith.xori %add3A_34, %or3A_41 : vector<256x1000xi32>
    %add3A_43 = arith.constant 270669613 : i32
    %add3A_44 = vector.broadcast %add3A_43 : i32 to vector<256x1000xi32>
    %add3A_45 = arith.addi %add3A_34, %add3A_44 : vector<256x1000xi32>
    %add3A_46 = arith.constant 1724713080 : i32
    %add3A_47 = vector.broadcast %add3A_46 : i32 to vector<256x1000xi32>
    %add3A_48 = arith.addi %xor3A_42, %add3A_47 : vector<256x1000xi32>
    %add3A_49 = arith.constant 1 : i32
    %add3A_50 = vector.broadcast %add3A_49 : i32 to vector<256x1000xi32>
    %add3A_51 = arith.addi %add3A_48, %add3A_50 : vector<256x1000xi32>
    %add3A_52 = arith.addi %add3A_45, %add3A_51 : vector<256x1000xi32>
    %shift_left3A_53 = arith.constant 17 : i32
    %shift_left3A_54 = vector.broadcast %shift_left3A_53 : i32 to vector<256x1000xi32>
    %shift_left3A_55 = arith.shli %add3A_51, %shift_left3A_54 : vector<256x1000xi32>
    %shift_right_logical3A_56 = arith.constant 15 : i32
    %shift_right_logical3A_57 = vector.broadcast %shift_right_logical3A_56 : i32 to vector<256x1000xi32>
    %shift_right_logical3A_58 = arith.shrui %add3A_51, %shift_right_logical3A_57 : vector<256x1000xi32>
    %or3A_59 = arith.ori %shift_left3A_55, %shift_right_logical3A_58 : vector<256x1000xi32>
    %xor3A_60 = arith.xori %add3A_52, %or3A_59 : vector<256x1000xi32>
    %add3A_61 = arith.addi %add3A_52, %xor3A_60 : vector<256x1000xi32>
    %shift_left3A_62 = arith.constant 29 : i32
    %shift_left3A_63 = vector.broadcast %shift_left3A_62 : i32 to vector<256x1000xi32>
    %shift_left3A_64 = arith.shli %xor3A_60, %shift_left3A_63 : vector<256x1000xi32>
    %shift_right_logical3A_65 = arith.constant 3 : i32
    %shift_right_logical3A_66 = vector.broadcast %shift_right_logical3A_65 : i32 to vector<256x1000xi32>
    %shift_right_logical3A_67 = arith.shrui %xor3A_60, %shift_right_logical3A_66 : vector<256x1000xi32>
    %or3A_68 = arith.ori %shift_left3A_64, %shift_right_logical3A_67 : vector<256x1000xi32>
    %xor3A_69 = arith.xori %add3A_61, %or3A_68 : vector<256x1000xi32>
    %add3A_70 = arith.addi %add3A_61, %xor3A_69 : vector<256x1000xi32>
    %shift_left3A_71 = arith.constant 16 : i32
    %shift_left3A_72 = vector.broadcast %shift_left3A_71 : i32 to vector<256x1000xi32>
    %shift_left3A_73 = arith.shli %xor3A_69, %shift_left3A_72 : vector<256x1000xi32>
    %shift_right_logical3A_74 = arith.constant 16 : i32
    %shift_right_logical3A_75 = vector.broadcast %shift_right_logical3A_74 : i32 to vector<256x1000xi32>
    %shift_right_logical3A_76 = arith.shrui %xor3A_69, %shift_right_logical3A_75 : vector<256x1000xi32>
    %or3A_77 = arith.ori %shift_left3A_73, %shift_right_logical3A_76 : vector<256x1000xi32>
    %xor3A_78 = arith.xori %add3A_70, %or3A_77 : vector<256x1000xi32>
    %add3A_79 = arith.addi %add3A_70, %xor3A_78 : vector<256x1000xi32>
    %shift_left3A_80 = arith.constant 24 : i32
    %shift_left3A_81 = vector.broadcast %shift_left3A_80 : i32 to vector<256x1000xi32>
    %shift_left3A_82 = arith.shli %xor3A_78, %shift_left3A_81 : vector<256x1000xi32>
    %shift_right_logical3A_83 = arith.constant 8 : i32
    %shift_right_logical3A_84 = vector.broadcast %shift_right_logical3A_83 : i32 to vector<256x1000xi32>
    %shift_right_logical3A_85 = arith.shrui %xor3A_78, %shift_right_logical3A_84 : vector<256x1000xi32>
    %or3A_86 = arith.ori %shift_left3A_82, %shift_right_logical3A_85 : vector<256x1000xi32>
    %xor3A_87 = arith.xori %add3A_79, %or3A_86 : vector<256x1000xi32>
    %add3A_88 = arith.constant 1724713080 : i32
    %add3A_89 = vector.broadcast %add3A_88 : i32 to vector<256x1000xi32>
    %add3A_90 = arith.addi %add3A_79, %add3A_89 : vector<256x1000xi32>
    %add3A_91 = arith.constant 1832780943 : i32
    %add3A_92 = vector.broadcast %add3A_91 : i32 to vector<256x1000xi32>
    %add3A_93 = arith.addi %xor3A_87, %add3A_92 : vector<256x1000xi32>
    %add3A_94 = arith.constant 2 : i32
    %add3A_95 = vector.broadcast %add3A_94 : i32 to vector<256x1000xi32>
    %add3A_96 = arith.addi %add3A_93, %add3A_95 : vector<256x1000xi32>
    %add3A_97 = arith.addi %add3A_90, %add3A_96 : vector<256x1000xi32>
    %shift_left3A_98 = arith.constant 13 : i32
    %shift_left3A_99 = vector.broadcast %shift_left3A_98 : i32 to vector<256x1000xi32>
    %shift_left3A_100 = arith.shli %add3A_96, %shift_left3A_99 : vector<256x1000xi32>
    %shift_right_logical3A_101 = arith.constant 19 : i32
    %shift_right_logical3A_102 = vector.broadcast %shift_right_logical3A_101 : i32 to vector<256x1000xi32>
    %shift_right_logical3A_103 = arith.shrui %add3A_96, %shift_right_logical3A_102 : vector<256x1000xi32>
    %or3A_104 = arith.ori %shift_left3A_100, %shift_right_logical3A_103 : vector<256x1000xi32>
    %xor3A_105 = arith.xori %add3A_97, %or3A_104 : vector<256x1000xi32>
    %add3A_106 = arith.addi %add3A_97, %xor3A_105 : vector<256x1000xi32>
    %shift_left3A_107 = arith.constant 15 : i32
    %shift_left3A_108 = vector.broadcast %shift_left3A_107 : i32 to vector<256x1000xi32>
    %shift_left3A_109 = arith.shli %xor3A_105, %shift_left3A_108 : vector<256x1000xi32>
    %shift_right_logical3A_110 = arith.constant 17 : i32
    %shift_right_logical3A_111 = vector.broadcast %shift_right_logical3A_110 : i32 to vector<256x1000xi32>
    %shift_right_logical3A_112 = arith.shrui %xor3A_105, %shift_right_logical3A_111 : vector<256x1000xi32>
    %or3A_113 = arith.ori %shift_left3A_109, %shift_right_logical3A_112 : vector<256x1000xi32>
    %xor3A_114 = arith.xori %add3A_106, %or3A_113 : vector<256x1000xi32>
    %add3A_115 = arith.addi %add3A_106, %xor3A_114 : vector<256x1000xi32>
    %shift_left3A_116 = arith.constant 26 : i32
    %shift_left3A_117 = vector.broadcast %shift_left3A_116 : i32 to vector<256x1000xi32>
    %shift_left3A_118 = arith.shli %xor3A_114, %shift_left3A_117 : vector<256x1000xi32>
    %shift_right_logical3A_119 = arith.constant 6 : i32
    %shift_right_logical3A_120 = vector.broadcast %shift_right_logical3A_119 : i32 to vector<256x1000xi32>
    %shift_right_logical3A_121 = arith.shrui %xor3A_114, %shift_right_logical3A_120 : vector<256x1000xi32>
    %or3A_122 = arith.ori %shift_left3A_118, %shift_right_logical3A_121 : vector<256x1000xi32>
    %xor3A_123 = arith.xori %add3A_115, %or3A_122 : vector<256x1000xi32>
    %add3A_124 = arith.addi %add3A_115, %xor3A_123 : vector<256x1000xi32>
    %shift_left3A_125 = arith.constant 6 : i32
    %shift_left3A_126 = vector.broadcast %shift_left3A_125 : i32 to vector<256x1000xi32>
    %shift_left3A_127 = arith.shli %xor3A_123, %shift_left3A_126 : vector<256x1000xi32>
    %shift_right_logical3A_128 = arith.constant 26 : i32
    %shift_right_logical3A_129 = vector.broadcast %shift_right_logical3A_128 : i32 to vector<256x1000xi32>
    %shift_right_logical3A_130 = arith.shrui %xor3A_123, %shift_right_logical3A_129 : vector<256x1000xi32>
    %or3A_131 = arith.ori %shift_left3A_127, %shift_right_logical3A_130 : vector<256x1000xi32>
    %xor3A_132 = arith.xori %add3A_124, %or3A_131 : vector<256x1000xi32>
    %add3A_133 = arith.constant 1832780943 : i32
    %add3A_134 = vector.broadcast %add3A_133 : i32 to vector<256x1000xi32>
    %add3A_135 = arith.addi %add3A_124, %add3A_134 : vector<256x1000xi32>
    %add3A_136 = arith.constant 270669613 : i32
    %add3A_137 = vector.broadcast %add3A_136 : i32 to vector<256x1000xi32>
    %add3A_138 = arith.addi %xor3A_132, %add3A_137 : vector<256x1000xi32>
    %add3A_139 = arith.constant 3 : i32
    %add3A_140 = vector.broadcast %add3A_139 : i32 to vector<256x1000xi32>
    %add3A_141 = arith.addi %add3A_138, %add3A_140 : vector<256x1000xi32>
    %add3A_142 = arith.addi %add3A_135, %add3A_141 : vector<256x1000xi32>
    %shift_left3A_143 = arith.constant 17 : i32
    %shift_left3A_144 = vector.broadcast %shift_left3A_143 : i32 to vector<256x1000xi32>
    %shift_left3A_145 = arith.shli %add3A_141, %shift_left3A_144 : vector<256x1000xi32>
    %shift_right_logical3A_146 = arith.constant 15 : i32
    %shift_right_logical3A_147 = vector.broadcast %shift_right_logical3A_146 : i32 to vector<256x1000xi32>
    %shift_right_logical3A_148 = arith.shrui %add3A_141, %shift_right_logical3A_147 : vector<256x1000xi32>
    %or3A_149 = arith.ori %shift_left3A_145, %shift_right_logical3A_148 : vector<256x1000xi32>
    %xor3A_150 = arith.xori %add3A_142, %or3A_149 : vector<256x1000xi32>
    %add3A_151 = arith.addi %add3A_142, %xor3A_150 : vector<256x1000xi32>
    %shift_left3A_152 = arith.constant 29 : i32
    %shift_left3A_153 = vector.broadcast %shift_left3A_152 : i32 to vector<256x1000xi32>
    %shift_left3A_154 = arith.shli %xor3A_150, %shift_left3A_153 : vector<256x1000xi32>
    %shift_right_logical3A_155 = arith.constant 3 : i32
    %shift_right_logical3A_156 = vector.broadcast %shift_right_logical3A_155 : i32 to vector<256x1000xi32>
    %shift_right_logical3A_157 = arith.shrui %xor3A_150, %shift_right_logical3A_156 : vector<256x1000xi32>
    %or3A_158 = arith.ori %shift_left3A_154, %shift_right_logical3A_157 : vector<256x1000xi32>
    %xor3A_159 = arith.xori %add3A_151, %or3A_158 : vector<256x1000xi32>
    %add3A_160 = arith.addi %add3A_151, %xor3A_159 : vector<256x1000xi32>
    %shift_left3A_161 = arith.constant 16 : i32
    %shift_left3A_162 = vector.broadcast %shift_left3A_161 : i32 to vector<256x1000xi32>
    %shift_left3A_163 = arith.shli %xor3A_159, %shift_left3A_162 : vector<256x1000xi32>
    %shift_right_logical3A_164 = arith.constant 16 : i32
    %shift_right_logical3A_165 = vector.broadcast %shift_right_logical3A_164 : i32 to vector<256x1000xi32>
    %shift_right_logical3A_166 = arith.shrui %xor3A_159, %shift_right_logical3A_165 : vector<256x1000xi32>
    %or3A_167 = arith.ori %shift_left3A_163, %shift_right_logical3A_166 : vector<256x1000xi32>
    %xor3A_168 = arith.xori %add3A_160, %or3A_167 : vector<256x1000xi32>
    %add3A_169 = arith.addi %add3A_160, %xor3A_168 : vector<256x1000xi32>
    %shift_left3A_170 = arith.constant 24 : i32
    %shift_left3A_171 = vector.broadcast %shift_left3A_170 : i32 to vector<256x1000xi32>
    %shift_left3A_172 = arith.shli %xor3A_168, %shift_left3A_171 : vector<256x1000xi32>
    %shift_right_logical3A_173 = arith.constant 8 : i32
    %shift_right_logical3A_174 = vector.broadcast %shift_right_logical3A_173 : i32 to vector<256x1000xi32>
    %shift_right_logical3A_175 = arith.shrui %xor3A_168, %shift_right_logical3A_174 : vector<256x1000xi32>
    %or3A_176 = arith.ori %shift_left3A_172, %shift_right_logical3A_175 : vector<256x1000xi32>
    %xor3A_177 = arith.xori %add3A_169, %or3A_176 : vector<256x1000xi32>
    %add3A_178 = arith.constant 270669613 : i32
    %add3A_179 = vector.broadcast %add3A_178 : i32 to vector<256x1000xi32>
    %add3A_180 = arith.addi %add3A_169, %add3A_179 : vector<256x1000xi32>
    %add3A_181 = arith.constant 1724713080 : i32
    %add3A_182 = vector.broadcast %add3A_181 : i32 to vector<256x1000xi32>
    %add3A_183 = arith.addi %xor3A_177, %add3A_182 : vector<256x1000xi32>
    %add3A_184 = arith.constant 4 : i32
    %add3A_185 = vector.broadcast %add3A_184 : i32 to vector<256x1000xi32>
    %add3A_186 = arith.addi %add3A_183, %add3A_185 : vector<256x1000xi32>
    %add3A_187 = arith.addi %add3A_180, %add3A_186 : vector<256x1000xi32>
    %shift_left3A_188 = arith.constant 13 : i32
    %shift_left3A_189 = vector.broadcast %shift_left3A_188 : i32 to vector<256x1000xi32>
    %shift_left3A_190 = arith.shli %add3A_186, %shift_left3A_189 : vector<256x1000xi32>
    %shift_right_logical3A_191 = arith.constant 19 : i32
    %shift_right_logical3A_192 = vector.broadcast %shift_right_logical3A_191 : i32 to vector<256x1000xi32>
    %shift_right_logical3A_193 = arith.shrui %add3A_186, %shift_right_logical3A_192 : vector<256x1000xi32>
    %or3A_194 = arith.ori %shift_left3A_190, %shift_right_logical3A_193 : vector<256x1000xi32>
    %xor3A_195 = arith.xori %add3A_187, %or3A_194 : vector<256x1000xi32>
    %add3A_196 = arith.addi %add3A_187, %xor3A_195 : vector<256x1000xi32>
    %shift_left3A_197 = arith.constant 15 : i32
    %shift_left3A_198 = vector.broadcast %shift_left3A_197 : i32 to vector<256x1000xi32>
    %shift_left3A_199 = arith.shli %xor3A_195, %shift_left3A_198 : vector<256x1000xi32>
    %shift_right_logical3A_200 = arith.constant 17 : i32
    %shift_right_logical3A_201 = vector.broadcast %shift_right_logical3A_200 : i32 to vector<256x1000xi32>
    %shift_right_logical3A_202 = arith.shrui %xor3A_195, %shift_right_logical3A_201 : vector<256x1000xi32>
    %or3A_203 = arith.ori %shift_left3A_199, %shift_right_logical3A_202 : vector<256x1000xi32>
    %xor3A_204 = arith.xori %add3A_196, %or3A_203 : vector<256x1000xi32>
    %add3A_205 = arith.addi %add3A_196, %xor3A_204 : vector<256x1000xi32>
    %shift_left3A_206 = arith.constant 26 : i32
    %shift_left3A_207 = vector.broadcast %shift_left3A_206 : i32 to vector<256x1000xi32>
    %shift_left3A_208 = arith.shli %xor3A_204, %shift_left3A_207 : vector<256x1000xi32>
    %shift_right_logical3A_209 = arith.constant 6 : i32
    %shift_right_logical3A_210 = vector.broadcast %shift_right_logical3A_209 : i32 to vector<256x1000xi32>
    %shift_right_logical3A_211 = arith.shrui %xor3A_204, %shift_right_logical3A_210 : vector<256x1000xi32>
    %or3A_212 = arith.ori %shift_left3A_208, %shift_right_logical3A_211 : vector<256x1000xi32>
    %xor3A_213 = arith.xori %add3A_205, %or3A_212 : vector<256x1000xi32>
    %add3A_214 = arith.addi %add3A_205, %xor3A_213 : vector<256x1000xi32>
    %shift_left3A_215 = arith.constant 6 : i32
    %shift_left3A_216 = vector.broadcast %shift_left3A_215 : i32 to vector<256x1000xi32>
    %shift_left3A_217 = arith.shli %xor3A_213, %shift_left3A_216 : vector<256x1000xi32>
    %shift_right_logical3A_218 = arith.constant 26 : i32
    %shift_right_logical3A_219 = vector.broadcast %shift_right_logical3A_218 : i32 to vector<256x1000xi32>
    %shift_right_logical3A_220 = arith.shrui %xor3A_213, %shift_right_logical3A_219 : vector<256x1000xi32>
    %or3A_221 = arith.ori %shift_left3A_217, %shift_right_logical3A_220 : vector<256x1000xi32>
    %xor3A_222 = arith.xori %add3A_214, %or3A_221 : vector<256x1000xi32>
    %add3A_223 = arith.constant 1724713080 : i32
    %add3A_224 = vector.broadcast %add3A_223 : i32 to vector<256x1000xi32>
    %add3A_225 = arith.addi %add3A_214, %add3A_224 : vector<256x1000xi32>
    %add3A_226 = arith.constant 1832780943 : i32
    %add3A_227 = vector.broadcast %add3A_226 : i32 to vector<256x1000xi32>
    %add3A_228 = arith.addi %xor3A_222, %add3A_227 : vector<256x1000xi32>
    %add3A_229 = arith.constant 5 : i32
    %add3A_230 = vector.broadcast %add3A_229 : i32 to vector<256x1000xi32>
    %add3A_231 = arith.addi %add3A_228, %add3A_230 : vector<256x1000xi32>
    %xor3A_232 = arith.xori %add3A_225, %add3A_231 : vector<256x1000xi32>
    %shift_right_logical3A_233 = arith.constant 9 : i32
    %shift_right_logical3A_234 = vector.broadcast %shift_right_logical3A_233 : i32 to vector<256x1000xi32>
    %shift_right_logical3A_235 = arith.shrui %xor3A_232, %shift_right_logical3A_234 : vector<256x1000xi32>
    %or3A_236 = arith.constant 1065353216 : i32
    %or3A_237 = vector.broadcast %or3A_236 : i32 to vector<256x1000xi32>
    %or3A_238 = arith.ori %shift_right_logical3A_235, %or3A_237 : vector<256x1000xi32>
    %bitcast_convert_type3A = tpu.bitcast %or3A_238 : vector<256x1000xi32> -> vector<256x1000xf32>
    %sub3A = arith.constant 1.000000e+00 : f32
    %sub3A_239 = vector.broadcast %sub3A : f32 to vector<256x1000xf32>
    %sub3A_240 = arith.subf %bitcast_convert_type3A, %sub3A_239 : vector<256x1000xf32>
    %add3A_241 = arith.constant 1.17549435E-38 : f32
    %add3A_242 = vector.broadcast %add3A_241 : f32 to vector<256x1000xf32>
    %add3A_243 = arith.addf %sub3A_240, %add3A_242 : vector<256x1000xf32>
    %log3A = math.log %add3A_243 : vector<256x1000xf32>
    %neg3A = arith.constant 0.000000e+00 : f32
    %neg3A_244 = vector.broadcast %neg3A : f32 to vector<256x1000xf32>
    %neg3A_245 = arith.subf %neg3A_244, %log3A : vector<256x1000xf32>
    %log3A_246 = math.log %neg3A_245 : vector<256x1000xf32>
    %neg3A_247 = arith.constant 0.000000e+00 : f32
    %neg3A_248 = vector.broadcast %neg3A_247 : f32 to vector<256x1000xf32>
    %neg3A_249 = arith.subf %neg3A_248, %log3A_246 : vector<256x1000xf32>
    %get3A = arith.constant 0 : index
    %get3A_250 = arith.constant 0 : index
    %get3A_251 = vector.load %arg1[%get3A, %get3A_250] : memref<256x1000xf32, #tpu.memory_space<vmem>>, vector<256x1000xf32>
    %add3A_252 = arith.addf %get3A_251, %neg3A_249 : vector<256x1000xf32>
    %reduce_max3A = arith.constant dense<0xFF800000> : vector<256xf32>
    %reduce_max3A_253 = vector.multi_reduction <maximumf>, %add3A_252, %reduce_max3A [1] : vector<256x1000xf32> to vector<256xf32>
    %broadcast_in_dim3A_254 = vector.shape_cast %reduce_max3A_253 : vector<256xf32> to vector<256x1xf32>
    %eq3A = vector.broadcast %broadcast_in_dim3A_254 : vector<256x1xf32> to vector<256x1000xf32>
    %eq3A_255 = arith.cmpf oeq, %add3A_252, %eq3A : vector<256x1000xf32>
    %jit3A = arith.constant 1000 : i32
    %broadcast_in_dim3A_256 = vector.broadcast %jit3A : i32 to vector<256x1000xi32>
    %select_n3A = arith.select %eq3A_255, %iota3A_0, %broadcast_in_dim3A_256 : vector<256x1000xi1>, vector<256x1000xi32>
    %reduce_min3A = arith.constant dense<2147483647> : vector<256xi32>
    %reduce_min3A_257 = vector.multi_reduction <minsi>, %select_n3A, %reduce_min3A [1] : vector<256x1000xi32> to vector<256xi32>
    %swap3A = arith.constant 0 : index
    %swap3A_258 = vector.load %arg3[%swap3A] : memref<256xi32, #tpu.memory_space<vmem>>, vector<256xi32>
    tpu.vector_store %arg3[%swap3A], %reduce_min3A_257 {strides = array<i32>} : memref<256xi32, #tpu.memory_space<vmem>>, vector<256xi32>,
    %broadcast_in_dim3A_259 = arith.constant 64467757 : i32
    %broadcast_in_dim3A_260 = vector.broadcast %broadcast_in_dim3A_259 : i32 to vector<256x1000xi32>
    %add3A_261 = arith.constant -1378843660 : i32
    %add3A_262 = vector.broadcast %add3A_261 : i32 to vector<256x1000xi32>
    %add3A_263 = arith.addi %add3A_6, %add3A_262 : vector<256x1000xi32>
    %add3A_264 = arith.addi %broadcast_in_dim3A_260, %add3A_263 : vector<256x1000xi32>
    %shift_left3A_265 = arith.constant 13 : i32
    %shift_left3A_266 = vector.broadcast %shift_left3A_265 : i32 to vector<256x1000xi32>
    %shift_left3A_267 = arith.shli %add3A_263, %shift_left3A_266 : vector<256x1000xi32>
    %shift_right_logical3A_268 = arith.constant 19 : i32
    %shift_right_logical3A_269 = vector.broadcast %shift_right_logical3A_268 : i32 to vector<256x1000xi32>
    %shift_right_logical3A_270 = arith.shrui %add3A_263, %shift_right_logical3A_269 : vector<256x1000xi32>
    %or3A_271 = arith.ori %shift_left3A_267, %shift_right_logical3A_270 : vector<256x1000xi32>
    %xor3A_272 = arith.xori %add3A_264, %or3A_271 : vector<256x1000xi32>
    %add3A_273 = arith.addi %add3A_264, %xor3A_272 : vector<256x1000xi32>
    %shift_left3A_274 = arith.constant 15 : i32
    %shift_left3A_275 = vector.broadcast %shift_left3A_274 : i32 to vector<256x1000xi32>
    %shift_left3A_276 = arith.shli %xor3A_272, %shift_left3A_275 : vector<256x1000xi32>
    %shift_right_logical3A_277 = arith.constant 17 : i32
    %shift_right_logical3A_278 = vector.broadcast %shift_right_logical3A_277 : i32 to vector<256x1000xi32>
    %shift_right_logical3A_279 = arith.shrui %xor3A_272, %shift_right_logical3A_278 : vector<256x1000xi32>
    %or3A_280 = arith.ori %shift_left3A_276, %shift_right_logical3A_279 : vector<256x1000xi32>
    %xor3A_281 = arith.xori %add3A_273, %or3A_280 : vector<256x1000xi32>
    %add3A_282 = arith.addi %add3A_273, %xor3A_281 : vector<256x1000xi32>
    %shift_left3A_283 = arith.constant 26 : i32
    %shift_left3A_284 = vector.broadcast %shift_left3A_283 : i32 to vector<256x1000xi32>
    %shift_left3A_285 = arith.shli %xor3A_281, %shift_left3A_284 : vector<256x1000xi32>
    %shift_right_logical3A_286 = arith.constant 6 : i32
    %shift_right_logical3A_287 = vector.broadcast %shift_right_logical3A_286 : i32 to vector<256x1000xi32>
    %shift_right_logical3A_288 = arith.shrui %xor3A_281, %shift_right_logical3A_287 : vector<256x1000xi32>
    %or3A_289 = arith.ori %shift_left3A_285, %shift_right_logical3A_288 : vector<256x1000xi32>
    %xor3A_290 = arith.xori %add3A_282, %or3A_289 : vector<256x1000xi32>
    %add3A_291 = arith.addi %add3A_282, %xor3A_290 : vector<256x1000xi32>
    %shift_left3A_292 = arith.constant 6 : i32
    %shift_left3A_293 = vector.broadcast %shift_left3A_292 : i32 to vector<256x1000xi32>
    %shift_left3A_294 = arith.shli %xor3A_290, %shift_left3A_293 : vector<256x1000xi32>
    %shift_right_logical3A_295 = arith.constant 26 : i32
    %shift_right_logical3A_296 = vector.broadcast %shift_right_logical3A_295 : i32 to vector<256x1000xi32>
    %shift_right_logical3A_297 = arith.shrui %xor3A_290, %shift_right_logical3A_296 : vector<256x1000xi32>
    %or3A_298 = arith.ori %shift_left3A_294, %shift_right_logical3A_297 : vector<256x1000xi32>
    %xor3A_299 = arith.xori %add3A_291, %or3A_298 : vector<256x1000xi32>
    %add3A_300 = arith.constant -1378843660 : i32
    %add3A_301 = vector.broadcast %add3A_300 : i32 to vector<256x1000xi32>
    %add3A_302 = arith.addi %add3A_291, %add3A_301 : vector<256x1000xi32>
    %add3A_303 = arith.constant -1244255485 : i32
    %add3A_304 = vector.broadcast %add3A_303 : i32 to vector<256x1000xi32>
    %add3A_305 = arith.addi %xor3A_299, %add3A_304 : vector<256x1000xi32>
    %add3A_306 = arith.constant 1 : i32
    %add3A_307 = vector.broadcast %add3A_306 : i32 to vector<256x1000xi32>
    %add3A_308 = arith.addi %add3A_305, %add3A_307 : vector<256x1000xi32>
    %add3A_309 = arith.addi %add3A_302, %add3A_308 : vector<256x1000xi32>
    %shift_left3A_310 = arith.constant 17 : i32
    %shift_left3A_311 = vector.broadcast %shift_left3A_310 : i32 to vector<256x1000xi32>
    %shift_left3A_312 = arith.shli %add3A_308, %shift_left3A_311 : vector<256x1000xi32>
    %shift_right_logical3A_313 = arith.constant 15 : i32
    %shift_right_logical3A_314 = vector.broadcast %shift_right_logical3A_313 : i32 to vector<256x1000xi32>
    %shift_right_logical3A_315 = arith.shrui %add3A_308, %shift_right_logical3A_314 : vector<256x1000xi32>
    %or3A_316 = arith.ori %shift_left3A_312, %shift_right_logical3A_315 : vector<256x1000xi32>
    %xor3A_317 = arith.xori %add3A_309, %or3A_316 : vector<256x1000xi32>
    %add3A_318 = arith.addi %add3A_309, %xor3A_317 : vector<256x1000xi32>
    %shift_left3A_319 = arith.constant 29 : i32
    %shift_left3A_320 = vector.broadcast %shift_left3A_319 : i32 to vector<256x1000xi32>
    %shift_left3A_321 = arith.shli %xor3A_317, %shift_left3A_320 : vector<256x1000xi32>
    %shift_right_logical3A_322 = arith.constant 3 : i32
    %shift_right_logical3A_323 = vector.broadcast %shift_right_logical3A_322 : i32 to vector<256x1000xi32>
    %shift_right_logical3A_324 = arith.shrui %xor3A_317, %shift_right_logical3A_323 : vector<256x1000xi32>
    %or3A_325 = arith.ori %shift_left3A_321, %shift_right_logical3A_324 : vector<256x1000xi32>
    %xor3A_326 = arith.xori %add3A_318, %or3A_325 : vector<256x1000xi32>
    %add3A_327 = arith.addi %add3A_318, %xor3A_326 : vector<256x1000xi32>
    %shift_left3A_328 = arith.constant 16 : i32
    %shift_left3A_329 = vector.broadcast %shift_left3A_328 : i32 to vector<256x1000xi32>
    %shift_left3A_330 = arith.shli %xor3A_326, %shift_left3A_329 : vector<256x1000xi32>
    %shift_right_logical3A_331 = arith.constant 16 : i32
    %shift_right_logical3A_332 = vector.broadcast %shift_right_logical3A_331 : i32 to vector<256x1000xi32>
    %shift_right_logical3A_333 = arith.shrui %xor3A_326, %shift_right_logical3A_332 : vector<256x1000xi32>
    %or3A_334 = arith.ori %shift_left3A_330, %shift_right_logical3A_333 : vector<256x1000xi32>
    %xor3A_335 = arith.xori %add3A_327, %or3A_334 : vector<256x1000xi32>
    %add3A_336 = arith.addi %add3A_327, %xor3A_335 : vector<256x1000xi32>
    %shift_left3A_337 = arith.constant 24 : i32
    %shift_left3A_338 = vector.broadcast %shift_left3A_337 : i32 to vector<256x1000xi32>
    %shift_left3A_339 = arith.shli %xor3A_335, %shift_left3A_338 : vector<256x1000xi32>
    %shift_right_logical3A_340 = arith.constant 8 : i32
    %shift_right_logical3A_341 = vector.broadcast %shift_right_logical3A_340 : i32 to vector<256x1000xi32>
    %shift_right_logical3A_342 = arith.shrui %xor3A_335, %shift_right_logical3A_341 : vector<256x1000xi32>
    %or3A_343 = arith.ori %shift_left3A_339, %shift_right_logical3A_342 : vector<256x1000xi32>
    %xor3A_344 = arith.xori %add3A_336, %or3A_343 : vector<256x1000xi32>
    %add3A_345 = arith.constant -1244255485 : i32
    %add3A_346 = vector.broadcast %add3A_345 : i32 to vector<256x1000xi32>
    %add3A_347 = arith.addi %add3A_336, %add3A_346 : vector<256x1000xi32>
    %add3A_348 = arith.constant 64467757 : i32
    %add3A_349 = vector.broadcast %add3A_348 : i32 to vector<256x1000xi32>
    %add3A_350 = arith.addi %xor3A_344, %add3A_349 : vector<256x1000xi32>
    %add3A_351 = arith.constant 2 : i32
    %add3A_352 = vector.broadcast %add3A_351 : i32 to vector<256x1000xi32>
    %add3A_353 = arith.addi %add3A_350, %add3A_352 : vector<256x1000xi32>
    %add3A_354 = arith.addi %add3A_347, %add3A_353 : vector<256x1000xi32>
    %shift_left3A_355 = arith.constant 13 : i32
    %shift_left3A_356 = vector.broadcast %shift_left3A_355 : i32 to vector<256x1000xi32>
    %shift_left3A_357 = arith.shli %add3A_353, %shift_left3A_356 : vector<256x1000xi32>
    %shift_right_logical3A_358 = arith.constant 19 : i32
    %shift_right_logical3A_359 = vector.broadcast %shift_right_logical3A_358 : i32 to vector<256x1000xi32>
    %shift_right_logical3A_360 = arith.shrui %add3A_353, %shift_right_logical3A_359 : vector<256x1000xi32>
    %or3A_361 = arith.ori %shift_left3A_357, %shift_right_logical3A_360 : vector<256x1000xi32>
    %xor3A_362 = arith.xori %add3A_354, %or3A_361 : vector<256x1000xi32>
    %add3A_363 = arith.addi %add3A_354, %xor3A_362 : vector<256x1000xi32>
    %shift_left3A_364 = arith.constant 15 : i32
    %shift_left3A_365 = vector.broadcast %shift_left3A_364 : i32 to vector<256x1000xi32>
    %shift_left3A_366 = arith.shli %xor3A_362, %shift_left3A_365 : vector<256x1000xi32>
    %shift_right_logical3A_367 = arith.constant 17 : i32
    %shift_right_logical3A_368 = vector.broadcast %shift_right_logical3A_367 : i32 to vector<256x1000xi32>
    %shift_right_logical3A_369 = arith.shrui %xor3A_362, %shift_right_logical3A_368 : vector<256x1000xi32>
    %or3A_370 = arith.ori %shift_left3A_366, %shift_right_logical3A_369 : vector<256x1000xi32>
    %xor3A_371 = arith.xori %add3A_363, %or3A_370 : vector<256x1000xi32>
    %add3A_372 = arith.addi %add3A_363, %xor3A_371 : vector<256x1000xi32>
    %shift_left3A_373 = arith.constant 26 : i32
    %shift_left3A_374 = vector.broadcast %shift_left3A_373 : i32 to vector<256x1000xi32>
    %shift_left3A_375 = arith.shli %xor3A_371, %shift_left3A_374 : vector<256x1000xi32>
    %shift_right_logical3A_376 = arith.constant 6 : i32
    %shift_right_logical3A_377 = vector.broadcast %shift_right_logical3A_376 : i32 to vector<256x1000xi32>
    %shift_right_logical3A_378 = arith.shrui %xor3A_371, %shift_right_logical3A_377 : vector<256x1000xi32>
    %or3A_379 = arith.ori %shift_left3A_375, %shift_right_logical3A_378 : vector<256x1000xi32>
    %xor3A_380 = arith.xori %add3A_372, %or3A_379 : vector<256x1000xi32>
    %add3A_381 = arith.addi %add3A_372, %xor3A_380 : vector<256x1000xi32>
    %shift_left3A_382 = arith.constant 6 : i32
    %shift_left3A_383 = vector.broadcast %shift_left3A_382 : i32 to vector<256x1000xi32>
    %shift_left3A_384 = arith.shli %xor3A_380, %shift_left3A_383 : vector<256x1000xi32>
    %shift_right_logical3A_385 = arith.constant 26 : i32
    %shift_right_logical3A_386 = vector.broadcast %shift_right_logical3A_385 : i32 to vector<256x1000xi32>
    %shift_right_logical3A_387 = arith.shrui %xor3A_380, %shift_right_logical3A_386 : vector<256x1000xi32>
    %or3A_388 = arith.ori %shift_left3A_384, %shift_right_logical3A_387 : vector<256x1000xi32>
    %xor3A_389 = arith.xori %add3A_381, %or3A_388 : vector<256x1000xi32>
    %add3A_390 = arith.constant 64467757 : i32
    %add3A_391 = vector.broadcast %add3A_390 : i32 to vector<256x1000xi32>
    %add3A_392 = arith.addi %add3A_381, %add3A_391 : vector<256x1000xi32>
    %add3A_393 = arith.constant -1378843660 : i32
    %add3A_394 = vector.broadcast %add3A_393 : i32 to vector<256x1000xi32>
    %add3A_395 = arith.addi %xor3A_389, %add3A_394 : vector<256x1000xi32>
    %add3A_396 = arith.constant 3 : i32
    %add3A_397 = vector.broadcast %add3A_396 : i32 to vector<256x1000xi32>
    %add3A_398 = arith.addi %add3A_395, %add3A_397 : vector<256x1000xi32>
    %add3A_399 = arith.addi %add3A_392, %add3A_398 : vector<256x1000xi32>
    %shift_left3A_400 = arith.constant 17 : i32
    %shift_left3A_401 = vector.broadcast %shift_left3A_400 : i32 to vector<256x1000xi32>
    %shift_left3A_402 = arith.shli %add3A_398, %shift_left3A_401 : vector<256x1000xi32>
    %shift_right_logical3A_403 = arith.constant 15 : i32
    %shift_right_logical3A_404 = vector.broadcast %shift_right_logical3A_403 : i32 to vector<256x1000xi32>
    %shift_right_logical3A_405 = arith.shrui %add3A_398, %shift_right_logical3A_404 : vector<256x1000xi32>
    %or3A_406 = arith.ori %shift_left3A_402, %shift_right_logical3A_405 : vector<256x1000xi32>
    %xor3A_407 = arith.xori %add3A_399, %or3A_406 : vector<256x1000xi32>
    %add3A_408 = arith.addi %add3A_399, %xor3A_407 : vector<256x1000xi32>
    %shift_left3A_409 = arith.constant 29 : i32
    %shift_left3A_410 = vector.broadcast %shift_left3A_409 : i32 to vector<256x1000xi32>
    %shift_left3A_411 = arith.shli %xor3A_407, %shift_left3A_410 : vector<256x1000xi32>
    %shift_right_logical3A_412 = arith.constant 3 : i32
    %shift_right_logical3A_413 = vector.broadcast %shift_right_logical3A_412 : i32 to vector<256x1000xi32>
    %shift_right_logical3A_414 = arith.shrui %xor3A_407, %shift_right_logical3A_413 : vector<256x1000xi32>
    %or3A_415 = arith.ori %shift_left3A_411, %shift_right_logical3A_414 : vector<256x1000xi32>
    %xor3A_416 = arith.xori %add3A_408, %or3A_415 : vector<256x1000xi32>
    %add3A_417 = arith.addi %add3A_408, %xor3A_416 : vector<256x1000xi32>
    %shift_left3A_418 = arith.constant 16 : i32
    %shift_left3A_419 = vector.broadcast %shift_left3A_418 : i32 to vector<256x1000xi32>
    %shift_left3A_420 = arith.shli %xor3A_416, %shift_left3A_419 : vector<256x1000xi32>
    %shift_right_logical3A_421 = arith.constant 16 : i32
    %shift_right_logical3A_422 = vector.broadcast %shift_right_logical3A_421 : i32 to vector<256x1000xi32>
    %shift_right_logical3A_423 = arith.shrui %xor3A_416, %shift_right_logical3A_422 : vector<256x1000xi32>
    %or3A_424 = arith.ori %shift_left3A_420, %shift_right_logical3A_423 : vector<256x1000xi32>
    %xor3A_425 = arith.xori %add3A_417, %or3A_424 : vector<256x1000xi32>
    %add3A_426 = arith.addi %add3A_417, %xor3A_425 : vector<256x1000xi32>
    %shift_left3A_427 = arith.constant 24 : i32
    %shift_left3A_428 = vector.broadcast %shift_left3A_427 : i32 to vector<256x1000xi32>
    %shift_left3A_429 = arith.shli %xor3A_425, %shift_left3A_428 : vector<256x1000xi32>
    %shift_right_logical3A_430 = arith.constant 8 : i32
    %shift_right_logical3A_431 = vector.broadcast %shift_right_logical3A_430 : i32 to vector<256x1000xi32>
    %shift_right_logical3A_432 = arith.shrui %xor3A_425, %shift_right_logical3A_431 : vector<256x1000xi32>
    %or3A_433 = arith.ori %shift_left3A_429, %shift_right_logical3A_432 : vector<256x1000xi32>
    %xor3A_434 = arith.xori %add3A_426, %or3A_433 : vector<256x1000xi32>
    %add3A_435 = arith.constant -1378843660 : i32
    %add3A_436 = vector.broadcast %add3A_435 : i32 to vector<256x1000xi32>
    %add3A_437 = arith.addi %add3A_426, %add3A_436 : vector<256x1000xi32>
    %add3A_438 = arith.constant -1244255485 : i32
    %add3A_439 = vector.broadcast %add3A_438 : i32 to vector<256x1000xi32>
    %add3A_440 = arith.addi %xor3A_434, %add3A_439 : vector<256x1000xi32>
    %add3A_441 = arith.constant 4 : i32
    %add3A_442 = vector.broadcast %add3A_441 : i32 to vector<256x1000xi32>
    %add3A_443 = arith.addi %add3A_440, %add3A_442 : vector<256x1000xi32>
    %add3A_444 = arith.addi %add3A_437, %add3A_443 : vector<256x1000xi32>
    %shift_left3A_445 = arith.constant 13 : i32
    %shift_left3A_446 = vector.broadcast %shift_left3A_445 : i32 to vector<256x1000xi32>
    %shift_left3A_447 = arith.shli %add3A_443, %shift_left3A_446 : vector<256x1000xi32>
    %shift_right_logical3A_448 = arith.constant 19 : i32
    %shift_right_logical3A_449 = vector.broadcast %shift_right_logical3A_448 : i32 to vector<256x1000xi32>
    %shift_right_logical3A_450 = arith.shrui %add3A_443, %shift_right_logical3A_449 : vector<256x1000xi32>
    %or3A_451 = arith.ori %shift_left3A_447, %shift_right_logical3A_450 : vector<256x1000xi32>
    %xor3A_452 = arith.xori %add3A_444, %or3A_451 : vector<256x1000xi32>
    %add3A_453 = arith.addi %add3A_444, %xor3A_452 : vector<256x1000xi32>
    %shift_left3A_454 = arith.constant 15 : i32
    %shift_left3A_455 = vector.broadcast %shift_left3A_454 : i32 to vector<256x1000xi32>
    %shift_left3A_456 = arith.shli %xor3A_452, %shift_left3A_455 : vector<256x1000xi32>
    %shift_right_logical3A_457 = arith.constant 17 : i32
    %shift_right_logical3A_458 = vector.broadcast %shift_right_logical3A_457 : i32 to vector<256x1000xi32>
    %shift_right_logical3A_459 = arith.shrui %xor3A_452, %shift_right_logical3A_458 : vector<256x1000xi32>
    %or3A_460 = arith.ori %shift_left3A_456, %shift_right_logical3A_459 : vector<256x1000xi32>
    %xor3A_461 = arith.xori %add3A_453, %or3A_460 : vector<256x1000xi32>
    %add3A_462 = arith.addi %add3A_453, %xor3A_461 : vector<256x1000xi32>
    %shift_left3A_463 = arith.constant 26 : i32
    %shift_left3A_464 = vector.broadcast %shift_left3A_463 : i32 to vector<256x1000xi32>
    %shift_left3A_465 = arith.shli %xor3A_461, %shift_left3A_464 : vector<256x1000xi32>
    %shift_right_logical3A_466 = arith.constant 6 : i32
    %shift_right_logical3A_467 = vector.broadcast %shift_right_logical3A_466 : i32 to vector<256x1000xi32>
    %shift_right_logical3A_468 = arith.shrui %xor3A_461, %shift_right_logical3A_467 : vector<256x1000xi32>
    %or3A_469 = arith.ori %shift_left3A_465, %shift_right_logical3A_468 : vector<256x1000xi32>
    %xor3A_470 = arith.xori %add3A_462, %or3A_469 : vector<256x1000xi32>
    %add3A_471 = arith.addi %add3A_462, %xor3A_470 : vector<256x1000xi32>
    %shift_left3A_472 = arith.constant 6 : i32
    %shift_left3A_473 = vector.broadcast %shift_left3A_472 : i32 to vector<256x1000xi32>
    %shift_left3A_474 = arith.shli %xor3A_470, %shift_left3A_473 : vector<256x1000xi32>
    %shift_right_logical3A_475 = arith.constant 26 : i32
    %shift_right_logical3A_476 = vector.broadcast %shift_right_logical3A_475 : i32 to vector<256x1000xi32>
    %shift_right_logical3A_477 = arith.shrui %xor3A_470, %shift_right_logical3A_476 : vector<256x1000xi32>
    %or3A_478 = arith.ori %shift_left3A_474, %shift_right_logical3A_477 : vector<256x1000xi32>
    %xor3A_479 = arith.xori %add3A_471, %or3A_478 : vector<256x1000xi32>
    %add3A_480 = arith.constant -1244255485 : i32
    %add3A_481 = vector.broadcast %add3A_480 : i32 to vector<256x1000xi32>
    %add3A_482 = arith.addi %add3A_471, %add3A_481 : vector<256x1000xi32>
    %add3A_483 = arith.constant 64467757 : i32
    %add3A_484 = vector.broadcast %add3A_483 : i32 to vector<256x1000xi32>
    %add3A_485 = arith.addi %xor3A_479, %add3A_484 : vector<256x1000xi32>
    %add3A_486 = arith.constant 5 : i32
    %add3A_487 = vector.broadcast %add3A_486 : i32 to vector<256x1000xi32>
    %add3A_488 = arith.addi %add3A_485, %add3A_487 : vector<256x1000xi32>
    %xor3A_489 = arith.xori %add3A_482, %add3A_488 : vector<256x1000xi32>
    %shift_right_logical3A_490 = arith.constant 9 : i32
    %shift_right_logical3A_491 = vector.broadcast %shift_right_logical3A_490 : i32 to vector<256x1000xi32>
    %shift_right_logical3A_492 = arith.shrui %xor3A_489, %shift_right_logical3A_491 : vector<256x1000xi32>
    %or3A_493 = arith.constant 1065353216 : i32
    %or3A_494 = vector.broadcast %or3A_493 : i32 to vector<256x1000xi32>
    %or3A_495 = arith.ori %shift_right_logical3A_492, %or3A_494 : vector<256x1000xi32>
    %bitcast_convert_type3A_496 = tpu.bitcast %or3A_495 : vector<256x1000xi32> -> vector<256x1000xf32>
    %sub3A_497 = arith.constant 1.000000e+00 : f32
    %sub3A_498 = vector.broadcast %sub3A_497 : f32 to vector<256x1000xf32>
    %sub3A_499 = arith.subf %bitcast_convert_type3A_496, %sub3A_498 : vector<256x1000xf32>
    %add3A_500 = arith.constant 1.17549435E-38 : f32
    %add3A_501 = vector.broadcast %add3A_500 : f32 to vector<256x1000xf32>
    %add3A_502 = arith.addf %sub3A_499, %add3A_501 : vector<256x1000xf32>
    %log3A_503 = math.log %add3A_502 : vector<256x1000xf32>
    %neg3A_504 = arith.constant 0.000000e+00 : f32
    %neg3A_505 = vector.broadcast %neg3A_504 : f32 to vector<256x1000xf32>
    %neg3A_506 = arith.subf %neg3A_505, %log3A_503 : vector<256x1000xf32>
    %log3A_507 = math.log %neg3A_506 : vector<256x1000xf32>
    %neg3A_508 = arith.constant 0.000000e+00 : f32
    %neg3A_509 = vector.broadcast %neg3A_508 : f32 to vector<256x1000xf32>
    %neg3A_510 = arith.subf %neg3A_509, %log3A_507 : vector<256x1000xf32>
    %get3A_511 = arith.constant 0 : index
    %get3A_512 = arith.constant 0 : index
    %get3A_513 = vector.load %arg2[%get3A_511, %get3A_512] : memref<256x1000xf32, #tpu.memory_space<vmem>>, vector<256x1000xf32>
    %log3A_514 = math.log %get3A_513 : vector<256x1000xf32>
    %add3A_515 = arith.addf %log3A_514, %neg3A_510 : vector<256x1000xf32>
    %reduce_max3A_516 = arith.constant dense<0xFF800000> : vector<256xf32>
    %reduce_max3A_517 = vector.multi_reduction <maximumf>, %add3A_515, %reduce_max3A_516 [1] : vector<256x1000xf32> to vector<256xf32>
    %broadcast_in_dim3A_518 = vector.shape_cast %reduce_max3A_517 : vector<256xf32> to vector<256x1xf32>
    %eq3A_519 = vector.broadcast %broadcast_in_dim3A_518 : vector<256x1xf32> to vector<256x1000xf32>
    %eq3A_520 = arith.cmpf oeq, %add3A_515, %eq3A_519 : vector<256x1000xf32>
    %jit3A_521 = arith.constant 1000 : i32
    %broadcast_in_dim3A_522 = vector.broadcast %jit3A_521 : i32 to vector<256x1000xi32>
    %select_n3A_523 = arith.select %eq3A_520, %iota3A_0, %broadcast_in_dim3A_522 : vector<256x1000xi1>, vector<256x1000xi32>
    %reduce_min3A_524 = arith.constant dense<2147483647> : vector<256xi32>
    %reduce_min3A_525 = vector.multi_reduction <minsi>, %select_n3A_523, %reduce_min3A_524 [1] : vector<256x1000xi32> to vector<256xi32>
    %swap3A_526 = arith.constant 0 : index
    %swap3A_527 = vector.load %arg4[%swap3A_526] : memref<256xi32, #tpu.memory_space<vmem>>, vector<256xi32>
    tpu.vector_store %arg4[%swap3A_526], %reduce_min3A_525 {strides = array<i32>} : memref<256xi32, #tpu.memory_space<vmem>>, vector<256xi32>,
    return
  }
  func.func @transform_0(%arg0: i32) -> (i32, i32) {
    %c0_i32 = arith.constant 0 : i32
    %c0_i32_0 = arith.constant 0 : i32
    return %arg0, %c0_i32 : i32, i32
  }
  func.func @transform_1(%arg0: i32) -> (i32, i32) {
    %c0_i32 = arith.constant 0 : i32
    %c0_i32_0 = arith.constant 0 : i32
    return %arg0, %c0_i32 : i32, i32
  }
  func.func @transform_2(%arg0: i32) -> i32 {
    %c0_i32 = arith.constant 0 : i32
    return %arg0 : i32
  }
  func.func @transform_3(%arg0: i32) -> i32 {
    %c0_i32 = arith.constant 0 : i32
    return %arg0 : i32
  }
}

module attributes {stable_mosaic.version = 14 : i64} {
  func.func @_body2(%arg0: i32, %arg1: memref<256x1000xf32, #tpu.memory_space<vmem>>, %arg2: memref<256x1000xi32, #tpu.memory_space<vmem>>, %arg3: memref<256x1024xi32, #tpu.memory_space<vmem>>, %arg4: memref<256xi32, #tpu.memory_space<vmem>>, %arg5: memref<256xi32, #tpu.memory_space<vmem>>, %arg6: memref<256xi32, #tpu.memory_space<vmem>>) attributes {dimension_semantics = [#tpu.dimension_semantics<arbitrary>], iteration_bounds = array<i64: 16>, scalar_prefetch = 0 : i64, scratch_operands = 0 : i64, tpu.core_type = #tpu.core_type<tc>, window_params = [{transform_indices = @transform_0, window_bounds = array<i64: 256, 1000>}, {transform_indices = @transform_1, window_bounds = array<i64: 256, 1000>}, {transform_indices = @transform_2, window_bounds = array<i64: 256, 1024>}, {transform_indices = @transform_3, window_bounds = array<i64: 256>}, {transform_indices = @transform_4, window_bounds = array<i64: 256>}, {transform_indices = @transform_5, window_bounds = array<i64: 256>}]} {
    %iota3A = tpu.iota {dimensions = array<i32: 1>} : vector<256x1000xi32>
    %get3A = arith.constant 0 : index
    %get3A_0 = vector.load %arg4[%get3A] : memref<256xi32, #tpu.memory_space<vmem>>, vector<256xi32>
    %get3A_1 = arith.constant 0 : index
    %get3A_2 = arith.constant 0 : index
    %get3A_3 = vector.load %arg3[%get3A_1, %get3A_2] : memref<256x1024xi32, #tpu.memory_space<vmem>>, vector<256x1000xi32>
    %shift_right_logical3A = arith.constant 9 : i32
    %shift_right_logical3A_4 = vector.broadcast %shift_right_logical3A : i32 to vector<256x1000xi32>
    %shift_right_logical3A_5 = arith.shrui %get3A_3, %shift_right_logical3A_4 : vector<256x1000xi32>
    %or3A = arith.constant 1065353216 : i32
    %or3A_6 = vector.broadcast %or3A : i32 to vector<256x1000xi32>
    %or3A_7 = arith.ori %shift_right_logical3A_5, %or3A_6 : vector<256x1000xi32>
    %bitcast_convert_type3A = tpu.bitcast %or3A_7 : vector<256x1000xi32> -> vector<256x1000xf32>
    %sub3A = arith.constant 1.000000e+00 : f32
    %sub3A_8 = vector.broadcast %sub3A : f32 to vector<256x1000xf32>
    %sub3A_9 = arith.subf %bitcast_convert_type3A, %sub3A_8 : vector<256x1000xf32>
    %add3A = arith.constant 1.17549435E-38 : f32
    %add3A_10 = vector.broadcast %add3A : f32 to vector<256x1000xf32>
    %add3A_11 = arith.addf %sub3A_9, %add3A_10 : vector<256x1000xf32>
    %log3A = math.log %add3A_11 : vector<256x1000xf32>
    %neg3A = arith.constant 0.000000e+00 : f32
    %neg3A_12 = vector.broadcast %neg3A : f32 to vector<256x1000xf32>
    %neg3A_13 = arith.subf %neg3A_12, %log3A : vector<256x1000xf32>
    %log3A_14 = math.log %neg3A_13 : vector<256x1000xf32>
    %neg3A_15 = arith.constant 0.000000e+00 : f32
    %neg3A_16 = vector.broadcast %neg3A_15 : f32 to vector<256x1000xf32>
    %neg3A_17 = arith.subf %neg3A_16, %log3A_14 : vector<256x1000xf32>
    %broadcast_in_dim3A = vector.shape_cast %get3A_0 : vector<256xi32> to vector<256x1xi32>
    %eq3A = vector.broadcast %broadcast_in_dim3A : vector<256x1xi32> to vector<256x1000xi32>
    %eq3A_18 = arith.cmpi eq, %iota3A, %eq3A : vector<256x1000xi32>
    %get3A_19 = arith.constant 0 : index
    %get3A_20 = arith.constant 0 : index
    %get3A_21 = vector.load %arg1[%get3A_19, %get3A_20] : memref<256x1000xf32, #tpu.memory_space<vmem>>, vector<256x1000xf32>
    %log3A_22 = math.log %get3A_21 : vector<256x1000xf32>
    %jit3A = arith.constant -20.7232666 : f32
    %broadcast_in_dim3A_23 = vector.broadcast %jit3A : f32 to vector<256x1000xf32>
    %select_n3A = arith.select %eq3A_18, %broadcast_in_dim3A_23, %log3A_22 : vector<256x1000xi1>, vector<256x1000xf32>
    %add3A_24 = arith.addf %select_n3A, %neg3A_17 : vector<256x1000xf32>
    %reduce_max3A = arith.constant dense<0xFF800000> : vector<256xf32>
    %reduce_max3A_25 = vector.multi_reduction <maximumf>, %add3A_24, %reduce_max3A [1] : vector<256x1000xf32> to vector<256xf32>
    %broadcast_in_dim3A_26 = vector.shape_cast %reduce_max3A_25 : vector<256xf32> to vector<256x1xf32>
    %eq3A_27 = vector.broadcast %broadcast_in_dim3A_26 : vector<256x1xf32> to vector<256x1000xf32>
    %eq3A_28 = arith.cmpf oeq, %add3A_24, %eq3A_27 : vector<256x1000xf32>
    %jit3A_29 = arith.constant 1000 : i32
    %broadcast_in_dim3A_30 = vector.broadcast %jit3A_29 : i32 to vector<256x1000xi32>
    %select_n3A_31 = arith.select %eq3A_28, %iota3A, %broadcast_in_dim3A_30 : vector<256x1000xi1>, vector<256x1000xi32>
    %reduce_min3A = arith.constant dense<2147483647> : vector<256xi32>
    %reduce_min3A_32 = vector.multi_reduction <minsi>, %select_n3A_31, %reduce_min3A [1] : vector<256x1000xi32> to vector<256xi32>
    %swap3A = arith.constant 0 : index
    %swap3A_33 = vector.load %arg5[%swap3A] : memref<256xi32, #tpu.memory_space<vmem>>, vector<256xi32>
    tpu.vector_store %arg5[%swap3A], %reduce_min3A_32 {strides = array<i32>} : memref<256xi32, #tpu.memory_space<vmem>>, vector<256xi32>,
    %get3A_34 = arith.constant 0 : index
    %get3A_35 = arith.constant 0 : index
    %get3A_36 = vector.load %arg2[%get3A_34, %get3A_35] : memref<256x1000xi32, #tpu.memory_space<vmem>>, vector<256x1000xi32>
    %broadcast_in_dim3A_37 = vector.shape_cast %reduce_min3A_32 : vector<256xi32> to vector<256x1xi32>
    %eq3A_38 = vector.broadcast %broadcast_in_dim3A_37 : vector<256x1xi32> to vector<256x1000xi32>
    %eq3A_39 = arith.cmpi eq, %get3A_36, %eq3A_38 : vector<256x1000xi32>
    %jit3A_40 = arith.constant 1000 : i32
    %broadcast_in_dim3A_41 = vector.broadcast %jit3A_40 : i32 to vector<256x1000xi32>
    %select_n3A_42 = arith.select %eq3A_39, %iota3A, %broadcast_in_dim3A_41 : vector<256x1000xi1>, vector<256x1000xi32>
    %reduce_min3A_43 = arith.constant dense<2147483647> : vector<256xi32>
    %reduce_min3A_44 = vector.multi_reduction <minsi>, %select_n3A_42, %reduce_min3A_43 [1] : vector<256x1000xi32> to vector<256xi32>
    %eq3A_45 = arith.constant 999 : i32
    %eq3A_46 = vector.broadcast %eq3A_45 : i32 to vector<256xi32>
    %eq3A_47 = arith.cmpi eq, %reduce_min3A_44, %eq3A_46 : vector<256xi32>
    %add3A_48 = arith.constant 1 : i32
    %add3A_49 = vector.broadcast %add3A_48 : i32 to vector<256xi32>
    %add3A_50 = arith.addi %reduce_min3A_44, %add3A_49 : vector<256xi32>
    %jit3A_51 = arith.constant 0 : i32
    %broadcast_in_dim3A_52 = vector.broadcast %jit3A_51 : i32 to vector<256xi32>
    %select_n3A_53 = arith.select %eq3A_47, %broadcast_in_dim3A_52, %add3A_50 : vector<256xi1>, vector<256xi32>
    %broadcast_in_dim3A_54 = vector.shape_cast %select_n3A_53 : vector<256xi32> to vector<256x1xi32>
    %eq3A_55 = vector.broadcast %broadcast_in_dim3A_54 : vector<256x1xi32> to vector<256x1000xi32>
    %eq3A_56 = arith.cmpi eq, %iota3A, %eq3A_55 : vector<256x1000xi32>
    %jit3A_57 = arith.constant 0 : i32
    %broadcast_in_dim3A_58 = vector.broadcast %jit3A_57 : i32 to vector<256x1000xi32>
    %select_n3A_59 = arith.select %eq3A_56, %get3A_36, %broadcast_in_dim3A_58 : vector<256x1000xi1>, vector<256x1000xi32>
    %reduce_sum3A = arith.constant dense<0> : vector<256xi32>
    %reduce_sum3A_60 = vector.multi_reduction <add>, %select_n3A_59, %reduce_sum3A [1] : vector<256x1000xi32> to vector<256xi32>
    %swap3A_61 = arith.constant 0 : index
    %swap3A_62 = vector.load %arg6[%swap3A_61] : memref<256xi32, #tpu.memory_space<vmem>>, vector<256xi32>
    tpu.vector_store %arg6[%swap3A_61], %reduce_sum3A_60 {strides = array<i32>} : memref<256xi32, #tpu.memory_space<vmem>>, vector<256xi32>,
    return
  }
  func.func @transform_0(%arg0: i32) -> (i32, i32) {
    %c0_i32 = arith.constant 0 : i32
    %c0_i32_0 = arith.constant 0 : i32
    return %arg0, %c0_i32 : i32, i32
  }
  func.func @transform_1(%arg0: i32) -> (i32, i32) {
    %c0_i32 = arith.constant 0 : i32
    %c0_i32_0 = arith.constant 0 : i32
    return %arg0, %c0_i32 : i32, i32
  }
  func.func @transform_2(%arg0: i32) -> (i32, i32) {
    %c0_i32 = arith.constant 0 : i32
    %c0_i32_0 = arith.constant 0 : i32
    return %arg0, %c0_i32 : i32, i32
  }
  func.func @transform_3(%arg0: i32) -> i32 {
    %c0_i32 = arith.constant 0 : i32
    return %arg0 : i32
  }
  func.func @transform_4(%arg0: i32) -> i32 {
    %c0_i32 = arith.constant 0 : i32
    return %arg0 : i32
  }
  func.func @transform_5(%arg0: i32) -> i32 {
    %c0_i32 = arith.constant 0 : i32
    return %arg0 : i32
  }
}

</mosaic_0001>

<sc_bundles>
// kernel: kernel.5.cloned.1.call-start
scs
__scs_entry_jumppad:
0x0: {  	(pc) =	sbr.rel $0x88, $3  }
0x1: {  	(tag) =	ssettag $0x0;
	lr =	simm.s32 $0x1  }
0x2: {  	[smem:$0x3F9D] =	sst lr;
	_ =	strace $0xD0000000  }
0x3: {  	_ = 	snop  }
0x4: {  	_ = 	snop  }
0x5: {  	_ = 	snop  }
0x6: {  	_ = 	snop  }
0x7: {  	_ = 	snop  }
__scs_overlays_trampoline_lowered:
0x8: {  	[smem:$0x3FAC] =	sst s0  }
0x9: {  	[smem:$0x3FAD] =	sst s1  }
0xa: {  	[smem:$0x3FAE] =	sst s2  }
0xb: {  	[smem:$0x3FAF] =	sst s3  }
0xc: {  	[smem:$0x3FB0] =	sst s4  }
0xd: {  	[smem:$0x3FB1] =	sst s5  }
0xe: {  	[smem:$0x3FB2] =	sst s6  }
0xf: {  	[smem:$0x3FB3] =	sst s7  }
0x10: {  	[smem:$0x3FB4] =	sst s8  }
0x11: {  	[smem:$0x3FB5] =	sst s9;
	s0 =	simm.s32 @!p0 $0x0  }
0x12: {  	s1 =	sld [smem:$0x3F9B];
	s0 =	simm.s32 @p0 $0x1  }
0x13: {  	[smem:$0x3FB6] =	sst s0;
	s0 =	simm.s32 @!p1 $0x0  }
0x14: {  	s2 =	sld [smem:$0x3F9A];
	s0 =	simm.s32 @p1 $0x1  }
0x15: {  	[smem:$0x3FB7] =	sst s0;
	s0 =	simm.s32 @!p2 $0x0  }
0x16: {  	s3 =	sld [smem:$0x3FDB];
	s0 =	simm.s32 @p2 $0x1  }
0x17: {  	s4 =	simm.s32 $0x1BF5;
	[smem:$0x3FB9] =	sst s0  }
0x18: {  	s0 =	sld [smem:$0x3F9C];
	_ =	swait.ge [sflag:s4], $0x0  }
0x19: {  	s7 =	sld [smem:$0x3F9D]  }
0x1a: {  	s8 =	sadd.s32 $0xFFFFE003, lr  }
0x1b: {  	s9 =	sadd.s32 $0xFFFFFEF7, lr;
	s5 =	simm.s32 $0xFFFFFFFF;
	p2 =	slt.u32 s8, $0xFFFFF086  }
0x1c: {  	p1 =	slt.u32 s9, $0xF7A;
	s5 =	simm.s32 @!p2 $0x0  }
0x1d: {  	s5 =	simm.s32 @p1 $0x1;
	p0 =	seq.s32 s7, s2  }
0x1e: {  	s7 =	smul.u32 @!p0 $0xF7A, s2;
	p2 =	seq.s32 @!p0 s5, $0x0  }
0x1f: {  	s9 =	smul.u32 $0xF7A, s1;
	s8 =	simm.s32 @!p0 $0x1BF5;
	p2 =	por !p2, p0  }
0x20: {  	[sflag:s8] =	ssyncset.s32 @!p0 $0xFFFFF086;
	s6 =	sadd.s32 @!p0 s3, s7;
	s7 =	simm.s32 @!p0 $0x108  }
0x21: {  	s3 =	sadd.s32 s3, s9;
	s6 =	sadd.s32 @!p0 $0x88, s6;
	s7 =	simm.s32 @p2 $0x1082  }
0x22: {  	[simem:s7], [sflag:s8] =	dma.local @!p0 [hbm:s6], $0xF7A  }
0x23: {  	s9 =	sor.u32 $0xD0000000, s2;
	s6 =	simm.s32 $0x108;
	_ =	swait.ge @!p0 [sflag:s8], $0x0  }
0x24: {  	s3 =	sadd.s32 $0x88, s3;
	s6 =	simm.s32 @!p1 $0x1082;
	[sflag:s4] =	ssyncset.s32 $0xFFFFF086  }
0x25: {  	[simem:s6], [sflag:s4] =	dma.local [hbm:s3], $0xF7A  }
0x26: {  	[smem:$0x3F9D] =	sst s1;
	(tag) =	ssettag s2;
	_ =	strace s9  }
0x27: {  	s1 =	sld [smem:$0x3FAD]  }
0x28: {  	s2 =	sld [smem:$0x3FAE]  }
0x29: {  	s4 =	sld [smem:$0x3FB0]  }
0x2a: {  	p0 =	seq.s32 s5, $0x0;
	s5 =	sld [smem:$0x3FB1]  }
0x2b: {  	s6 =	sld [smem:$0x3FB2]  }
0x2c: {  	s7 =	sld [smem:$0x3FB3]  }
0x2d: {  	s3 =	simm.s32 $0x108;
	s8 =	sld [smem:$0x3FB4]  }
0x2e: {  	s3 =	simm.s32 @!p0 $0x1082;
	s9 =	sld [smem:$0x3FB5]  }
0x2f: {  	lr =	sadd.s32 s0, s3;
	s0 =	sld [smem:$0x3FAC]  }
0x30: {  	s3 =	sld [smem:$0x3FAF]  }
0x31: {  	[smem:$0x3FB8] =	sst s10  }
0x32: {  	s10 =	sld [smem:$0x3FB6];
	_ =	sdelay $0x3  }
0x33: {  	p0 =	seq.s32 s10, $0x1;
	s10 =	sld [smem:$0x3FB8];
	_ =	sdelay $0x3  }
0x34: {  	[smem:$0x3FB8] =	sst s10  }
0x35: {  	s10 =	sld [smem:$0x3FB7];
	_ =	sdelay $0x3  }
0x36: {  	p1 =	seq.s32 s10, $0x1;
	s10 =	sld [smem:$0x3FB8];
	_ =	sdelay $0x3  }
0x37: {  	[smem:$0x3FB8] =	sst s10  }
0x38: {  	s10 =	sld [smem:$0x3FB9]  }
0x39: {  	_ = 	snop;
	(pc) =	sbr.ind lr, $3  }
0x3a: {  	_ = 	snop  }
0x3b: {  	_ = 	snop  }
0x3c: {  	p2 =	seq.s32 s10, $0x1;
	s10 =	sld [smem:$0x3FB8]  }
0x3d: {  	_ =	shalt  }
0x3e: {  	_ =	shalt  }
0x3f: {  	_ =	shalt  }
0x40: {  	_ =	shalt  }
0x41: {  	_ =	shalt  }
0x42: {  	_ =	shalt  }
0x43: {  	_ =	shalt  }
0x44: {  	_ =	shalt  }
0x45: {  	_ =	shalt  }
0x46: {  	_ =	shalt  }
0x47: {  	_ =	shalt  }
0x48: {  	_ =	shalt  }
0x49: {  	_ =	shalt  }
0x4a: {  	_ =	shalt  }
0x4b: {  	_ =	shalt  }
0x4c: {  	_ =	shalt  }
0x4d: {  	_ =	shalt  }
0x4e: {  	_ =	shalt  }
0x4f: {  	_ =	shalt  }
0x50: {  	_ =	shalt  }
0x51: {  	_ =	shalt  }
0x52: {  	_ =	shalt  }
0x53: {  	_ =	shalt  }
0x54: {  	_ =	shalt  }
0x55: {  	_ =	shalt  }
0x56: {  	_ =	shalt  }
0x57: {  	_ =	shalt  }
0x58: {  	_ =	shalt  }
0x59: {  	_ =	shalt  }
0x5a: {  	_ =	shalt  }
0x5b: {  	_ =	shalt  }
0x5c: {  	_ =	shalt  }
0x5d: {  	_ =	shalt  }
0x5e: {  	_ =	shalt  }
0x5f: {  	_ =	shalt  }
0x60: {  	_ =	shalt  }
0x61: {  	_ =	shalt  }
0x62: {  	_ =	shalt  }
0x63: {  	_ =	shalt  }
0x64: {  	_ =	shalt  }
0x65: {  	_ =	shalt  }
0x66: {  	_ =	shalt  }
0x67: {  	_ =	shalt  }
0x68: {  	_ =	shalt  }
0x69: {  	_ =	shalt  }
0x6a: {  	_ =	shalt  }
0x6b: {  	_ =	shalt  }
0x6c: {  	_ =	shalt  }
0x6d: {  	_ =	shalt  }
0x6e: {  	_ =	shalt  }
0x6f: {  	_ =	shalt  }
0x70: {  	_ =	shalt  }
0x71: {  	_ =	shalt  }
0x72: {  	_ =	shalt  }
0x73: {  	_ =	shalt  }
0x74: {  	_ =	shalt  }
0x75: {  	_ =	shalt  }
0x76: {  	_ =	shalt  }
0x77: {  	_ =	shalt  }
0x78: {  	_ =	shalt  }
0x79: {  	_ =	shalt  }
0x7a: {  	_ =	shalt  }
0x7b: {  	_ =	shalt  }
0x7c: {  	_ =	shalt  }
0x7d: {  	_ =	shalt  }
0x7e: {  	_ =	shalt  }
0x7f: {  	_ =	shalt  }
0x80: {  	_ =	shalt  }
0x81: {  	_ =	shalt  }
0x82: {  	_ =	shalt  }
0x83: {  	_ =	shalt  }
0x84: {  	_ =	shalt  }
0x85: {  	_ =	shalt  }
0x86: {  	_ =	shalt  }
0x87: {  	_ =	shalt  }
.Lfunc_end0:
.L_simem_size_0:
called_computation_lowered:
.L_overlay_start_0:
0x88: {  	s2 =	sld [smem:$0x3FD9]  }
0x89: {  	s3 =	sld [smem:$0x3FFE];
	_ =	sdelay $0x1  }
0x8a: {  	s1 =	srdreg.scid  }
0x8b: {  	s0 =	sand.u32 $0x1, s1  }
0x8c: {  	s16 =	sshll.u32 s0, $0xA;
	s2 =	sadd.s32 s3, s2  }
0x8d: {  	s2 =	sadd.s32 s2, s16  }
0x8e: {  	[smem:$0x3FC4] =	sst s2  }
0x8f: {  	_ = 	snop  }
0x90: {  	(tm) =	ssettm $0x1  }
0x91: {  	s17 =	sld [smem:$0x3FFB];
	_ =	sdelay $0x3  }
0x92: {  	_ =	strace s17  }
0x93: {  	s2 =	sld [smem:$0x3FFC];
	_ =	sdelay $0x3  }
0x94: {  	_ =	strace s2  }
0x95: {  	s2 =	sld [smem:$0x3FFD];
	_ =	sdelay $0x3  }
0x96: {  	_ =	strace s2  }
0x97: {  	_ =	strace $0x8FFFFFFF  }
0x98: {  	s18 =	sld [smem:$0x3FDB];
	_ =	sdelay $0x1  }
0x99: {  	s19 =	simm.s32 $_scs_section_size  }
0x9a: {  	s4 =	simm.s32 $_size__tile_overlayer_lowered;
	s5 =	simm.s32 $_tile_overlayer_lowered  }
0x9b: {  	s22 =	simm.s32 $0x1BFF;
	s21 =	sshll.u32 s5, $0x1;
	s2 =	sadd.s32 s19, s18  }
0x9c: {  	s6 =	simm.s32 $0x0;
	s20 =	sshll.u32 s4, $0x1;
	s4 =	sadd.s32 s21, s2  }
0x9d: {  	[timem:s6], [sflag:s22] =	dma.local [hbm:s4], s20  }
0x9e: {  	_ =	swait.ge [sflag:s22], s20  }
0x9f: {  	s3 =	ssub.s32 $0x0, s20;
	[sflag:s22] =	ssyncset.done $0x0  }
0xa0: {  	[sflag:s22] =	ssyncadd.s32 s3;
	_ =	sdelay $0x1  }
0xa1: {  	s23 =	simm.s32 $0x1B8B  }
0xa2: {  	_ =	swait.ge [sflag:s23], $0x1  }
0xa3: {  	[sflag:s23] =	ssyncset.done $0x0  }
0xa4: {  	s25 =	simm.s32 $0x1B8E;
	s24 =	sld [smem:$0x3FFE];
	[sflag:s23] =	ssyncadd.s32 $0xFFFFFFFF  }
0xa5: {  	s26 =	simm.s32 $execute0_lowered;
	[smem:$0x3FD2] =	sst s25  }
0xa6: {  	s4 =	sshll.u32 s26, $0x1;
	_ =	strace $0x80000046;
	[dreg:$0x1] =	wrdreg $0xFFFFFFFF  }
0xa7: {  	s28 =	simm.s32 $_size_execute0_lowered;
	s2 =	sadd.s32 s2, s4;
	[dreg:$0x0] =	wrdreg $0x0  }
0xa8: {  	s4 =	sshll.u32 s28, $0x1;
	[dreg:$0x2] =	wrdreg s2  }
0xa9: {  	[dreg:$0x3] =	wrdreg s4  }
0xaa: {  	[dreg:$0x4] =	wrdreg $0xC0  }
0xab: {  	_ =	task [dreg:s6], $0x5FFFF  }
0xac: {  	[dreg:$0x1] =	wrdreg $0xFFFFFFFF  }
0xad: {  	[dreg:$0x0] =	wrdreg $0x60  }
0xae: {  	[dreg:$0x2] =	wrdreg s24  }
0xaf: {  	[dreg:$0x3] =	wrdreg $0x9  }
0xb0: {  	_ =	task.clear_ibuf [dreg:s6], $0x4FFFF;
	_ =	strace $0x90000046  }
0xb1: {  	s29 =	simm.s32 $0x9;
	_ =	strace $0x80000048  }
0xb2: {  	_ =	swait.ge [sflag:s29], $0x1  }
0xb3: {  	[sflag:s29] =	ssyncadd.s32 $0xFFFFFFFF  }
0xb4: {  	_ =	strace $0x90000048  }
0xb5: {  	_ =	sfence  }
0xb6: {  	s30 =	sld [smem:$0x0];
	_ =	sdelay $0x2  }
0xb7: {  	s31 =	sshll.u32 s1, $0xD;
	s1 =	sshrl.u32 s1, $0x2  }
0xb8: {  	s3 =	sand.u32 $0x4000, s31;
	s1 =	sadd.s32 s1, s30  }
0xb9: {  	s0 =	sor.u32 s3, s0;
	s1 =	sshll.u32 s1, $0x11  }
0xba: {  	s0 =	sor.u32 s1, s0  }
0xbb: {  	s0 =	sadd.s32 $0x8F2B, s0  }
0xbc: {  	[sflag:s0] =	ssyncadd.remote.s32 $0x1  }
0xbd: {  	_ =	sfence.sel $0xFFFF  }
0xbe: {  	[dreg:$0x0] =	wrdreg $0xFFFFFFFF;
	(pc) =	sbr.abs _section_cstart, $3  }
0xbf: {  	[dreg:$0x1] =	wrdreg $0xFFFFFFFF  }
0xc0: {  	_ =	task.clear_ibuf [dreg:s6], $0x2FFFF;
	_ =	strace $0x9FFFFFFF  }
0xc1: {  	(tm) =	ssettm $0x7FFFFFFF  }
tec
execute0_lowered:
.L_overlay_start_1:
0x0: {  	(tag) =	ssettag $0x1  }
0x1: {  	s4 =	rddreg [dreg:$0x0]  }
0x2: {  	s0 =	rddreg [dreg:$0x1];
	s2 =	simm.s32 $0x0;
	s3 =	srdreg.scid  }
0x3: {  	s1 =	stileid.u32;
	s13 =	simm.s32 $0x1;
	s14 =	simm.s32 $0x2  }
0x4: {  	s15 =	simm.s32 $0x0;
	[smem:$0x7FF] =	sst s2;
	s3 =	sand.u32 $0x1, s3  }
0x5: {  	s6 =	sshll.u32 s1, $0x8;
	s5 =	ssub.s32 $0x2, s3;
	s3 =	sshll.u32 s3, $0x7  }
0x6: {  	s10 =	sadd.s32 $0x1E00, s4;
	s7 =	sshrl.u32 s5, $0x1;
	s3 =	sor.u32 s3, s6  }
0x7: {  	_ =	strace $0x80000047;
	s11 =	ssub.s32 s5, s7;
	s31 =	sshll.u32 s3, $0x7  }
0x8: {  	s5 =	sor.u32 $0x20, s3;
	s6 =	sor.u32 $0x40, s3;
	s7 =	sor.u32 $0x60, s3  }
0x9: {  	s4 =	sadd.s32 s10, s31;
	s8 =	sshll.u32 s5, $0x7;
	s9 =	sshll.u32 s6, $0x7  }
0xa: {  	v1 =	vlaneseq.u32;
	s12 =	sshll.u32 s7, $0x7;
	s11 =	smax.u32 s11, $0x1;
	s8 =	sadd.s32 s10, s8  }
0xb: {  	v0 =	vadd.s32 $0xF38D913, v1;
	v1 =	vadd.s32 $0xA233F9FD, v1;
	s9 =	sadd.s32 s10, s9;
	s10 =	sadd.s32 s10, s12;
	s12 =	simm.s32 $0x8000  }
.LBB2_1:
0xc: {  	s16 =	simm.s32 $0x0;
	s17 =	simm.s32 $0x0;
	s18 =	simm.s32 $0x0  }
.LBB2_2:
0xd: {  	s19 =	sshrl.u32 s18, $0x4  }
0xe: {  	s19 =	sor.u32 s3, s19  }
0xf: {  	s21 =	smul.u32 $0x3E8, s19  }
0x10: {  	s22 =	sand.u32 $0x3C0, s17  }
0x11: {  	s19 =	sadd.s32 s22, s21  }
0x12: {  	s30 =	sor.u32 $0x10, s22;
	v2 =	vadd.s32 s19, v0  }
0x13: {  	s31 =	sor.u32 $0x20, s22;
	s20 =	sadd.s32 s30, s21;
	v3 =	vshrl.u32 v2, $0x13;
	v2 =	vshll.u32 v2, $0xD  }
0x14: {  	s23 =	sadd.s32 s31, s21;
	v4 =	vadd.s32 s19, v1;
	v49 =	vadd.s32 s20, v0;
	v2 =	vor.u32 v3, v2  }
0x15: {  	v6 =	vadd.s32 s20, v1;
	v27 =	vadd.s32 s23, v0;
	v2 =	vxor.u32 v4, v2  }
0x16: {  	v50 =	vshrl.u32 v49, $0x13;
	v3 =	vshrl.u32 v2, $0x11;
	v5 =	vshll.u32 v2, $0xF  }
0x17: {  	v2 =	vadd.s32 v4, v2;
	v4 =	vshll.u32 v49, $0xD;
	v3 =	vor.u32 v3, v5  }
0x18: {  	v29 =	vadd.s32 s23, v1;
	v4 =	vor.u32 v50, v4;
	v3 =	vxor.u32 v3, v2  }
0x19: {  	v28 =	vshrl.u32 v27, $0x13;
	v4 =	vxor.u32 v6, v4;
	v31 =	vshrl.u32 v3, $0x6  }
0x1a: {  	v32 =	vshll.u32 v3, $0x1A;
	v2 =	vadd.s32 v2, v3;
	v52 =	vshrl.u32 v4, $0x11  }
0x1b: {  	v7 =	vshll.u32 v4, $0xF;
	v4 =	vadd.s32 v6, v4;
	v6 =	vshll.u32 v27, $0xD  }
0x1c: {  	v3 =	vor.u32 v31, v32;
	v5 =	vor.u32 v52, v7;
	v6 =	vor.u32 v28, v6  }
0x1d: {  	v3 =	vxor.u32 v3, v2;
	v5 =	vxor.u32 v5, v4;
	v6 =	vxor.u32 v29, v6  }
0x1e: {  	v33 =	vshrl.u32 v3, $0x1A;
	v34 =	vshll.u32 v3, $0x6;
	v2 =	vadd.s32 v2, v3  }
0x1f: {  	v54 =	vshrl.u32 v5, $0x6;
	v8 =	vshll.u32 v5, $0x1A;
	v4 =	vadd.s32 v4, v5  }
0x20: {  	v31 =	vshrl.u32 v6, $0x11;
	v32 =	vshll.u32 v6, $0xF;
	v6 =	vadd.s32 v29, v6  }
0x21: {  	v3 =	vor.u32 v33, v34;
	v55 =	vor.u32 v54, v8;
	v7 =	vor.u32 v31, v32  }
0x22: {  	v3 =	vxor.u32 v3, v2;
	v5 =	vxor.u32 v55, v4;
	v7 =	vxor.u32 v7, v6  }
0x23: {  	v3 =	vadd.s32 $0x8612E224, v3;
	v57 =	vshrl.u32 v5, $0x1A;
	v58 =	vshll.u32 v5, $0x6  }
0x24: {  	s22 =	sor.u32 $0x30, s22;
	v4 =	vadd.s32 v4, v5;
	v33 =	vshrl.u32 v7, $0x6;
	v34 =	vshll.u32 v7, $0x1A  }
0x25: {  	s21 =	sadd.s32 s22, s21;
	v6 =	vadd.s32 v6, v7;
	v2 =	vadd.s32 v3, v2;
	v35 =	vshrl.u32 v3, $0xF  }
0x26: {  	v3 =	vshll.u32 v3, $0x11;
	v59 =	vor.u32 v57, v58;
	v57 =	vadd.s32 s21, v0  }
0x27: {  	v2 =	vadd.s32 $0xF38D913, v2;
	v3 =	vor.u32 v35, v3;
	v5 =	vxor.u32 v59, v4  }
0x28: {  	v35 =	vor.u32 v33, v34;
	v58 =	vshrl.u32 v57, $0x13;
	v8 =	vshll.u32 v57, $0xD  }
0x29: {  	v59 =	vadd.s32 s21, v1;
	v3 =	vxor.u32 v3, v2;
	v5 =	vadd.s32 $0x8612E224, v5  }
0x2a: {  	v7 =	vxor.u32 v35, v6;
	v36 =	vshrl.u32 v3, $0x3;
	v37 =	vshll.u32 v3, $0x1D  }
0x2b: {  	v8 =	vor.u32 v58, v8;
	v2 =	vadd.s32 v2, v3;
	v3 =	vor.u32 v36, v37  }
0x2c: {  	v4 =	vadd.s32 v5, v4;
	v60 =	vshrl.u32 v5, $0xF;
	v3 =	vxor.u32 v3, v2  }
0x2d: {  	v5 =	vshll.u32 v5, $0x11;
	v38 =	vshrl.u32 v3, $0x10;
	v39 =	vshll.u32 v3, $0x10  }
0x2e: {  	v6 =	vadd.s32 v6, v7;
	v2 =	vadd.s32 v2, v3;
	v3 =	vor.u32 v38, v39  }
0x2f: {  	v8 =	vxor.u32 v59, v8;
	v4 =	vadd.s32 $0xF38D913, v4;
	v3 =	vxor.u32 v3, v2  }
0x30: {  	v37 =	vshrl.u32 v7, $0x1A;
	v40 =	vshrl.u32 v3, $0x8;
	v41 =	vshll.u32 v3, $0x18  }
0x31: {  	v38 =	vshll.u32 v7, $0x6;
	v2 =	vadd.s32 v2, v3;
	v3 =	vor.u32 v40, v41  }
0x32: {  	v5 =	vor.u32 v60, v5;
	v39 =	vor.u32 v37, v38;
	v3 =	vxor.u32 v3, v2  }
0x33: {  	v60 =	vshrl.u32 v8, $0x11;
	v7 =	vxor.u32 v39, v6;
	v3 =	vadd.s32 $0x92FB20EC, v3  }
0x34: {  	v2 =	vadd.s32 v3, v2;
	v42 =	vshrl.u32 v3, $0x13;
	v3 =	vshll.u32 v3, $0xD  }
0x35: {  	v7 =	vadd.s32 $0x8612E224, v7;
	v2 =	vadd.s32 $0x8612E223, v2;
	v3 =	vor.u32 v42, v3  }
0x36: {  	v5 =	vxor.u32 v5, v4;
	v6 =	vadd.s32 v7, v6;
	v3 =	vxor.u32 v3, v2  }
0x37: {  	v41 =	vshrl.u32 v7, $0xF;
	v43 =	vshrl.u32 v3, $0x11;
	v44 =	vshll.u32 v3, $0xF  }
0x38: {  	v7 =	vshll.u32 v7, $0x11;
	v2 =	vadd.s32 v2, v3;
	v3 =	vor.u32 v43, v44  }
0x39: {  	v6 =	vadd.s32 $0xF38D913, v6;
	v7 =	vor.u32 v41, v7;
	v3 =	vxor.u32 v3, v2  }
0x3a: {  	v7 =	vxor.u32 v7, v6;
	v45 =	vshrl.u32 v3, $0x6;
	v46 =	vshll.u32 v3, $0x1A  }
0x3b: {  	v6 =	vadd.s32 v6, v7;
	v2 =	vadd.s32 v2, v3;
	v3 =	vor.u32 v45, v46  }
0x3c: {  	v44 =	vshrl.u32 v7, $0x3;
	v45 =	vshll.u32 v7, $0x1D;
	v3 =	vxor.u32 v3, v2  }
0x3d: {  	v46 =	vor.u32 v44, v45;
	v47 =	vshrl.u32 v3, $0x1A;
	v48 =	vshll.u32 v3, $0x6  }
0x3e: {  	v2 =	vadd.s32 v2, v3;
	v7 =	vxor.u32 v46, v6;
	v3 =	vor.u32 v47, v48  }
0x3f: {  	v62 =	vshrl.u32 v5, $0x3;
	v48 =	vshrl.u32 v7, $0x10;
	v3 =	vxor.u32 v3, v2  }
0x40: {  	v49 =	vshll.u32 v7, $0x10;
	v6 =	vadd.s32 v6, v7;
	v3 =	vadd.s32 $0xF38D916, v3  }
0x41: {  	v2 =	vadd.s32 v3, v2;
	v51 =	vshrl.u32 v3, $0xF;
	v3 =	vshll.u32 v3, $0x11  }
0x42: {  	v50 =	vor.u32 v48, v49;
	v2 =	vadd.s32 $0x92FB20EA, v2;
	v3 =	vor.u32 v51, v3  }
0x43: {  	v63 =	vshll.u32 v5, $0x1D;
	v7 =	vxor.u32 v50, v6;
	v3 =	vxor.u32 v3, v2  }
0x44: {  	v2 =	vadd.s32 v2, v3;
	v53 =	vshrl.u32 v3, $0x3;
	v3 =	vshll.u32 v3, $0x1D  }
0x45: {  	v4 =	vadd.s32 v4, v5;
	v52 =	vshrl.u32 v7, $0x8;
	v3 =	vor.u32 v53, v3  }
0x46: {  	v6 =	vadd.s32 v6, v7;
	v53 =	vshll.u32 v7, $0x18;
	v3 =	vxor.u32 v3, v2  }
0x47: {  	v54 =	vor.u32 v52, v53;
	v56 =	vshrl.u32 v3, $0x10;
	v9 =	vshll.u32 v3, $0x10  }
0x48: {  	v2 =	vadd.s32 v2, v3;
	v7 =	vxor.u32 v54, v6;
	v3 =	vor.u32 v56, v9  }
0x49: {  	v9 =	vor.u32 v62, v63;
	v7 =	vadd.s32 $0x92FB20EC, v7;
	v3 =	vxor.u32 v3, v2  }
0x4a: {  	v5 =	vxor.u32 v9, v4;
	v55 =	vadd.s32 v7, v6;
	v56 =	vshrl.u32 v7, $0x13  }
0x4b: {  	v7 =	vshll.u32 v7, $0xD;
	v2 =	vadd.s32 v2, v3;
	v61 =	vshrl.u32 v3, $0x8  }
0x4c: {  	v3 =	vshll.u32 v3, $0x18;
	v10 =	vshrl.u32 v5, $0x10;
	v11 =	vshll.u32 v5, $0x10  }
0x4d: {  	v4 =	vadd.s32 v4, v5;
	v6 =	vor.u32 v56, v7;
	v7 =	vadd.s32 v59, v8  }
0x4e: {  	v8 =	vshll.u32 v8, $0xF;
	v3 =	vor.u32 v61, v3;
	v12 =	vor.u32 v10, v11  }
0x4f: {  	v8 =	vor.u32 v60, v8;
	v3 =	vxor.u32 v3, v2;
	v5 =	vxor.u32 v12, v4  }
0x50: {  	v8 =	vxor.u32 v8, v7;
	v3 =	vadd.s32 $0x8612E227, v3;
	v14 =	vshrl.u32 v5, $0x8  }
0x51: {  	v15 =	vshll.u32 v5, $0x18;
	v4 =	vadd.s32 v4, v5;
	v7 =	vadd.s32 v7, v8  }
0x52: {  	v12 =	vshrl.u32 v8, $0x6;
	v8 =	vshll.u32 v8, $0x1A;
	v2 =	vadd.s32 v3, v2  }
0x53: {  	v13 =	vshrl.u32 v3, $0x13;
	v3 =	vshll.u32 v3, $0xD;
	v16 =	vor.u32 v14, v15  }
0x54: {  	v8 =	vor.u32 v12, v8;
	v2 =	vadd.s32 $0xF38D913, v2;
	v3 =	vor.u32 v13, v3  }
0x55: {  	v5 =	vxor.u32 v16, v4;
	v8 =	vxor.u32 v8, v7;
	v3 =	vxor.u32 v3, v2  }
0x56: {  	v5 =	vadd.s32 $0x92FB20EC, v5;
	v7 =	vadd.s32 v7, v8;
	v14 =	vshrl.u32 v8, $0x1A  }
0x57: {  	v8 =	vshll.u32 v8, $0x6;
	v17 =	vshrl.u32 v3, $0x11;
	v18 =	vshll.u32 v3, $0xF  }
0x58: {  	v2 =	vadd.s32 v2, v3;
	v4 =	vadd.s32 v5, v4;
	v19 =	vshrl.u32 v5, $0x13  }
0x59: {  	v5 =	vshll.u32 v5, $0xD;
	v8 =	vor.u32 v14, v8;
	v3 =	vor.u32 v17, v18  }
0x5a: {  	v4 =	vadd.s32 $0x8612E223, v4;
	v5 =	vor.u32 v19, v5;
	v8 =	vxor.u32 v8, v7  }
0x5b: {  	v3 =	vxor.u32 v3, v2;
	v5 =	vxor.u32 v5, v4;
	v8 =	vadd.s32 $0x8612E224, v8  }
0x5c: {  	v2 =	vadd.s32 v2, v3;
	v20 =	vshrl.u32 v3, $0x6;
	v3 =	vshll.u32 v3, $0x1A  }
0x5d: {  	v21 =	vshrl.u32 v5, $0x11;
	v22 =	vshll.u32 v5, $0xF;
	v4 =	vadd.s32 v4, v5  }
0x5e: {  	v7 =	vadd.s32 v8, v7;
	v18 =	vshrl.u32 v8, $0xF;
	v8 =	vshll.u32 v8, $0x11  }
0x5f: {  	v23 =	vor.u32 v21, v22;
	v7 =	vadd.s32 $0xF38D913, v7;
	v8 =	vor.u32 v18, v8  }
0x60: {  	v3 =	vor.u32 v20, v3;
	v5 =	vxor.u32 v23, v4;
	v8 =	vxor.u32 v8, v7  }
0x61: {  	v24 =	vshrl.u32 v5, $0x6;
	v25 =	vshll.u32 v5, $0x1A;
	v4 =	vadd.s32 v4, v5  }
0x62: {  	v20 =	vshrl.u32 v8, $0x3;
	v21 =	vshll.u32 v8, $0x1D;
	v26 =	vor.u32 v24, v25  }
0x63: {  	v7 =	vadd.s32 v7, v8;
	v22 =	vor.u32 v20, v21;
	v5 =	vxor.u32 v26, v4  }
0x64: {  	v3 =	vxor.u32 v3, v2;
	v8 =	vxor.u32 v22, v7;
	v4 =	vadd.s32 v4, v5  }
0x65: {  	v30 =	vshrl.u32 v5, $0x1A;
	v5 =	vshll.u32 v5, $0x6;
	v7 =	vadd.s32 v7, v8  }
0x66: {  	v24 =	vshrl.u32 v8, $0x10;
	v8 =	vshll.u32 v8, $0x10;
	v5 =	vor.u32 v30, v5  }
0x67: {  	v2 =	vadd.s32 v2, v3;
	v8 =	vor.u32 v24, v8;
	v5 =	vxor.u32 v5, v4  }
0x68: {  	v10 =	vshrl.u32 v3, $0x1A;
	v8 =	vxor.u32 v8, v7;
	v5 =	vadd.s32 $0xF38D916, v5  }
0x69: {  	v7 =	vadd.s32 v7, v8;
	v25 =	vshrl.u32 v8, $0x8;
	v8 =	vshll.u32 v8, $0x18  }
0x6a: {  	v4 =	vadd.s32 v5, v4;
	v36 =	vshrl.u32 v5, $0xF;
	v5 =	vshll.u32 v5, $0x11  }
0x6b: {  	v8 =	vor.u32 v25, v8;
	v5 =	vor.u32 v36, v5;
	v4 =	vadd.s32 $0x92FB20EA, v4  }
0x6c: {  	v3 =	vshll.u32 v3, $0x6;
	v8 =	vxor.u32 v8, v7;
	v5 =	vxor.u32 v5, v4  }
0x6d: {  	v3 =	vor.u32 v10, v3;
	v8 =	vadd.s32 $0x92FB20EC, v8;
	v40 =	vshrl.u32 v5, $0x3  }
0x6e: {  	v42 =	vshll.u32 v5, $0x1D;
	v4 =	vadd.s32 v4, v5;
	v7 =	vadd.s32 v8, v7  }
0x6f: {  	v27 =	vshrl.u32 v8, $0x13;
	v8 =	vshll.u32 v8, $0xD;
	v43 =	vor.u32 v40, v42  }
0x70: {  	v7 =	vadd.s32 $0x8612E223, v7;
	v8 =	vor.u32 v27, v8;
	v5 =	vxor.u32 v43, v4  }
0x71: {  	v8 =	vxor.u32 v8, v7;
	v4 =	vadd.s32 v4, v5;
	v47 =	vshrl.u32 v5, $0x10  }
0x72: {  	v5 =	vshll.u32 v5, $0x10;
	v29 =	vshrl.u32 v8, $0x11;
	v30 =	vshll.u32 v8, $0xF  }
0x73: {  	v7 =	vadd.s32 v7, v8;
	v5 =	vor.u32 v47, v5;
	v31 =	vor.u32 v29, v30  }
0x74: {  	v3 =	vxor.u32 v3, v2;
	v5 =	vxor.u32 v5, v4;
	v8 =	vxor.u32 v31, v7  }
0x75: {  	v4 =	vadd.s32 v4, v5;
	v51 =	vshrl.u32 v5, $0x8;
	v5 =	vshll.u32 v5, $0x18  }
0x76: {  	v7 =	vadd.s32 v7, v8;
	v32 =	vshrl.u32 v8, $0x6;
	v8 =	vshll.u32 v8, $0x1A  }
0x77: {  	v2 =	vadd.s32 $0x8612E223, v2;
	v5 =	vor.u32 v51, v5;
	v8 =	vor.u32 v32, v8  }
0x78: {  	v3 =	vadd.s32 $0x92FB20EF, v3;
	v5 =	vxor.u32 v5, v4;
	v8 =	vxor.u32 v8, v7  }
0x79: {  	v2 =	vxor.u32 v2, v3;
	v5 =	vadd.s32 $0x8612E227, v5;
	v7 =	vadd.s32 v7, v8  }
0x7a: {  	v35 =	vshrl.u32 v8, $0x1A;
	v8 =	vshll.u32 v8, $0x6;
	v3 =	vadd.s32 v5, v4  }
0x7b: {  	v4 =	vadd.s32 $0x8612E223, v55;
	v13 =	vshrl.u32 v5, $0x13;
	v5 =	vshll.u32 v5, $0xD  }
0x7c: {  	v8 =	vor.u32 v35, v8;
	v3 =	vadd.s32 $0xF38D913, v3;
	v6 =	vxor.u32 v6, v4  }
0x7d: {  	v5 =	vor.u32 v13, v5;
	v8 =	vxor.u32 v8, v7;
	v61 =	vshrl.u32 v6, $0x11  }
0x7e: {  	v62 =	vshll.u32 v6, $0xF;
	v4 =	vadd.s32 v4, v6;
	v5 =	vxor.u32 v5, v3  }
0x7f: {  	v8 =	vadd.s32 $0xF38D916, v8;
	v63 =	vor.u32 v61, v62;
	v3 =	vadd.s32 v3, v5  }
0x80: {  	v23 =	vshrl.u32 v5, $0x11;
	v5 =	vshll.u32 v5, $0xF;
	v7 =	vadd.s32 v8, v7  }
0x81: {  	v37 =	vshrl.u32 v8, $0xF;
	v8 =	vshll.u32 v8, $0x11;
	v6 =	vxor.u32 v63, v4  }
0x82: {  	v5 =	vor.u32 v23, v5;
	v7 =	vadd.s32 $0x92FB20EA, v7;
	v8 =	vor.u32 v37, v8  }
0x83: {  	v15 =	vshrl.u32 v6, $0x6;
	v16 =	vshll.u32 v6, $0x1A;
	v4 =	vadd.s32 v4, v6  }
0x84: {  	v5 =	vxor.u32 v5, v3;
	v8 =	vxor.u32 v8, v7;
	v17 =	vor.u32 v15, v16  }
0x85: {  	v3 =	vadd.s32 v3, v5;
	v34 =	vshrl.u32 v5, $0x6;
	v5 =	vshll.u32 v5, $0x1A  }
0x86: {  	v38 =	vshrl.u32 v8, $0x3;
	v39 =	vshll.u32 v8, $0x1D;
	v7 =	vadd.s32 v7, v8  }
0x87: {  	v6 =	vxor.u32 v17, v4;
	v5 =	vor.u32 v34, v5;
	v40 =	vor.u32 v38, v39  }
0x88: {  	v4 =	vadd.s32 v4, v6;
	v19 =	vshrl.u32 v6, $0x1A;
	v6 =	vshll.u32 v6, $0x6  }
0x89: {  	v5 =	vxor.u32 v5, v3;
	v8 =	vxor.u32 v40, v7;
	v6 =	vor.u32 v19, v6  }
0x8a: {  	v42 =	vshrl.u32 v8, $0x10;
	v43 =	vshll.u32 v8, $0x10;
	v6 =	vxor.u32 v6, v4  }
0x8b: {  	v7 =	vadd.s32 v7, v8;
	v3 =	vadd.s32 v3, v5;
	v6 =	vadd.s32 $0xF38D916, v6  }
0x8c: {  	v4 =	vadd.s32 v6, v4;
	v26 =	vshrl.u32 v6, $0xF;
	v6 =	vshll.u32 v6, $0x11  }
0x8d: {  	v44 =	vor.u32 v42, v43;
	v4 =	vadd.s32 $0x92FB20EA, v4;
	v6 =	vor.u32 v26, v6  }
0x8e: {  	v45 =	vshrl.u32 v5, $0x1A;
	v8 =	vxor.u32 v44, v7;
	v6 =	vxor.u32 v6, v4  }
0x8f: {  	v4 =	vadd.s32 v4, v6;
	v28 =	vshrl.u32 v6, $0x3;
	v6 =	vshll.u32 v6, $0x1D  }
0x90: {  	v5 =	vshll.u32 v5, $0x6;
	v7 =	vadd.s32 v7, v8;
	v6 =	vor.u32 v28, v6  }
0x91: {  	v46 =	vshrl.u32 v8, $0x8;
	v8 =	vshll.u32 v8, $0x18;
	v6 =	vxor.u32 v6, v4  }
0x92: {  	v4 =	vadd.s32 v4, v6;
	v33 =	vshrl.u32 v6, $0x10;
	v6 =	vshll.u32 v6, $0x10  }
0x93: {  	v5 =	vor.u32 v45, v5;
	v8 =	vor.u32 v46, v8;
	v6 =	vor.u32 v33, v6  }
0x94: {  	v5 =	vxor.u32 v5, v3;
	v8 =	vxor.u32 v8, v7;
	v6 =	vxor.u32 v6, v4  }
0x95: {  	v4 =	vadd.s32 v4, v6;
	v36 =	vshrl.u32 v6, $0x8;
	v6 =	vshll.u32 v6, $0x18  }
0x96: {  	v3 =	vadd.s32 $0x8612E223, v3;
	v8 =	vadd.s32 $0x8612E227, v8;
	v6 =	vor.u32 v36, v6  }
0x97: {  	v7 =	vadd.s32 v8, v7;
	v48 =	vshrl.u32 v8, $0x13;
	v6 =	vxor.u32 v6, v4  }
0x98: {  	v8 =	vshll.u32 v8, $0xD;
	v7 =	vadd.s32 $0xF38D913, v7;
	v6 =	vadd.s32 $0x8612E227, v6  }
0x99: {  	v4 =	vadd.s32 v6, v4;
	v41 =	vshrl.u32 v6, $0x13;
	v6 =	vshll.u32 v6, $0xD  }
0x9a: {  	v8 =	vor.u32 v48, v8;
	v6 =	vor.u32 v41, v6;
	v4 =	vadd.s32 $0xF38D913, v4  }
0x9b: {  	v5 =	vadd.s32 $0x92FB20EF, v5;
	v50 =	vxor.u32 v8, v7;
	v6 =	vxor.u32 v6, v4  }
0x9c: {  	v4 =	vadd.s32 v4, v6;
	v47 =	vshrl.u32 v6, $0x11;
	v6 =	vshll.u32 v6, $0xF  }
0x9d: {  	v3 =	vxor.u32 v3, v5;
	v7 =	vadd.s32 v7, v50;
	v6 =	vor.u32 v47, v6  }
0x9e: {  	v8 =	vshrl.u32 v50, $0x11;
	v49 =	vxor.u32 v6, v4;
	v6 =	vshll.u32 v50, $0xF  }
0x9f: {  	v51 =	vshrl.u32 v49, $0x6;
	v6 =	vor.u32 v8, v6;
	v52 =	vshll.u32 v49, $0x1A  }
0xa0: {  	v4 =	vadd.s32 v4, v49;
	v53 =	vor.u32 v51, v52;
	v6 =	vxor.u32 v6, v7  }
0xa1: {  	v5 =	vxor.u32 v53, v4;
	v54 =	vshrl.u32 v6, $0x6;
	v55 =	vshll.u32 v6, $0x1A  }
0xa2: {  	s25 =	sand.u32 $0x6000, s17;
	s26 =	sand.u32 $0x1C00, s16;
	s24 =	sshll.u32 s18, $0x3;
	v6 =	vadd.s32 v7, v6;
	v4 =	vadd.s32 v4, v5;
	v56 =	vor.u32 v54, v55  }
0xa3: {  	s24 =	sand.u32 $0x380, s24;
	s21 =	sor.u32 s26, s25;
	v57 =	vshrl.u32 v5, $0x1A;
	v5 =	vshll.u32 v5, $0x6;
	v7 =	vxor.u32 v56, v6  }
0xa4: {  	s28 =	sand.u32 $0x40, s17;
	p0 =	sne.s32 s18, $0x1FF;
	s21 =	sor.u32 s24, s21;
	v5 =	vor.u32 v57, v5;
	v58 =	vshrl.u32 v7, $0x1A;
	v59 =	vshll.u32 v7, $0x6  }
.Ltmp0:
0xa5: {  	s19 =	sand.u32 $0x50, s30;
	s23 =	sor.u32 s28, s21;
	v6 =	vadd.s32 v6, v7;
	v5 =	vxor.u32 v5, v4;
	v60 =	vor.u32 v58, v59;
	(pc) =	sbr.rel @p0 .LBB2_2-.Ltmp0, $4  }
0xa6: {  	s20 =	sand.u32 $0x60, s31;
	s19 =	sor.u32 s19, s21;
	[tilespmem:s23+$0x0] =	vst v2;
	v2 =	vadd.s32 $0x8612E223, v4;
	v61 =	vadd.s32 $0x92FB20EF, v5;
	v62 =	vxor.u32 v60, v6  }
0xa7: {  	s30 =	sand.u32 $0x70, s22;
	s29 =	sor.u32 s20, s21;
	[tilespmem:s19+$0x0] =	vst v3;
	v3 =	vadd.s32 $0x8612E223, v6;
	v2 =	vxor.u32 v2, v61;
	v63 =	vadd.s32 $0x92FB20EF, v62  }
0xa8: {  	s31 =	sor.u32 s30, s21;
	[tilespmem:s29+$0x0] =	vst v2;
	v2 =	vxor.u32 v3, v63  }
0xa9: {  	s17 =	sadd.s32 $0x40, s17;
	s16 =	sadd.s32 $0x200, s16;
	s18 =	sadd.s32 $0x1, s18;
	[tilespmem:s31+$0x0] =	vst v2  }
0xaa: {  	s16 =	simm.s32 $0x0;
	s17 =	simm.s32 $0x0;
	s18 =	simm.s32 $0x0  }
0xab: {  	[hbm4b:s4+s16] =	stream.linear.scatter [tilespmem:s16], [sflag:$0x1], $0x8000, $0x38;
	[tilespmem:$0x10000] =	vst v63  }
.LBB2_4:
0xac: {  	s19 =	sshrl.u32 s18, $0x4  }
0xad: {  	s19 =	sor.u32 s5, s19  }
0xae: {  	s21 =	smul.u32 $0x3E8, s19  }
0xaf: {  	s22 =	sand.u32 $0x3C0, s17  }
0xb0: {  	s19 =	sadd.s32 s22, s21  }
0xb1: {  	s30 =	sor.u32 $0x10, s22;
	v2 =	vadd.s32 s19, v0  }
0xb2: {  	s31 =	sor.u32 $0x20, s22;
	s20 =	sadd.s32 s30, s21;
	v3 =	vshrl.u32 v2, $0x13;
	v2 =	vshll.u32 v2, $0xD  }
0xb3: {  	s23 =	sadd.s32 s31, s21;
	v4 =	vadd.s32 s19, v1;
	v49 =	vadd.s32 s20, v0;
	v2 =	vor.u32 v3, v2  }
0xb4: {  	v6 =	vadd.s32 s20, v1;
	v27 =	vadd.s32 s23, v0;
	v2 =	vxor.u32 v4, v2  }
0xb5: {  	v50 =	vshrl.u32 v49, $0x13;
	v3 =	vshrl.u32 v2, $0x11;
	v5 =	vshll.u32 v2, $0xF  }
0xb6: {  	v2 =	vadd.s32 v4, v2;
	v4 =	vshll.u32 v49, $0xD;
	v3 =	vor.u32 v3, v5  }
0xb7: {  	v29 =	vadd.s32 s23, v1;
	v4 =	vor.u32 v50, v4;
	v3 =	vxor.u32 v3, v2  }
0xb8: {  	v28 =	vshrl.u32 v27, $0x13;
	v4 =	vxor.u32 v6, v4;
	v31 =	vshrl.u32 v3, $0x6  }
0xb9: {  	v32 =	vshll.u32 v3, $0x1A;
	v2 =	vadd.s32 v2, v3;
	v52 =	vshrl.u32 v4, $0x11  }
0xba: {  	v7 =	vshll.u32 v4, $0xF;
	v4 =	vadd.s32 v6, v4;
	v6 =	vshll.u32 v27, $0xD  }
0xbb: {  	v3 =	vor.u32 v31, v32;
	v5 =	vor.u32 v52, v7;
	v6 =	vor.u32 v28, v6  }
0xbc: {  	v3 =	vxor.u32 v3, v2;
	v5 =	vxor.u32 v5, v4;
	v6 =	vxor.u32 v29, v6  }
0xbd: {  	v33 =	vshrl.u32 v3, $0x1A;
	v34 =	vshll.u32 v3, $0x6;
	v2 =	vadd.s32 v2, v3  }
0xbe: {  	v54 =	vshrl.u32 v5, $0x6;
	v8 =	vshll.u32 v5, $0x1A;
	v4 =	vadd.s32 v4, v5  }
0xbf: {  	v31 =	vshrl.u32 v6, $0x11;
	v32 =	vshll.u32 v6, $0xF;
	v6 =	vadd.s32 v29, v6  }
0xc0: {  	v3 =	vor.u32 v33, v34;
	v55 =	vor.u32 v54, v8;
	v7 =	vor.u32 v31, v32  }
0xc1: {  	v3 =	vxor.u32 v3, v2;
	v5 =	vxor.u32 v55, v4;
	v7 =	vxor.u32 v7, v6  }
0xc2: {  	v3 =	vadd.s32 $0x8612E224, v3;
	v57 =	vshrl.u32 v5, $0x1A;
	v58 =	vshll.u32 v5, $0x6  }
0xc3: {  	s22 =	sor.u32 $0x30, s22;
	v4 =	vadd.s32 v4, v5;
	v33 =	vshrl.u32 v7, $0x6;
	v34 =	vshll.u32 v7, $0x1A  }
0xc4: {  	s21 =	sadd.s32 s22, s21;
	v6 =	vadd.s32 v6, v7;
	v2 =	vadd.s32 v3, v2;
	v35 =	vshrl.u32 v3, $0xF  }
0xc5: {  	v3 =	vshll.u32 v3, $0x11;
	v59 =	vor.u32 v57, v58;
	v57 =	vadd.s32 s21, v0  }
0xc6: {  	v2 =	vadd.s32 $0xF38D913, v2;
	v3 =	vor.u32 v35, v3;
	v5 =	vxor.u32 v59, v4  }
0xc7: {  	v35 =	vor.u32 v33, v34;
	v58 =	vshrl.u32 v57, $0x13;
	v8 =	vshll.u32 v57, $0xD  }
0xc8: {  	v59 =	vadd.s32 s21, v1;
	v3 =	vxor.u32 v3, v2;
	v5 =	vadd.s32 $0x8612E224, v5  }
0xc9: {  	v7 =	vxor.u32 v35, v6;
	v36 =	vshrl.u32 v3, $0x3;
	v37 =	vshll.u32 v3, $0x1D  }
0xca: {  	v8 =	vor.u32 v58, v8;
	v2 =	vadd.s32 v2, v3;
	v3 =	vor.u32 v36, v37  }
0xcb: {  	v4 =	vadd.s32 v5, v4;
	v60 =	vshrl.u32 v5, $0xF;
	v3 =	vxor.u32 v3, v2  }
0xcc: {  	v5 =	vshll.u32 v5, $0x11;
	v38 =	vshrl.u32 v3, $0x10;
	v39 =	vshll.u32 v3, $0x10  }
0xcd: {  	v6 =	vadd.s32 v6, v7;
	v2 =	vadd.s32 v2, v3;
	v3 =	vor.u32 v38, v39  }
0xce: {  	v8 =	vxor.u32 v59, v8;
	v4 =	vadd.s32 $0xF38D913, v4;
	v3 =	vxor.u32 v3, v2  }
0xcf: {  	v37 =	vshrl.u32 v7, $0x1A;
	v40 =	vshrl.u32 v3, $0x8;
	v41 =	vshll.u32 v3, $0x18  }
0xd0: {  	v38 =	vshll.u32 v7, $0x6;
	v2 =	vadd.s32 v2, v3;
	v3 =	vor.u32 v40, v41  }
0xd1: {  	v5 =	vor.u32 v60, v5;
	v39 =	vor.u32 v37, v38;
	v3 =	vxor.u32 v3, v2  }
0xd2: {  	v60 =	vshrl.u32 v8, $0x11;
	v7 =	vxor.u32 v39, v6;
	v3 =	vadd.s32 $0x92FB20EC, v3  }
0xd3: {  	v2 =	vadd.s32 v3, v2;
	v42 =	vshrl.u32 v3, $0x13;
	v3 =	vshll.u32 v3, $0xD  }
0xd4: {  	v7 =	vadd.s32 $0x8612E224, v7;
	v2 =	vadd.s32 $0x8612E223, v2;
	v3 =	vor.u32 v42, v3  }
0xd5: {  	v5 =	vxor.u32 v5, v4;
	v6 =	vadd.s32 v7, v6;
	v3 =	vxor.u32 v3, v2  }
0xd6: {  	v41 =	vshrl.u32 v7, $0xF;
	v43 =	vshrl.u32 v3, $0x11;
	v44 =	vshll.u32 v3, $0xF  }
0xd7: {  	v7 =	vshll.u32 v7, $0x11;
	v2 =	vadd.s32 v2, v3;
	v3 =	vor.u32 v43, v44  }
0xd8: {  	v6 =	vadd.s32 $0xF38D913, v6;
	v7 =	vor.u32 v41, v7;
	v3 =	vxor.u32 v3, v2  }
0xd9: {  	v7 =	vxor.u32 v7, v6;
	v45 =	vshrl.u32 v3, $0x6;
	v46 =	vshll.u32 v3, $0x1A  }
0xda: {  	v6 =	vadd.s32 v6, v7;
	v2 =	vadd.s32 v2, v3;
	v3 =	vor.u32 v45, v46  }
0xdb: {  	v44 =	vshrl.u32 v7, $0x3;
	v45 =	vshll.u32 v7, $0x1D;
	v3 =	vxor.u32 v3, v2  }
0xdc: {  	v46 =	vor.u32 v44, v45;
	v47 =	vshrl.u32 v3, $0x1A;
	v48 =	vshll.u32 v3, $0x6  }
0xdd: {  	v2 =	vadd.s32 v2, v3;
	v7 =	vxor.u32 v46, v6;
	v3 =	vor.u32 v47, v48  }
0xde: {  	v62 =	vshrl.u32 v5, $0x3;
	v48 =	vshrl.u32 v7, $0x10;
	v3 =	vxor.u32 v3, v2  }
0xdf: {  	v49 =	vshll.u32 v7, $0x10;
	v6 =	vadd.s32 v6, v7;
	v3 =	vadd.s32 $0xF38D916, v3  }
0xe0: {  	v2 =	vadd.s32 v3, v2;
	v51 =	vshrl.u32 v3, $0xF;
	v3 =	vshll.u32 v3, $0x11  }
0xe1: {  	v50 =	vor.u32 v48, v49;
	v2 =	vadd.s32 $0x92FB20EA, v2;
	v3 =	vor.u32 v51, v3  }
0xe2: {  	v63 =	vshll.u32 v5, $0x1D;
	v7 =	vxor.u32 v50, v6;
	v3 =	vxor.u32 v3, v2  }
0xe3: {  	v2 =	vadd.s32 v2, v3;
	v53 =	vshrl.u32 v3, $0x3;
	v3 =	vshll.u32 v3, $0x1D  }
0xe4: {  	v4 =	vadd.s32 v4, v5;
	v52 =	vshrl.u32 v7, $0x8;
	v3 =	vor.u32 v53, v3  }
0xe5: {  	v6 =	vadd.s32 v6, v7;
	v53 =	vshll.u32 v7, $0x18;
	v3 =	vxor.u32 v3, v2  }
0xe6: {  	v54 =	vor.u32 v52, v53;
	v56 =	vshrl.u32 v3, $0x10;
	v9 =	vshll.u32 v3, $0x10  }
0xe7: {  	v2 =	vadd.s32 v2, v3;
	v7 =	vxor.u32 v54, v6;
	v3 =	vor.u32 v56, v9  }
0xe8: {  	v9 =	vor.u32 v62, v63;
	v7 =	vadd.s32 $0x92FB20EC, v7;
	v3 =	vxor.u32 v3, v2  }
0xe9: {  	v5 =	vxor.u32 v9, v4;
	v55 =	vadd.s32 v7, v6;
	v56 =	vshrl.u32 v7, $0x13  }
0xea: {  	v7 =	vshll.u32 v7, $0xD;
	v2 =	vadd.s32 v2, v3;
	v61 =	vshrl.u32 v3, $0x8  }
0xeb: {  	v3 =	vshll.u32 v3, $0x18;
	v10 =	vshrl.u32 v5, $0x10;
	v11 =	vshll.u32 v5, $0x10  }
0xec: {  	v4 =	vadd.s32 v4, v5;
	v6 =	vor.u32 v56, v7;
	v7 =	vadd.s32 v59, v8  }
0xed: {  	v8 =	vshll.u32 v8, $0xF;
	v3 =	vor.u32 v61, v3;
	v12 =	vor.u32 v10, v11  }
0xee: {  	v8 =	vor.u32 v60, v8;
	v3 =	vxor.u32 v3, v2;
	v5 =	vxor.u32 v12, v4  }
0xef: {  	v8 =	vxor.u32 v8, v7;
	v3 =	vadd.s32 $0x8612E227, v3;
	v14 =	vshrl.u32 v5, $0x8  }
0xf0: {  	v15 =	vshll.u32 v5, $0x18;
	v4 =	vadd.s32 v4, v5;
	v7 =	vadd.s32 v7, v8  }
0xf1: {  	v12 =	vshrl.u32 v8, $0x6;
	v8 =	vshll.u32 v8, $0x1A;
	v2 =	vadd.s32 v3, v2  }
0xf2: {  	v13 =	vshrl.u32 v3, $0x13;
	v3 =	vshll.u32 v3, $0xD;
	v16 =	vor.u32 v14, v15  }
0xf3: {  	v8 =	vor.u32 v12, v8;
	v2 =	vadd.s32 $0xF38D913, v2;
	v3 =	vor.u32 v13, v3  }
0xf4: {  	v5 =	vxor.u32 v16, v4;
	v8 =	vxor.u32 v8, v7;
	v3 =	vxor.u32 v3, v2  }
0xf5: {  	v5 =	vadd.s32 $0x92FB20EC, v5;
	v7 =	vadd.s32 v7, v8;
	v14 =	vshrl.u32 v8, $0x1A  }
0xf6: {  	v8 =	vshll.u32 v8, $0x6;
	v17 =	vshrl.u32 v3, $0x11;
	v18 =	vshll.u32 v3, $0xF  }
0xf7: {  	v2 =	vadd.s32 v2, v3;
	v4 =	vadd.s32 v5, v4;
	v19 =	vshrl.u32 v5, $0x13  }
0xf8: {  	v5 =	vshll.u32 v5, $0xD;
	v8 =	vor.u32 v14, v8;
	v3 =	vor.u32 v17, v18  }
0xf9: {  	v4 =	vadd.s32 $0x8612E223, v4;
	v5 =	vor.u32 v19, v5;
	v8 =	vxor.u32 v8, v7  }
0xfa: {  	v3 =	vxor.u32 v3, v2;
	v5 =	vxor.u32 v5, v4;
	v8 =	vadd.s32 $0x8612E224, v8  }
0xfb: {  	v2 =	vadd.s32 v2, v3;
	v20 =	vshrl.u32 v3, $0x6;
	v3 =	vshll.u32 v3, $0x1A  }
0xfc: {  	v21 =	vshrl.u32 v5, $0x11;
	v22 =	vshll.u32 v5, $0xF;
	v4 =	vadd.s32 v4, v5  }
0xfd: {  	v7 =	vadd.s32 v8, v7;
	v18 =	vshrl.u32 v8, $0xF;
	v8 =	vshll.u32 v8, $0x11  }
0xfe: {  	v23 =	vor.u32 v21, v22;
	v7 =	vadd.s32 $0xF38D913, v7;
	v8 =	vor.u32 v18, v8  }
0xff: {  	v3 =	vor.u32 v20, v3;
	v5 =	vxor.u32 v23, v4;
	v8 =	vxor.u32 v8, v7  }
0x100: {  	v24 =	vshrl.u32 v5, $0x6;
	v25 =	vshll.u32 v5, $0x1A;
	v4 =	vadd.s32 v4, v5  }
0x101: {  	v20 =	vshrl.u32 v8, $0x3;
	v21 =	vshll.u32 v8, $0x1D;
	v26 =	vor.u32 v24, v25  }
0x102: {  	v7 =	vadd.s32 v7, v8;
	v22 =	vor.u32 v20, v21;
	v5 =	vxor.u32 v26, v4  }
0x103: {  	v3 =	vxor.u32 v3, v2;
	v8 =	vxor.u32 v22, v7;
	v4 =	vadd.s32 v4, v5  }
0x104: {  	v30 =	vshrl.u32 v5, $0x1A;
	v5 =	vshll.u32 v5, $0x6;
	v7 =	vadd.s32 v7, v8  }
0x105: {  	v24 =	vshrl.u32 v8, $0x10;
	v8 =	vshll.u32 v8, $0x10;
	v5 =	vor.u32 v30, v5  }
0x106: {  	v2 =	vadd.s32 v2, v3;
	v8 =	vor.u32 v24, v8;
	v5 =	vxor.u32 v5, v4  }
0x107: {  	v10 =	vshrl.u32 v3, $0x1A;
	v8 =	vxor.u32 v8, v7;
	v5 =	vadd.s32 $0xF38D916, v5  }
0x108: {  	v7 =	vadd.s32 v7, v8;
	v25 =	vshrl.u32 v8, $0x8;
	v8 =	vshll.u32 v8, $0x18  }
0x109: {  	v4 =	vadd.s32 v5, v4;
	v36 =	vshrl.u32 v5, $0xF;
	v5 =	vshll.u32 v5, $0x11  }
0x10a: {  	v8 =	vor.u32 v25, v8;
	v5 =	vor.u32 v36, v5;
	v4 =	vadd.s32 $0x92FB20EA, v4  }
0x10b: {  	v3 =	vshll.u32 v3, $0x6;
	v8 =	vxor.u32 v8, v7;
	v5 =	vxor.u32 v5, v4  }
0x10c: {  	v3 =	vor.u32 v10, v3;
	v8 =	vadd.s32 $0x92FB20EC, v8;
	v40 =	vshrl.u32 v5, $0x3  }
0x10d: {  	v42 =	vshll.u32 v5, $0x1D;
	v4 =	vadd.s32 v4, v5;
	v7 =	vadd.s32 v8, v7  }
0x10e: {  	v27 =	vshrl.u32 v8, $0x13;
	v8 =	vshll.u32 v8, $0xD;
	v43 =	vor.u32 v40, v42  }
0x10f: {  	v7 =	vadd.s32 $0x8612E223, v7;
	v8 =	vor.u32 v27, v8;
	v5 =	vxor.u32 v43, v4  }
0x110: {  	v8 =	vxor.u32 v8, v7;
	v4 =	vadd.s32 v4, v5;
	v47 =	vshrl.u32 v5, $0x10  }
0x111: {  	v5 =	vshll.u32 v5, $0x10;
	v29 =	vshrl.u32 v8, $0x11;
	v30 =	vshll.u32 v8, $0xF  }
0x112: {  	v7 =	vadd.s32 v7, v8;
	v5 =	vor.u32 v47, v5;
	v31 =	vor.u32 v29, v30  }
0x113: {  	v3 =	vxor.u32 v3, v2;
	v5 =	vxor.u32 v5, v4;
	v8 =	vxor.u32 v31, v7  }
0x114: {  	v4 =	vadd.s32 v4, v5;
	v51 =	vshrl.u32 v5, $0x8;
	v5 =	vshll.u32 v5, $0x18  }
0x115: {  	v7 =	vadd.s32 v7, v8;
	v32 =	vshrl.u32 v8, $0x6;
	v8 =	vshll.u32 v8, $0x1A  }
0x116: {  	v2 =	vadd.s32 $0x8612E223, v2;
	v5 =	vor.u32 v51, v5;
	v8 =	vor.u32 v32, v8  }
0x117: {  	v3 =	vadd.s32 $0x92FB20EF, v3;
	v5 =	vxor.u32 v5, v4;
	v8 =	vxor.u32 v8, v7  }
0x118: {  	v2 =	vxor.u32 v2, v3;
	v5 =	vadd.s32 $0x8612E227, v5;
	v7 =	vadd.s32 v7, v8  }
0x119: {  	v35 =	vshrl.u32 v8, $0x1A;
	v8 =	vshll.u32 v8, $0x6;
	v3 =	vadd.s32 v5, v4  }
0x11a: {  	v4 =	vadd.s32 $0x8612E223, v55;
	v13 =	vshrl.u32 v5, $0x13;
	v5 =	vshll.u32 v5, $0xD  }
0x11b: {  	v8 =	vor.u32 v35, v8;
	v3 =	vadd.s32 $0xF38D913, v3;
	v6 =	vxor.u32 v6, v4  }
0x11c: {  	v5 =	vor.u32 v13, v5;
	v8 =	vxor.u32 v8, v7;
	v61 =	vshrl.u32 v6, $0x11  }
0x11d: {  	v62 =	vshll.u32 v6, $0xF;
	v4 =	vadd.s32 v4, v6;
	v5 =	vxor.u32 v5, v3  }
0x11e: {  	v8 =	vadd.s32 $0xF38D916, v8;
	v63 =	vor.u32 v61, v62;
	v3 =	vadd.s32 v3, v5  }
0x11f: {  	v23 =	vshrl.u32 v5, $0x11;
	v5 =	vshll.u32 v5, $0xF;
	v7 =	vadd.s32 v8, v7  }
0x120: {  	v37 =	vshrl.u32 v8, $0xF;
	v8 =	vshll.u32 v8, $0x11;
	v6 =	vxor.u32 v63, v4  }
0x121: {  	v5 =	vor.u32 v23, v5;
	v7 =	vadd.s32 $0x92FB20EA, v7;
	v8 =	vor.u32 v37, v8  }
0x122: {  	v15 =	vshrl.u32 v6, $0x6;
	v16 =	vshll.u32 v6, $0x1A;
	v4 =	vadd.s32 v4, v6  }
0x123: {  	v5 =	vxor.u32 v5, v3;
	v8 =	vxor.u32 v8, v7;
	v17 =	vor.u32 v15, v16  }
0x124: {  	v3 =	vadd.s32 v3, v5;
	v34 =	vshrl.u32 v5, $0x6;
	v5 =	vshll.u32 v5, $0x1A  }
0x125: {  	v38 =	vshrl.u32 v8, $0x3;
	v39 =	vshll.u32 v8, $0x1D;
	v7 =	vadd.s32 v7, v8  }
0x126: {  	v6 =	vxor.u32 v17, v4;
	v5 =	vor.u32 v34, v5;
	v40 =	vor.u32 v38, v39  }
0x127: {  	v4 =	vadd.s32 v4, v6;
	v19 =	vshrl.u32 v6, $0x1A;
	v6 =	vshll.u32 v6, $0x6  }
0x128: {  	v5 =	vxor.u32 v5, v3;
	v8 =	vxor.u32 v40, v7;
	v6 =	vor.u32 v19, v6  }
0x129: {  	v42 =	vshrl.u32 v8, $0x10;
	v43 =	vshll.u32 v8, $0x10;
	v6 =	vxor.u32 v6, v4  }
0x12a: {  	v7 =	vadd.s32 v7, v8;
	v3 =	vadd.s32 v3, v5;
	v6 =	vadd.s32 $0xF38D916, v6  }
0x12b: {  	v4 =	vadd.s32 v6, v4;
	v26 =	vshrl.u32 v6, $0xF;
	v6 =	vshll.u32 v6, $0x11  }
0x12c: {  	v44 =	vor.u32 v42, v43;
	v4 =	vadd.s32 $0x92FB20EA, v4;
	v6 =	vor.u32 v26, v6  }
0x12d: {  	v45 =	vshrl.u32 v5, $0x1A;
	v8 =	vxor.u32 v44, v7;
	v6 =	vxor.u32 v6, v4  }
0x12e: {  	v4 =	vadd.s32 v4, v6;
	v28 =	vshrl.u32 v6, $0x3;
	v6 =	vshll.u32 v6, $0x1D  }
0x12f: {  	v5 =	vshll.u32 v5, $0x6;
	v7 =	vadd.s32 v7, v8;
	v6 =	vor.u32 v28, v6  }
0x130: {  	v46 =	vshrl.u32 v8, $0x8;
	v8 =	vshll.u32 v8, $0x18;
	v6 =	vxor.u32 v6, v4  }
0x131: {  	v4 =	vadd.s32 v4, v6;
	v33 =	vshrl.u32 v6, $0x10;
	v6 =	vshll.u32 v6, $0x10  }
0x132: {  	v5 =	vor.u32 v45, v5;
	v8 =	vor.u32 v46, v8;
	v6 =	vor.u32 v33, v6  }
0x133: {  	v5 =	vxor.u32 v5, v3;
	v8 =	vxor.u32 v8, v7;
	v6 =	vxor.u32 v6, v4  }
0x134: {  	v4 =	vadd.s32 v4, v6;
	v36 =	vshrl.u32 v6, $0x8;
	v6 =	vshll.u32 v6, $0x18  }
0x135: {  	v3 =	vadd.s32 $0x8612E223, v3;
	v8 =	vadd.s32 $0x8612E227, v8;
	v6 =	vor.u32 v36, v6  }
0x136: {  	v7 =	vadd.s32 v8, v7;
	v48 =	vshrl.u32 v8, $0x13;
	v6 =	vxor.u32 v6, v4  }
0x137: {  	v8 =	vshll.u32 v8, $0xD;
	v7 =	vadd.s32 $0xF38D913, v7;
	v6 =	vadd.s32 $0x8612E227, v6  }
0x138: {  	v4 =	vadd.s32 v6, v4;
	v41 =	vshrl.u32 v6, $0x13;
	v6 =	vshll.u32 v6, $0xD  }
0x139: {  	v8 =	vor.u32 v48, v8;
	v6 =	vor.u32 v41, v6;
	v4 =	vadd.s32 $0xF38D913, v4  }
0x13a: {  	v5 =	vadd.s32 $0x92FB20EF, v5;
	v50 =	vxor.u32 v8, v7;
	v6 =	vxor.u32 v6, v4  }
0x13b: {  	v4 =	vadd.s32 v4, v6;
	v47 =	vshrl.u32 v6, $0x11;
	v6 =	vshll.u32 v6, $0xF  }
0x13c: {  	v3 =	vxor.u32 v3, v5;
	v7 =	vadd.s32 v7, v50;
	v6 =	vor.u32 v47, v6  }
0x13d: {  	v8 =	vshrl.u32 v50, $0x11;
	v49 =	vxor.u32 v6, v4;
	v6 =	vshll.u32 v50, $0xF  }
0x13e: {  	v51 =	vshrl.u32 v49, $0x6;
	v6 =	vor.u32 v8, v6;
	v52 =	vshll.u32 v49, $0x1A  }
0x13f: {  	v4 =	vadd.s32 v4, v49;
	v53 =	vor.u32 v51, v52;
	v6 =	vxor.u32 v6, v7  }
0x140: {  	s25 =	sand.u32 $0x6000, s17;
	s26 =	sand.u32 $0x1C00, s16;
	s24 =	sshll.u32 s18, $0x3;
	v5 =	vxor.u32 v53, v4;
	v54 =	vshrl.u32 v6, $0x6;
	v55 =	vshll.u32 v6, $0x1A  }
0x141: {  	s24 =	sand.u32 $0x380, s24;
	s21 =	sor.u32 s26, s25;
	v6 =	vadd.s32 v7, v6;
	v4 =	vadd.s32 v4, v5;
	v56 =	vor.u32 v54, v55  }
0x142: {  	s21 =	sor.u32 s24, s21;
	v57 =	vshrl.u32 v5, $0x1A;
	v5 =	vshll.u32 v5, $0x6;
	v7 =	vxor.u32 v56, v6  }
0x143: {  	s28 =	sand.u32 $0x40, s17;
	p0 =	sne.s32 s18, $0x1FF;
	s21 =	sor.u32 $0x8000, s21;
	v5 =	vor.u32 v57, v5;
	v58 =	vshrl.u32 v7, $0x1A;
	v59 =	vshll.u32 v7, $0x6  }
.Ltmp1:
0x144: {  	s19 =	sand.u32 $0x50, s30;
	s23 =	sor.u32 s28, s21;
	v6 =	vadd.s32 v6, v7;
	v5 =	vxor.u32 v5, v4;
	v60 =	vor.u32 v58, v59;
	(pc) =	sbr.rel @p0 .LBB2_4-.Ltmp1, $4  }
0x145: {  	s20 =	sand.u32 $0x60, s31;
	s19 =	sor.u32 s19, s21;
	[tilespmem:s23+$0x0] =	vst v2;
	v2 =	vadd.s32 $0x8612E223, v4;
	v61 =	vadd.s32 $0x92FB20EF, v5;
	v62 =	vxor.u32 v60, v6  }
0x146: {  	s30 =	sand.u32 $0x70, s22;
	s29 =	sor.u32 s20, s21;
	[tilespmem:s19+$0x0] =	vst v3;
	v3 =	vadd.s32 $0x8612E223, v6;
	v2 =	vxor.u32 v2, v61;
	v63 =	vadd.s32 $0x92FB20EF, v62  }
0x147: {  	s31 =	sor.u32 s30, s21;
	[tilespmem:s29+$0x0] =	vst v2;
	v2 =	vxor.u32 v3, v63  }
0x148: {  	s17 =	sadd.s32 $0x40, s17;
	s16 =	sadd.s32 $0x200, s16;
	s18 =	sadd.s32 $0x1, s18;
	[tilespmem:s31+$0x0] =	vst v2  }
0x149: {  	s16 =	simm.s32 $0x0  }
0x14a: {  	[hbm4b:s8+s16] =	stream.linear.scatter [tilespmem:s12], [sflag:$0x2], $0x8000, $0x38;
	[tilespmem:$0x10000] =	vst v63  }
0x14b: {  	_ =	swait.ge [sflag:s13], $0x8000  }
0x14c: {  	[sflag:s13] =	ssyncset.done $0x0  }
0x14d: {  	s17 =	simm.s32 $0x0;
	s18 =	simm.s32 $0x0;
	[sflag:s13] =	ssyncadd.s32 $0xFFFF8000  }
.LBB2_6:
0x14e: {  	s19 =	sshrl.u32 s18, $0x4  }
0x14f: {  	s19 =	sor.u32 s6, s19  }
0x150: {  	s21 =	smul.u32 $0x3E8, s19  }
0x151: {  	s22 =	sand.u32 $0x3C0, s17  }
0x152: {  	s19 =	sadd.s32 s22, s21  }
0x153: {  	s30 =	sor.u32 $0x10, s22;
	v2 =	vadd.s32 s19, v0  }
0x154: {  	s31 =	sor.u32 $0x20, s22;
	s20 =	sadd.s32 s30, s21;
	v3 =	vshrl.u32 v2, $0x13;
	v2 =	vshll.u32 v2, $0xD  }
0x155: {  	s23 =	sadd.s32 s31, s21;
	v4 =	vadd.s32 s19, v1;
	v49 =	vadd.s32 s20, v0;
	v2 =	vor.u32 v3, v2  }
0x156: {  	v6 =	vadd.s32 s20, v1;
	v27 =	vadd.s32 s23, v0;
	v2 =	vxor.u32 v4, v2  }
0x157: {  	v50 =	vshrl.u32 v49, $0x13;
	v3 =	vshrl.u32 v2, $0x11;
	v5 =	vshll.u32 v2, $0xF  }
0x158: {  	v2 =	vadd.s32 v4, v2;
	v4 =	vshll.u32 v49, $0xD;
	v3 =	vor.u32 v3, v5  }
0x159: {  	v29 =	vadd.s32 s23, v1;
	v4 =	vor.u32 v50, v4;
	v3 =	vxor.u32 v3, v2  }
0x15a: {  	v28 =	vshrl.u32 v27, $0x13;
	v4 =	vxor.u32 v6, v4;
	v31 =	vshrl.u32 v3, $0x6  }
0x15b: {  	v32 =	vshll.u32 v3, $0x1A;
	v2 =	vadd.s32 v2, v3;
	v52 =	vshrl.u32 v4, $0x11  }
0x15c: {  	v7 =	vshll.u32 v4, $0xF;
	v4 =	vadd.s32 v6, v4;
	v6 =	vshll.u32 v27, $0xD  }
0x15d: {  	v3 =	vor.u32 v31, v32;
	v5 =	vor.u32 v52, v7;
	v6 =	vor.u32 v28, v6  }
0x15e: {  	v3 =	vxor.u32 v3, v2;
	v5 =	vxor.u32 v5, v4;
	v6 =	vxor.u32 v29, v6  }
0x15f: {  	v33 =	vshrl.u32 v3, $0x1A;
	v34 =	vshll.u32 v3, $0x6;
	v2 =	vadd.s32 v2, v3  }
0x160: {  	v54 =	vshrl.u32 v5, $0x6;
	v8 =	vshll.u32 v5, $0x1A;
	v4 =	vadd.s32 v4, v5  }
0x161: {  	v31 =	vshrl.u32 v6, $0x11;
	v32 =	vshll.u32 v6, $0xF;
	v6 =	vadd.s32 v29, v6  }
0x162: {  	v3 =	vor.u32 v33, v34;
	v55 =	vor.u32 v54, v8;
	v7 =	vor.u32 v31, v32  }
0x163: {  	v3 =	vxor.u32 v3, v2;
	v5 =	vxor.u32 v55, v4;
	v7 =	vxor.u32 v7, v6  }
0x164: {  	v3 =	vadd.s32 $0x8612E224, v3;
	v57 =	vshrl.u32 v5, $0x1A;
	v58 =	vshll.u32 v5, $0x6  }
0x165: {  	s22 =	sor.u32 $0x30, s22;
	v4 =	vadd.s32 v4, v5;
	v33 =	vshrl.u32 v7, $0x6;
	v34 =	vshll.u32 v7, $0x1A  }
0x166: {  	s21 =	sadd.s32 s22, s21;
	v6 =	vadd.s32 v6, v7;
	v2 =	vadd.s32 v3, v2;
	v35 =	vshrl.u32 v3, $0xF  }
0x167: {  	v3 =	vshll.u32 v3, $0x11;
	v59 =	vor.u32 v57, v58;
	v57 =	vadd.s32 s21, v0  }
0x168: {  	v2 =	vadd.s32 $0xF38D913, v2;
	v3 =	vor.u32 v35, v3;
	v5 =	vxor.u32 v59, v4  }
0x169: {  	v35 =	vor.u32 v33, v34;
	v58 =	vshrl.u32 v57, $0x13;
	v8 =	vshll.u32 v57, $0xD  }
0x16a: {  	v59 =	vadd.s32 s21, v1;
	v3 =	vxor.u32 v3, v2;
	v5 =	vadd.s32 $0x8612E224, v5  }
0x16b: {  	v7 =	vxor.u32 v35, v6;
	v36 =	vshrl.u32 v3, $0x3;
	v37 =	vshll.u32 v3, $0x1D  }
0x16c: {  	v8 =	vor.u32 v58, v8;
	v2 =	vadd.s32 v2, v3;
	v3 =	vor.u32 v36, v37  }
0x16d: {  	v4 =	vadd.s32 v5, v4;
	v60 =	vshrl.u32 v5, $0xF;
	v3 =	vxor.u32 v3, v2  }
0x16e: {  	v5 =	vshll.u32 v5, $0x11;
	v38 =	vshrl.u32 v3, $0x10;
	v39 =	vshll.u32 v3, $0x10  }
0x16f: {  	v6 =	vadd.s32 v6, v7;
	v2 =	vadd.s32 v2, v3;
	v3 =	vor.u32 v38, v39  }
0x170: {  	v8 =	vxor.u32 v59, v8;
	v4 =	vadd.s32 $0xF38D913, v4;
	v3 =	vxor.u32 v3, v2  }
0x171: {  	v37 =	vshrl.u32 v7, $0x1A;
	v40 =	vshrl.u32 v3, $0x8;
	v41 =	vshll.u32 v3, $0x18  }
0x172: {  	v38 =	vshll.u32 v7, $0x6;
	v2 =	vadd.s32 v2, v3;
	v3 =	vor.u32 v40, v41  }
0x173: {  	v5 =	vor.u32 v60, v5;
	v39 =	vor.u32 v37, v38;
	v3 =	vxor.u32 v3, v2  }
0x174: {  	v60 =	vshrl.u32 v8, $0x11;
	v7 =	vxor.u32 v39, v6;
	v3 =	vadd.s32 $0x92FB20EC, v3  }
0x175: {  	v2 =	vadd.s32 v3, v2;
	v42 =	vshrl.u32 v3, $0x13;
	v3 =	vshll.u32 v3, $0xD  }
0x176: {  	v7 =	vadd.s32 $0x8612E224, v7;
	v2 =	vadd.s32 $0x8612E223, v2;
	v3 =	vor.u32 v42, v3  }
0x177: {  	v5 =	vxor.u32 v5, v4;
	v6 =	vadd.s32 v7, v6;
	v3 =	vxor.u32 v3, v2  }
0x178: {  	v41 =	vshrl.u32 v7, $0xF;
	v43 =	vshrl.u32 v3, $0x11;
	v44 =	vshll.u32 v3, $0xF  }
0x179: {  	v7 =	vshll.u32 v7, $0x11;
	v2 =	vadd.s32 v2, v3;
	v3 =	vor.u32 v43, v44  }
0x17a: {  	v6 =	vadd.s32 $0xF38D913, v6;
	v7 =	vor.u32 v41, v7;
	v3 =	vxor.u32 v3, v2  }
0x17b: {  	v7 =	vxor.u32 v7, v6;
	v45 =	vshrl.u32 v3, $0x6;
	v46 =	vshll.u32 v3, $0x1A  }
0x17c: {  	v6 =	vadd.s32 v6, v7;
	v2 =	vadd.s32 v2, v3;
	v3 =	vor.u32 v45, v46  }
0x17d: {  	v44 =	vshrl.u32 v7, $0x3;
	v45 =	vshll.u32 v7, $0x1D;
	v3 =	vxor.u32 v3, v2  }
0x17e: {  	v46 =	vor.u32 v44, v45;
	v47 =	vshrl.u32 v3, $0x1A;
	v48 =	vshll.u32 v3, $0x6  }
0x17f: {  	v2 =	vadd.s32 v2, v3;
	v7 =	vxor.u32 v46, v6;
	v3 =	vor.u32 v47, v48  }
0x180: {  	v62 =	vshrl.u32 v5, $0x3;
	v48 =	vshrl.u32 v7, $0x10;
	v3 =	vxor.u32 v3, v2  }
0x181: {  	v49 =	vshll.u32 v7, $0x10;
	v6 =	vadd.s32 v6, v7;
	v3 =	vadd.s32 $0xF38D916, v3  }
0x182: {  	v2 =	vadd.s32 v3, v2;
	v51 =	vshrl.u32 v3, $0xF;
	v3 =	vshll.u32 v3, $0x11  }
0x183: {  	v50 =	vor.u32 v48, v49;
	v2 =	vadd.s32 $0x92FB20EA, v2;
	v3 =	vor.u32 v51, v3  }
0x184: {  	v63 =	vshll.u32 v5, $0x1D;
	v7 =	vxor.u32 v50, v6;
	v3 =	vxor.u32 v3, v2  }
0x185: {  	v2 =	vadd.s32 v2, v3;
	v53 =	vshrl.u32 v3, $0x3;
	v3 =	vshll.u32 v3, $0x1D  }
0x186: {  	v4 =	vadd.s32 v4, v5;
	v52 =	vshrl.u32 v7, $0x8;
	v3 =	vor.u32 v53, v3  }
0x187: {  	v6 =	vadd.s32 v6, v7;
	v53 =	vshll.u32 v7, $0x18;
	v3 =	vxor.u32 v3, v2  }
0x188: {  	v54 =	vor.u32 v52, v53;
	v56 =	vshrl.u32 v3, $0x10;
	v9 =	vshll.u32 v3, $0x10  }
0x189: {  	v2 =	vadd.s32 v2, v3;
	v7 =	vxor.u32 v54, v6;
	v3 =	vor.u32 v56, v9  }
0x18a: {  	v9 =	vor.u32 v62, v63;
	v7 =	vadd.s32 $0x92FB20EC, v7;
	v3 =	vxor.u32 v3, v2  }
0x18b: {  	v5 =	vxor.u32 v9, v4;
	v55 =	vadd.s32 v7, v6;
	v56 =	vshrl.u32 v7, $0x13  }
0x18c: {  	v7 =	vshll.u32 v7, $0xD;
	v2 =	vadd.s32 v2, v3;
	v61 =	vshrl.u32 v3, $0x8  }
0x18d: {  	v3 =	vshll.u32 v3, $0x18;
	v10 =	vshrl.u32 v5, $0x10;
	v11 =	vshll.u32 v5, $0x10  }
0x18e: {  	v4 =	vadd.s32 v4, v5;
	v6 =	vor.u32 v56, v7;
	v7 =	vadd.s32 v59, v8  }
0x18f: {  	v8 =	vshll.u32 v8, $0xF;
	v3 =	vor.u32 v61, v3;
	v12 =	vor.u32 v10, v11  }
0x190: {  	v8 =	vor.u32 v60, v8;
	v3 =	vxor.u32 v3, v2;
	v5 =	vxor.u32 v12, v4  }
0x191: {  	v8 =	vxor.u32 v8, v7;
	v3 =	vadd.s32 $0x8612E227, v3;
	v14 =	vshrl.u32 v5, $0x8  }
0x192: {  	v15 =	vshll.u32 v5, $0x18;
	v4 =	vadd.s32 v4, v5;
	v7 =	vadd.s32 v7, v8  }
0x193: {  	v12 =	vshrl.u32 v8, $0x6;
	v8 =	vshll.u32 v8, $0x1A;
	v2 =	vadd.s32 v3, v2  }
0x194: {  	v13 =	vshrl.u32 v3, $0x13;
	v3 =	vshll.u32 v3, $0xD;
	v16 =	vor.u32 v14, v15  }
0x195: {  	v8 =	vor.u32 v12, v8;
	v2 =	vadd.s32 $0xF38D913, v2;
	v3 =	vor.u32 v13, v3  }
0x196: {  	v5 =	vxor.u32 v16, v4;
	v8 =	vxor.u32 v8, v7;
	v3 =	vxor.u32 v3, v2  }
0x197: {  	v5 =	vadd.s32 $0x92FB20EC, v5;
	v7 =	vadd.s32 v7, v8;
	v14 =	vshrl.u32 v8, $0x1A  }
0x198: {  	v8 =	vshll.u32 v8, $0x6;
	v17 =	vshrl.u32 v3, $0x11;
	v18 =	vshll.u32 v3, $0xF  }
0x199: {  	v2 =	vadd.s32 v2, v3;
	v4 =	vadd.s32 v5, v4;
	v19 =	vshrl.u32 v5, $0x13  }
0x19a: {  	v5 =	vshll.u32 v5, $0xD;
	v8 =	vor.u32 v14, v8;
	v3 =	vor.u32 v17, v18  }
0x19b: {  	v4 =	vadd.s32 $0x8612E223, v4;
	v5 =	vor.u32 v19, v5;
	v8 =	vxor.u32 v8, v7  }
0x19c: {  	v3 =	vxor.u32 v3, v2;
	v5 =	vxor.u32 v5, v4;
	v8 =	vadd.s32 $0x8612E224, v8  }
0x19d: {  	v2 =	vadd.s32 v2, v3;
	v20 =	vshrl.u32 v3, $0x6;
	v3 =	vshll.u32 v3, $0x1A  }
0x19e: {  	v21 =	vshrl.u32 v5, $0x11;
	v22 =	vshll.u32 v5, $0xF;
	v4 =	vadd.s32 v4, v5  }
0x19f: {  	v7 =	vadd.s32 v8, v7;
	v18 =	vshrl.u32 v8, $0xF;
	v8 =	vshll.u32 v8, $0x11  }
0x1a0: {  	v23 =	vor.u32 v21, v22;
	v7 =	vadd.s32 $0xF38D913, v7;
	v8 =	vor.u32 v18, v8  }
0x1a1: {  	v3 =	vor.u32 v20, v3;
	v5 =	vxor.u32 v23, v4;
	v8 =	vxor.u32 v8, v7  }
0x1a2: {  	v24 =	vshrl.u32 v5, $0x6;
	v25 =	vshll.u32 v5, $0x1A;
	v4 =	vadd.s32 v4, v5  }
0x1a3: {  	v20 =	vshrl.u32 v8, $0x3;
	v21 =	vshll.u32 v8, $0x1D;
	v26 =	vor.u32 v24, v25  }
0x1a4: {  	v7 =	vadd.s32 v7, v8;
	v22 =	vor.u32 v20, v21;
	v5 =	vxor.u32 v26, v4  }
0x1a5: {  	v3 =	vxor.u32 v3, v2;
	v8 =	vxor.u32 v22, v7;
	v4 =	vadd.s32 v4, v5  }
0x1a6: {  	v30 =	vshrl.u32 v5, $0x1A;
	v5 =	vshll.u32 v5, $0x6;
	v7 =	vadd.s32 v7, v8  }
0x1a7: {  	v24 =	vshrl.u32 v8, $0x10;
	v8 =	vshll.u32 v8, $0x10;
	v5 =	vor.u32 v30, v5  }
0x1a8: {  	v2 =	vadd.s32 v2, v3;
	v8 =	vor.u32 v24, v8;
	v5 =	vxor.u32 v5, v4  }
0x1a9: {  	v10 =	vshrl.u32 v3, $0x1A;
	v8 =	vxor.u32 v8, v7;
	v5 =	vadd.s32 $0xF38D916, v5  }
0x1aa: {  	v7 =	vadd.s32 v7, v8;
	v25 =	vshrl.u32 v8, $0x8;
	v8 =	vshll.u32 v8, $0x18  }
0x1ab: {  	v4 =	vadd.s32 v5, v4;
	v36 =	vshrl.u32 v5, $0xF;
	v5 =	vshll.u32 v5, $0x11  }
0x1ac: {  	v8 =	vor.u32 v25, v8;
	v5 =	vor.u32 v36, v5;
	v4 =	vadd.s32 $0x92FB20EA, v4  }
0x1ad: {  	v3 =	vshll.u32 v3, $0x6;
	v8 =	vxor.u32 v8, v7;
	v5 =	vxor.u32 v5, v4  }
0x1ae: {  	v3 =	vor.u32 v10, v3;
	v8 =	vadd.s32 $0x92FB20EC, v8;
	v40 =	vshrl.u32 v5, $0x3  }
0x1af: {  	v42 =	vshll.u32 v5, $0x1D;
	v4 =	vadd.s32 v4, v5;
	v7 =	vadd.s32 v8, v7  }
0x1b0: {  	v27 =	vshrl.u32 v8, $0x13;
	v8 =	vshll.u32 v8, $0xD;
	v43 =	vor.u32 v40, v42  }
0x1b1: {  	v7 =	vadd.s32 $0x8612E223, v7;
	v8 =	vor.u32 v27, v8;
	v5 =	vxor.u32 v43, v4  }
0x1b2: {  	v8 =	vxor.u32 v8, v7;
	v4 =	vadd.s32 v4, v5;
	v47 =	vshrl.u32 v5, $0x10  }
0x1b3: {  	v5 =	vshll.u32 v5, $0x10;
	v29 =	vshrl.u32 v8, $0x11;
	v30 =	vshll.u32 v8, $0xF  }
0x1b4: {  	v7 =	vadd.s32 v7, v8;
	v5 =	vor.u32 v47, v5;
	v31 =	vor.u32 v29, v30  }
0x1b5: {  	v3 =	vxor.u32 v3, v2;
	v5 =	vxor.u32 v5, v4;
	v8 =	vxor.u32 v31, v7  }
0x1b6: {  	v4 =	vadd.s32 v4, v5;
	v51 =	vshrl.u32 v5, $0x8;
	v5 =	vshll.u32 v5, $0x18  }
0x1b7: {  	v7 =	vadd.s32 v7, v8;
	v32 =	vshrl.u32 v8, $0x6;
	v8 =	vshll.u32 v8, $0x1A  }
0x1b8: {  	v2 =	vadd.s32 $0x8612E223, v2;
	v5 =	vor.u32 v51, v5;
	v8 =	vor.u32 v32, v8  }
0x1b9: {  	v3 =	vadd.s32 $0x92FB20EF, v3;
	v5 =	vxor.u32 v5, v4;
	v8 =	vxor.u32 v8, v7  }
0x1ba: {  	v2 =	vxor.u32 v2, v3;
	v5 =	vadd.s32 $0x8612E227, v5;
	v7 =	vadd.s32 v7, v8  }
0x1bb: {  	v35 =	vshrl.u32 v8, $0x1A;
	v8 =	vshll.u32 v8, $0x6;
	v3 =	vadd.s32 v5, v4  }
0x1bc: {  	v4 =	vadd.s32 $0x8612E223, v55;
	v13 =	vshrl.u32 v5, $0x13;
	v5 =	vshll.u32 v5, $0xD  }
0x1bd: {  	v8 =	vor.u32 v35, v8;
	v3 =	vadd.s32 $0xF38D913, v3;
	v6 =	vxor.u32 v6, v4  }
0x1be: {  	v5 =	vor.u32 v13, v5;
	v8 =	vxor.u32 v8, v7;
	v61 =	vshrl.u32 v6, $0x11  }
0x1bf: {  	v62 =	vshll.u32 v6, $0xF;
	v4 =	vadd.s32 v4, v6;
	v5 =	vxor.u32 v5, v3  }
0x1c0: {  	v8 =	vadd.s32 $0xF38D916, v8;
	v63 =	vor.u32 v61, v62;
	v3 =	vadd.s32 v3, v5  }
0x1c1: {  	v23 =	vshrl.u32 v5, $0x11;
	v5 =	vshll.u32 v5, $0xF;
	v7 =	vadd.s32 v8, v7  }
0x1c2: {  	v37 =	vshrl.u32 v8, $0xF;
	v8 =	vshll.u32 v8, $0x11;
	v6 =	vxor.u32 v63, v4  }
0x1c3: {  	v5 =	vor.u32 v23, v5;
	v7 =	vadd.s32 $0x92FB20EA, v7;
	v8 =	vor.u32 v37, v8  }
0x1c4: {  	v15 =	vshrl.u32 v6, $0x6;
	v16 =	vshll.u32 v6, $0x1A;
	v4 =	vadd.s32 v4, v6  }
0x1c5: {  	v5 =	vxor.u32 v5, v3;
	v8 =	vxor.u32 v8, v7;
	v17 =	vor.u32 v15, v16  }
0x1c6: {  	v3 =	vadd.s32 v3, v5;
	v34 =	vshrl.u32 v5, $0x6;
	v5 =	vshll.u32 v5, $0x1A  }
0x1c7: {  	v38 =	vshrl.u32 v8, $0x3;
	v39 =	vshll.u32 v8, $0x1D;
	v7 =	vadd.s32 v7, v8  }
0x1c8: {  	v6 =	vxor.u32 v17, v4;
	v5 =	vor.u32 v34, v5;
	v40 =	vor.u32 v38, v39  }
0x1c9: {  	v4 =	vadd.s32 v4, v6;
	v19 =	vshrl.u32 v6, $0x1A;
	v6 =	vshll.u32 v6, $0x6  }
0x1ca: {  	v5 =	vxor.u32 v5, v3;
	v8 =	vxor.u32 v40, v7;
	v6 =	vor.u32 v19, v6  }
0x1cb: {  	v42 =	vshrl.u32 v8, $0x10;
	v43 =	vshll.u32 v8, $0x10;
	v6 =	vxor.u32 v6, v4  }
0x1cc: {  	v7 =	vadd.s32 v7, v8;
	v3 =	vadd.s32 v3, v5;
	v6 =	vadd.s32 $0xF38D916, v6  }
0x1cd: {  	v4 =	vadd.s32 v6, v4;
	v26 =	vshrl.u32 v6, $0xF;
	v6 =	vshll.u32 v6, $0x11  }
0x1ce: {  	v44 =	vor.u32 v42, v43;
	v4 =	vadd.s32 $0x92FB20EA, v4;
	v6 =	vor.u32 v26, v6  }
0x1cf: {  	v45 =	vshrl.u32 v5, $0x1A;
	v8 =	vxor.u32 v44, v7;
	v6 =	vxor.u32 v6, v4  }
0x1d0: {  	v4 =	vadd.s32 v4, v6;
	v28 =	vshrl.u32 v6, $0x3;
	v6 =	vshll.u32 v6, $0x1D  }
0x1d1: {  	v5 =	vshll.u32 v5, $0x6;
	v7 =	vadd.s32 v7, v8;
	v6 =	vor.u32 v28, v6  }
0x1d2: {  	v46 =	vshrl.u32 v8, $0x8;
	v8 =	vshll.u32 v8, $0x18;
	v6 =	vxor.u32 v6, v4  }
0x1d3: {  	v4 =	vadd.s32 v4, v6;
	v33 =	vshrl.u32 v6, $0x10;
	v6 =	vshll.u32 v6, $0x10  }
0x1d4: {  	v5 =	vor.u32 v45, v5;
	v8 =	vor.u32 v46, v8;
	v6 =	vor.u32 v33, v6  }
0x1d5: {  	v5 =	vxor.u32 v5, v3;
	v8 =	vxor.u32 v8, v7;
	v6 =	vxor.u32 v6, v4  }
0x1d6: {  	v4 =	vadd.s32 v4, v6;
	v36 =	vshrl.u32 v6, $0x8;
	v6 =	vshll.u32 v6, $0x18  }
0x1d7: {  	v3 =	vadd.s32 $0x8612E223, v3;
	v8 =	vadd.s32 $0x8612E227, v8;
	v6 =	vor.u32 v36, v6  }
0x1d8: {  	v7 =	vadd.s32 v8, v7;
	v48 =	vshrl.u32 v8, $0x13;
	v6 =	vxor.u32 v6, v4  }
0x1d9: {  	v8 =	vshll.u32 v8, $0xD;
	v7 =	vadd.s32 $0xF38D913, v7;
	v6 =	vadd.s32 $0x8612E227, v6  }
0x1da: {  	v4 =	vadd.s32 v6, v4;
	v41 =	vshrl.u32 v6, $0x13;
	v6 =	vshll.u32 v6, $0xD  }
0x1db: {  	v8 =	vor.u32 v48, v8;
	v6 =	vor.u32 v41, v6;
	v4 =	vadd.s32 $0xF38D913, v4  }
0x1dc: {  	v5 =	vadd.s32 $0x92FB20EF, v5;
	v50 =	vxor.u32 v8, v7;
	v6 =	vxor.u32 v6, v4  }
0x1dd: {  	v4 =	vadd.s32 v4, v6;
	v47 =	vshrl.u32 v6, $0x11;
	v6 =	vshll.u32 v6, $0xF  }
0x1de: {  	v3 =	vxor.u32 v3, v5;
	v7 =	vadd.s32 v7, v50;
	v6 =	vor.u32 v47, v6  }
0x1df: {  	v8 =	vshrl.u32 v50, $0x11;
	v49 =	vxor.u32 v6, v4;
	v6 =	vshll.u32 v50, $0xF  }
0x1e0: {  	v51 =	vshrl.u32 v49, $0x6;
	v6 =	vor.u32 v8, v6;
	v52 =	vshll.u32 v49, $0x1A  }
0x1e1: {  	v4 =	vadd.s32 v4, v49;
	v53 =	vor.u32 v51, v52;
	v6 =	vxor.u32 v6, v7  }
0x1e2: {  	v5 =	vxor.u32 v53, v4;
	v54 =	vshrl.u32 v6, $0x6;
	v55 =	vshll.u32 v6, $0x1A  }
0x1e3: {  	s25 =	sand.u32 $0x6000, s17;
	s26 =	sand.u32 $0x1C00, s16;
	s24 =	sshll.u32 s18, $0x3;
	v6 =	vadd.s32 v7, v6;
	v4 =	vadd.s32 v4, v5;
	v56 =	vor.u32 v54, v55  }
0x1e4: {  	s24 =	sand.u32 $0x380, s24;
	s21 =	sor.u32 s26, s25;
	v57 =	vshrl.u32 v5, $0x1A;
	v5 =	vshll.u32 v5, $0x6;
	v7 =	vxor.u32 v56, v6  }
0x1e5: {  	s28 =	sand.u32 $0x40, s17;
	p0 =	sne.s32 s18, $0x1FF;
	s21 =	sor.u32 s24, s21;
	v5 =	vor.u32 v57, v5;
	v58 =	vshrl.u32 v7, $0x1A;
	v59 =	vshll.u32 v7, $0x6  }
.Ltmp2:
0x1e6: {  	s19 =	sand.u32 $0x50, s30;
	s23 =	sor.u32 s28, s21;
	v6 =	vadd.s32 v6, v7;
	v5 =	vxor.u32 v5, v4;
	v60 =	vor.u32 v58, v59;
	(pc) =	sbr.rel @p0 .LBB2_6-.Ltmp2, $4  }
0x1e7: {  	s20 =	sand.u32 $0x60, s31;
	s19 =	sor.u32 s19, s21;
	[tilespmem:s23+$0x0] =	vst v2;
	v2 =	vadd.s32 $0x8612E223, v4;
	v61 =	vadd.s32 $0x92FB20EF, v5;
	v62 =	vxor.u32 v60, v6  }
0x1e8: {  	s30 =	sand.u32 $0x70, s22;
	s29 =	sor.u32 s20, s21;
	[tilespmem:s19+$0x0] =	vst v3;
	v3 =	vadd.s32 $0x8612E223, v6;
	v2 =	vxor.u32 v2, v61;
	v63 =	vadd.s32 $0x92FB20EF, v62  }
0x1e9: {  	s31 =	sor.u32 s30, s21;
	[tilespmem:s29+$0x0] =	vst v2;
	v2 =	vxor.u32 v3, v63  }
0x1ea: {  	s17 =	sadd.s32 $0x40, s17;
	s16 =	sadd.s32 $0x200, s16;
	s18 =	sadd.s32 $0x1, s18;
	[tilespmem:s31+$0x0] =	vst v2  }
0x1eb: {  	s16 =	simm.s32 $0x0  }
0x1ec: {  	[hbm4b:s9+s16] =	stream.linear.scatter [tilespmem:s16], [sflag:$0x1], $0x8000, $0x38;
	[tilespmem:$0x10000] =	vst v63  }
0x1ed: {  	_ =	swait.ge [sflag:s14], $0x8000  }
0x1ee: {  	[sflag:s14] =	ssyncset.done $0x0  }
0x1ef: {  	s17 =	simm.s32 $0x0;
	s18 =	simm.s32 $0x0;
	[sflag:s14] =	ssyncadd.s32 $0xFFFF8000  }
.LBB2_8:
0x1f0: {  	s19 =	sshrl.u32 s18, $0x4  }
0x1f1: {  	s19 =	sor.u32 s7, s19  }
0x1f2: {  	s21 =	smul.u32 $0x3E8, s19  }
0x1f3: {  	s22 =	sand.u32 $0x3C0, s17  }
0x1f4: {  	s19 =	sadd.s32 s22, s21  }
0x1f5: {  	s30 =	sor.u32 $0x10, s22;
	v2 =	vadd.s32 s19, v0  }
0x1f6: {  	s31 =	sor.u32 $0x20, s22;
	s20 =	sadd.s32 s30, s21;
	v3 =	vshrl.u32 v2, $0x13;
	v2 =	vshll.u32 v2, $0xD  }
0x1f7: {  	s23 =	sadd.s32 s31, s21;
	v4 =	vadd.s32 s19, v1;
	v49 =	vadd.s32 s20, v0;
	v2 =	vor.u32 v3, v2  }
0x1f8: {  	v6 =	vadd.s32 s20, v1;
	v27 =	vadd.s32 s23, v0;
	v2 =	vxor.u32 v4, v2  }
0x1f9: {  	v50 =	vshrl.u32 v49, $0x13;
	v3 =	vshrl.u32 v2, $0x11;
	v5 =	vshll.u32 v2, $0xF  }
0x1fa: {  	v2 =	vadd.s32 v4, v2;
	v4 =	vshll.u32 v49, $0xD;
	v3 =	vor.u32 v3, v5  }
0x1fb: {  	v29 =	vadd.s32 s23, v1;
	v4 =	vor.u32 v50, v4;
	v3 =	vxor.u32 v3, v2  }
0x1fc: {  	v28 =	vshrl.u32 v27, $0x13;
	v4 =	vxor.u32 v6, v4;
	v31 =	vshrl.u32 v3, $0x6  }
0x1fd: {  	v32 =	vshll.u32 v3, $0x1A;
	v2 =	vadd.s32 v2, v3;
	v52 =	vshrl.u32 v4, $0x11  }
0x1fe: {  	v7 =	vshll.u32 v4, $0xF;
	v4 =	vadd.s32 v6, v4;
	v6 =	vshll.u32 v27, $0xD  }
0x1ff: {  	v3 =	vor.u32 v31, v32;
	v5 =	vor.u32 v52, v7;
	v6 =	vor.u32 v28, v6  }
0x200: {  	v3 =	vxor.u32 v3, v2;
	v5 =	vxor.u32 v5, v4;
	v6 =	vxor.u32 v29, v6  }
0x201: {  	v33 =	vshrl.u32 v3, $0x1A;
	v34 =	vshll.u32 v3, $0x6;
	v2 =	vadd.s32 v2, v3  }
0x202: {  	v54 =	vshrl.u32 v5, $0x6;
	v8 =	vshll.u32 v5, $0x1A;
	v4 =	vadd.s32 v4, v5  }
0x203: {  	v31 =	vshrl.u32 v6, $0x11;
	v32 =	vshll.u32 v6, $0xF;
	v6 =	vadd.s32 v29, v6  }
0x204: {  	v3 =	vor.u32 v33, v34;
	v55 =	vor.u32 v54, v8;
	v7 =	vor.u32 v31, v32  }
0x205: {  	v3 =	vxor.u32 v3, v2;
	v5 =	vxor.u32 v55, v4;
	v7 =	vxor.u32 v7, v6  }
0x206: {  	v3 =	vadd.s32 $0x8612E224, v3;
	v57 =	vshrl.u32 v5, $0x1A;
	v58 =	vshll.u32 v5, $0x6  }
0x207: {  	s22 =	sor.u32 $0x30, s22;
	v4 =	vadd.s32 v4, v5;
	v33 =	vshrl.u32 v7, $0x6;
	v34 =	vshll.u32 v7, $0x1A  }
0x208: {  	s21 =	sadd.s32 s22, s21;
	v6 =	vadd.s32 v6, v7;
	v2 =	vadd.s32 v3, v2;
	v35 =	vshrl.u32 v3, $0xF  }
0x209: {  	v3 =	vshll.u32 v3, $0x11;
	v59 =	vor.u32 v57, v58;
	v57 =	vadd.s32 s21, v0  }
0x20a: {  	v2 =	vadd.s32 $0xF38D913, v2;
	v3 =	vor.u32 v35, v3;
	v5 =	vxor.u32 v59, v4  }
0x20b: {  	v35 =	vor.u32 v33, v34;
	v58 =	vshrl.u32 v57, $0x13;
	v8 =	vshll.u32 v57, $0xD  }
0x20c: {  	v59 =	vadd.s32 s21, v1;
	v3 =	vxor.u32 v3, v2;
	v5 =	vadd.s32 $0x8612E224, v5  }
0x20d: {  	v7 =	vxor.u32 v35, v6;
	v36 =	vshrl.u32 v3, $0x3;
	v37 =	vshll.u32 v3, $0x1D  }
0x20e: {  	v8 =	vor.u32 v58, v8;
	v2 =	vadd.s32 v2, v3;
	v3 =	vor.u32 v36, v37  }
0x20f: {  	v4 =	vadd.s32 v5, v4;
	v60 =	vshrl.u32 v5, $0xF;
	v3 =	vxor.u32 v3, v2  }
0x210: {  	v5 =	vshll.u32 v5, $0x11;
	v38 =	vshrl.u32 v3, $0x10;
	v39 =	vshll.u32 v3, $0x10  }
0x211: {  	v6 =	vadd.s32 v6, v7;
	v2 =	vadd.s32 v2, v3;
	v3 =	vor.u32 v38, v39  }
0x212: {  	v8 =	vxor.u32 v59, v8;
	v4 =	vadd.s32 $0xF38D913, v4;
	v3 =	vxor.u32 v3, v2  }
0x213: {  	v37 =	vshrl.u32 v7, $0x1A;
	v40 =	vshrl.u32 v3, $0x8;
	v41 =	vshll.u32 v3, $0x18  }
0x214: {  	v38 =	vshll.u32 v7, $0x6;
	v2 =	vadd.s32 v2, v3;
	v3 =	vor.u32 v40, v41  }
0x215: {  	v5 =	vor.u32 v60, v5;
	v39 =	vor.u32 v37, v38;
	v3 =	vxor.u32 v3, v2  }
0x216: {  	v60 =	vshrl.u32 v8, $0x11;
	v7 =	vxor.u32 v39, v6;
	v3 =	vadd.s32 $0x92FB20EC, v3  }
0x217: {  	v2 =	vadd.s32 v3, v2;
	v42 =	vshrl.u32 v3, $0x13;
	v3 =	vshll.u32 v3, $0xD  }
0x218: {  	v7 =	vadd.s32 $0x8612E224, v7;
	v2 =	vadd.s32 $0x8612E223, v2;
	v3 =	vor.u32 v42, v3  }
0x219: {  	v5 =	vxor.u32 v5, v4;
	v6 =	vadd.s32 v7, v6;
	v3 =	vxor.u32 v3, v2  }
0x21a: {  	v41 =	vshrl.u32 v7, $0xF;
	v43 =	vshrl.u32 v3, $0x11;
	v44 =	vshll.u32 v3, $0xF  }
0x21b: {  	v7 =	vshll.u32 v7, $0x11;
	v2 =	vadd.s32 v2, v3;
	v3 =	vor.u32 v43, v44  }
0x21c: {  	v6 =	vadd.s32 $0xF38D913, v6;
	v7 =	vor.u32 v41, v7;
	v3 =	vxor.u32 v3, v2  }
0x21d: {  	v7 =	vxor.u32 v7, v6;
	v45 =	vshrl.u32 v3, $0x6;
	v46 =	vshll.u32 v3, $0x1A  }
0x21e: {  	v6 =	vadd.s32 v6, v7;
	v2 =	vadd.s32 v2, v3;
	v3 =	vor.u32 v45, v46  }
0x21f: {  	v44 =	vshrl.u32 v7, $0x3;
	v45 =	vshll.u32 v7, $0x1D;
	v3 =	vxor.u32 v3, v2  }
0x220: {  	v46 =	vor.u32 v44, v45;
	v47 =	vshrl.u32 v3, $0x1A;
	v48 =	vshll.u32 v3, $0x6  }
0x221: {  	v2 =	vadd.s32 v2, v3;
	v7 =	vxor.u32 v46, v6;
	v3 =	vor.u32 v47, v48  }
0x222: {  	v62 =	vshrl.u32 v5, $0x3;
	v48 =	vshrl.u32 v7, $0x10;
	v3 =	vxor.u32 v3, v2  }
0x223: {  	v49 =	vshll.u32 v7, $0x10;
	v6 =	vadd.s32 v6, v7;
	v3 =	vadd.s32 $0xF38D916, v3  }
0x224: {  	v2 =	vadd.s32 v3, v2;
	v51 =	vshrl.u32 v3, $0xF;
	v3 =	vshll.u32 v3, $0x11  }
0x225: {  	v50 =	vor.u32 v48, v49;
	v2 =	vadd.s32 $0x92FB20EA, v2;
	v3 =	vor.u32 v51, v3  }
0x226: {  	v63 =	vshll.u32 v5, $0x1D;
	v7 =	vxor.u32 v50, v6;
	v3 =	vxor.u32 v3, v2  }
0x227: {  	v2 =	vadd.s32 v2, v3;
	v53 =	vshrl.u32 v3, $0x3;
	v3 =	vshll.u32 v3, $0x1D  }
0x228: {  	v4 =	vadd.s32 v4, v5;
	v52 =	vshrl.u32 v7, $0x8;
	v3 =	vor.u32 v53, v3  }
0x229: {  	v6 =	vadd.s32 v6, v7;
	v53 =	vshll.u32 v7, $0x18;
	v3 =	vxor.u32 v3, v2  }
0x22a: {  	v54 =	vor.u32 v52, v53;
	v56 =	vshrl.u32 v3, $0x10;
	v9 =	vshll.u32 v3, $0x10  }
0x22b: {  	v2 =	vadd.s32 v2, v3;
	v7 =	vxor.u32 v54, v6;
	v3 =	vor.u32 v56, v9  }
0x22c: {  	v9 =	vor.u32 v62, v63;
	v7 =	vadd.s32 $0x92FB20EC, v7;
	v3 =	vxor.u32 v3, v2  }
0x22d: {  	v5 =	vxor.u32 v9, v4;
	v55 =	vadd.s32 v7, v6;
	v56 =	vshrl.u32 v7, $0x13  }
0x22e: {  	v7 =	vshll.u32 v7, $0xD;
	v2 =	vadd.s32 v2, v3;
	v61 =	vshrl.u32 v3, $0x8  }
0x22f: {  	v3 =	vshll.u32 v3, $0x18;
	v10 =	vshrl.u32 v5, $0x10;
	v11 =	vshll.u32 v5, $0x10  }
0x230: {  	v4 =	vadd.s32 v4, v5;
	v6 =	vor.u32 v56, v7;
	v7 =	vadd.s32 v59, v8  }
0x231: {  	v8 =	vshll.u32 v8, $0xF;
	v3 =	vor.u32 v61, v3;
	v12 =	vor.u32 v10, v11  }
0x232: {  	v8 =	vor.u32 v60, v8;
	v3 =	vxor.u32 v3, v2;
	v5 =	vxor.u32 v12, v4  }
0x233: {  	v8 =	vxor.u32 v8, v7;
	v3 =	vadd.s32 $0x8612E227, v3;
	v14 =	vshrl.u32 v5, $0x8  }
0x234: {  	v15 =	vshll.u32 v5, $0x18;
	v4 =	vadd.s32 v4, v5;
	v7 =	vadd.s32 v7, v8  }
0x235: {  	v12 =	vshrl.u32 v8, $0x6;
	v8 =	vshll.u32 v8, $0x1A;
	v2 =	vadd.s32 v3, v2  }
0x236: {  	v13 =	vshrl.u32 v3, $0x13;
	v3 =	vshll.u32 v3, $0xD;
	v16 =	vor.u32 v14, v15  }
0x237: {  	v8 =	vor.u32 v12, v8;
	v2 =	vadd.s32 $0xF38D913, v2;
	v3 =	vor.u32 v13, v3  }
0x238: {  	v5 =	vxor.u32 v16, v4;
	v8 =	vxor.u32 v8, v7;
	v3 =	vxor.u32 v3, v2  }
0x239: {  	v5 =	vadd.s32 $0x92FB20EC, v5;
	v7 =	vadd.s32 v7, v8;
	v14 =	vshrl.u32 v8, $0x1A  }
0x23a: {  	v8 =	vshll.u32 v8, $0x6;
	v17 =	vshrl.u32 v3, $0x11;
	v18 =	vshll.u32 v3, $0xF  }
0x23b: {  	v2 =	vadd.s32 v2, v3;
	v4 =	vadd.s32 v5, v4;
	v19 =	vshrl.u32 v5, $0x13  }
0x23c: {  	v5 =	vshll.u32 v5, $0xD;
	v8 =	vor.u32 v14, v8;
	v3 =	vor.u32 v17, v18  }
0x23d: {  	v4 =	vadd.s32 $0x8612E223, v4;
	v5 =	vor.u32 v19, v5;
	v8 =	vxor.u32 v8, v7  }
0x23e: {  	v3 =	vxor.u32 v3, v2;
	v5 =	vxor.u32 v5, v4;
	v8 =	vadd.s32 $0x8612E224, v8  }
0x23f: {  	v2 =	vadd.s32 v2, v3;
	v20 =	vshrl.u32 v3, $0x6;
	v3 =	vshll.u32 v3, $0x1A  }
0x240: {  	v21 =	vshrl.u32 v5, $0x11;
	v22 =	vshll.u32 v5, $0xF;
	v4 =	vadd.s32 v4, v5  }
0x241: {  	v7 =	vadd.s32 v8, v7;
	v18 =	vshrl.u32 v8, $0xF;
	v8 =	vshll.u32 v8, $0x11  }
0x242: {  	v23 =	vor.u32 v21, v22;
	v7 =	vadd.s32 $0xF38D913, v7;
	v8 =	vor.u32 v18, v8  }
0x243: {  	v3 =	vor.u32 v20, v3;
	v5 =	vxor.u32 v23, v4;
	v8 =	vxor.u32 v8, v7  }
0x244: {  	v24 =	vshrl.u32 v5, $0x6;
	v25 =	vshll.u32 v5, $0x1A;
	v4 =	vadd.s32 v4, v5  }
0x245: {  	v20 =	vshrl.u32 v8, $0x3;
	v21 =	vshll.u32 v8, $0x1D;
	v26 =	vor.u32 v24, v25  }
0x246: {  	v7 =	vadd.s32 v7, v8;
	v22 =	vor.u32 v20, v21;
	v5 =	vxor.u32 v26, v4  }
0x247: {  	v3 =	vxor.u32 v3, v2;
	v8 =	vxor.u32 v22, v7;
	v4 =	vadd.s32 v4, v5  }
0x248: {  	v30 =	vshrl.u32 v5, $0x1A;
	v5 =	vshll.u32 v5, $0x6;
	v7 =	vadd.s32 v7, v8  }
0x249: {  	v24 =	vshrl.u32 v8, $0x10;
	v8 =	vshll.u32 v8, $0x10;
	v5 =	vor.u32 v30, v5  }
0x24a: {  	v2 =	vadd.s32 v2, v3;
	v8 =	vor.u32 v24, v8;
	v5 =	vxor.u32 v5, v4  }
0x24b: {  	v10 =	vshrl.u32 v3, $0x1A;
	v8 =	vxor.u32 v8, v7;
	v5 =	vadd.s32 $0xF38D916, v5  }
0x24c: {  	v7 =	vadd.s32 v7, v8;
	v25 =	vshrl.u32 v8, $0x8;
	v8 =	vshll.u32 v8, $0x18  }
0x24d: {  	v4 =	vadd.s32 v5, v4;
	v36 =	vshrl.u32 v5, $0xF;
	v5 =	vshll.u32 v5, $0x11  }
0x24e: {  	v8 =	vor.u32 v25, v8;
	v5 =	vor.u32 v36, v5;
	v4 =	vadd.s32 $0x92FB20EA, v4  }
0x24f: {  	v3 =	vshll.u32 v3, $0x6;
	v8 =	vxor.u32 v8, v7;
	v5 =	vxor.u32 v5, v4  }
0x250: {  	v3 =	vor.u32 v10, v3;
	v8 =	vadd.s32 $0x92FB20EC, v8;
	v40 =	vshrl.u32 v5, $0x3  }
0x251: {  	v42 =	vshll.u32 v5, $0x1D;
	v4 =	vadd.s32 v4, v5;
	v7 =	vadd.s32 v8, v7  }
0x252: {  	v27 =	vshrl.u32 v8, $0x13;
	v8 =	vshll.u32 v8, $0xD;
	v43 =	vor.u32 v40, v42  }
0x253: {  	v7 =	vadd.s32 $0x8612E223, v7;
	v8 =	vor.u32 v27, v8;
	v5 =	vxor.u32 v43, v4  }
0x254: {  	v8 =	vxor.u32 v8, v7;
	v4 =	vadd.s32 v4, v5;
	v47 =	vshrl.u32 v5, $0x10  }
0x255: {  	v5 =	vshll.u32 v5, $0x10;
	v29 =	vshrl.u32 v8, $0x11;
	v30 =	vshll.u32 v8, $0xF  }
0x256: {  	v7 =	vadd.s32 v7, v8;
	v5 =	vor.u32 v47, v5;
	v31 =	vor.u32 v29, v30  }
0x257: {  	v3 =	vxor.u32 v3, v2;
	v5 =	vxor.u32 v5, v4;
	v8 =	vxor.u32 v31, v7  }
0x258: {  	v4 =	vadd.s32 v4, v5;
	v51 =	vshrl.u32 v5, $0x8;
	v5 =	vshll.u32 v5, $0x18  }
0x259: {  	v7 =	vadd.s32 v7, v8;
	v32 =	vshrl.u32 v8, $0x6;
	v8 =	vshll.u32 v8, $0x1A  }
0x25a: {  	v2 =	vadd.s32 $0x8612E223, v2;
	v5 =	vor.u32 v51, v5;
	v8 =	vor.u32 v32, v8  }
0x25b: {  	v3 =	vadd.s32 $0x92FB20EF, v3;
	v5 =	vxor.u32 v5, v4;
	v8 =	vxor.u32 v8, v7  }
0x25c: {  	v2 =	vxor.u32 v2, v3;
	v5 =	vadd.s32 $0x8612E227, v5;
	v7 =	vadd.s32 v7, v8  }
0x25d: {  	v35 =	vshrl.u32 v8, $0x1A;
	v8 =	vshll.u32 v8, $0x6;
	v3 =	vadd.s32 v5, v4  }
0x25e: {  	v4 =	vadd.s32 $0x8612E223, v55;
	v13 =	vshrl.u32 v5, $0x13;
	v5 =	vshll.u32 v5, $0xD  }
0x25f: {  	v8 =	vor.u32 v35, v8;
	v3 =	vadd.s32 $0xF38D913, v3;
	v6 =	vxor.u32 v6, v4  }
0x260: {  	v5 =	vor.u32 v13, v5;
	v8 =	vxor.u32 v8, v7;
	v61 =	vshrl.u32 v6, $0x11  }
0x261: {  	v62 =	vshll.u32 v6, $0xF;
	v4 =	vadd.s32 v4, v6;
	v5 =	vxor.u32 v5, v3  }
0x262: {  	v8 =	vadd.s32 $0xF38D916, v8;
	v63 =	vor.u32 v61, v62;
	v3 =	vadd.s32 v3, v5  }
0x263: {  	v23 =	vshrl.u32 v5, $0x11;
	v5 =	vshll.u32 v5, $0xF;
	v7 =	vadd.s32 v8, v7  }
0x264: {  	v37 =	vshrl.u32 v8, $0xF;
	v8 =	vshll.u32 v8, $0x11;
	v6 =	vxor.u32 v63, v4  }
0x265: {  	v5 =	vor.u32 v23, v5;
	v7 =	vadd.s32 $0x92FB20EA, v7;
	v8 =	vor.u32 v37, v8  }
0x266: {  	v15 =	vshrl.u32 v6, $0x6;
	v16 =	vshll.u32 v6, $0x1A;
	v4 =	vadd.s32 v4, v6  }
0x267: {  	v5 =	vxor.u32 v5, v3;
	v8 =	vxor.u32 v8, v7;
	v17 =	vor.u32 v15, v16  }
0x268: {  	v3 =	vadd.s32 v3, v5;
	v34 =	vshrl.u32 v5, $0x6;
	v5 =	vshll.u32 v5, $0x1A  }
0x269: {  	v38 =	vshrl.u32 v8, $0x3;
	v39 =	vshll.u32 v8, $0x1D;
	v7 =	vadd.s32 v7, v8  }
0x26a: {  	v6 =	vxor.u32 v17, v4;
	v5 =	vor.u32 v34, v5;
	v40 =	vor.u32 v38, v39  }
0x26b: {  	v4 =	vadd.s32 v4, v6;
	v19 =	vshrl.u32 v6, $0x1A;
	v6 =	vshll.u32 v6, $0x6  }
0x26c: {  	v5 =	vxor.u32 v5, v3;
	v8 =	vxor.u32 v40, v7;
	v6 =	vor.u32 v19, v6  }
0x26d: {  	v42 =	vshrl.u32 v8, $0x10;
	v43 =	vshll.u32 v8, $0x10;
	v6 =	vxor.u32 v6, v4  }
0x26e: {  	v7 =	vadd.s32 v7, v8;
	v3 =	vadd.s32 v3, v5;
	v6 =	vadd.s32 $0xF38D916, v6  }
0x26f: {  	v4 =	vadd.s32 v6, v4;
	v26 =	vshrl.u32 v6, $0xF;
	v6 =	vshll.u32 v6, $0x11  }
0x270: {  	v44 =	vor.u32 v42, v43;
	v4 =	vadd.s32 $0x92FB20EA, v4;
	v6 =	vor.u32 v26, v6  }
0x271: {  	v45 =	vshrl.u32 v5, $0x1A;
	v8 =	vxor.u32 v44, v7;
	v6 =	vxor.u32 v6, v4  }
0x272: {  	v4 =	vadd.s32 v4, v6;
	v28 =	vshrl.u32 v6, $0x3;
	v6 =	vshll.u32 v6, $0x1D  }
0x273: {  	v5 =	vshll.u32 v5, $0x6;
	v7 =	vadd.s32 v7, v8;
	v6 =	vor.u32 v28, v6  }
0x274: {  	v46 =	vshrl.u32 v8, $0x8;
	v8 =	vshll.u32 v8, $0x18;
	v6 =	vxor.u32 v6, v4  }
0x275: {  	v4 =	vadd.s32 v4, v6;
	v33 =	vshrl.u32 v6, $0x10;
	v6 =	vshll.u32 v6, $0x10  }
0x276: {  	v5 =	vor.u32 v45, v5;
	v8 =	vor.u32 v46, v8;
	v6 =	vor.u32 v33, v6  }
0x277: {  	v5 =	vxor.u32 v5, v3;
	v8 =	vxor.u32 v8, v7;
	v6 =	vxor.u32 v6, v4  }
0x278: {  	v4 =	vadd.s32 v4, v6;
	v36 =	vshrl.u32 v6, $0x8;
	v6 =	vshll.u32 v6, $0x18  }
0x279: {  	v3 =	vadd.s32 $0x8612E223, v3;
	v8 =	vadd.s32 $0x8612E227, v8;
	v6 =	vor.u32 v36, v6  }
0x27a: {  	v7 =	vadd.s32 v8, v7;
	v48 =	vshrl.u32 v8, $0x13;
	v6 =	vxor.u32 v6, v4  }
0x27b: {  	v8 =	vshll.u32 v8, $0xD;
	v7 =	vadd.s32 $0xF38D913, v7;
	v6 =	vadd.s32 $0x8612E227, v6  }
0x27c: {  	v4 =	vadd.s32 v6, v4;
	v41 =	vshrl.u32 v6, $0x13;
	v6 =	vshll.u32 v6, $0xD  }
0x27d: {  	v8 =	vor.u32 v48, v8;
	v6 =	vor.u32 v41, v6;
	v4 =	vadd.s32 $0xF38D913, v4  }
0x27e: {  	v5 =	vadd.s32 $0x92FB20EF, v5;
	v50 =	vxor.u32 v8, v7;
	v6 =	vxor.u32 v6, v4  }
0x27f: {  	v4 =	vadd.s32 v4, v6;
	v47 =	vshrl.u32 v6, $0x11;
	v6 =	vshll.u32 v6, $0xF  }
0x280: {  	v3 =	vxor.u32 v3, v5;
	v7 =	vadd.s32 v7, v50;
	v6 =	vor.u32 v47, v6  }
0x281: {  	v8 =	vshrl.u32 v50, $0x11;
	v49 =	vxor.u32 v6, v4;
	v6 =	vshll.u32 v50, $0xF  }
0x282: {  	v51 =	vshrl.u32 v49, $0x6;
	v6 =	vor.u32 v8, v6;
	v52 =	vshll.u32 v49, $0x1A  }
0x283: {  	v4 =	vadd.s32 v4, v49;
	v53 =	vor.u32 v51, v52;
	v6 =	vxor.u32 v6, v7  }
0x284: {  	s25 =	sand.u32 $0x6000, s17;
	s26 =	sand.u32 $0x1C00, s16;
	s24 =	sshll.u32 s18, $0x3;
	v5 =	vxor.u32 v53, v4;
	v54 =	vshrl.u32 v6, $0x6;
	v55 =	vshll.u32 v6, $0x1A  }
0x285: {  	s24 =	sand.u32 $0x380, s24;
	s21 =	sor.u32 s26, s25;
	v6 =	vadd.s32 v7, v6;
	v4 =	vadd.s32 v4, v5;
	v56 =	vor.u32 v54, v55  }
0x286: {  	s21 =	sor.u32 s24, s21;
	v57 =	vshrl.u32 v5, $0x1A;
	v5 =	vshll.u32 v5, $0x6;
	v7 =	vxor.u32 v56, v6  }
0x287: {  	s28 =	sand.u32 $0x40, s17;
	p0 =	sne.s32 s18, $0x1FF;
	s21 =	sor.u32 $0x8000, s21;
	v5 =	vor.u32 v57, v5;
	v58 =	vshrl.u32 v7, $0x1A;
	v59 =	vshll.u32 v7, $0x6  }
.Ltmp3:
0x288: {  	s19 =	sand.u32 $0x50, s30;
	s23 =	sor.u32 s28, s21;
	v6 =	vadd.s32 v6, v7;
	v5 =	vxor.u32 v5, v4;
	v60 =	vor.u32 v58, v59;
	(pc) =	sbr.rel @p0 .LBB2_8-.Ltmp3, $4  }
0x289: {  	s20 =	sand.u32 $0x60, s31;
	s19 =	sor.u32 s19, s21;
	[tilespmem:s23+$0x0] =	vst v2;
	v2 =	vadd.s32 $0x8612E223, v4;
	v61 =	vadd.s32 $0x92FB20EF, v5;
	v62 =	vxor.u32 v60, v6  }
0x28a: {  	s30 =	sand.u32 $0x70, s22;
	s29 =	sor.u32 s20, s21;
	[tilespmem:s19+$0x0] =	vst v3;
	v3 =	vadd.s32 $0x8612E223, v6;
	v2 =	vxor.u32 v2, v61;
	v63 =	vadd.s32 $0x92FB20EF, v62  }
0x28b: {  	s31 =	sor.u32 s30, s21;
	[tilespmem:s29+$0x0] =	vst v2;
	v2 =	vxor.u32 v3, v63  }
0x28c: {  	s17 =	sadd.s32 $0x40, s17;
	s16 =	sadd.s32 $0x200, s16;
	s18 =	sadd.s32 $0x1, s18;
	[tilespmem:s31+$0x0] =	vst v2  }
0x28d: {  	[hbm4b:s10+s2] =	stream.linear.scatter [tilespmem:s12], [sflag:$0x2], $0x8000, $0x38;
	[tilespmem:$0x10000] =	vst v63  }
0x28e: {  	s15 =	sadd.s32 $0x1, s15  }
0x28f: {  	_ =	swait.ge [sflag:s13], $0x8000;
	p0 =	sne.s32 s15, s11  }
.Ltmp4:
0x290: {  	[sflag:s13] =	ssyncset.done $0x0;
	(pc) =	sbr.rel @p0 .LBB2_1-.Ltmp4, $4  }
0x291: {  	[sflag:s13] =	ssyncadd.s32 $0xFFFF8000  }
0x292: {  	_ =	swait.ge [sflag:s14], $0x8000  }
0x293: {  	[sflag:s14] =	ssyncset.done $0x0  }
0x294: {  	[sflag:s14] =	ssyncadd.s32 $0xFFFF8000  }
0x295: {  	_ =	sfence.sel $0x180000  }
0x296: {  	[bflag:$0x0] =	sbarrier.arrive $0xFFFF  }
0x297: {  	p0 =	sne.s32 s1, $0x0;
	_ =	strace $0x90000047  }
0x298: {  	s0 =	sadd.s32 @!p0 $0x100000, s0;
	[bflag:$0x2] =	sbarrier.arrive $0xFFFF  }
0x299: {  	[sflag:s0] =	ssyncadd.tile.s32 @!p0 $0x1;
	_ =	shalt  }
.Lfunc_end2:
_tile_overlayer_lowered:
.L_overlay_start_2:
0x29a: {  	(tag) =	ssettag $0x2  }
0x29b: {  	s0 =	rddreg [dreg:$0x0];
	s2 =	stileid.u32  }
0x29c: {  	s1 =	rddreg [dreg:$0x1];
	p0 =	sne.s32 s2, $0x0  }
0x29d: {  	s3 =	rddreg [dreg:$0x2];
	[bflag:$0x3] =	sbarrier.arrive $0xFFFF;
	s2 =	simm.s32 @!p0 $0x1C03  }
0x29e: {  	[timem:s3], [sflag:s2] =	dma.local @!p0 [hbm:s0], s1  }
0x29f: {  	s0 =	simm.s32 @!p0 $0x3  }
0x2a0: {  	_ =	swait.ge @!p0 [sflag:s0], s1  }
0x2a1: {  	s1 =	ssub.s32 @!p0 $0x0, s1;
	[sflag:s0] =	ssyncset.done @!p0 $0x0  }
0x2a2: {  	[sflag:s0] =	ssyncadd.s32 @!p0 s1  }
0x2a3: {  	[bflag:$0x3] =	sbarrier.arrive $0xFFFF  }
0x2a4: {  	_ =	shalt  }

</sc_bundles>
